<compile_context>
chip_gen: v7x
topology: tpu7x:2x2x1
jax: 0.10.2.dev20260603
libtpu: 0.0.44.dev20260713+nightly
codegen_flags: <defaults>
</compile_context>

<pallas_src>
import functools

import jax
import jax.numpy as jnp
from jax import lax
from jax.experimental import pallas as pl
from jax.experimental.pallas import tpu as pltpu
from jax.experimental.pallas import tpu_sc as plsc

NC = 2
NS = 16
NW = NC * NS
U = 1


def _round_up(a, b):
  return (a + b - 1) // b * b


def _sc_mesh():
  return plsc.VectorSubcoreMesh(core_axis_name="c", subcore_axis_name="s")


def _make_deg_kernel(n_pad, rpt, nchunk, ch, d):
  ng = nchunk
  nb = (ng - 2) // 4

  @functools.partial(
      pl.kernel,
      out_type=(
          jax.ShapeDtypeStruct((NC, n_pad, d), jnp.float32),
          jax.ShapeDtypeStruct((NC, n_pad, d), jnp.float32),
      ),
      mesh=_sc_mesh(),
      scratch_types=(
          [pltpu.VMEM((ch,), jnp.int32)] * 4
          + [pltpu.VMEM((ch, d), jnp.float32)]
          + [pltpu.VMEM_SHARED((n_pad, d), jnp.float32)]
          + [pltpu.SemaphoreType.DMA] * 5
      ),
  )
  def deg_kernel(src_hbm, dst_hbm, ones_hbm, zrow_hbm, odeg_hbm, ideg_hbm,
                 *scr):
    idx = scr[0:4]
    ones_v = scr[4]
    acc_sp = scr[5]
    isms = scr[6:10]
    ssem = scr[10]

    c = lax.axis_index("c")
    s = lax.axis_index("s")
    wid = s * NC + c
    ew = nchunk * ch

    def one_pass(e_hbm):
      def fire_idx(g, k):
        off = wid * ew + g * ch
        pltpu.async_copy(e_hbm.at[pl.ds(off, ch)], idx[k], isms[k])

      def drain_idx(g, k):
        off = wid * ew + g * ch
        pltpu.make_async_copy(e_hbm.at[pl.ds(off, ch)], idx[k],
                              isms[k]).wait()

      def drain_sc(k):
        pltpu.make_async_copy(ones_v, acc_sp.at[idx[k]], ssem).wait()

      def run(g, k):
        drain_idx(g, k)
        pltpu.async_copy(ones_v, acc_sp.at[idx[k]], ssem, add=True)

      fire_idx(0, 0)
      fire_idx(1, 1)

      def body(j, carry):
        g = 4 * j

        @pl.when(j >= 1)
        def _():
          drain_sc(2)
        fire_idx(g + 2, 2)
        run(g, 0)

        @pl.when(j >= 1)
        def _():
          drain_sc(3)
        fire_idx(g + 3, 3)
        run(g + 1, 1)

        drain_sc(0)
        fire_idx(g + 4, 0)
        run(g + 2, 2)

        drain_sc(1)
        fire_idx(g + 5, 1)
        run(g + 3, 3)
        return carry

      lax.fori_loop(0, nb, body, 0)
      for g in range(4 * nb, ng):
        if g >= 2:
          drain_sc((g - 2) % 4)
        if g + 2 < ng:
          fire_idx(g + 2, (g + 2) % 4)
        run(g, g % 4)
      drain_sc((ng - 2) % 4)
      drain_sc((ng - 1) % 4)

    pltpu.sync_copy(zrow_hbm, acc_sp.at[pl.ds(s * rpt, rpt)])
    pltpu.sync_copy(ones_hbm, ones_v)
    plsc.subcore_barrier()
    one_pass(src_hbm)
    plsc.subcore_barrier()
    pltpu.sync_copy(acc_sp.at[pl.ds(s * rpt, rpt)],
                    odeg_hbm.at[c, pl.ds(s * rpt, rpt)])
    pltpu.sync_copy(zrow_hbm, acc_sp.at[pl.ds(s * rpt, rpt)])
    plsc.subcore_barrier()
    one_pass(dst_hbm)
    plsc.subcore_barrier()
    pltpu.sync_copy(acc_sp.at[pl.ds(s * rpt, rpt)],
                    ideg_hbm.at[c, pl.ds(s * rpt, rpt)])

  return deg_kernel


def _make_edge_kernel(n_pad, rpt, nchunk, ch, d):

  ng = nchunk // U
  nb = (ng - 2) // 4

  @functools.partial(
      pl.kernel,
      out_type=jax.ShapeDtypeStruct((NC, n_pad, d), jnp.float32),
      mesh=_sc_mesh(),
      scratch_types=(
          [pltpu.VMEM((ch,), jnp.int32)] * (8 * U)
          + [pltpu.VMEM((ch, d), jnp.float32)] * (2 * U)
          + [pltpu.VMEM_SHARED((n_pad, d), jnp.float32)]
          + [pltpu.SemaphoreType.DMA] * 6
      ),
  )
  def edge_kernel(h_hbm, src_hbm, dst_hbm, zrows_hbm, out_hbm, *scr):
    idx_sets = [(scr[2 * k * U:(2 * k + 1) * U],
                 scr[(2 * k + 1) * U:(2 * k + 2) * U]) for k in range(4)]
    rows_sets = [scr[8 * U:9 * U], scr[9 * U:10 * U]]
    agg_sp = scr[10 * U]
    isms = scr[10 * U + 1:10 * U + 5]
    gsem, ssem = scr[10 * U + 5], scr[10 * U + 6]

    c = lax.axis_index("c")
    s = lax.axis_index("s")
    wid = s * NC + c
    ew = nchunk * ch

    pltpu.sync_copy(zrows_hbm, agg_sp.at[pl.ds(s * rpt, rpt)])
    plsc.subcore_barrier()

    def fire_idx(g, k):
      idxs, idxd = idx_sets[k]
      for b in range(U):
        off = wid * ew + (g * U + b) * ch
        pltpu.async_copy(src_hbm.at[pl.ds(off, ch)], idxs[b], isms[k])
        pltpu.async_copy(dst_hbm.at[pl.ds(off, ch)], idxd[b], isms[k])

    def drain_idx(g, k):
      idxs, idxd = idx_sets[k]
      for b in range(U):
        off = wid * ew + (g * U + b) * ch
        pltpu.make_async_copy(src_hbm.at[pl.ds(off, ch)], idxs[b],
                              isms[k]).wait()
        pltpu.make_async_copy(dst_hbm.at[pl.ds(off, ch)], idxd[b],
                              isms[k]).wait()

    def drain_scatters(k, r):
      idxd = idx_sets[k][1]
      rows = rows_sets[r]
      for b in range(U):
        pltpu.make_async_copy(rows[b], agg_sp.at[idxd[b]], ssem).wait()

    def run_group(g, k, r):
      idxs, idxd = idx_sets[k]
      rows = rows_sets[r]
      drain_idx(g, k)
      descs = [
          pltpu.async_copy(h_hbm.at[idxs[b]], rows[b], gsem) for b in range(U)
      ]
      for desc in descs:
        desc.wait()
      for b in range(U):
        pltpu.async_copy(rows[b], agg_sp.at[idxd[b]], ssem, add=True)

    fire_idx(0, 0)
    fire_idx(1, 1)

    def body(j, carry):
      g = 4 * j

      @pl.when(j >= 1)
      def _():
        drain_scatters(2, 0)
      fire_idx(g + 2, 2)
      run_group(g, 0, 0)

      @pl.when(j >= 1)
      def _():
        drain_scatters(3, 1)
      fire_idx(g + 3, 3)
      run_group(g + 1, 1, 1)

      drain_scatters(0, 0)
      fire_idx(g + 4, 0)
      run_group(g + 2, 2, 0)

      drain_scatters(1, 1)
      fire_idx(g + 5, 1)
      run_group(g + 3, 3, 1)
      return carry

    lax.fori_loop(0, nb, body, 0)
    for g in range(4 * nb, ng):
      if g >= 2:
        drain_scatters((g - 2) % 4, (g - 2) % 2)
      if g + 2 < ng:
        fire_idx(g + 2, (g + 2) % 4)
      run_group(g, g % 4, g % 2)
    drain_scatters((ng - 2) % 4, (ng - 2) % 2)
    drain_scatters((ng - 1) % 4, (ng - 1) % 2)

    plsc.subcore_barrier()
    pltpu.sync_copy(agg_sp.at[pl.ds(s * rpt, rpt)],
                    out_hbm.at[c, pl.ds(s * rpt, rpt)])

  return edge_kernel


def _tc_norms_and_first_matmul(x, w1, odeg_p, ideg_p, blk):
  n, d = x.shape

  def body(x_ref, w_ref, od_ref, id_ref, h_ref, ns_ref, nd_ref):
    od = od_ref[0, :, 0:1] + od_ref[1, :, 0:1]
    idg = id_ref[0, :, 0:1] + id_ref[1, :, 0:1]
    ns = lax.rsqrt(jnp.maximum(od, 1.0))
    nd = lax.rsqrt(jnp.maximum(idg, 1.0))
    h = jnp.dot(x_ref[...], w_ref[...], preferred_element_type=jnp.float32)
    h_ref[...] = h * ns
    ns_ref[...] = ns
    nd_ref[...] = nd

  return pl.pallas_call(
      body,
      grid=(n // blk,),
      in_specs=[
          pl.BlockSpec((blk, d), lambda i: (i, 0)),
          pl.BlockSpec((d, d), lambda i: (0, 0)),
          pl.BlockSpec((NC, blk, d), lambda i: (0, i, 0)),
          pl.BlockSpec((NC, blk, d), lambda i: (0, i, 0)),
      ],
      out_specs=[
          pl.BlockSpec((blk, d), lambda i: (i, 0)),
          pl.BlockSpec((blk, 1), lambda i: (i, 0)),
          pl.BlockSpec((blk, 1), lambda i: (i, 0)),
      ],
      out_shape=[
          jax.ShapeDtypeStruct((n, d), jnp.float32),
          jax.ShapeDtypeStruct((n, 1), jnp.float32),
          jax.ShapeDtypeStruct((n, 1), jnp.float32),
      ],
  )(x, w1, odeg_p, ideg_p)


def _tc_mid(parts, nd, b, ns, w2, n, blk):
  d = parts.shape[-1]

  def body(p_ref, nd_ref, b_ref, ns_ref, w_ref, o_ref):
    agg = p_ref[0] + p_ref[1]
    h1 = jnp.maximum(agg * nd_ref[...] + b_ref[...], 0.0)
    h = jnp.dot(h1, w_ref[...], preferred_element_type=jnp.float32)
    o_ref[...] = h * ns_ref[...]

  return pl.pallas_call(
      body,
      grid=(n // blk,),
      in_specs=[
          pl.BlockSpec((NC, blk, d), lambda i: (0, i, 0)),
          pl.BlockSpec((blk, 1), lambda i: (i, 0)),
          pl.BlockSpec((1, d), lambda i: (0, 0)),
          pl.BlockSpec((blk, 1), lambda i: (i, 0)),
          pl.BlockSpec((d, d), lambda i: (0, 0)),
      ],
      out_specs=pl.BlockSpec((blk, d), lambda i: (i, 0)),
      out_shape=jax.ShapeDtypeStruct((n, d), jnp.float32),
  )(parts, nd, b, ns, w2)


def _tc_final(parts, nd, b, n, blk):
  d = parts.shape[-1]

  def body(p_ref, nd_ref, b_ref, o_ref):
    agg = p_ref[0] + p_ref[1]
    o_ref[...] = jnp.maximum(agg * nd_ref[...] + b_ref[...], 0.0)

  return pl.pallas_call(
      body,
      grid=(n // blk,),
      in_specs=[
          pl.BlockSpec((NC, blk, d), lambda i: (0, i, 0)),
          pl.BlockSpec((blk, 1), lambda i: (i, 0)),
          pl.BlockSpec((1, d), lambda i: (0, 0)),
      ],
      out_specs=pl.BlockSpec((blk, d), lambda i: (i, 0)),
      out_shape=jax.ShapeDtypeStruct((n, d), jnp.float32),
  )(parts, nd, b)


def kernel(feats, edge_index, W1, b1, W2, b2):
  n, d = feats.shape
  e = edge_index.shape[1]
  ew = e // NW
  ch_e = 80
  ew_p = _round_up(ew, ch_e)
  nchunk_e = ew_p // ch_e
  assert nchunk_e % U == 0 and nchunk_e // U >= 2
  rpt = _round_up(-(-n // NS), 8)
  n_pad = rpt * NS
  blk = 1000

  pad = ((0, 0), (0, ew_p - ew))
  src_g = jnp.pad(edge_index[0].reshape(NW, ew), pad).reshape(-1)
  dst_r = jnp.pad(edge_index[1].reshape(NW, ew), pad,
                  constant_values=n_pad - 1).reshape(-1)
  src_d = jnp.pad(edge_index[0].reshape(NW, ew), pad,
                  constant_values=n_pad - 1).reshape(-1)
  ones_rows = jnp.ones((ch_e, d), jnp.float32)
  zrow_feat = jnp.zeros((rpt, d), jnp.float32)

  deg_k = _make_deg_kernel(n_pad, rpt, nchunk_e, ch_e, d)
  odeg_p, ideg_p = deg_k(src_d, dst_r, ones_rows, zrow_feat)

  h1pre, ns, nd = _tc_norms_and_first_matmul(feats, W1, odeg_p, ideg_p, blk)

  edge_k = _make_edge_kernel(n_pad, rpt, nchunk_e, ch_e, d)
  p1 = edge_k(h1pre, src_g, dst_r, zrow_feat)
  h2pre = _tc_mid(p1, nd, b1.reshape(1, d), ns, W2, n, blk)
  p2 = edge_k(h2pre, src_g, dst_r, zrow_feat)
  return _tc_final(p2, nd, b2.reshape(1, d), n, blk)

# --- scband reference (transcript-rebuilt; emitter-appended) ---
"""Pipeline reference for scband-gcn-31808527794776 (READ-ONLY COPY).

The authoritative reference and input builder live on the scoring server;
editing this copy changes nothing except your own understanding.
"""

import jax, jax.numpy as jnp
import numpy as np

N = 10000
E = 320000
D_IN = 128
D_OUT = 128


def setup_inputs(seed: int = 0):
    key = jax.random.key(seed)
    ks = jax.random.split(key, 4)
    x = jax.random.normal(ks[0], (N, D_IN), dtype=jnp.float32)
    edge_index = jax.random.randint(ks[1], (2, E), 0, N, dtype=jnp.int32)
    W1 = jax.random.normal(ks[2], (D_IN, D_OUT), dtype=jnp.float32) * 0.05
    b1 = jnp.zeros((D_OUT,), dtype=jnp.float32)
    W2 = jax.random.normal(ks[3], (D_OUT, D_OUT), dtype=jnp.float32) * 0.05
    b2 = jnp.zeros((D_OUT,), dtype=jnp.float32)
    return {"feats": x, "edge_index": edge_index, "W1": W1, "b1": b1, "W2": W2, "b2": b2}


def _graph_conv(x, src, dst, n, W, b):
    # DGL GraphConv with norm='both': D_src^{-1/2} A D_dst^{-1/2} X W + b
    out_deg = jnp.zeros((n,), dtype=jnp.float32).at[src].add(1.0)
    in_deg = jnp.zeros((n,), dtype=jnp.float32).at[dst].add(1.0)
    norm_src = jnp.power(jnp.maximum(out_deg, 1.0), -0.5)
    norm_dst = jnp.power(jnp.maximum(in_deg, 1.0), -0.5)
    h = x * norm_src[:, None]
    h = h @ W
    msg = jnp.take(h, src, axis=0)
    agg = jnp.zeros((n, h.shape[1]), dtype=h.dtype).at[dst].add(msg)
    return agg * norm_dst[:, None] + b


def reference(feats, edge_index, W1, b1, W2, b2):
    src = edge_index[0]
    dst = edge_index[1]
    n = feats.shape[0]
    h1 = jax.nn.relu(_graph_conv(feats, src, dst, n, W1, b1))
    h2 = jax.nn.relu(_graph_conv(h1, src, dst, n, W2, b2))
    return h2

if __name__ == "__main__":
    import jax
    _d = setup_inputs()
    print(jax.jit(kernel)(*tuple(_d.values())))

</pallas_src>

<mosaic_0001>
#map = affine_map<(d0, d1) -> (0, 0)>
#map1 = affine_map<(d0, d1) -> (0)>
#map2 = affine_map<(d0, d1) -> (0, 0, 0)>
module attributes {stable_mosaic.version = 14 : i64} {
  func.func @edge_kernel(%arg0: i32, %arg1: i32, %arg2: memref<10000x128xf32, #tpu.memory_space<hbm>>, %arg3: memref<320000xi32, #tpu.memory_space<hbm>>, %arg4: memref<320000xi32, #tpu.memory_space<hbm>>, %arg5: memref<632x128xf32, #tpu.memory_space<hbm>>, %arg6: memref<2x10112x128xf32, #tpu.memory_space<hbm>>, %arg7: memref<80xi32, #tpu.memory_space<vmem>>, %arg8: memref<80xi32, #tpu.memory_space<vmem>>, %arg9: memref<80xi32, #tpu.memory_space<vmem>>, %arg10: memref<80xi32, #tpu.memory_space<vmem>>, %arg11: memref<80xi32, #tpu.memory_space<vmem>>, %arg12: memref<80xi32, #tpu.memory_space<vmem>>, %arg13: memref<80xi32, #tpu.memory_space<vmem>>, %arg14: memref<80xi32, #tpu.memory_space<vmem>>, %arg15: memref<80x128xf32, #tpu.memory_space<vmem>>, %arg16: memref<80x128xf32, #tpu.memory_space<vmem>>, %arg17: memref<10112x128xf32, #tpu.memory_space<vmem_shared>>, %arg18: memref<!tpu.dma_semaphore, #tpu.memory_space<semaphore_mem>>, %arg19: memref<!tpu.dma_semaphore, #tpu.memory_space<semaphore_mem>>, %arg20: memref<!tpu.dma_semaphore, #tpu.memory_space<semaphore_mem>>, %arg21: memref<!tpu.dma_semaphore, #tpu.memory_space<semaphore_mem>>, %arg22: memref<!tpu.dma_semaphore, #tpu.memory_space<semaphore_mem>>, %arg23: memref<!tpu.dma_semaphore, #tpu.memory_space<semaphore_mem>>) attributes {dimension_semantics = [#tpu.dimension_semantics<core_parallel>, #tpu.dimension_semantics<subcore_parallel>], iteration_bounds = array<i64: 2, 16>, scalar_prefetch = 0 : i64, scratch_operands = 17 : i64, tpu.core_type = #tpu.core_type<sc_vector_subcore>, window_params = [{transform_indices = #map}, {transform_indices = #map1}, {transform_indices = #map1}, {transform_indices = #map}, {transform_indices = #map2}]} {
    %mul3A = arith.constant 2 : i32
    %mul3A_0 = arith.muli %arg1, %mul3A : i32
    %add3A = arith.addi %mul3A_0, %arg0 : i32
    %mul3A_1 = arith.constant 632 : i32
    %mul3A_2 = arith.muli %arg1, %mul3A_1 : i32
    "tpu.region"() ({
      %run_scoped3A = tpu.sem_alloc : memref<!tpu.dma_semaphore, #tpu.memory_space<semaphore_mem>>
      %dma_start3A_157 = arith.constant 0 : i32
      %dma_start3A_158 = tpu.memref_slice %arg17[%mul3A_2, %dma_start3A_157] : memref<10112x128xf32, #tpu.memory_space<vmem_shared>> -> memref<632x128xf32, #tpu.memory_space<vmem_shared>>
      tpu.enqueue_dma source(%arg5 : memref<632x128xf32, #tpu.memory_space<hbm>>) target(%dma_start3A_158 : memref<632x128xf32, #tpu.memory_space<vmem_shared>>) target_semaphore(%run_scoped3A : memref<!tpu.dma_semaphore, #tpu.memory_space<semaphore_mem>>)
      %dma_wait3A_159 = arith.constant 0 : i32
      %dma_wait3A_160 = tpu.memref_slice %arg17[%mul3A_2, %dma_wait3A_159] : memref<10112x128xf32, #tpu.memory_space<vmem_shared>> -> memref<632x128xf32, #tpu.memory_space<vmem_shared>>
      tpu.wait_dma2 semaphore(%run_scoped3A : memref<!tpu.dma_semaphore, #tpu.memory_space<semaphore_mem>>) src(%arg5 : memref<632x128xf32, #tpu.memory_space<hbm>>) dst(%dma_wait3A_160 : memref<632x128xf32, #tpu.memory_space<vmem_shared>>)
      tpu.yield
    }) : () -> ()
    %barrier3A = arith.constant 0 : index
    tpu.barrier barrier_id(%barrier3A)
    %mul3A_3 = arith.constant 10000 : i32
    %mul3A_4 = arith.muli %add3A, %mul3A_3 : i32
    %add3A_5 = arith.constant 0 : i32
    %add3A_6 = arith.addi %mul3A_4, %add3A_5 : i32
    %dma_start3A = tpu.memref_slice %arg3[%add3A_6] : memref<320000xi32, #tpu.memory_space<hbm>> -> memref<80xi32, #tpu.memory_space<hbm>>
    %dma_start3A_7 = tpu.memref_slice %arg3[%add3A_6] : memref<320000xi32, #tpu.memory_space<hbm>> -> memref<80xi32, #tpu.memory_space<hbm>>
    tpu.enqueue_dma source(%dma_start3A_7 : memref<80xi32, #tpu.memory_space<hbm>>) target(%arg7 : memref<80xi32, #tpu.memory_space<vmem>>) target_semaphore(%arg18 : memref<!tpu.dma_semaphore, #tpu.memory_space<semaphore_mem>>)
    %dma_start3A_8 = tpu.memref_slice %arg4[%add3A_6] : memref<320000xi32, #tpu.memory_space<hbm>> -> memref<80xi32, #tpu.memory_space<hbm>>
    %dma_start3A_9 = tpu.memref_slice %arg4[%add3A_6] : memref<320000xi32, #tpu.memory_space<hbm>> -> memref<80xi32, #tpu.memory_space<hbm>>
    tpu.enqueue_dma source(%dma_start3A_9 : memref<80xi32, #tpu.memory_space<hbm>>) target(%arg8 : memref<80xi32, #tpu.memory_space<vmem>>) target_semaphore(%arg18 : memref<!tpu.dma_semaphore, #tpu.memory_space<semaphore_mem>>)
    %mul3A_10 = arith.constant 10000 : i32
    %mul3A_11 = arith.muli %add3A, %mul3A_10 : i32
    %add3A_12 = arith.constant 80 : i32
    %add3A_13 = arith.addi %mul3A_11, %add3A_12 : i32
    %dma_start3A_14 = tpu.memref_slice %arg3[%add3A_13] : memref<320000xi32, #tpu.memory_space<hbm>> -> memref<80xi32, #tpu.memory_space<hbm>>
    %dma_start3A_15 = tpu.memref_slice %arg3[%add3A_13] : memref<320000xi32, #tpu.memory_space<hbm>> -> memref<80xi32, #tpu.memory_space<hbm>>
    tpu.enqueue_dma source(%dma_start3A_15 : memref<80xi32, #tpu.memory_space<hbm>>) target(%arg9 : memref<80xi32, #tpu.memory_space<vmem>>) target_semaphore(%arg19 : memref<!tpu.dma_semaphore, #tpu.memory_space<semaphore_mem>>)
    %dma_start3A_16 = tpu.memref_slice %arg4[%add3A_13] : memref<320000xi32, #tpu.memory_space<hbm>> -> memref<80xi32, #tpu.memory_space<hbm>>
    %dma_start3A_17 = tpu.memref_slice %arg4[%add3A_13] : memref<320000xi32, #tpu.memory_space<hbm>> -> memref<80xi32, #tpu.memory_space<hbm>>
    tpu.enqueue_dma source(%dma_start3A_17 : memref<80xi32, #tpu.memory_space<hbm>>) target(%arg10 : memref<80xi32, #tpu.memory_space<vmem>>) target_semaphore(%arg19 : memref<!tpu.dma_semaphore, #tpu.memory_space<semaphore_mem>>)
    %scan3A = arith.constant 0 : i32
    %scan3A_18 = arith.constant 0 : i32
    %scan3A_19 = arith.constant 30 : i32
    %scan3A_20 = arith.addi %scan3A_18, %scan3A_19 : i32
    %scan3A_21 = arith.constant 1 : i32
    scf.for %scan3A_157 = %scan3A_18 to %scan3A_20 step %scan3A_21  : i32 {
      %mul3A_158 = arith.constant 4 : i32
      %mul3A_159 = arith.muli %mul3A_158, %scan3A_157 : i32
      %ge3A = arith.constant 1 : i32
      %ge3A_160 = arith.cmpi sge, %scan3A_157, %ge3A : i32
      %convert_element_type3A = arith.extui %ge3A_160 : i1 to i32
      %cond3A = arith.constant 0 : i32
      %cond3A_161 = arith.cmpi ne, %convert_element_type3A, %cond3A : i32
      scf.if %cond3A_161 {
        %dma_wait3A_327 = arith.constant 0 : i32
        %dma_wait3A_328 = arith.constant 0 : i32
        %dma_wait3A_329 = tpu.memref_slice %arg17[%dma_wait3A_327, %dma_wait3A_328] : memref<10112x128xf32, #tpu.memory_space<vmem_shared>> -> memref<10112x128xf32, #tpu.memory_space<vmem_shared>>
        tpu.wait_indirect_dma semaphore(%arg23 : memref<!tpu.dma_semaphore, #tpu.memory_space<semaphore_mem>>) src(%arg15 : memref<80x128xf32, #tpu.memory_space<vmem>>) dst(%dma_wait3A_329 : memref<10112x128xf32, #tpu.memory_space<vmem_shared>>)
      } else {
      }
      %add3A_162 = arith.constant 2 : i32
      %add3A_163 = arith.addi %mul3A_159, %add3A_162 : i32
      %mul3A_164 = arith.constant 10000 : i32
      %mul3A_165 = arith.muli %add3A, %mul3A_164 : i32
      %mul3A_166 = arith.constant 1 : i32
      %mul3A_167 = arith.muli %add3A_163, %mul3A_166 : i32
      %add3A_168 = arith.constant 0 : i32
      %add3A_169 = arith.addi %mul3A_167, %add3A_168 : i32
      %mul3A_170 = arith.constant 80 : i32
      %mul3A_171 = arith.muli %add3A_169, %mul3A_170 : i32
      %add3A_172 = arith.addi %mul3A_165, %mul3A_171 : i32
      %dma_start3A_173 = tpu.memref_slice %arg3[%add3A_172] : memref<320000xi32, #tpu.memory_space<hbm>> -> memref<80xi32, #tpu.memory_space<hbm>>
      %dma_start3A_174 = tpu.memref_slice %arg3[%add3A_172] : memref<320000xi32, #tpu.memory_space<hbm>> -> memref<80xi32, #tpu.memory_space<hbm>>
      tpu.enqueue_dma source(%dma_start3A_174 : memref<80xi32, #tpu.memory_space<hbm>>) target(%arg11 : memref<80xi32, #tpu.memory_space<vmem>>) target_semaphore(%arg20 : memref<!tpu.dma_semaphore, #tpu.memory_space<semaphore_mem>>)
      %dma_start3A_175 = tpu.memref_slice %arg4[%add3A_172] : memref<320000xi32, #tpu.memory_space<hbm>> -> memref<80xi32, #tpu.memory_space<hbm>>
      %dma_start3A_176 = tpu.memref_slice %arg4[%add3A_172] : memref<320000xi32, #tpu.memory_space<hbm>> -> memref<80xi32, #tpu.memory_space<hbm>>
      tpu.enqueue_dma source(%dma_start3A_176 : memref<80xi32, #tpu.memory_space<hbm>>) target(%arg12 : memref<80xi32, #tpu.memory_space<vmem>>) target_semaphore(%arg20 : memref<!tpu.dma_semaphore, #tpu.memory_space<semaphore_mem>>)
      %mul3A_177 = arith.constant 10000 : i32
      %mul3A_178 = arith.muli %add3A, %mul3A_177 : i32
      %mul3A_179 = arith.constant 1 : i32
      %mul3A_180 = arith.muli %mul3A_159, %mul3A_179 : i32
      %add3A_181 = arith.constant 0 : i32
      %add3A_182 = arith.addi %mul3A_180, %add3A_181 : i32
      %mul3A_183 = arith.constant 80 : i32
      %mul3A_184 = arith.muli %add3A_182, %mul3A_183 : i32
      %add3A_185 = arith.addi %mul3A_178, %mul3A_184 : i32
      %dma_wait3A_186 = tpu.memref_slice %arg3[%add3A_185] : memref<320000xi32, #tpu.memory_space<hbm>> -> memref<80xi32, #tpu.memory_space<hbm>>
      %dma_wait3A_187 = tpu.memref_slice %arg3[%add3A_185] : memref<320000xi32, #tpu.memory_space<hbm>> -> memref<80xi32, #tpu.memory_space<hbm>>
      tpu.wait_dma2 semaphore(%arg18 : memref<!tpu.dma_semaphore, #tpu.memory_space<semaphore_mem>>) src(%dma_wait3A_187 : memref<80xi32, #tpu.memory_space<hbm>>) dst(%arg7 : memref<80xi32, #tpu.memory_space<vmem>>)
      %dma_wait3A_188 = tpu.memref_slice %arg4[%add3A_185] : memref<320000xi32, #tpu.memory_space<hbm>> -> memref<80xi32, #tpu.memory_space<hbm>>
      %dma_wait3A_189 = tpu.memref_slice %arg4[%add3A_185] : memref<320000xi32, #tpu.memory_space<hbm>> -> memref<80xi32, #tpu.memory_space<hbm>>
      tpu.wait_dma2 semaphore(%arg18 : memref<!tpu.dma_semaphore, #tpu.memory_space<semaphore_mem>>) src(%dma_wait3A_189 : memref<80xi32, #tpu.memory_space<hbm>>) dst(%arg8 : memref<80xi32, #tpu.memory_space<vmem>>)
      %dma_start3A_190 = arith.constant 0 : i32
      %dma_start3A_191 = arith.constant 0 : i32
      %dma_start3A_192 = tpu.memref_slice %arg2[%dma_start3A_190, %dma_start3A_191] : memref<10000x128xf32, #tpu.memory_space<hbm>> -> memref<10000x128xf32, #tpu.memory_space<hbm>>
      tpu.enqueue_indirect_dma source(%dma_start3A_192 : memref<10000x128xf32, #tpu.memory_space<hbm>>) target(%arg15 : memref<80x128xf32, #tpu.memory_space<vmem>>) offsets(%arg7 : memref<80xi32, #tpu.memory_space<vmem>>) semaphore(%arg22 : memref<!tpu.dma_semaphore, #tpu.memory_space<semaphore_mem>>)
      %dma_wait3A_193 = arith.constant 0 : i32
      %dma_wait3A_194 = arith.constant 0 : i32
      %dma_wait3A_195 = tpu.memref_slice %arg2[%dma_wait3A_193, %dma_wait3A_194] : memref<10000x128xf32, #tpu.memory_space<hbm>> -> memref<10000x128xf32, #tpu.memory_space<hbm>>
      tpu.wait_indirect_dma semaphore(%arg22 : memref<!tpu.dma_semaphore, #tpu.memory_space<semaphore_mem>>) src(%dma_wait3A_195 : memref<10000x128xf32, #tpu.memory_space<hbm>>) dst(%arg15 : memref<80x128xf32, #tpu.memory_space<vmem>>)
      %dma_start3A_196 = arith.constant 0 : i32
      %dma_start3A_197 = arith.constant 0 : i32
      %dma_start3A_198 = tpu.memref_slice %arg17[%dma_start3A_196, %dma_start3A_197] : memref<10112x128xf32, #tpu.memory_space<vmem_shared>> -> memref<10112x128xf32, #tpu.memory_space<vmem_shared>>
      tpu.enqueue_indirect_dma source(%arg15 : memref<80x128xf32, #tpu.memory_space<vmem>>) target(%dma_start3A_198 : memref<10112x128xf32, #tpu.memory_space<vmem_shared>>) offsets(%arg8 : memref<80xi32, #tpu.memory_space<vmem>>) semaphore(%arg23 : memref<!tpu.dma_semaphore, #tpu.memory_space<semaphore_mem>>) {add = true}
      %ge3A_199 = arith.constant 1 : i32
      %ge3A_200 = arith.cmpi sge, %scan3A_157, %ge3A_199 : i32
      %convert_element_type3A_201 = arith.extui %ge3A_200 : i1 to i32
      %cond3A_202 = arith.constant 0 : i32
      %cond3A_203 = arith.cmpi ne, %convert_element_type3A_201, %cond3A_202 : i32
      scf.if %cond3A_203 {
        %dma_wait3A_327 = arith.constant 0 : i32
        %dma_wait3A_328 = arith.constant 0 : i32
        %dma_wait3A_329 = tpu.memref_slice %arg17[%dma_wait3A_327, %dma_wait3A_328] : memref<10112x128xf32, #tpu.memory_space<vmem_shared>> -> memref<10112x128xf32, #tpu.memory_space<vmem_shared>>
        tpu.wait_indirect_dma semaphore(%arg23 : memref<!tpu.dma_semaphore, #tpu.memory_space<semaphore_mem>>) src(%arg16 : memref<80x128xf32, #tpu.memory_space<vmem>>) dst(%dma_wait3A_329 : memref<10112x128xf32, #tpu.memory_space<vmem_shared>>)
      } else {
      }
      %add3A_204 = arith.constant 3 : i32
      %add3A_205 = arith.addi %mul3A_159, %add3A_204 : i32
      %mul3A_206 = arith.constant 10000 : i32
      %mul3A_207 = arith.muli %add3A, %mul3A_206 : i32
      %mul3A_208 = arith.constant 1 : i32
      %mul3A_209 = arith.muli %add3A_205, %mul3A_208 : i32
      %add3A_210 = arith.constant 0 : i32
      %add3A_211 = arith.addi %mul3A_209, %add3A_210 : i32
      %mul3A_212 = arith.constant 80 : i32
      %mul3A_213 = arith.muli %add3A_211, %mul3A_212 : i32
      %add3A_214 = arith.addi %mul3A_207, %mul3A_213 : i32
      %dma_start3A_215 = tpu.memref_slice %arg3[%add3A_214] : memref<320000xi32, #tpu.memory_space<hbm>> -> memref<80xi32, #tpu.memory_space<hbm>>
      %dma_start3A_216 = tpu.memref_slice %arg3[%add3A_214] : memref<320000xi32, #tpu.memory_space<hbm>> -> memref<80xi32, #tpu.memory_space<hbm>>
      tpu.enqueue_dma source(%dma_start3A_216 : memref<80xi32, #tpu.memory_space<hbm>>) target(%arg13 : memref<80xi32, #tpu.memory_space<vmem>>) target_semaphore(%arg21 : memref<!tpu.dma_semaphore, #tpu.memory_space<semaphore_mem>>)
      %dma_start3A_217 = tpu.memref_slice %arg4[%add3A_214] : memref<320000xi32, #tpu.memory_space<hbm>> -> memref<80xi32, #tpu.memory_space<hbm>>
      %dma_start3A_218 = tpu.memref_slice %arg4[%add3A_214] : memref<320000xi32, #tpu.memory_space<hbm>> -> memref<80xi32, #tpu.memory_space<hbm>>
      tpu.enqueue_dma source(%dma_start3A_218 : memref<80xi32, #tpu.memory_space<hbm>>) target(%arg14 : memref<80xi32, #tpu.memory_space<vmem>>) target_semaphore(%arg21 : memref<!tpu.dma_semaphore, #tpu.memory_space<semaphore_mem>>)
      %add3A_219 = arith.constant 1 : i32
      %add3A_220 = arith.addi %mul3A_159, %add3A_219 : i32
      %mul3A_221 = arith.constant 10000 : i32
      %mul3A_222 = arith.muli %add3A, %mul3A_221 : i32
      %mul3A_223 = arith.constant 1 : i32
      %mul3A_224 = arith.muli %add3A_220, %mul3A_223 : i32
      %add3A_225 = arith.constant 0 : i32
      %add3A_226 = arith.addi %mul3A_224, %add3A_225 : i32
      %mul3A_227 = arith.constant 80 : i32
      %mul3A_228 = arith.muli %add3A_226, %mul3A_227 : i32
      %add3A_229 = arith.addi %mul3A_222, %mul3A_228 : i32
      %dma_wait3A_230 = tpu.memref_slice %arg3[%add3A_229] : memref<320000xi32, #tpu.memory_space<hbm>> -> memref<80xi32, #tpu.memory_space<hbm>>
      %dma_wait3A_231 = tpu.memref_slice %arg3[%add3A_229] : memref<320000xi32, #tpu.memory_space<hbm>> -> memref<80xi32, #tpu.memory_space<hbm>>
      tpu.wait_dma2 semaphore(%arg19 : memref<!tpu.dma_semaphore, #tpu.memory_space<semaphore_mem>>) src(%dma_wait3A_231 : memref<80xi32, #tpu.memory_space<hbm>>) dst(%arg9 : memref<80xi32, #tpu.memory_space<vmem>>)
      %dma_wait3A_232 = tpu.memref_slice %arg4[%add3A_229] : memref<320000xi32, #tpu.memory_space<hbm>> -> memref<80xi32, #tpu.memory_space<hbm>>
      %dma_wait3A_233 = tpu.memref_slice %arg4[%add3A_229] : memref<320000xi32, #tpu.memory_space<hbm>> -> memref<80xi32, #tpu.memory_space<hbm>>
      tpu.wait_dma2 semaphore(%arg19 : memref<!tpu.dma_semaphore, #tpu.memory_space<semaphore_mem>>) src(%dma_wait3A_233 : memref<80xi32, #tpu.memory_space<hbm>>) dst(%arg10 : memref<80xi32, #tpu.memory_space<vmem>>)
      %dma_start3A_234 = arith.constant 0 : i32
      %dma_start3A_235 = arith.constant 0 : i32
      %dma_start3A_236 = tpu.memref_slice %arg2[%dma_start3A_234, %dma_start3A_235] : memref<10000x128xf32, #tpu.memory_space<hbm>> -> memref<10000x128xf32, #tpu.memory_space<hbm>>
      tpu.enqueue_indirect_dma source(%dma_start3A_236 : memref<10000x128xf32, #tpu.memory_space<hbm>>) target(%arg16 : memref<80x128xf32, #tpu.memory_space<vmem>>) offsets(%arg9 : memref<80xi32, #tpu.memory_space<vmem>>) semaphore(%arg22 : memref<!tpu.dma_semaphore, #tpu.memory_space<semaphore_mem>>)
      %dma_wait3A_237 = arith.constant 0 : i32
      %dma_wait3A_238 = arith.constant 0 : i32
      %dma_wait3A_239 = tpu.memref_slice %arg2[%dma_wait3A_237, %dma_wait3A_238] : memref<10000x128xf32, #tpu.memory_space<hbm>> -> memref<10000x128xf32, #tpu.memory_space<hbm>>
      tpu.wait_indirect_dma semaphore(%arg22 : memref<!tpu.dma_semaphore, #tpu.memory_space<semaphore_mem>>) src(%dma_wait3A_239 : memref<10000x128xf32, #tpu.memory_space<hbm>>) dst(%arg16 : memref<80x128xf32, #tpu.memory_space<vmem>>)
      %dma_start3A_240 = arith.constant 0 : i32
      %dma_start3A_241 = arith.constant 0 : i32
      %dma_start3A_242 = tpu.memref_slice %arg17[%dma_start3A_240, %dma_start3A_241] : memref<10112x128xf32, #tpu.memory_space<vmem_shared>> -> memref<10112x128xf32, #tpu.memory_space<vmem_shared>>
      tpu.enqueue_indirect_dma source(%arg16 : memref<80x128xf32, #tpu.memory_space<vmem>>) target(%dma_start3A_242 : memref<10112x128xf32, #tpu.memory_space<vmem_shared>>) offsets(%arg10 : memref<80xi32, #tpu.memory_space<vmem>>) semaphore(%arg23 : memref<!tpu.dma_semaphore, #tpu.memory_space<semaphore_mem>>) {add = true}
      %dma_wait3A_243 = arith.constant 0 : i32
      %dma_wait3A_244 = arith.constant 0 : i32
      %dma_wait3A_245 = tpu.memref_slice %arg17[%dma_wait3A_243, %dma_wait3A_244] : memref<10112x128xf32, #tpu.memory_space<vmem_shared>> -> memref<10112x128xf32, #tpu.memory_space<vmem_shared>>
      tpu.wait_indirect_dma semaphore(%arg23 : memref<!tpu.dma_semaphore, #tpu.memory_space<semaphore_mem>>) src(%arg15 : memref<80x128xf32, #tpu.memory_space<vmem>>) dst(%dma_wait3A_245 : memref<10112x128xf32, #tpu.memory_space<vmem_shared>>)
      %add3A_246 = arith.constant 4 : i32
      %add3A_247 = arith.addi %mul3A_159, %add3A_246 : i32
      %mul3A_248 = arith.constant 10000 : i32
      %mul3A_249 = arith.muli %add3A, %mul3A_248 : i32
      %mul3A_250 = arith.constant 1 : i32
      %mul3A_251 = arith.muli %add3A_247, %mul3A_250 : i32
      %add3A_252 = arith.constant 0 : i32
      %add3A_253 = arith.addi %mul3A_251, %add3A_252 : i32
      %mul3A_254 = arith.constant 80 : i32
      %mul3A_255 = arith.muli %add3A_253, %mul3A_254 : i32
      %add3A_256 = arith.addi %mul3A_249, %mul3A_255 : i32
      %dma_start3A_257 = tpu.memref_slice %arg3[%add3A_256] : memref<320000xi32, #tpu.memory_space<hbm>> -> memref<80xi32, #tpu.memory_space<hbm>>
      %dma_start3A_258 = tpu.memref_slice %arg3[%add3A_256] : memref<320000xi32, #tpu.memory_space<hbm>> -> memref<80xi32, #tpu.memory_space<hbm>>
      tpu.enqueue_dma source(%dma_start3A_258 : memref<80xi32, #tpu.memory_space<hbm>>) target(%arg7 : memref<80xi32, #tpu.memory_space<vmem>>) target_semaphore(%arg18 : memref<!tpu.dma_semaphore, #tpu.memory_space<semaphore_mem>>)
      %dma_start3A_259 = tpu.memref_slice %arg4[%add3A_256] : memref<320000xi32, #tpu.memory_space<hbm>> -> memref<80xi32, #tpu.memory_space<hbm>>
      %dma_start3A_260 = tpu.memref_slice %arg4[%add3A_256] : memref<320000xi32, #tpu.memory_space<hbm>> -> memref<80xi32, #tpu.memory_space<hbm>>
      tpu.enqueue_dma source(%dma_start3A_260 : memref<80xi32, #tpu.memory_space<hbm>>) target(%arg8 : memref<80xi32, #tpu.memory_space<vmem>>) target_semaphore(%arg18 : memref<!tpu.dma_semaphore, #tpu.memory_space<semaphore_mem>>)
      %add3A_261 = arith.constant 2 : i32
      %add3A_262 = arith.addi %mul3A_159, %add3A_261 : i32
      %mul3A_263 = arith.constant 10000 : i32
      %mul3A_264 = arith.muli %add3A, %mul3A_263 : i32
      %mul3A_265 = arith.constant 1 : i32
      %mul3A_266 = arith.muli %add3A_262, %mul3A_265 : i32
      %add3A_267 = arith.constant 0 : i32
      %add3A_268 = arith.addi %mul3A_266, %add3A_267 : i32
      %mul3A_269 = arith.constant 80 : i32
      %mul3A_270 = arith.muli %add3A_268, %mul3A_269 : i32
      %add3A_271 = arith.addi %mul3A_264, %mul3A_270 : i32
      %dma_wait3A_272 = tpu.memref_slice %arg3[%add3A_271] : memref<320000xi32, #tpu.memory_space<hbm>> -> memref<80xi32, #tpu.memory_space<hbm>>
      %dma_wait3A_273 = tpu.memref_slice %arg3[%add3A_271] : memref<320000xi32, #tpu.memory_space<hbm>> -> memref<80xi32, #tpu.memory_space<hbm>>
      tpu.wait_dma2 semaphore(%arg20 : memref<!tpu.dma_semaphore, #tpu.memory_space<semaphore_mem>>) src(%dma_wait3A_273 : memref<80xi32, #tpu.memory_space<hbm>>) dst(%arg11 : memref<80xi32, #tpu.memory_space<vmem>>)
      %dma_wait3A_274 = tpu.memref_slice %arg4[%add3A_271] : memref<320000xi32, #tpu.memory_space<hbm>> -> memref<80xi32, #tpu.memory_space<hbm>>
      %dma_wait3A_275 = tpu.memref_slice %arg4[%add3A_271] : memref<320000xi32, #tpu.memory_space<hbm>> -> memref<80xi32, #tpu.memory_space<hbm>>
      tpu.wait_dma2 semaphore(%arg20 : memref<!tpu.dma_semaphore, #tpu.memory_space<semaphore_mem>>) src(%dma_wait3A_275 : memref<80xi32, #tpu.memory_space<hbm>>) dst(%arg12 : memref<80xi32, #tpu.memory_space<vmem>>)
      %dma_start3A_276 = arith.constant 0 : i32
      %dma_start3A_277 = arith.constant 0 : i32
      %dma_start3A_278 = tpu.memref_slice %arg2[%dma_start3A_276, %dma_start3A_277] : memref<10000x128xf32, #tpu.memory_space<hbm>> -> memref<10000x128xf32, #tpu.memory_space<hbm>>
      tpu.enqueue_indirect_dma source(%dma_start3A_278 : memref<10000x128xf32, #tpu.memory_space<hbm>>) target(%arg15 : memref<80x128xf32, #tpu.memory_space<vmem>>) offsets(%arg11 : memref<80xi32, #tpu.memory_space<vmem>>) semaphore(%arg22 : memref<!tpu.dma_semaphore, #tpu.memory_space<semaphore_mem>>)
      %dma_wait3A_279 = arith.constant 0 : i32
      %dma_wait3A_280 = arith.constant 0 : i32
      %dma_wait3A_281 = tpu.memref_slice %arg2[%dma_wait3A_279, %dma_wait3A_280] : memref<10000x128xf32, #tpu.memory_space<hbm>> -> memref<10000x128xf32, #tpu.memory_space<hbm>>
      tpu.wait_indirect_dma semaphore(%arg22 : memref<!tpu.dma_semaphore, #tpu.memory_space<semaphore_mem>>) src(%dma_wait3A_281 : memref<10000x128xf32, #tpu.memory_space<hbm>>) dst(%arg15 : memref<80x128xf32, #tpu.memory_space<vmem>>)
      %dma_start3A_282 = arith.constant 0 : i32
      %dma_start3A_283 = arith.constant 0 : i32
      %dma_start3A_284 = tpu.memref_slice %arg17[%dma_start3A_282, %dma_start3A_283] : memref<10112x128xf32, #tpu.memory_space<vmem_shared>> -> memref<10112x128xf32, #tpu.memory_space<vmem_shared>>
      tpu.enqueue_indirect_dma source(%arg15 : memref<80x128xf32, #tpu.memory_space<vmem>>) target(%dma_start3A_284 : memref<10112x128xf32, #tpu.memory_space<vmem_shared>>) offsets(%arg12 : memref<80xi32, #tpu.memory_space<vmem>>) semaphore(%arg23 : memref<!tpu.dma_semaphore, #tpu.memory_space<semaphore_mem>>) {add = true}
      %dma_wait3A_285 = arith.constant 0 : i32
      %dma_wait3A_286 = arith.constant 0 : i32
      %dma_wait3A_287 = tpu.memref_slice %arg17[%dma_wait3A_285, %dma_wait3A_286] : memref<10112x128xf32, #tpu.memory_space<vmem_shared>> -> memref<10112x128xf32, #tpu.memory_space<vmem_shared>>
      tpu.wait_indirect_dma semaphore(%arg23 : memref<!tpu.dma_semaphore, #tpu.memory_space<semaphore_mem>>) src(%arg16 : memref<80x128xf32, #tpu.memory_space<vmem>>) dst(%dma_wait3A_287 : memref<10112x128xf32, #tpu.memory_space<vmem_shared>>)
      %add3A_288 = arith.constant 5 : i32
      %add3A_289 = arith.addi %mul3A_159, %add3A_288 : i32
      %mul3A_290 = arith.constant 10000 : i32
      %mul3A_291 = arith.muli %add3A, %mul3A_290 : i32
      %mul3A_292 = arith.constant 1 : i32
      %mul3A_293 = arith.muli %add3A_289, %mul3A_292 : i32
      %add3A_294 = arith.constant 0 : i32
      %add3A_295 = arith.addi %mul3A_293, %add3A_294 : i32
      %mul3A_296 = arith.constant 80 : i32
      %mul3A_297 = arith.muli %add3A_295, %mul3A_296 : i32
      %add3A_298 = arith.addi %mul3A_291, %mul3A_297 : i32
      %dma_start3A_299 = tpu.memref_slice %arg3[%add3A_298] : memref<320000xi32, #tpu.memory_space<hbm>> -> memref<80xi32, #tpu.memory_space<hbm>>
      %dma_start3A_300 = tpu.memref_slice %arg3[%add3A_298] : memref<320000xi32, #tpu.memory_space<hbm>> -> memref<80xi32, #tpu.memory_space<hbm>>
      tpu.enqueue_dma source(%dma_start3A_300 : memref<80xi32, #tpu.memory_space<hbm>>) target(%arg9 : memref<80xi32, #tpu.memory_space<vmem>>) target_semaphore(%arg19 : memref<!tpu.dma_semaphore, #tpu.memory_space<semaphore_mem>>)
      %dma_start3A_301 = tpu.memref_slice %arg4[%add3A_298] : memref<320000xi32, #tpu.memory_space<hbm>> -> memref<80xi32, #tpu.memory_space<hbm>>
      %dma_start3A_302 = tpu.memref_slice %arg4[%add3A_298] : memref<320000xi32, #tpu.memory_space<hbm>> -> memref<80xi32, #tpu.memory_space<hbm>>
      tpu.enqueue_dma source(%dma_start3A_302 : memref<80xi32, #tpu.memory_space<hbm>>) target(%arg10 : memref<80xi32, #tpu.memory_space<vmem>>) target_semaphore(%arg19 : memref<!tpu.dma_semaphore, #tpu.memory_space<semaphore_mem>>)
      %add3A_303 = arith.constant 3 : i32
      %add3A_304 = arith.addi %mul3A_159, %add3A_303 : i32
      %mul3A_305 = arith.constant 10000 : i32
      %mul3A_306 = arith.muli %add3A, %mul3A_305 : i32
      %mul3A_307 = arith.constant 1 : i32
      %mul3A_308 = arith.muli %add3A_304, %mul3A_307 : i32
      %add3A_309 = arith.constant 0 : i32
      %add3A_310 = arith.addi %mul3A_308, %add3A_309 : i32
      %mul3A_311 = arith.constant 80 : i32
      %mul3A_312 = arith.muli %add3A_310, %mul3A_311 : i32
      %add3A_313 = arith.addi %mul3A_306, %mul3A_312 : i32
      %dma_wait3A_314 = tpu.memref_slice %arg3[%add3A_313] : memref<320000xi32, #tpu.memory_space<hbm>> -> memref<80xi32, #tpu.memory_space<hbm>>
      %dma_wait3A_315 = tpu.memref_slice %arg3[%add3A_313] : memref<320000xi32, #tpu.memory_space<hbm>> -> memref<80xi32, #tpu.memory_space<hbm>>
      tpu.wait_dma2 semaphore(%arg21 : memref<!tpu.dma_semaphore, #tpu.memory_space<semaphore_mem>>) src(%dma_wait3A_315 : memref<80xi32, #tpu.memory_space<hbm>>) dst(%arg13 : memref<80xi32, #tpu.memory_space<vmem>>)
      %dma_wait3A_316 = tpu.memref_slice %arg4[%add3A_313] : memref<320000xi32, #tpu.memory_space<hbm>> -> memref<80xi32, #tpu.memory_space<hbm>>
      %dma_wait3A_317 = tpu.memref_slice %arg4[%add3A_313] : memref<320000xi32, #tpu.memory_space<hbm>> -> memref<80xi32, #tpu.memory_space<hbm>>
      tpu.wait_dma2 semaphore(%arg21 : memref<!tpu.dma_semaphore, #tpu.memory_space<semaphore_mem>>) src(%dma_wait3A_317 : memref<80xi32, #tpu.memory_space<hbm>>) dst(%arg14 : memref<80xi32, #tpu.memory_space<vmem>>)
      %dma_start3A_318 = arith.constant 0 : i32
      %dma_start3A_319 = arith.constant 0 : i32
      %dma_start3A_320 = tpu.memref_slice %arg2[%dma_start3A_318, %dma_start3A_319] : memref<10000x128xf32, #tpu.memory_space<hbm>> -> memref<10000x128xf32, #tpu.memory_space<hbm>>
      tpu.enqueue_indirect_dma source(%dma_start3A_320 : memref<10000x128xf32, #tpu.memory_space<hbm>>) target(%arg16 : memref<80x128xf32, #tpu.memory_space<vmem>>) offsets(%arg13 : memref<80xi32, #tpu.memory_space<vmem>>) semaphore(%arg22 : memref<!tpu.dma_semaphore, #tpu.memory_space<semaphore_mem>>)
      %dma_wait3A_321 = arith.constant 0 : i32
      %dma_wait3A_322 = arith.constant 0 : i32
      %dma_wait3A_323 = tpu.memref_slice %arg2[%dma_wait3A_321, %dma_wait3A_322] : memref<10000x128xf32, #tpu.memory_space<hbm>> -> memref<10000x128xf32, #tpu.memory_space<hbm>>
      tpu.wait_indirect_dma semaphore(%arg22 : memref<!tpu.dma_semaphore, #tpu.memory_space<semaphore_mem>>) src(%dma_wait3A_323 : memref<10000x128xf32, #tpu.memory_space<hbm>>) dst(%arg16 : memref<80x128xf32, #tpu.memory_space<vmem>>)
      %dma_start3A_324 = arith.constant 0 : i32
      %dma_start3A_325 = arith.constant 0 : i32
      %dma_start3A_326 = tpu.memref_slice %arg17[%dma_start3A_324, %dma_start3A_325] : memref<10112x128xf32, #tpu.memory_space<vmem_shared>> -> memref<10112x128xf32, #tpu.memory_space<vmem_shared>>
      tpu.enqueue_indirect_dma source(%arg16 : memref<80x128xf32, #tpu.memory_space<vmem>>) target(%dma_start3A_326 : memref<10112x128xf32, #tpu.memory_space<vmem_shared>>) offsets(%arg14 : memref<80xi32, #tpu.memory_space<vmem>>) semaphore(%arg23 : memref<!tpu.dma_semaphore, #tpu.memory_space<semaphore_mem>>) {add = true}
    }
    %scan3A_22 = arith.constant 30 : i32
    %dma_wait3A = arith.constant 0 : i32
    %dma_wait3A_23 = arith.constant 0 : i32
    %dma_wait3A_24 = tpu.memref_slice %arg17[%dma_wait3A, %dma_wait3A_23] : memref<10112x128xf32, #tpu.memory_space<vmem_shared>> -> memref<10112x128xf32, #tpu.memory_space<vmem_shared>>
    tpu.wait_indirect_dma semaphore(%arg23 : memref<!tpu.dma_semaphore, #tpu.memory_space<semaphore_mem>>) src(%arg15 : memref<80x128xf32, #tpu.memory_space<vmem>>) dst(%dma_wait3A_24 : memref<10112x128xf32, #tpu.memory_space<vmem_shared>>)
    %mul3A_25 = arith.constant 10000 : i32
    %mul3A_26 = arith.muli %add3A, %mul3A_25 : i32
    %add3A_27 = arith.constant 9760 : i32
    %add3A_28 = arith.addi %mul3A_26, %add3A_27 : i32
    %dma_start3A_29 = tpu.memref_slice %arg3[%add3A_28] : memref<320000xi32, #tpu.memory_space<hbm>> -> memref<80xi32, #tpu.memory_space<hbm>>
    %dma_start3A_30 = tpu.memref_slice %arg3[%add3A_28] : memref<320000xi32, #tpu.memory_space<hbm>> -> memref<80xi32, #tpu.memory_space<hbm>>
    tpu.enqueue_dma source(%dma_start3A_30 : memref<80xi32, #tpu.memory_space<hbm>>) target(%arg11 : memref<80xi32, #tpu.memory_space<vmem>>) target_semaphore(%arg20 : memref<!tpu.dma_semaphore, #tpu.memory_space<semaphore_mem>>)
    %dma_start3A_31 = tpu.memref_slice %arg4[%add3A_28] : memref<320000xi32, #tpu.memory_space<hbm>> -> memref<80xi32, #tpu.memory_space<hbm>>
    %dma_start3A_32 = tpu.memref_slice %arg4[%add3A_28] : memref<320000xi32, #tpu.memory_space<hbm>> -> memref<80xi32, #tpu.memory_space<hbm>>
    tpu.enqueue_dma source(%dma_start3A_32 : memref<80xi32, #tpu.memory_space<hbm>>) target(%arg12 : memref<80xi32, #tpu.memory_space<vmem>>) target_semaphore(%arg20 : memref<!tpu.dma_semaphore, #tpu.memory_space<semaphore_mem>>)
    %mul3A_33 = arith.constant 10000 : i32
    %mul3A_34 = arith.muli %add3A, %mul3A_33 : i32
    %add3A_35 = arith.constant 9600 : i32
    %add3A_36 = arith.addi %mul3A_34, %add3A_35 : i32
    %dma_wait3A_37 = tpu.memref_slice %arg3[%add3A_36] : memref<320000xi32, #tpu.memory_space<hbm>> -> memref<80xi32, #tpu.memory_space<hbm>>
    %dma_wait3A_38 = tpu.memref_slice %arg3[%add3A_36] : memref<320000xi32, #tpu.memory_space<hbm>> -> memref<80xi32, #tpu.memory_space<hbm>>
    tpu.wait_dma2 semaphore(%arg18 : memref<!tpu.dma_semaphore, #tpu.memory_space<semaphore_mem>>) src(%dma_wait3A_38 : memref<80xi32, #tpu.memory_space<hbm>>) dst(%arg7 : memref<80xi32, #tpu.memory_space<vmem>>)
    %dma_wait3A_39 = tpu.memref_slice %arg4[%add3A_36] : memref<320000xi32, #tpu.memory_space<hbm>> -> memref<80xi32, #tpu.memory_space<hbm>>
    %dma_wait3A_40 = tpu.memref_slice %arg4[%add3A_36] : memref<320000xi32, #tpu.memory_space<hbm>> -> memref<80xi32, #tpu.memory_space<hbm>>
    tpu.wait_dma2 semaphore(%arg18 : memref<!tpu.dma_semaphore, #tpu.memory_space<semaphore_mem>>) src(%dma_wait3A_40 : memref<80xi32, #tpu.memory_space<hbm>>) dst(%arg8 : memref<80xi32, #tpu.memory_space<vmem>>)
    %dma_start3A_41 = arith.constant 0 : i32
    %dma_start3A_42 = arith.constant 0 : i32
    %dma_start3A_43 = tpu.memref_slice %arg2[%dma_start3A_41, %dma_start3A_42] : memref<10000x128xf32, #tpu.memory_space<hbm>> -> memref<10000x128xf32, #tpu.memory_space<hbm>>
    tpu.enqueue_indirect_dma source(%dma_start3A_43 : memref<10000x128xf32, #tpu.memory_space<hbm>>) target(%arg15 : memref<80x128xf32, #tpu.memory_space<vmem>>) offsets(%arg7 : memref<80xi32, #tpu.memory_space<vmem>>) semaphore(%arg22 : memref<!tpu.dma_semaphore, #tpu.memory_space<semaphore_mem>>)
    %dma_wait3A_44 = arith.constant 0 : i32
    %dma_wait3A_45 = arith.constant 0 : i32
    %dma_wait3A_46 = tpu.memref_slice %arg2[%dma_wait3A_44, %dma_wait3A_45] : memref<10000x128xf32, #tpu.memory_space<hbm>> -> memref<10000x128xf32, #tpu.memory_space<hbm>>
    tpu.wait_indirect_dma semaphore(%arg22 : memref<!tpu.dma_semaphore, #tpu.memory_space<semaphore_mem>>) src(%dma_wait3A_46 : memref<10000x128xf32, #tpu.memory_space<hbm>>) dst(%arg15 : memref<80x128xf32, #tpu.memory_space<vmem>>)
    %dma_start3A_47 = arith.constant 0 : i32
    %dma_start3A_48 = arith.constant 0 : i32
    %dma_start3A_49 = tpu.memref_slice %arg17[%dma_start3A_47, %dma_start3A_48] : memref<10112x128xf32, #tpu.memory_space<vmem_shared>> -> memref<10112x128xf32, #tpu.memory_space<vmem_shared>>
    tpu.enqueue_indirect_dma source(%arg15 : memref<80x128xf32, #tpu.memory_space<vmem>>) target(%dma_start3A_49 : memref<10112x128xf32, #tpu.memory_space<vmem_shared>>) offsets(%arg8 : memref<80xi32, #tpu.memory_space<vmem>>) semaphore(%arg23 : memref<!tpu.dma_semaphore, #tpu.memory_space<semaphore_mem>>) {add = true}
    %dma_wait3A_50 = arith.constant 0 : i32
    %dma_wait3A_51 = arith.constant 0 : i32
    %dma_wait3A_52 = tpu.memref_slice %arg17[%dma_wait3A_50, %dma_wait3A_51] : memref<10112x128xf32, #tpu.memory_space<vmem_shared>> -> memref<10112x128xf32, #tpu.memory_space<vmem_shared>>
    tpu.wait_indirect_dma semaphore(%arg23 : memref<!tpu.dma_semaphore, #tpu.memory_space<semaphore_mem>>) src(%arg16 : memref<80x128xf32, #tpu.memory_space<vmem>>) dst(%dma_wait3A_52 : memref<10112x128xf32, #tpu.memory_space<vmem_shared>>)
    %mul3A_53 = arith.constant 10000 : i32
    %mul3A_54 = arith.muli %add3A, %mul3A_53 : i32
    %add3A_55 = arith.constant 9840 : i32
    %add3A_56 = arith.addi %mul3A_54, %add3A_55 : i32
    %dma_start3A_57 = tpu.memref_slice %arg3[%add3A_56] : memref<320000xi32, #tpu.memory_space<hbm>> -> memref<80xi32, #tpu.memory_space<hbm>>
    %dma_start3A_58 = tpu.memref_slice %arg3[%add3A_56] : memref<320000xi32, #tpu.memory_space<hbm>> -> memref<80xi32, #tpu.memory_space<hbm>>
    tpu.enqueue_dma source(%dma_start3A_58 : memref<80xi32, #tpu.memory_space<hbm>>) target(%arg13 : memref<80xi32, #tpu.memory_space<vmem>>) target_semaphore(%arg21 : memref<!tpu.dma_semaphore, #tpu.memory_space<semaphore_mem>>)
    %dma_start3A_59 = tpu.memref_slice %arg4[%add3A_56] : memref<320000xi32, #tpu.memory_space<hbm>> -> memref<80xi32, #tpu.memory_space<hbm>>
    %dma_start3A_60 = tpu.memref_slice %arg4[%add3A_56] : memref<320000xi32, #tpu.memory_space<hbm>> -> memref<80xi32, #tpu.memory_space<hbm>>
    tpu.enqueue_dma source(%dma_start3A_60 : memref<80xi32, #tpu.memory_space<hbm>>) target(%arg14 : memref<80xi32, #tpu.memory_space<vmem>>) target_semaphore(%arg21 : memref<!tpu.dma_semaphore, #tpu.memory_space<semaphore_mem>>)
    %mul3A_61 = arith.constant 10000 : i32
    %mul3A_62 = arith.muli %add3A, %mul3A_61 : i32
    %add3A_63 = arith.constant 9680 : i32
    %add3A_64 = arith.addi %mul3A_62, %add3A_63 : i32
    %dma_wait3A_65 = tpu.memref_slice %arg3[%add3A_64] : memref<320000xi32, #tpu.memory_space<hbm>> -> memref<80xi32, #tpu.memory_space<hbm>>
    %dma_wait3A_66 = tpu.memref_slice %arg3[%add3A_64] : memref<320000xi32, #tpu.memory_space<hbm>> -> memref<80xi32, #tpu.memory_space<hbm>>
    tpu.wait_dma2 semaphore(%arg19 : memref<!tpu.dma_semaphore, #tpu.memory_space<semaphore_mem>>) src(%dma_wait3A_66 : memref<80xi32, #tpu.memory_space<hbm>>) dst(%arg9 : memref<80xi32, #tpu.memory_space<vmem>>)
    %dma_wait3A_67 = tpu.memref_slice %arg4[%add3A_64] : memref<320000xi32, #tpu.memory_space<hbm>> -> memref<80xi32, #tpu.memory_space<hbm>>
    %dma_wait3A_68 = tpu.memref_slice %arg4[%add3A_64] : memref<320000xi32, #tpu.memory_space<hbm>> -> memref<80xi32, #tpu.memory_space<hbm>>
    tpu.wait_dma2 semaphore(%arg19 : memref<!tpu.dma_semaphore, #tpu.memory_space<semaphore_mem>>) src(%dma_wait3A_68 : memref<80xi32, #tpu.memory_space<hbm>>) dst(%arg10 : memref<80xi32, #tpu.memory_space<vmem>>)
    %dma_start3A_69 = arith.constant 0 : i32
    %dma_start3A_70 = arith.constant 0 : i32
    %dma_start3A_71 = tpu.memref_slice %arg2[%dma_start3A_69, %dma_start3A_70] : memref<10000x128xf32, #tpu.memory_space<hbm>> -> memref<10000x128xf32, #tpu.memory_space<hbm>>
    tpu.enqueue_indirect_dma source(%dma_start3A_71 : memref<10000x128xf32, #tpu.memory_space<hbm>>) target(%arg16 : memref<80x128xf32, #tpu.memory_space<vmem>>) offsets(%arg9 : memref<80xi32, #tpu.memory_space<vmem>>) semaphore(%arg22 : memref<!tpu.dma_semaphore, #tpu.memory_space<semaphore_mem>>)
    %dma_wait3A_72 = arith.constant 0 : i32
    %dma_wait3A_73 = arith.constant 0 : i32
    %dma_wait3A_74 = tpu.memref_slice %arg2[%dma_wait3A_72, %dma_wait3A_73] : memref<10000x128xf32, #tpu.memory_space<hbm>> -> memref<10000x128xf32, #tpu.memory_space<hbm>>
    tpu.wait_indirect_dma semaphore(%arg22 : memref<!tpu.dma_semaphore, #tpu.memory_space<semaphore_mem>>) src(%dma_wait3A_74 : memref<10000x128xf32, #tpu.memory_space<hbm>>) dst(%arg16 : memref<80x128xf32, #tpu.memory_space<vmem>>)
    %dma_start3A_75 = arith.constant 0 : i32
    %dma_start3A_76 = arith.constant 0 : i32
    %dma_start3A_77 = tpu.memref_slice %arg17[%dma_start3A_75, %dma_start3A_76] : memref<10112x128xf32, #tpu.memory_space<vmem_shared>> -> memref<10112x128xf32, #tpu.memory_space<vmem_shared>>
    tpu.enqueue_indirect_dma source(%arg16 : memref<80x128xf32, #tpu.memory_space<vmem>>) target(%dma_start3A_77 : memref<10112x128xf32, #tpu.memory_space<vmem_shared>>) offsets(%arg10 : memref<80xi32, #tpu.memory_space<vmem>>) semaphore(%arg23 : memref<!tpu.dma_semaphore, #tpu.memory_space<semaphore_mem>>) {add = true}
    %dma_wait3A_78 = arith.constant 0 : i32
    %dma_wait3A_79 = arith.constant 0 : i32
    %dma_wait3A_80 = tpu.memref_slice %arg17[%dma_wait3A_78, %dma_wait3A_79] : memref<10112x128xf32, #tpu.memory_space<vmem_shared>> -> memref<10112x128xf32, #tpu.memory_space<vmem_shared>>
    tpu.wait_indirect_dma semaphore(%arg23 : memref<!tpu.dma_semaphore, #tpu.memory_space<semaphore_mem>>) src(%arg15 : memref<80x128xf32, #tpu.memory_space<vmem>>) dst(%dma_wait3A_80 : memref<10112x128xf32, #tpu.memory_space<vmem_shared>>)
    %mul3A_81 = arith.constant 10000 : i32
    %mul3A_82 = arith.muli %add3A, %mul3A_81 : i32
    %add3A_83 = arith.constant 9920 : i32
    %add3A_84 = arith.addi %mul3A_82, %add3A_83 : i32
    %dma_start3A_85 = tpu.memref_slice %arg3[%add3A_84] : memref<320000xi32, #tpu.memory_space<hbm>> -> memref<80xi32, #tpu.memory_space<hbm>>
    %dma_start3A_86 = tpu.memref_slice %arg3[%add3A_84] : memref<320000xi32, #tpu.memory_space<hbm>> -> memref<80xi32, #tpu.memory_space<hbm>>
    tpu.enqueue_dma source(%dma_start3A_86 : memref<80xi32, #tpu.memory_space<hbm>>) target(%arg7 : memref<80xi32, #tpu.memory_space<vmem>>) target_semaphore(%arg18 : memref<!tpu.dma_semaphore, #tpu.memory_space<semaphore_mem>>)
    %dma_start3A_87 = tpu.memref_slice %arg4[%add3A_84] : memref<320000xi32, #tpu.memory_space<hbm>> -> memref<80xi32, #tpu.memory_space<hbm>>
    %dma_start3A_88 = tpu.memref_slice %arg4[%add3A_84] : memref<320000xi32, #tpu.memory_space<hbm>> -> memref<80xi32, #tpu.memory_space<hbm>>
    tpu.enqueue_dma source(%dma_start3A_88 : memref<80xi32, #tpu.memory_space<hbm>>) target(%arg8 : memref<80xi32, #tpu.memory_space<vmem>>) target_semaphore(%arg18 : memref<!tpu.dma_semaphore, #tpu.memory_space<semaphore_mem>>)
    %mul3A_89 = arith.constant 10000 : i32
    %mul3A_90 = arith.muli %add3A, %mul3A_89 : i32
    %add3A_91 = arith.constant 9760 : i32
    %add3A_92 = arith.addi %mul3A_90, %add3A_91 : i32
    %dma_wait3A_93 = tpu.memref_slice %arg3[%add3A_92] : memref<320000xi32, #tpu.memory_space<hbm>> -> memref<80xi32, #tpu.memory_space<hbm>>
    %dma_wait3A_94 = tpu.memref_slice %arg3[%add3A_92] : memref<320000xi32, #tpu.memory_space<hbm>> -> memref<80xi32, #tpu.memory_space<hbm>>
    tpu.wait_dma2 semaphore(%arg20 : memref<!tpu.dma_semaphore, #tpu.memory_space<semaphore_mem>>) src(%dma_wait3A_94 : memref<80xi32, #tpu.memory_space<hbm>>) dst(%arg11 : memref<80xi32, #tpu.memory_space<vmem>>)
    %dma_wait3A_95 = tpu.memref_slice %arg4[%add3A_92] : memref<320000xi32, #tpu.memory_space<hbm>> -> memref<80xi32, #tpu.memory_space<hbm>>
    %dma_wait3A_96 = tpu.memref_slice %arg4[%add3A_92] : memref<320000xi32, #tpu.memory_space<hbm>> -> memref<80xi32, #tpu.memory_space<hbm>>
    tpu.wait_dma2 semaphore(%arg20 : memref<!tpu.dma_semaphore, #tpu.memory_space<semaphore_mem>>) src(%dma_wait3A_96 : memref<80xi32, #tpu.memory_space<hbm>>) dst(%arg12 : memref<80xi32, #tpu.memory_space<vmem>>)
    %dma_start3A_97 = arith.constant 0 : i32
    %dma_start3A_98 = arith.constant 0 : i32
    %dma_start3A_99 = tpu.memref_slice %arg2[%dma_start3A_97, %dma_start3A_98] : memref<10000x128xf32, #tpu.memory_space<hbm>> -> memref<10000x128xf32, #tpu.memory_space<hbm>>
    tpu.enqueue_indirect_dma source(%dma_start3A_99 : memref<10000x128xf32, #tpu.memory_space<hbm>>) target(%arg15 : memref<80x128xf32, #tpu.memory_space<vmem>>) offsets(%arg11 : memref<80xi32, #tpu.memory_space<vmem>>) semaphore(%arg22 : memref<!tpu.dma_semaphore, #tpu.memory_space<semaphore_mem>>)
    %dma_wait3A_100 = arith.constant 0 : i32
    %dma_wait3A_101 = arith.constant 0 : i32
    %dma_wait3A_102 = tpu.memref_slice %arg2[%dma_wait3A_100, %dma_wait3A_101] : memref<10000x128xf32, #tpu.memory_space<hbm>> -> memref<10000x128xf32, #tpu.memory_space<hbm>>
    tpu.wait_indirect_dma semaphore(%arg22 : memref<!tpu.dma_semaphore, #tpu.memory_space<semaphore_mem>>) src(%dma_wait3A_102 : memref<10000x128xf32, #tpu.memory_space<hbm>>) dst(%arg15 : memref<80x128xf32, #tpu.memory_space<vmem>>)
    %dma_start3A_103 = arith.constant 0 : i32
    %dma_start3A_104 = arith.constant 0 : i32
    %dma_start3A_105 = tpu.memref_slice %arg17[%dma_start3A_103, %dma_start3A_104] : memref<10112x128xf32, #tpu.memory_space<vmem_shared>> -> memref<10112x128xf32, #tpu.memory_space<vmem_shared>>
    tpu.enqueue_indirect_dma source(%arg15 : memref<80x128xf32, #tpu.memory_space<vmem>>) target(%dma_start3A_105 : memref<10112x128xf32, #tpu.memory_space<vmem_shared>>) offsets(%arg12 : memref<80xi32, #tpu.memory_space<vmem>>) semaphore(%arg23 : memref<!tpu.dma_semaphore, #tpu.memory_space<semaphore_mem>>) {add = true}
    %dma_wait3A_106 = arith.constant 0 : i32
    %dma_wait3A_107 = arith.constant 0 : i32
    %dma_wait3A_108 = tpu.memref_slice %arg17[%dma_wait3A_106, %dma_wait3A_107] : memref<10112x128xf32, #tpu.memory_space<vmem_shared>> -> memref<10112x128xf32, #tpu.memory_space<vmem_shared>>
    tpu.wait_indirect_dma semaphore(%arg23 : memref<!tpu.dma_semaphore, #tpu.memory_space<semaphore_mem>>) src(%arg16 : memref<80x128xf32, #tpu.memory_space<vmem>>) dst(%dma_wait3A_108 : memref<10112x128xf32, #tpu.memory_space<vmem_shared>>)
    %mul3A_109 = arith.constant 10000 : i32
    %mul3A_110 = arith.muli %add3A, %mul3A_109 : i32
    %add3A_111 = arith.constant 9840 : i32
    %add3A_112 = arith.addi %mul3A_110, %add3A_111 : i32
    %dma_wait3A_113 = tpu.memref_slice %arg3[%add3A_112] : memref<320000xi32, #tpu.memory_space<hbm>> -> memref<80xi32, #tpu.memory_space<hbm>>
    %dma_wait3A_114 = tpu.memref_slice %arg3[%add3A_112] : memref<320000xi32, #tpu.memory_space<hbm>> -> memref<80xi32, #tpu.memory_space<hbm>>
    tpu.wait_dma2 semaphore(%arg21 : memref<!tpu.dma_semaphore, #tpu.memory_space<semaphore_mem>>) src(%dma_wait3A_114 : memref<80xi32, #tpu.memory_space<hbm>>) dst(%arg13 : memref<80xi32, #tpu.memory_space<vmem>>)
    %dma_wait3A_115 = tpu.memref_slice %arg4[%add3A_112] : memref<320000xi32, #tpu.memory_space<hbm>> -> memref<80xi32, #tpu.memory_space<hbm>>
    %dma_wait3A_116 = tpu.memref_slice %arg4[%add3A_112] : memref<320000xi32, #tpu.memory_space<hbm>> -> memref<80xi32, #tpu.memory_space<hbm>>
    tpu.wait_dma2 semaphore(%arg21 : memref<!tpu.dma_semaphore, #tpu.memory_space<semaphore_mem>>) src(%dma_wait3A_116 : memref<80xi32, #tpu.memory_space<hbm>>) dst(%arg14 : memref<80xi32, #tpu.memory_space<vmem>>)
    %dma_start3A_117 = arith.constant 0 : i32
    %dma_start3A_118 = arith.constant 0 : i32
    %dma_start3A_119 = tpu.memref_slice %arg2[%dma_start3A_117, %dma_start3A_118] : memref<10000x128xf32, #tpu.memory_space<hbm>> -> memref<10000x128xf32, #tpu.memory_space<hbm>>
    tpu.enqueue_indirect_dma source(%dma_start3A_119 : memref<10000x128xf32, #tpu.memory_space<hbm>>) target(%arg16 : memref<80x128xf32, #tpu.memory_space<vmem>>) offsets(%arg13 : memref<80xi32, #tpu.memory_space<vmem>>) semaphore(%arg22 : memref<!tpu.dma_semaphore, #tpu.memory_space<semaphore_mem>>)
    %dma_wait3A_120 = arith.constant 0 : i32
    %dma_wait3A_121 = arith.constant 0 : i32
    %dma_wait3A_122 = tpu.memref_slice %arg2[%dma_wait3A_120, %dma_wait3A_121] : memref<10000x128xf32, #tpu.memory_space<hbm>> -> memref<10000x128xf32, #tpu.memory_space<hbm>>
    tpu.wait_indirect_dma semaphore(%arg22 : memref<!tpu.dma_semaphore, #tpu.memory_space<semaphore_mem>>) src(%dma_wait3A_122 : memref<10000x128xf32, #tpu.memory_space<hbm>>) dst(%arg16 : memref<80x128xf32, #tpu.memory_space<vmem>>)
    %dma_start3A_123 = arith.constant 0 : i32
    %dma_start3A_124 = arith.constant 0 : i32
    %dma_start3A_125 = tpu.memref_slice %arg17[%dma_start3A_123, %dma_start3A_124] : memref<10112x128xf32, #tpu.memory_space<vmem_shared>> -> memref<10112x128xf32, #tpu.memory_space<vmem_shared>>
    tpu.enqueue_indirect_dma source(%arg16 : memref<80x128xf32, #tpu.memory_space<vmem>>) target(%dma_start3A_125 : memref<10112x128xf32, #tpu.memory_space<vmem_shared>>) offsets(%arg14 : memref<80xi32, #tpu.memory_space<vmem>>) semaphore(%arg23 : memref<!tpu.dma_semaphore, #tpu.memory_space<semaphore_mem>>) {add = true}
    %dma_wait3A_126 = arith.constant 0 : i32
    %dma_wait3A_127 = arith.constant 0 : i32
    %dma_wait3A_128 = tpu.memref_slice %arg17[%dma_wait3A_126, %dma_wait3A_127] : memref<10112x128xf32, #tpu.memory_space<vmem_shared>> -> memref<10112x128xf32, #tpu.memory_space<vmem_shared>>
    tpu.wait_indirect_dma semaphore(%arg23 : memref<!tpu.dma_semaphore, #tpu.memory_space<semaphore_mem>>) src(%arg15 : memref<80x128xf32, #tpu.memory_space<vmem>>) dst(%dma_wait3A_128 : memref<10112x128xf32, #tpu.memory_space<vmem_shared>>)
    %mul3A_129 = arith.constant 10000 : i32
    %mul3A_130 = arith.muli %add3A, %mul3A_129 : i32
    %add3A_131 = arith.constant 9920 : i32
    %add3A_132 = arith.addi %mul3A_130, %add3A_131 : i32
    %dma_wait3A_133 = tpu.memref_slice %arg3[%add3A_132] : memref<320000xi32, #tpu.memory_space<hbm>> -> memref<80xi32, #tpu.memory_space<hbm>>
    %dma_wait3A_134 = tpu.memref_slice %arg3[%add3A_132] : memref<320000xi32, #tpu.memory_space<hbm>> -> memref<80xi32, #tpu.memory_space<hbm>>
    tpu.wait_dma2 semaphore(%arg18 : memref<!tpu.dma_semaphore, #tpu.memory_space<semaphore_mem>>) src(%dma_wait3A_134 : memref<80xi32, #tpu.memory_space<hbm>>) dst(%arg7 : memref<80xi32, #tpu.memory_space<vmem>>)
    %dma_wait3A_135 = tpu.memref_slice %arg4[%add3A_132] : memref<320000xi32, #tpu.memory_space<hbm>> -> memref<80xi32, #tpu.memory_space<hbm>>
    %dma_wait3A_136 = tpu.memref_slice %arg4[%add3A_132] : memref<320000xi32, #tpu.memory_space<hbm>> -> memref<80xi32, #tpu.memory_space<hbm>>
    tpu.wait_dma2 semaphore(%arg18 : memref<!tpu.dma_semaphore, #tpu.memory_space<semaphore_mem>>) src(%dma_wait3A_136 : memref<80xi32, #tpu.memory_space<hbm>>) dst(%arg8 : memref<80xi32, #tpu.memory_space<vmem>>)
    %dma_start3A_137 = arith.constant 0 : i32
    %dma_start3A_138 = arith.constant 0 : i32
    %dma_start3A_139 = tpu.memref_slice %arg2[%dma_start3A_137, %dma_start3A_138] : memref<10000x128xf32, #tpu.memory_space<hbm>> -> memref<10000x128xf32, #tpu.memory_space<hbm>>
    tpu.enqueue_indirect_dma source(%dma_start3A_139 : memref<10000x128xf32, #tpu.memory_space<hbm>>) target(%arg15 : memref<80x128xf32, #tpu.memory_space<vmem>>) offsets(%arg7 : memref<80xi32, #tpu.memory_space<vmem>>) semaphore(%arg22 : memref<!tpu.dma_semaphore, #tpu.memory_space<semaphore_mem>>)
    %dma_wait3A_140 = arith.constant 0 : i32
    %dma_wait3A_141 = arith.constant 0 : i32
    %dma_wait3A_142 = tpu.memref_slice %arg2[%dma_wait3A_140, %dma_wait3A_141] : memref<10000x128xf32, #tpu.memory_space<hbm>> -> memref<10000x128xf32, #tpu.memory_space<hbm>>
    tpu.wait_indirect_dma semaphore(%arg22 : memref<!tpu.dma_semaphore, #tpu.memory_space<semaphore_mem>>) src(%dma_wait3A_142 : memref<10000x128xf32, #tpu.memory_space<hbm>>) dst(%arg15 : memref<80x128xf32, #tpu.memory_space<vmem>>)
    %dma_start3A_143 = arith.constant 0 : i32
    %dma_start3A_144 = arith.constant 0 : i32
    %dma_start3A_145 = tpu.memref_slice %arg17[%dma_start3A_143, %dma_start3A_144] : memref<10112x128xf32, #tpu.memory_space<vmem_shared>> -> memref<10112x128xf32, #tpu.memory_space<vmem_shared>>
    tpu.enqueue_indirect_dma source(%arg15 : memref<80x128xf32, #tpu.memory_space<vmem>>) target(%dma_start3A_145 : memref<10112x128xf32, #tpu.memory_space<vmem_shared>>) offsets(%arg8 : memref<80xi32, #tpu.memory_space<vmem>>) semaphore(%arg23 : memref<!tpu.dma_semaphore, #tpu.memory_space<semaphore_mem>>) {add = true}
    %dma_wait3A_146 = arith.constant 0 : i32
    %dma_wait3A_147 = arith.constant 0 : i32
    %dma_wait3A_148 = tpu.memref_slice %arg17[%dma_wait3A_146, %dma_wait3A_147] : memref<10112x128xf32, #tpu.memory_space<vmem_shared>> -> memref<10112x128xf32, #tpu.memory_space<vmem_shared>>
    tpu.wait_indirect_dma semaphore(%arg23 : memref<!tpu.dma_semaphore, #tpu.memory_space<semaphore_mem>>) src(%arg16 : memref<80x128xf32, #tpu.memory_space<vmem>>) dst(%dma_wait3A_148 : memref<10112x128xf32, #tpu.memory_space<vmem_shared>>)
    %dma_wait3A_149 = arith.constant 0 : i32
    %dma_wait3A_150 = arith.constant 0 : i32
    %dma_wait3A_151 = tpu.memref_slice %arg17[%dma_wait3A_149, %dma_wait3A_150] : memref<10112x128xf32, #tpu.memory_space<vmem_shared>> -> memref<10112x128xf32, #tpu.memory_space<vmem_shared>>
    tpu.wait_indirect_dma semaphore(%arg23 : memref<!tpu.dma_semaphore, #tpu.memory_space<semaphore_mem>>) src(%arg15 : memref<80x128xf32, #tpu.memory_space<vmem>>) dst(%dma_wait3A_151 : memref<10112x128xf32, #tpu.memory_space<vmem_shared>>)
    %barrier3A_152 = arith.constant 0 : index
    tpu.barrier barrier_id(%barrier3A_152)
    %mul3A_153 = arith.constant 632 : i32
    %mul3A_154 = arith.muli %arg1, %mul3A_153 : i32
    %mul3A_155 = arith.constant 632 : i32
    %mul3A_156 = arith.muli %arg1, %mul3A_155 : i32
    "tpu.region"() ({
      %run_scoped3A = tpu.sem_alloc : memref<!tpu.dma_semaphore, #tpu.memory_space<semaphore_mem>>
      %dma_start3A_157 = arith.constant 0 : i32
      %dma_start3A_158 = tpu.memref_slice %arg6[%arg0, %mul3A_156, %dma_start3A_157] : memref<2x10112x128xf32, #tpu.memory_space<hbm>> -> memref<1x632x128xf32, #tpu.memory_space<hbm>>
      %dma_start3A_159 = tpu.memref_squeeze %dma_start3A_158 : memref<1x632x128xf32, #tpu.memory_space<hbm>> -> memref<632x128xf32, #tpu.memory_space<hbm>>
      %dma_start3A_160 = arith.constant 0 : i32
      %dma_start3A_161 = tpu.memref_slice %arg17[%mul3A_154, %dma_start3A_160] : memref<10112x128xf32, #tpu.memory_space<vmem_shared>> -> memref<632x128xf32, #tpu.memory_space<vmem_shared>>
      tpu.enqueue_dma source(%dma_start3A_161 : memref<632x128xf32, #tpu.memory_space<vmem_shared>>) target(%dma_start3A_159 : memref<632x128xf32, #tpu.memory_space<hbm>>) target_semaphore(%run_scoped3A : memref<!tpu.dma_semaphore, #tpu.memory_space<semaphore_mem>>)
      %dma_wait3A_162 = arith.constant 0 : i32
      %dma_wait3A_163 = tpu.memref_slice %arg6[%arg0, %mul3A_156, %dma_wait3A_162] : memref<2x10112x128xf32, #tpu.memory_space<hbm>> -> memref<1x632x128xf32, #tpu.memory_space<hbm>>
      %dma_wait3A_164 = tpu.memref_squeeze %dma_wait3A_163 : memref<1x632x128xf32, #tpu.memory_space<hbm>> -> memref<632x128xf32, #tpu.memory_space<hbm>>
      %dma_wait3A_165 = arith.constant 0 : i32
      %dma_wait3A_166 = tpu.memref_slice %arg17[%mul3A_154, %dma_wait3A_165] : memref<10112x128xf32, #tpu.memory_space<vmem_shared>> -> memref<632x128xf32, #tpu.memory_space<vmem_shared>>
      tpu.wait_dma2 semaphore(%run_scoped3A : memref<!tpu.dma_semaphore, #tpu.memory_space<semaphore_mem>>) src(%dma_wait3A_166 : memref<632x128xf32, #tpu.memory_space<vmem_shared>>) dst(%dma_wait3A_164 : memref<632x128xf32, #tpu.memory_space<hbm>>)
      tpu.yield
    }) : () -> ()
    return
  }
}

#map = affine_map<(d0, d1) -> (0, 0)>
#map1 = affine_map<(d0, d1) -> (0)>
#map2 = affine_map<(d0, d1) -> (0, 0, 0)>
module attributes {stable_mosaic.version = 14 : i64} {
  func.func @edge_kernel(%arg0: i32, %arg1: i32, %arg2: memref<10000x128xf32, #tpu.memory_space<hbm>>, %arg3: memref<320000xi32, #tpu.memory_space<hbm>>, %arg4: memref<320000xi32, #tpu.memory_space<hbm>>, %arg5: memref<632x128xf32, #tpu.memory_space<hbm>>, %arg6: memref<2x10112x128xf32, #tpu.memory_space<hbm>>, %arg7: memref<80xi32, #tpu.memory_space<vmem>>, %arg8: memref<80xi32, #tpu.memory_space<vmem>>, %arg9: memref<80xi32, #tpu.memory_space<vmem>>, %arg10: memref<80xi32, #tpu.memory_space<vmem>>, %arg11: memref<80xi32, #tpu.memory_space<vmem>>, %arg12: memref<80xi32, #tpu.memory_space<vmem>>, %arg13: memref<80xi32, #tpu.memory_space<vmem>>, %arg14: memref<80xi32, #tpu.memory_space<vmem>>, %arg15: memref<80x128xf32, #tpu.memory_space<vmem>>, %arg16: memref<80x128xf32, #tpu.memory_space<vmem>>, %arg17: memref<10112x128xf32, #tpu.memory_space<vmem_shared>>, %arg18: memref<!tpu.dma_semaphore, #tpu.memory_space<semaphore_mem>>, %arg19: memref<!tpu.dma_semaphore, #tpu.memory_space<semaphore_mem>>, %arg20: memref<!tpu.dma_semaphore, #tpu.memory_space<semaphore_mem>>, %arg21: memref<!tpu.dma_semaphore, #tpu.memory_space<semaphore_mem>>, %arg22: memref<!tpu.dma_semaphore, #tpu.memory_space<semaphore_mem>>, %arg23: memref<!tpu.dma_semaphore, #tpu.memory_space<semaphore_mem>>) attributes {dimension_semantics = [#tpu.dimension_semantics<core_parallel>, #tpu.dimension_semantics<subcore_parallel>], iteration_bounds = array<i64: 2, 16>, scalar_prefetch = 0 : i64, scratch_operands = 17 : i64, tpu.core_type = #tpu.core_type<sc_vector_subcore>, window_params = [{transform_indices = #map}, {transform_indices = #map1}, {transform_indices = #map1}, {transform_indices = #map}, {transform_indices = #map2}]} {
    %mul3A = arith.constant 2 : i32
    %mul3A_0 = arith.muli %arg1, %mul3A : i32
    %add3A = arith.addi %mul3A_0, %arg0 : i32
    %mul3A_1 = arith.constant 632 : i32
    %mul3A_2 = arith.muli %arg1, %mul3A_1 : i32
    "tpu.region"() ({
      %run_scoped3A = tpu.sem_alloc : memref<!tpu.dma_semaphore, #tpu.memory_space<semaphore_mem>>
      %dma_start3A_157 = arith.constant 0 : i32
      %dma_start3A_158 = tpu.memref_slice %arg17[%mul3A_2, %dma_start3A_157] : memref<10112x128xf32, #tpu.memory_space<vmem_shared>> -> memref<632x128xf32, #tpu.memory_space<vmem_shared>>
      tpu.enqueue_dma source(%arg5 : memref<632x128xf32, #tpu.memory_space<hbm>>) target(%dma_start3A_158 : memref<632x128xf32, #tpu.memory_space<vmem_shared>>) target_semaphore(%run_scoped3A : memref<!tpu.dma_semaphore, #tpu.memory_space<semaphore_mem>>)
      %dma_wait3A_159 = arith.constant 0 : i32
      %dma_wait3A_160 = tpu.memref_slice %arg17[%mul3A_2, %dma_wait3A_159] : memref<10112x128xf32, #tpu.memory_space<vmem_shared>> -> memref<632x128xf32, #tpu.memory_space<vmem_shared>>
      tpu.wait_dma2 semaphore(%run_scoped3A : memref<!tpu.dma_semaphore, #tpu.memory_space<semaphore_mem>>) src(%arg5 : memref<632x128xf32, #tpu.memory_space<hbm>>) dst(%dma_wait3A_160 : memref<632x128xf32, #tpu.memory_space<vmem_shared>>)
      tpu.yield
    }) : () -> ()
    %barrier3A = arith.constant 0 : index
    tpu.barrier barrier_id(%barrier3A)
    %mul3A_3 = arith.constant 10000 : i32
    %mul3A_4 = arith.muli %add3A, %mul3A_3 : i32
    %add3A_5 = arith.constant 0 : i32
    %add3A_6 = arith.addi %mul3A_4, %add3A_5 : i32
    %dma_start3A = tpu.memref_slice %arg3[%add3A_6] : memref<320000xi32, #tpu.memory_space<hbm>> -> memref<80xi32, #tpu.memory_space<hbm>>
    %dma_start3A_7 = tpu.memref_slice %arg3[%add3A_6] : memref<320000xi32, #tpu.memory_space<hbm>> -> memref<80xi32, #tpu.memory_space<hbm>>
    tpu.enqueue_dma source(%dma_start3A_7 : memref<80xi32, #tpu.memory_space<hbm>>) target(%arg7 : memref<80xi32, #tpu.memory_space<vmem>>) target_semaphore(%arg18 : memref<!tpu.dma_semaphore, #tpu.memory_space<semaphore_mem>>)
    %dma_start3A_8 = tpu.memref_slice %arg4[%add3A_6] : memref<320000xi32, #tpu.memory_space<hbm>> -> memref<80xi32, #tpu.memory_space<hbm>>
    %dma_start3A_9 = tpu.memref_slice %arg4[%add3A_6] : memref<320000xi32, #tpu.memory_space<hbm>> -> memref<80xi32, #tpu.memory_space<hbm>>
    tpu.enqueue_dma source(%dma_start3A_9 : memref<80xi32, #tpu.memory_space<hbm>>) target(%arg8 : memref<80xi32, #tpu.memory_space<vmem>>) target_semaphore(%arg18 : memref<!tpu.dma_semaphore, #tpu.memory_space<semaphore_mem>>)
    %mul3A_10 = arith.constant 10000 : i32
    %mul3A_11 = arith.muli %add3A, %mul3A_10 : i32
    %add3A_12 = arith.constant 80 : i32
    %add3A_13 = arith.addi %mul3A_11, %add3A_12 : i32
    %dma_start3A_14 = tpu.memref_slice %arg3[%add3A_13] : memref<320000xi32, #tpu.memory_space<hbm>> -> memref<80xi32, #tpu.memory_space<hbm>>
    %dma_start3A_15 = tpu.memref_slice %arg3[%add3A_13] : memref<320000xi32, #tpu.memory_space<hbm>> -> memref<80xi32, #tpu.memory_space<hbm>>
    tpu.enqueue_dma source(%dma_start3A_15 : memref<80xi32, #tpu.memory_space<hbm>>) target(%arg9 : memref<80xi32, #tpu.memory_space<vmem>>) target_semaphore(%arg19 : memref<!tpu.dma_semaphore, #tpu.memory_space<semaphore_mem>>)
    %dma_start3A_16 = tpu.memref_slice %arg4[%add3A_13] : memref<320000xi32, #tpu.memory_space<hbm>> -> memref<80xi32, #tpu.memory_space<hbm>>
    %dma_start3A_17 = tpu.memref_slice %arg4[%add3A_13] : memref<320000xi32, #tpu.memory_space<hbm>> -> memref<80xi32, #tpu.memory_space<hbm>>
    tpu.enqueue_dma source(%dma_start3A_17 : memref<80xi32, #tpu.memory_space<hbm>>) target(%arg10 : memref<80xi32, #tpu.memory_space<vmem>>) target_semaphore(%arg19 : memref<!tpu.dma_semaphore, #tpu.memory_space<semaphore_mem>>)
    %scan3A = arith.constant 0 : i32
    %scan3A_18 = arith.constant 0 : i32
    %scan3A_19 = arith.constant 30 : i32
    %scan3A_20 = arith.addi %scan3A_18, %scan3A_19 : i32
    %scan3A_21 = arith.constant 1 : i32
    scf.for %scan3A_157 = %scan3A_18 to %scan3A_20 step %scan3A_21  : i32 {
      %mul3A_158 = arith.constant 4 : i32
      %mul3A_159 = arith.muli %mul3A_158, %scan3A_157 : i32
      %ge3A = arith.constant 1 : i32
      %ge3A_160 = arith.cmpi sge, %scan3A_157, %ge3A : i32
      %convert_element_type3A = arith.extui %ge3A_160 : i1 to i32
      %cond3A = arith.constant 0 : i32
      %cond3A_161 = arith.cmpi ne, %convert_element_type3A, %cond3A : i32
      scf.if %cond3A_161 {
        %dma_wait3A_327 = arith.constant 0 : i32
        %dma_wait3A_328 = arith.constant 0 : i32
        %dma_wait3A_329 = tpu.memref_slice %arg17[%dma_wait3A_327, %dma_wait3A_328] : memref<10112x128xf32, #tpu.memory_space<vmem_shared>> -> memref<10112x128xf32, #tpu.memory_space<vmem_shared>>
        tpu.wait_indirect_dma semaphore(%arg23 : memref<!tpu.dma_semaphore, #tpu.memory_space<semaphore_mem>>) src(%arg15 : memref<80x128xf32, #tpu.memory_space<vmem>>) dst(%dma_wait3A_329 : memref<10112x128xf32, #tpu.memory_space<vmem_shared>>)
      } else {
      }
      %add3A_162 = arith.constant 2 : i32
      %add3A_163 = arith.addi %mul3A_159, %add3A_162 : i32
      %mul3A_164 = arith.constant 10000 : i32
      %mul3A_165 = arith.muli %add3A, %mul3A_164 : i32
      %mul3A_166 = arith.constant 1 : i32
      %mul3A_167 = arith.muli %add3A_163, %mul3A_166 : i32
      %add3A_168 = arith.constant 0 : i32
      %add3A_169 = arith.addi %mul3A_167, %add3A_168 : i32
      %mul3A_170 = arith.constant 80 : i32
      %mul3A_171 = arith.muli %add3A_169, %mul3A_170 : i32
      %add3A_172 = arith.addi %mul3A_165, %mul3A_171 : i32
      %dma_start3A_173 = tpu.memref_slice %arg3[%add3A_172] : memref<320000xi32, #tpu.memory_space<hbm>> -> memref<80xi32, #tpu.memory_space<hbm>>
      %dma_start3A_174 = tpu.memref_slice %arg3[%add3A_172] : memref<320000xi32, #tpu.memory_space<hbm>> -> memref<80xi32, #tpu.memory_space<hbm>>
      tpu.enqueue_dma source(%dma_start3A_174 : memref<80xi32, #tpu.memory_space<hbm>>) target(%arg11 : memref<80xi32, #tpu.memory_space<vmem>>) target_semaphore(%arg20 : memref<!tpu.dma_semaphore, #tpu.memory_space<semaphore_mem>>)
      %dma_start3A_175 = tpu.memref_slice %arg4[%add3A_172] : memref<320000xi32, #tpu.memory_space<hbm>> -> memref<80xi32, #tpu.memory_space<hbm>>
      %dma_start3A_176 = tpu.memref_slice %arg4[%add3A_172] : memref<320000xi32, #tpu.memory_space<hbm>> -> memref<80xi32, #tpu.memory_space<hbm>>
      tpu.enqueue_dma source(%dma_start3A_176 : memref<80xi32, #tpu.memory_space<hbm>>) target(%arg12 : memref<80xi32, #tpu.memory_space<vmem>>) target_semaphore(%arg20 : memref<!tpu.dma_semaphore, #tpu.memory_space<semaphore_mem>>)
      %mul3A_177 = arith.constant 10000 : i32
      %mul3A_178 = arith.muli %add3A, %mul3A_177 : i32
      %mul3A_179 = arith.constant 1 : i32
      %mul3A_180 = arith.muli %mul3A_159, %mul3A_179 : i32
      %add3A_181 = arith.constant 0 : i32
      %add3A_182 = arith.addi %mul3A_180, %add3A_181 : i32
      %mul3A_183 = arith.constant 80 : i32
      %mul3A_184 = arith.muli %add3A_182, %mul3A_183 : i32
      %add3A_185 = arith.addi %mul3A_178, %mul3A_184 : i32
      %dma_wait3A_186 = tpu.memref_slice %arg3[%add3A_185] : memref<320000xi32, #tpu.memory_space<hbm>> -> memref<80xi32, #tpu.memory_space<hbm>>
      %dma_wait3A_187 = tpu.memref_slice %arg3[%add3A_185] : memref<320000xi32, #tpu.memory_space<hbm>> -> memref<80xi32, #tpu.memory_space<hbm>>
      tpu.wait_dma2 semaphore(%arg18 : memref<!tpu.dma_semaphore, #tpu.memory_space<semaphore_mem>>) src(%dma_wait3A_187 : memref<80xi32, #tpu.memory_space<hbm>>) dst(%arg7 : memref<80xi32, #tpu.memory_space<vmem>>)
      %dma_wait3A_188 = tpu.memref_slice %arg4[%add3A_185] : memref<320000xi32, #tpu.memory_space<hbm>> -> memref<80xi32, #tpu.memory_space<hbm>>
      %dma_wait3A_189 = tpu.memref_slice %arg4[%add3A_185] : memref<320000xi32, #tpu.memory_space<hbm>> -> memref<80xi32, #tpu.memory_space<hbm>>
      tpu.wait_dma2 semaphore(%arg18 : memref<!tpu.dma_semaphore, #tpu.memory_space<semaphore_mem>>) src(%dma_wait3A_189 : memref<80xi32, #tpu.memory_space<hbm>>) dst(%arg8 : memref<80xi32, #tpu.memory_space<vmem>>)
      %dma_start3A_190 = arith.constant 0 : i32
      %dma_start3A_191 = arith.constant 0 : i32
      %dma_start3A_192 = tpu.memref_slice %arg2[%dma_start3A_190, %dma_start3A_191] : memref<10000x128xf32, #tpu.memory_space<hbm>> -> memref<10000x128xf32, #tpu.memory_space<hbm>>
      tpu.enqueue_indirect_dma source(%dma_start3A_192 : memref<10000x128xf32, #tpu.memory_space<hbm>>) target(%arg15 : memref<80x128xf32, #tpu.memory_space<vmem>>) offsets(%arg7 : memref<80xi32, #tpu.memory_space<vmem>>) semaphore(%arg22 : memref<!tpu.dma_semaphore, #tpu.memory_space<semaphore_mem>>)
      %dma_wait3A_193 = arith.constant 0 : i32
      %dma_wait3A_194 = arith.constant 0 : i32
      %dma_wait3A_195 = tpu.memref_slice %arg2[%dma_wait3A_193, %dma_wait3A_194] : memref<10000x128xf32, #tpu.memory_space<hbm>> -> memref<10000x128xf32, #tpu.memory_space<hbm>>
      tpu.wait_indirect_dma semaphore(%arg22 : memref<!tpu.dma_semaphore, #tpu.memory_space<semaphore_mem>>) src(%dma_wait3A_195 : memref<10000x128xf32, #tpu.memory_space<hbm>>) dst(%arg15 : memref<80x128xf32, #tpu.memory_space<vmem>>)
      %dma_start3A_196 = arith.constant 0 : i32
      %dma_start3A_197 = arith.constant 0 : i32
      %dma_start3A_198 = tpu.memref_slice %arg17[%dma_start3A_196, %dma_start3A_197] : memref<10112x128xf32, #tpu.memory_space<vmem_shared>> -> memref<10112x128xf32, #tpu.memory_space<vmem_shared>>
      tpu.enqueue_indirect_dma source(%arg15 : memref<80x128xf32, #tpu.memory_space<vmem>>) target(%dma_start3A_198 : memref<10112x128xf32, #tpu.memory_space<vmem_shared>>) offsets(%arg8 : memref<80xi32, #tpu.memory_space<vmem>>) semaphore(%arg23 : memref<!tpu.dma_semaphore, #tpu.memory_space<semaphore_mem>>) {add = true}
      %ge3A_199 = arith.constant 1 : i32
      %ge3A_200 = arith.cmpi sge, %scan3A_157, %ge3A_199 : i32
      %convert_element_type3A_201 = arith.extui %ge3A_200 : i1 to i32
      %cond3A_202 = arith.constant 0 : i32
      %cond3A_203 = arith.cmpi ne, %convert_element_type3A_201, %cond3A_202 : i32
      scf.if %cond3A_203 {
        %dma_wait3A_327 = arith.constant 0 : i32
        %dma_wait3A_328 = arith.constant 0 : i32
        %dma_wait3A_329 = tpu.memref_slice %arg17[%dma_wait3A_327, %dma_wait3A_328] : memref<10112x128xf32, #tpu.memory_space<vmem_shared>> -> memref<10112x128xf32, #tpu.memory_space<vmem_shared>>
        tpu.wait_indirect_dma semaphore(%arg23 : memref<!tpu.dma_semaphore, #tpu.memory_space<semaphore_mem>>) src(%arg16 : memref<80x128xf32, #tpu.memory_space<vmem>>) dst(%dma_wait3A_329 : memref<10112x128xf32, #tpu.memory_space<vmem_shared>>)
      } else {
      }
      %add3A_204 = arith.constant 3 : i32
      %add3A_205 = arith.addi %mul3A_159, %add3A_204 : i32
      %mul3A_206 = arith.constant 10000 : i32
      %mul3A_207 = arith.muli %add3A, %mul3A_206 : i32
      %mul3A_208 = arith.constant 1 : i32
      %mul3A_209 = arith.muli %add3A_205, %mul3A_208 : i32
      %add3A_210 = arith.constant 0 : i32
      %add3A_211 = arith.addi %mul3A_209, %add3A_210 : i32
      %mul3A_212 = arith.constant 80 : i32
      %mul3A_213 = arith.muli %add3A_211, %mul3A_212 : i32
      %add3A_214 = arith.addi %mul3A_207, %mul3A_213 : i32
      %dma_start3A_215 = tpu.memref_slice %arg3[%add3A_214] : memref<320000xi32, #tpu.memory_space<hbm>> -> memref<80xi32, #tpu.memory_space<hbm>>
      %dma_start3A_216 = tpu.memref_slice %arg3[%add3A_214] : memref<320000xi32, #tpu.memory_space<hbm>> -> memref<80xi32, #tpu.memory_space<hbm>>
      tpu.enqueue_dma source(%dma_start3A_216 : memref<80xi32, #tpu.memory_space<hbm>>) target(%arg13 : memref<80xi32, #tpu.memory_space<vmem>>) target_semaphore(%arg21 : memref<!tpu.dma_semaphore, #tpu.memory_space<semaphore_mem>>)
      %dma_start3A_217 = tpu.memref_slice %arg4[%add3A_214] : memref<320000xi32, #tpu.memory_space<hbm>> -> memref<80xi32, #tpu.memory_space<hbm>>
      %dma_start3A_218 = tpu.memref_slice %arg4[%add3A_214] : memref<320000xi32, #tpu.memory_space<hbm>> -> memref<80xi32, #tpu.memory_space<hbm>>
      tpu.enqueue_dma source(%dma_start3A_218 : memref<80xi32, #tpu.memory_space<hbm>>) target(%arg14 : memref<80xi32, #tpu.memory_space<vmem>>) target_semaphore(%arg21 : memref<!tpu.dma_semaphore, #tpu.memory_space<semaphore_mem>>)
      %add3A_219 = arith.constant 1 : i32
      %add3A_220 = arith.addi %mul3A_159, %add3A_219 : i32
      %mul3A_221 = arith.constant 10000 : i32
      %mul3A_222 = arith.muli %add3A, %mul3A_221 : i32
      %mul3A_223 = arith.constant 1 : i32
      %mul3A_224 = arith.muli %add3A_220, %mul3A_223 : i32
      %add3A_225 = arith.constant 0 : i32
      %add3A_226 = arith.addi %mul3A_224, %add3A_225 : i32
      %mul3A_227 = arith.constant 80 : i32
      %mul3A_228 = arith.muli %add3A_226, %mul3A_227 : i32
      %add3A_229 = arith.addi %mul3A_222, %mul3A_228 : i32
      %dma_wait3A_230 = tpu.memref_slice %arg3[%add3A_229] : memref<320000xi32, #tpu.memory_space<hbm>> -> memref<80xi32, #tpu.memory_space<hbm>>
      %dma_wait3A_231 = tpu.memref_slice %arg3[%add3A_229] : memref<320000xi32, #tpu.memory_space<hbm>> -> memref<80xi32, #tpu.memory_space<hbm>>
      tpu.wait_dma2 semaphore(%arg19 : memref<!tpu.dma_semaphore, #tpu.memory_space<semaphore_mem>>) src(%dma_wait3A_231 : memref<80xi32, #tpu.memory_space<hbm>>) dst(%arg9 : memref<80xi32, #tpu.memory_space<vmem>>)
      %dma_wait3A_232 = tpu.memref_slice %arg4[%add3A_229] : memref<320000xi32, #tpu.memory_space<hbm>> -> memref<80xi32, #tpu.memory_space<hbm>>
      %dma_wait3A_233 = tpu.memref_slice %arg4[%add3A_229] : memref<320000xi32, #tpu.memory_space<hbm>> -> memref<80xi32, #tpu.memory_space<hbm>>
      tpu.wait_dma2 semaphore(%arg19 : memref<!tpu.dma_semaphore, #tpu.memory_space<semaphore_mem>>) src(%dma_wait3A_233 : memref<80xi32, #tpu.memory_space<hbm>>) dst(%arg10 : memref<80xi32, #tpu.memory_space<vmem>>)
      %dma_start3A_234 = arith.constant 0 : i32
      %dma_start3A_235 = arith.constant 0 : i32
      %dma_start3A_236 = tpu.memref_slice %arg2[%dma_start3A_234, %dma_start3A_235] : memref<10000x128xf32, #tpu.memory_space<hbm>> -> memref<10000x128xf32, #tpu.memory_space<hbm>>
      tpu.enqueue_indirect_dma source(%dma_start3A_236 : memref<10000x128xf32, #tpu.memory_space<hbm>>) target(%arg16 : memref<80x128xf32, #tpu.memory_space<vmem>>) offsets(%arg9 : memref<80xi32, #tpu.memory_space<vmem>>) semaphore(%arg22 : memref<!tpu.dma_semaphore, #tpu.memory_space<semaphore_mem>>)
      %dma_wait3A_237 = arith.constant 0 : i32
      %dma_wait3A_238 = arith.constant 0 : i32
      %dma_wait3A_239 = tpu.memref_slice %arg2[%dma_wait3A_237, %dma_wait3A_238] : memref<10000x128xf32, #tpu.memory_space<hbm>> -> memref<10000x128xf32, #tpu.memory_space<hbm>>
      tpu.wait_indirect_dma semaphore(%arg22 : memref<!tpu.dma_semaphore, #tpu.memory_space<semaphore_mem>>) src(%dma_wait3A_239 : memref<10000x128xf32, #tpu.memory_space<hbm>>) dst(%arg16 : memref<80x128xf32, #tpu.memory_space<vmem>>)
      %dma_start3A_240 = arith.constant 0 : i32
      %dma_start3A_241 = arith.constant 0 : i32
      %dma_start3A_242 = tpu.memref_slice %arg17[%dma_start3A_240, %dma_start3A_241] : memref<10112x128xf32, #tpu.memory_space<vmem_shared>> -> memref<10112x128xf32, #tpu.memory_space<vmem_shared>>
      tpu.enqueue_indirect_dma source(%arg16 : memref<80x128xf32, #tpu.memory_space<vmem>>) target(%dma_start3A_242 : memref<10112x128xf32, #tpu.memory_space<vmem_shared>>) offsets(%arg10 : memref<80xi32, #tpu.memory_space<vmem>>) semaphore(%arg23 : memref<!tpu.dma_semaphore, #tpu.memory_space<semaphore_mem>>) {add = true}
      %dma_wait3A_243 = arith.constant 0 : i32
      %dma_wait3A_244 = arith.constant 0 : i32
      %dma_wait3A_245 = tpu.memref_slice %arg17[%dma_wait3A_243, %dma_wait3A_244] : memref<10112x128xf32, #tpu.memory_space<vmem_shared>> -> memref<10112x128xf32, #tpu.memory_space<vmem_shared>>
      tpu.wait_indirect_dma semaphore(%arg23 : memref<!tpu.dma_semaphore, #tpu.memory_space<semaphore_mem>>) src(%arg15 : memref<80x128xf32, #tpu.memory_space<vmem>>) dst(%dma_wait3A_245 : memref<10112x128xf32, #tpu.memory_space<vmem_shared>>)
      %add3A_246 = arith.constant 4 : i32
      %add3A_247 = arith.addi %mul3A_159, %add3A_246 : i32
      %mul3A_248 = arith.constant 10000 : i32
      %mul3A_249 = arith.muli %add3A, %mul3A_248 : i32
      %mul3A_250 = arith.constant 1 : i32
      %mul3A_251 = arith.muli %add3A_247, %mul3A_250 : i32
      %add3A_252 = arith.constant 0 : i32
      %add3A_253 = arith.addi %mul3A_251, %add3A_252 : i32
      %mul3A_254 = arith.constant 80 : i32
      %mul3A_255 = arith.muli %add3A_253, %mul3A_254 : i32
      %add3A_256 = arith.addi %mul3A_249, %mul3A_255 : i32
      %dma_start3A_257 = tpu.memref_slice %arg3[%add3A_256] : memref<320000xi32, #tpu.memory_space<hbm>> -> memref<80xi32, #tpu.memory_space<hbm>>
      %dma_start3A_258 = tpu.memref_slice %arg3[%add3A_256] : memref<320000xi32, #tpu.memory_space<hbm>> -> memref<80xi32, #tpu.memory_space<hbm>>
      tpu.enqueue_dma source(%dma_start3A_258 : memref<80xi32, #tpu.memory_space<hbm>>) target(%arg7 : memref<80xi32, #tpu.memory_space<vmem>>) target_semaphore(%arg18 : memref<!tpu.dma_semaphore, #tpu.memory_space<semaphore_mem>>)
      %dma_start3A_259 = tpu.memref_slice %arg4[%add3A_256] : memref<320000xi32, #tpu.memory_space<hbm>> -> memref<80xi32, #tpu.memory_space<hbm>>
      %dma_start3A_260 = tpu.memref_slice %arg4[%add3A_256] : memref<320000xi32, #tpu.memory_space<hbm>> -> memref<80xi32, #tpu.memory_space<hbm>>
      tpu.enqueue_dma source(%dma_start3A_260 : memref<80xi32, #tpu.memory_space<hbm>>) target(%arg8 : memref<80xi32, #tpu.memory_space<vmem>>) target_semaphore(%arg18 : memref<!tpu.dma_semaphore, #tpu.memory_space<semaphore_mem>>)
      %add3A_261 = arith.constant 2 : i32
      %add3A_262 = arith.addi %mul3A_159, %add3A_261 : i32
      %mul3A_263 = arith.constant 10000 : i32
      %mul3A_264 = arith.muli %add3A, %mul3A_263 : i32
      %mul3A_265 = arith.constant 1 : i32
      %mul3A_266 = arith.muli %add3A_262, %mul3A_265 : i32
      %add3A_267 = arith.constant 0 : i32
      %add3A_268 = arith.addi %mul3A_266, %add3A_267 : i32
      %mul3A_269 = arith.constant 80 : i32
      %mul3A_270 = arith.muli %add3A_268, %mul3A_269 : i32
      %add3A_271 = arith.addi %mul3A_264, %mul3A_270 : i32
      %dma_wait3A_272 = tpu.memref_slice %arg3[%add3A_271] : memref<320000xi32, #tpu.memory_space<hbm>> -> memref<80xi32, #tpu.memory_space<hbm>>
      %dma_wait3A_273 = tpu.memref_slice %arg3[%add3A_271] : memref<320000xi32, #tpu.memory_space<hbm>> -> memref<80xi32, #tpu.memory_space<hbm>>
      tpu.wait_dma2 semaphore(%arg20 : memref<!tpu.dma_semaphore, #tpu.memory_space<semaphore_mem>>) src(%dma_wait3A_273 : memref<80xi32, #tpu.memory_space<hbm>>) dst(%arg11 : memref<80xi32, #tpu.memory_space<vmem>>)
      %dma_wait3A_274 = tpu.memref_slice %arg4[%add3A_271] : memref<320000xi32, #tpu.memory_space<hbm>> -> memref<80xi32, #tpu.memory_space<hbm>>
      %dma_wait3A_275 = tpu.memref_slice %arg4[%add3A_271] : memref<320000xi32, #tpu.memory_space<hbm>> -> memref<80xi32, #tpu.memory_space<hbm>>
      tpu.wait_dma2 semaphore(%arg20 : memref<!tpu.dma_semaphore, #tpu.memory_space<semaphore_mem>>) src(%dma_wait3A_275 : memref<80xi32, #tpu.memory_space<hbm>>) dst(%arg12 : memref<80xi32, #tpu.memory_space<vmem>>)
      %dma_start3A_276 = arith.constant 0 : i32
      %dma_start3A_277 = arith.constant 0 : i32
      %dma_start3A_278 = tpu.memref_slice %arg2[%dma_start3A_276, %dma_start3A_277] : memref<10000x128xf32, #tpu.memory_space<hbm>> -> memref<10000x128xf32, #tpu.memory_space<hbm>>
      tpu.enqueue_indirect_dma source(%dma_start3A_278 : memref<10000x128xf32, #tpu.memory_space<hbm>>) target(%arg15 : memref<80x128xf32, #tpu.memory_space<vmem>>) offsets(%arg11 : memref<80xi32, #tpu.memory_space<vmem>>) semaphore(%arg22 : memref<!tpu.dma_semaphore, #tpu.memory_space<semaphore_mem>>)
      %dma_wait3A_279 = arith.constant 0 : i32
      %dma_wait3A_280 = arith.constant 0 : i32
      %dma_wait3A_281 = tpu.memref_slice %arg2[%dma_wait3A_279, %dma_wait3A_280] : memref<10000x128xf32, #tpu.memory_space<hbm>> -> memref<10000x128xf32, #tpu.memory_space<hbm>>
      tpu.wait_indirect_dma semaphore(%arg22 : memref<!tpu.dma_semaphore, #tpu.memory_space<semaphore_mem>>) src(%dma_wait3A_281 : memref<10000x128xf32, #tpu.memory_space<hbm>>) dst(%arg15 : memref<80x128xf32, #tpu.memory_space<vmem>>)
      %dma_start3A_282 = arith.constant 0 : i32
      %dma_start3A_283 = arith.constant 0 : i32
      %dma_start3A_284 = tpu.memref_slice %arg17[%dma_start3A_282, %dma_start3A_283] : memref<10112x128xf32, #tpu.memory_space<vmem_shared>> -> memref<10112x128xf32, #tpu.memory_space<vmem_shared>>
      tpu.enqueue_indirect_dma source(%arg15 : memref<80x128xf32, #tpu.memory_space<vmem>>) target(%dma_start3A_284 : memref<10112x128xf32, #tpu.memory_space<vmem_shared>>) offsets(%arg12 : memref<80xi32, #tpu.memory_space<vmem>>) semaphore(%arg23 : memref<!tpu.dma_semaphore, #tpu.memory_space<semaphore_mem>>) {add = true}
      %dma_wait3A_285 = arith.constant 0 : i32
      %dma_wait3A_286 = arith.constant 0 : i32
      %dma_wait3A_287 = tpu.memref_slice %arg17[%dma_wait3A_285, %dma_wait3A_286] : memref<10112x128xf32, #tpu.memory_space<vmem_shared>> -> memref<10112x128xf32, #tpu.memory_space<vmem_shared>>
      tpu.wait_indirect_dma semaphore(%arg23 : memref<!tpu.dma_semaphore, #tpu.memory_space<semaphore_mem>>) src(%arg16 : memref<80x128xf32, #tpu.memory_space<vmem>>) dst(%dma_wait3A_287 : memref<10112x128xf32, #tpu.memory_space<vmem_shared>>)
      %add3A_288 = arith.constant 5 : i32
      %add3A_289 = arith.addi %mul3A_159, %add3A_288 : i32
      %mul3A_290 = arith.constant 10000 : i32
      %mul3A_291 = arith.muli %add3A, %mul3A_290 : i32
      %mul3A_292 = arith.constant 1 : i32
      %mul3A_293 = arith.muli %add3A_289, %mul3A_292 : i32
      %add3A_294 = arith.constant 0 : i32
      %add3A_295 = arith.addi %mul3A_293, %add3A_294 : i32
      %mul3A_296 = arith.constant 80 : i32
      %mul3A_297 = arith.muli %add3A_295, %mul3A_296 : i32
      %add3A_298 = arith.addi %mul3A_291, %mul3A_297 : i32
      %dma_start3A_299 = tpu.memref_slice %arg3[%add3A_298] : memref<320000xi32, #tpu.memory_space<hbm>> -> memref<80xi32, #tpu.memory_space<hbm>>
      %dma_start3A_300 = tpu.memref_slice %arg3[%add3A_298] : memref<320000xi32, #tpu.memory_space<hbm>> -> memref<80xi32, #tpu.memory_space<hbm>>
      tpu.enqueue_dma source(%dma_start3A_300 : memref<80xi32, #tpu.memory_space<hbm>>) target(%arg9 : memref<80xi32, #tpu.memory_space<vmem>>) target_semaphore(%arg19 : memref<!tpu.dma_semaphore, #tpu.memory_space<semaphore_mem>>)
      %dma_start3A_301 = tpu.memref_slice %arg4[%add3A_298] : memref<320000xi32, #tpu.memory_space<hbm>> -> memref<80xi32, #tpu.memory_space<hbm>>
      %dma_start3A_302 = tpu.memref_slice %arg4[%add3A_298] : memref<320000xi32, #tpu.memory_space<hbm>> -> memref<80xi32, #tpu.memory_space<hbm>>
      tpu.enqueue_dma source(%dma_start3A_302 : memref<80xi32, #tpu.memory_space<hbm>>) target(%arg10 : memref<80xi32, #tpu.memory_space<vmem>>) target_semaphore(%arg19 : memref<!tpu.dma_semaphore, #tpu.memory_space<semaphore_mem>>)
      %add3A_303 = arith.constant 3 : i32
      %add3A_304 = arith.addi %mul3A_159, %add3A_303 : i32
      %mul3A_305 = arith.constant 10000 : i32
      %mul3A_306 = arith.muli %add3A, %mul3A_305 : i32
      %mul3A_307 = arith.constant 1 : i32
      %mul3A_308 = arith.muli %add3A_304, %mul3A_307 : i32
      %add3A_309 = arith.constant 0 : i32
      %add3A_310 = arith.addi %mul3A_308, %add3A_309 : i32
      %mul3A_311 = arith.constant 80 : i32
      %mul3A_312 = arith.muli %add3A_310, %mul3A_311 : i32
      %add3A_313 = arith.addi %mul3A_306, %mul3A_312 : i32
      %dma_wait3A_314 = tpu.memref_slice %arg3[%add3A_313] : memref<320000xi32, #tpu.memory_space<hbm>> -> memref<80xi32, #tpu.memory_space<hbm>>
      %dma_wait3A_315 = tpu.memref_slice %arg3[%add3A_313] : memref<320000xi32, #tpu.memory_space<hbm>> -> memref<80xi32, #tpu.memory_space<hbm>>
      tpu.wait_dma2 semaphore(%arg21 : memref<!tpu.dma_semaphore, #tpu.memory_space<semaphore_mem>>) src(%dma_wait3A_315 : memref<80xi32, #tpu.memory_space<hbm>>) dst(%arg13 : memref<80xi32, #tpu.memory_space<vmem>>)
      %dma_wait3A_316 = tpu.memref_slice %arg4[%add3A_313] : memref<320000xi32, #tpu.memory_space<hbm>> -> memref<80xi32, #tpu.memory_space<hbm>>
      %dma_wait3A_317 = tpu.memref_slice %arg4[%add3A_313] : memref<320000xi32, #tpu.memory_space<hbm>> -> memref<80xi32, #tpu.memory_space<hbm>>
      tpu.wait_dma2 semaphore(%arg21 : memref<!tpu.dma_semaphore, #tpu.memory_space<semaphore_mem>>) src(%dma_wait3A_317 : memref<80xi32, #tpu.memory_space<hbm>>) dst(%arg14 : memref<80xi32, #tpu.memory_space<vmem>>)
      %dma_start3A_318 = arith.constant 0 : i32
      %dma_start3A_319 = arith.constant 0 : i32
      %dma_start3A_320 = tpu.memref_slice %arg2[%dma_start3A_318, %dma_start3A_319] : memref<10000x128xf32, #tpu.memory_space<hbm>> -> memref<10000x128xf32, #tpu.memory_space<hbm>>
      tpu.enqueue_indirect_dma source(%dma_start3A_320 : memref<10000x128xf32, #tpu.memory_space<hbm>>) target(%arg16 : memref<80x128xf32, #tpu.memory_space<vmem>>) offsets(%arg13 : memref<80xi32, #tpu.memory_space<vmem>>) semaphore(%arg22 : memref<!tpu.dma_semaphore, #tpu.memory_space<semaphore_mem>>)
      %dma_wait3A_321 = arith.constant 0 : i32
      %dma_wait3A_322 = arith.constant 0 : i32
      %dma_wait3A_323 = tpu.memref_slice %arg2[%dma_wait3A_321, %dma_wait3A_322] : memref<10000x128xf32, #tpu.memory_space<hbm>> -> memref<10000x128xf32, #tpu.memory_space<hbm>>
      tpu.wait_indirect_dma semaphore(%arg22 : memref<!tpu.dma_semaphore, #tpu.memory_space<semaphore_mem>>) src(%dma_wait3A_323 : memref<10000x128xf32, #tpu.memory_space<hbm>>) dst(%arg16 : memref<80x128xf32, #tpu.memory_space<vmem>>)
      %dma_start3A_324 = arith.constant 0 : i32
      %dma_start3A_325 = arith.constant 0 : i32
      %dma_start3A_326 = tpu.memref_slice %arg17[%dma_start3A_324, %dma_start3A_325] : memref<10112x128xf32, #tpu.memory_space<vmem_shared>> -> memref<10112x128xf32, #tpu.memory_space<vmem_shared>>
      tpu.enqueue_indirect_dma source(%arg16 : memref<80x128xf32, #tpu.memory_space<vmem>>) target(%dma_start3A_326 : memref<10112x128xf32, #tpu.memory_space<vmem_shared>>) offsets(%arg14 : memref<80xi32, #tpu.memory_space<vmem>>) semaphore(%arg23 : memref<!tpu.dma_semaphore, #tpu.memory_space<semaphore_mem>>) {add = true}
    }
    %scan3A_22 = arith.constant 30 : i32
    %dma_wait3A = arith.constant 0 : i32
    %dma_wait3A_23 = arith.constant 0 : i32
    %dma_wait3A_24 = tpu.memref_slice %arg17[%dma_wait3A, %dma_wait3A_23] : memref<10112x128xf32, #tpu.memory_space<vmem_shared>> -> memref<10112x128xf32, #tpu.memory_space<vmem_shared>>
    tpu.wait_indirect_dma semaphore(%arg23 : memref<!tpu.dma_semaphore, #tpu.memory_space<semaphore_mem>>) src(%arg15 : memref<80x128xf32, #tpu.memory_space<vmem>>) dst(%dma_wait3A_24 : memref<10112x128xf32, #tpu.memory_space<vmem_shared>>)
    %mul3A_25 = arith.constant 10000 : i32
    %mul3A_26 = arith.muli %add3A, %mul3A_25 : i32
    %add3A_27 = arith.constant 9760 : i32
    %add3A_28 = arith.addi %mul3A_26, %add3A_27 : i32
    %dma_start3A_29 = tpu.memref_slice %arg3[%add3A_28] : memref<320000xi32, #tpu.memory_space<hbm>> -> memref<80xi32, #tpu.memory_space<hbm>>
    %dma_start3A_30 = tpu.memref_slice %arg3[%add3A_28] : memref<320000xi32, #tpu.memory_space<hbm>> -> memref<80xi32, #tpu.memory_space<hbm>>
    tpu.enqueue_dma source(%dma_start3A_30 : memref<80xi32, #tpu.memory_space<hbm>>) target(%arg11 : memref<80xi32, #tpu.memory_space<vmem>>) target_semaphore(%arg20 : memref<!tpu.dma_semaphore, #tpu.memory_space<semaphore_mem>>)
    %dma_start3A_31 = tpu.memref_slice %arg4[%add3A_28] : memref<320000xi32, #tpu.memory_space<hbm>> -> memref<80xi32, #tpu.memory_space<hbm>>
    %dma_start3A_32 = tpu.memref_slice %arg4[%add3A_28] : memref<320000xi32, #tpu.memory_space<hbm>> -> memref<80xi32, #tpu.memory_space<hbm>>
    tpu.enqueue_dma source(%dma_start3A_32 : memref<80xi32, #tpu.memory_space<hbm>>) target(%arg12 : memref<80xi32, #tpu.memory_space<vmem>>) target_semaphore(%arg20 : memref<!tpu.dma_semaphore, #tpu.memory_space<semaphore_mem>>)
    %mul3A_33 = arith.constant 10000 : i32
    %mul3A_34 = arith.muli %add3A, %mul3A_33 : i32
    %add3A_35 = arith.constant 9600 : i32
    %add3A_36 = arith.addi %mul3A_34, %add3A_35 : i32
    %dma_wait3A_37 = tpu.memref_slice %arg3[%add3A_36] : memref<320000xi32, #tpu.memory_space<hbm>> -> memref<80xi32, #tpu.memory_space<hbm>>
    %dma_wait3A_38 = tpu.memref_slice %arg3[%add3A_36] : memref<320000xi32, #tpu.memory_space<hbm>> -> memref<80xi32, #tpu.memory_space<hbm>>
    tpu.wait_dma2 semaphore(%arg18 : memref<!tpu.dma_semaphore, #tpu.memory_space<semaphore_mem>>) src(%dma_wait3A_38 : memref<80xi32, #tpu.memory_space<hbm>>) dst(%arg7 : memref<80xi32, #tpu.memory_space<vmem>>)
    %dma_wait3A_39 = tpu.memref_slice %arg4[%add3A_36] : memref<320000xi32, #tpu.memory_space<hbm>> -> memref<80xi32, #tpu.memory_space<hbm>>
    %dma_wait3A_40 = tpu.memref_slice %arg4[%add3A_36] : memref<320000xi32, #tpu.memory_space<hbm>> -> memref<80xi32, #tpu.memory_space<hbm>>
    tpu.wait_dma2 semaphore(%arg18 : memref<!tpu.dma_semaphore, #tpu.memory_space<semaphore_mem>>) src(%dma_wait3A_40 : memref<80xi32, #tpu.memory_space<hbm>>) dst(%arg8 : memref<80xi32, #tpu.memory_space<vmem>>)
    %dma_start3A_41 = arith.constant 0 : i32
    %dma_start3A_42 = arith.constant 0 : i32
    %dma_start3A_43 = tpu.memref_slice %arg2[%dma_start3A_41, %dma_start3A_42] : memref<10000x128xf32, #tpu.memory_space<hbm>> -> memref<10000x128xf32, #tpu.memory_space<hbm>>
    tpu.enqueue_indirect_dma source(%dma_start3A_43 : memref<10000x128xf32, #tpu.memory_space<hbm>>) target(%arg15 : memref<80x128xf32, #tpu.memory_space<vmem>>) offsets(%arg7 : memref<80xi32, #tpu.memory_space<vmem>>) semaphore(%arg22 : memref<!tpu.dma_semaphore, #tpu.memory_space<semaphore_mem>>)
    %dma_wait3A_44 = arith.constant 0 : i32
    %dma_wait3A_45 = arith.constant 0 : i32
    %dma_wait3A_46 = tpu.memref_slice %arg2[%dma_wait3A_44, %dma_wait3A_45] : memref<10000x128xf32, #tpu.memory_space<hbm>> -> memref<10000x128xf32, #tpu.memory_space<hbm>>
    tpu.wait_indirect_dma semaphore(%arg22 : memref<!tpu.dma_semaphore, #tpu.memory_space<semaphore_mem>>) src(%dma_wait3A_46 : memref<10000x128xf32, #tpu.memory_space<hbm>>) dst(%arg15 : memref<80x128xf32, #tpu.memory_space<vmem>>)
    %dma_start3A_47 = arith.constant 0 : i32
    %dma_start3A_48 = arith.constant 0 : i32
    %dma_start3A_49 = tpu.memref_slice %arg17[%dma_start3A_47, %dma_start3A_48] : memref<10112x128xf32, #tpu.memory_space<vmem_shared>> -> memref<10112x128xf32, #tpu.memory_space<vmem_shared>>
    tpu.enqueue_indirect_dma source(%arg15 : memref<80x128xf32, #tpu.memory_space<vmem>>) target(%dma_start3A_49 : memref<10112x128xf32, #tpu.memory_space<vmem_shared>>) offsets(%arg8 : memref<80xi32, #tpu.memory_space<vmem>>) semaphore(%arg23 : memref<!tpu.dma_semaphore, #tpu.memory_space<semaphore_mem>>) {add = true}
    %dma_wait3A_50 = arith.constant 0 : i32
    %dma_wait3A_51 = arith.constant 0 : i32
    %dma_wait3A_52 = tpu.memref_slice %arg17[%dma_wait3A_50, %dma_wait3A_51] : memref<10112x128xf32, #tpu.memory_space<vmem_shared>> -> memref<10112x128xf32, #tpu.memory_space<vmem_shared>>
    tpu.wait_indirect_dma semaphore(%arg23 : memref<!tpu.dma_semaphore, #tpu.memory_space<semaphore_mem>>) src(%arg16 : memref<80x128xf32, #tpu.memory_space<vmem>>) dst(%dma_wait3A_52 : memref<10112x128xf32, #tpu.memory_space<vmem_shared>>)
    %mul3A_53 = arith.constant 10000 : i32
    %mul3A_54 = arith.muli %add3A, %mul3A_53 : i32
    %add3A_55 = arith.constant 9840 : i32
    %add3A_56 = arith.addi %mul3A_54, %add3A_55 : i32
    %dma_start3A_57 = tpu.memref_slice %arg3[%add3A_56] : memref<320000xi32, #tpu.memory_space<hbm>> -> memref<80xi32, #tpu.memory_space<hbm>>
    %dma_start3A_58 = tpu.memref_slice %arg3[%add3A_56] : memref<320000xi32, #tpu.memory_space<hbm>> -> memref<80xi32, #tpu.memory_space<hbm>>
    tpu.enqueue_dma source(%dma_start3A_58 : memref<80xi32, #tpu.memory_space<hbm>>) target(%arg13 : memref<80xi32, #tpu.memory_space<vmem>>) target_semaphore(%arg21 : memref<!tpu.dma_semaphore, #tpu.memory_space<semaphore_mem>>)
    %dma_start3A_59 = tpu.memref_slice %arg4[%add3A_56] : memref<320000xi32, #tpu.memory_space<hbm>> -> memref<80xi32, #tpu.memory_space<hbm>>
    %dma_start3A_60 = tpu.memref_slice %arg4[%add3A_56] : memref<320000xi32, #tpu.memory_space<hbm>> -> memref<80xi32, #tpu.memory_space<hbm>>
    tpu.enqueue_dma source(%dma_start3A_60 : memref<80xi32, #tpu.memory_space<hbm>>) target(%arg14 : memref<80xi32, #tpu.memory_space<vmem>>) target_semaphore(%arg21 : memref<!tpu.dma_semaphore, #tpu.memory_space<semaphore_mem>>)
    %mul3A_61 = arith.constant 10000 : i32
    %mul3A_62 = arith.muli %add3A, %mul3A_61 : i32
    %add3A_63 = arith.constant 9680 : i32
    %add3A_64 = arith.addi %mul3A_62, %add3A_63 : i32
    %dma_wait3A_65 = tpu.memref_slice %arg3[%add3A_64] : memref<320000xi32, #tpu.memory_space<hbm>> -> memref<80xi32, #tpu.memory_space<hbm>>
    %dma_wait3A_66 = tpu.memref_slice %arg3[%add3A_64] : memref<320000xi32, #tpu.memory_space<hbm>> -> memref<80xi32, #tpu.memory_space<hbm>>
    tpu.wait_dma2 semaphore(%arg19 : memref<!tpu.dma_semaphore, #tpu.memory_space<semaphore_mem>>) src(%dma_wait3A_66 : memref<80xi32, #tpu.memory_space<hbm>>) dst(%arg9 : memref<80xi32, #tpu.memory_space<vmem>>)
    %dma_wait3A_67 = tpu.memref_slice %arg4[%add3A_64] : memref<320000xi32, #tpu.memory_space<hbm>> -> memref<80xi32, #tpu.memory_space<hbm>>
    %dma_wait3A_68 = tpu.memref_slice %arg4[%add3A_64] : memref<320000xi32, #tpu.memory_space<hbm>> -> memref<80xi32, #tpu.memory_space<hbm>>
    tpu.wait_dma2 semaphore(%arg19 : memref<!tpu.dma_semaphore, #tpu.memory_space<semaphore_mem>>) src(%dma_wait3A_68 : memref<80xi32, #tpu.memory_space<hbm>>) dst(%arg10 : memref<80xi32, #tpu.memory_space<vmem>>)
    %dma_start3A_69 = arith.constant 0 : i32
    %dma_start3A_70 = arith.constant 0 : i32
    %dma_start3A_71 = tpu.memref_slice %arg2[%dma_start3A_69, %dma_start3A_70] : memref<10000x128xf32, #tpu.memory_space<hbm>> -> memref<10000x128xf32, #tpu.memory_space<hbm>>
    tpu.enqueue_indirect_dma source(%dma_start3A_71 : memref<10000x128xf32, #tpu.memory_space<hbm>>) target(%arg16 : memref<80x128xf32, #tpu.memory_space<vmem>>) offsets(%arg9 : memref<80xi32, #tpu.memory_space<vmem>>) semaphore(%arg22 : memref<!tpu.dma_semaphore, #tpu.memory_space<semaphore_mem>>)
    %dma_wait3A_72 = arith.constant 0 : i32
    %dma_wait3A_73 = arith.constant 0 : i32
    %dma_wait3A_74 = tpu.memref_slice %arg2[%dma_wait3A_72, %dma_wait3A_73] : memref<10000x128xf32, #tpu.memory_space<hbm>> -> memref<10000x128xf32, #tpu.memory_space<hbm>>
    tpu.wait_indirect_dma semaphore(%arg22 : memref<!tpu.dma_semaphore, #tpu.memory_space<semaphore_mem>>) src(%dma_wait3A_74 : memref<10000x128xf32, #tpu.memory_space<hbm>>) dst(%arg16 : memref<80x128xf32, #tpu.memory_space<vmem>>)
    %dma_start3A_75 = arith.constant 0 : i32
    %dma_start3A_76 = arith.constant 0 : i32
    %dma_start3A_77 = tpu.memref_slice %arg17[%dma_start3A_75, %dma_start3A_76] : memref<10112x128xf32, #tpu.memory_space<vmem_shared>> -> memref<10112x128xf32, #tpu.memory_space<vmem_shared>>
    tpu.enqueue_indirect_dma source(%arg16 : memref<80x128xf32, #tpu.memory_space<vmem>>) target(%dma_start3A_77 : memref<10112x128xf32, #tpu.memory_space<vmem_shared>>) offsets(%arg10 : memref<80xi32, #tpu.memory_space<vmem>>) semaphore(%arg23 : memref<!tpu.dma_semaphore, #tpu.memory_space<semaphore_mem>>) {add = true}
    %dma_wait3A_78 = arith.constant 0 : i32
    %dma_wait3A_79 = arith.constant 0 : i32
    %dma_wait3A_80 = tpu.memref_slice %arg17[%dma_wait3A_78, %dma_wait3A_79] : memref<10112x128xf32, #tpu.memory_space<vmem_shared>> -> memref<10112x128xf32, #tpu.memory_space<vmem_shared>>
    tpu.wait_indirect_dma semaphore(%arg23 : memref<!tpu.dma_semaphore, #tpu.memory_space<semaphore_mem>>) src(%arg15 : memref<80x128xf32, #tpu.memory_space<vmem>>) dst(%dma_wait3A_80 : memref<10112x128xf32, #tpu.memory_space<vmem_shared>>)
    %mul3A_81 = arith.constant 10000 : i32
    %mul3A_82 = arith.muli %add3A, %mul3A_81 : i32
    %add3A_83 = arith.constant 9920 : i32
    %add3A_84 = arith.addi %mul3A_82, %add3A_83 : i32
    %dma_start3A_85 = tpu.memref_slice %arg3[%add3A_84] : memref<320000xi32, #tpu.memory_space<hbm>> -> memref<80xi32, #tpu.memory_space<hbm>>
    %dma_start3A_86 = tpu.memref_slice %arg3[%add3A_84] : memref<320000xi32, #tpu.memory_space<hbm>> -> memref<80xi32, #tpu.memory_space<hbm>>
    tpu.enqueue_dma source(%dma_start3A_86 : memref<80xi32, #tpu.memory_space<hbm>>) target(%arg7 : memref<80xi32, #tpu.memory_space<vmem>>) target_semaphore(%arg18 : memref<!tpu.dma_semaphore, #tpu.memory_space<semaphore_mem>>)
    %dma_start3A_87 = tpu.memref_slice %arg4[%add3A_84] : memref<320000xi32, #tpu.memory_space<hbm>> -> memref<80xi32, #tpu.memory_space<hbm>>
    %dma_start3A_88 = tpu.memref_slice %arg4[%add3A_84] : memref<320000xi32, #tpu.memory_space<hbm>> -> memref<80xi32, #tpu.memory_space<hbm>>
    tpu.enqueue_dma source(%dma_start3A_88 : memref<80xi32, #tpu.memory_space<hbm>>) target(%arg8 : memref<80xi32, #tpu.memory_space<vmem>>) target_semaphore(%arg18 : memref<!tpu.dma_semaphore, #tpu.memory_space<semaphore_mem>>)
    %mul3A_89 = arith.constant 10000 : i32
    %mul3A_90 = arith.muli %add3A, %mul3A_89 : i32
    %add3A_91 = arith.constant 9760 : i32
    %add3A_92 = arith.addi %mul3A_90, %add3A_91 : i32
    %dma_wait3A_93 = tpu.memref_slice %arg3[%add3A_92] : memref<320000xi32, #tpu.memory_space<hbm>> -> memref<80xi32, #tpu.memory_space<hbm>>
    %dma_wait3A_94 = tpu.memref_slice %arg3[%add3A_92] : memref<320000xi32, #tpu.memory_space<hbm>> -> memref<80xi32, #tpu.memory_space<hbm>>
    tpu.wait_dma2 semaphore(%arg20 : memref<!tpu.dma_semaphore, #tpu.memory_space<semaphore_mem>>) src(%dma_wait3A_94 : memref<80xi32, #tpu.memory_space<hbm>>) dst(%arg11 : memref<80xi32, #tpu.memory_space<vmem>>)
    %dma_wait3A_95 = tpu.memref_slice %arg4[%add3A_92] : memref<320000xi32, #tpu.memory_space<hbm>> -> memref<80xi32, #tpu.memory_space<hbm>>
    %dma_wait3A_96 = tpu.memref_slice %arg4[%add3A_92] : memref<320000xi32, #tpu.memory_space<hbm>> -> memref<80xi32, #tpu.memory_space<hbm>>
    tpu.wait_dma2 semaphore(%arg20 : memref<!tpu.dma_semaphore, #tpu.memory_space<semaphore_mem>>) src(%dma_wait3A_96 : memref<80xi32, #tpu.memory_space<hbm>>) dst(%arg12 : memref<80xi32, #tpu.memory_space<vmem>>)
    %dma_start3A_97 = arith.constant 0 : i32
    %dma_start3A_98 = arith.constant 0 : i32
    %dma_start3A_99 = tpu.memref_slice %arg2[%dma_start3A_97, %dma_start3A_98] : memref<10000x128xf32, #tpu.memory_space<hbm>> -> memref<10000x128xf32, #tpu.memory_space<hbm>>
    tpu.enqueue_indirect_dma source(%dma_start3A_99 : memref<10000x128xf32, #tpu.memory_space<hbm>>) target(%arg15 : memref<80x128xf32, #tpu.memory_space<vmem>>) offsets(%arg11 : memref<80xi32, #tpu.memory_space<vmem>>) semaphore(%arg22 : memref<!tpu.dma_semaphore, #tpu.memory_space<semaphore_mem>>)
    %dma_wait3A_100 = arith.constant 0 : i32
    %dma_wait3A_101 = arith.constant 0 : i32
    %dma_wait3A_102 = tpu.memref_slice %arg2[%dma_wait3A_100, %dma_wait3A_101] : memref<10000x128xf32, #tpu.memory_space<hbm>> -> memref<10000x128xf32, #tpu.memory_space<hbm>>
    tpu.wait_indirect_dma semaphore(%arg22 : memref<!tpu.dma_semaphore, #tpu.memory_space<semaphore_mem>>) src(%dma_wait3A_102 : memref<10000x128xf32, #tpu.memory_space<hbm>>) dst(%arg15 : memref<80x128xf32, #tpu.memory_space<vmem>>)
    %dma_start3A_103 = arith.constant 0 : i32
    %dma_start3A_104 = arith.constant 0 : i32
    %dma_start3A_105 = tpu.memref_slice %arg17[%dma_start3A_103, %dma_start3A_104] : memref<10112x128xf32, #tpu.memory_space<vmem_shared>> -> memref<10112x128xf32, #tpu.memory_space<vmem_shared>>
    tpu.enqueue_indirect_dma source(%arg15 : memref<80x128xf32, #tpu.memory_space<vmem>>) target(%dma_start3A_105 : memref<10112x128xf32, #tpu.memory_space<vmem_shared>>) offsets(%arg12 : memref<80xi32, #tpu.memory_space<vmem>>) semaphore(%arg23 : memref<!tpu.dma_semaphore, #tpu.memory_space<semaphore_mem>>) {add = true}
    %dma_wait3A_106 = arith.constant 0 : i32
    %dma_wait3A_107 = arith.constant 0 : i32
    %dma_wait3A_108 = tpu.memref_slice %arg17[%dma_wait3A_106, %dma_wait3A_107] : memref<10112x128xf32, #tpu.memory_space<vmem_shared>> -> memref<10112x128xf32, #tpu.memory_space<vmem_shared>>
    tpu.wait_indirect_dma semaphore(%arg23 : memref<!tpu.dma_semaphore, #tpu.memory_space<semaphore_mem>>) src(%arg16 : memref<80x128xf32, #tpu.memory_space<vmem>>) dst(%dma_wait3A_108 : memref<10112x128xf32, #tpu.memory_space<vmem_shared>>)
    %mul3A_109 = arith.constant 10000 : i32
    %mul3A_110 = arith.muli %add3A, %mul3A_109 : i32
    %add3A_111 = arith.constant 9840 : i32
    %add3A_112 = arith.addi %mul3A_110, %add3A_111 : i32
    %dma_wait3A_113 = tpu.memref_slice %arg3[%add3A_112] : memref<320000xi32, #tpu.memory_space<hbm>> -> memref<80xi32, #tpu.memory_space<hbm>>
    %dma_wait3A_114 = tpu.memref_slice %arg3[%add3A_112] : memref<320000xi32, #tpu.memory_space<hbm>> -> memref<80xi32, #tpu.memory_space<hbm>>
    tpu.wait_dma2 semaphore(%arg21 : memref<!tpu.dma_semaphore, #tpu.memory_space<semaphore_mem>>) src(%dma_wait3A_114 : memref<80xi32, #tpu.memory_space<hbm>>) dst(%arg13 : memref<80xi32, #tpu.memory_space<vmem>>)
    %dma_wait3A_115 = tpu.memref_slice %arg4[%add3A_112] : memref<320000xi32, #tpu.memory_space<hbm>> -> memref<80xi32, #tpu.memory_space<hbm>>
    %dma_wait3A_116 = tpu.memref_slice %arg4[%add3A_112] : memref<320000xi32, #tpu.memory_space<hbm>> -> memref<80xi32, #tpu.memory_space<hbm>>
    tpu.wait_dma2 semaphore(%arg21 : memref<!tpu.dma_semaphore, #tpu.memory_space<semaphore_mem>>) src(%dma_wait3A_116 : memref<80xi32, #tpu.memory_space<hbm>>) dst(%arg14 : memref<80xi32, #tpu.memory_space<vmem>>)
    %dma_start3A_117 = arith.constant 0 : i32
    %dma_start3A_118 = arith.constant 0 : i32
    %dma_start3A_119 = tpu.memref_slice %arg2[%dma_start3A_117, %dma_start3A_118] : memref<10000x128xf32, #tpu.memory_space<hbm>> -> memref<10000x128xf32, #tpu.memory_space<hbm>>
    tpu.enqueue_indirect_dma source(%dma_start3A_119 : memref<10000x128xf32, #tpu.memory_space<hbm>>) target(%arg16 : memref<80x128xf32, #tpu.memory_space<vmem>>) offsets(%arg13 : memref<80xi32, #tpu.memory_space<vmem>>) semaphore(%arg22 : memref<!tpu.dma_semaphore, #tpu.memory_space<semaphore_mem>>)
    %dma_wait3A_120 = arith.constant 0 : i32
    %dma_wait3A_121 = arith.constant 0 : i32
    %dma_wait3A_122 = tpu.memref_slice %arg2[%dma_wait3A_120, %dma_wait3A_121] : memref<10000x128xf32, #tpu.memory_space<hbm>> -> memref<10000x128xf32, #tpu.memory_space<hbm>>
    tpu.wait_indirect_dma semaphore(%arg22 : memref<!tpu.dma_semaphore, #tpu.memory_space<semaphore_mem>>) src(%dma_wait3A_122 : memref<10000x128xf32, #tpu.memory_space<hbm>>) dst(%arg16 : memref<80x128xf32, #tpu.memory_space<vmem>>)
    %dma_start3A_123 = arith.constant 0 : i32
    %dma_start3A_124 = arith.constant 0 : i32
    %dma_start3A_125 = tpu.memref_slice %arg17[%dma_start3A_123, %dma_start3A_124] : memref<10112x128xf32, #tpu.memory_space<vmem_shared>> -> memref<10112x128xf32, #tpu.memory_space<vmem_shared>>
    tpu.enqueue_indirect_dma source(%arg16 : memref<80x128xf32, #tpu.memory_space<vmem>>) target(%dma_start3A_125 : memref<10112x128xf32, #tpu.memory_space<vmem_shared>>) offsets(%arg14 : memref<80xi32, #tpu.memory_space<vmem>>) semaphore(%arg23 : memref<!tpu.dma_semaphore, #tpu.memory_space<semaphore_mem>>) {add = true}
    %dma_wait3A_126 = arith.constant 0 : i32
    %dma_wait3A_127 = arith.constant 0 : i32
    %dma_wait3A_128 = tpu.memref_slice %arg17[%dma_wait3A_126, %dma_wait3A_127] : memref<10112x128xf32, #tpu.memory_space<vmem_shared>> -> memref<10112x128xf32, #tpu.memory_space<vmem_shared>>
    tpu.wait_indirect_dma semaphore(%arg23 : memref<!tpu.dma_semaphore, #tpu.memory_space<semaphore_mem>>) src(%arg15 : memref<80x128xf32, #tpu.memory_space<vmem>>) dst(%dma_wait3A_128 : memref<10112x128xf32, #tpu.memory_space<vmem_shared>>)
    %mul3A_129 = arith.constant 10000 : i32
    %mul3A_130 = arith.muli %add3A, %mul3A_129 : i32
    %add3A_131 = arith.constant 9920 : i32
    %add3A_132 = arith.addi %mul3A_130, %add3A_131 : i32
    %dma_wait3A_133 = tpu.memref_slice %arg3[%add3A_132] : memref<320000xi32, #tpu.memory_space<hbm>> -> memref<80xi32, #tpu.memory_space<hbm>>
    %dma_wait3A_134 = tpu.memref_slice %arg3[%add3A_132] : memref<320000xi32, #tpu.memory_space<hbm>> -> memref<80xi32, #tpu.memory_space<hbm>>
    tpu.wait_dma2 semaphore(%arg18 : memref<!tpu.dma_semaphore, #tpu.memory_space<semaphore_mem>>) src(%dma_wait3A_134 : memref<80xi32, #tpu.memory_space<hbm>>) dst(%arg7 : memref<80xi32, #tpu.memory_space<vmem>>)
    %dma_wait3A_135 = tpu.memref_slice %arg4[%add3A_132] : memref<320000xi32, #tpu.memory_space<hbm>> -> memref<80xi32, #tpu.memory_space<hbm>>
    %dma_wait3A_136 = tpu.memref_slice %arg4[%add3A_132] : memref<320000xi32, #tpu.memory_space<hbm>> -> memref<80xi32, #tpu.memory_space<hbm>>
    tpu.wait_dma2 semaphore(%arg18 : memref<!tpu.dma_semaphore, #tpu.memory_space<semaphore_mem>>) src(%dma_wait3A_136 : memref<80xi32, #tpu.memory_space<hbm>>) dst(%arg8 : memref<80xi32, #tpu.memory_space<vmem>>)
    %dma_start3A_137 = arith.constant 0 : i32
    %dma_start3A_138 = arith.constant 0 : i32
    %dma_start3A_139 = tpu.memref_slice %arg2[%dma_start3A_137, %dma_start3A_138] : memref<10000x128xf32, #tpu.memory_space<hbm>> -> memref<10000x128xf32, #tpu.memory_space<hbm>>
    tpu.enqueue_indirect_dma source(%dma_start3A_139 : memref<10000x128xf32, #tpu.memory_space<hbm>>) target(%arg15 : memref<80x128xf32, #tpu.memory_space<vmem>>) offsets(%arg7 : memref<80xi32, #tpu.memory_space<vmem>>) semaphore(%arg22 : memref<!tpu.dma_semaphore, #tpu.memory_space<semaphore_mem>>)
    %dma_wait3A_140 = arith.constant 0 : i32
    %dma_wait3A_141 = arith.constant 0 : i32
    %dma_wait3A_142 = tpu.memref_slice %arg2[%dma_wait3A_140, %dma_wait3A_141] : memref<10000x128xf32, #tpu.memory_space<hbm>> -> memref<10000x128xf32, #tpu.memory_space<hbm>>
    tpu.wait_indirect_dma semaphore(%arg22 : memref<!tpu.dma_semaphore, #tpu.memory_space<semaphore_mem>>) src(%dma_wait3A_142 : memref<10000x128xf32, #tpu.memory_space<hbm>>) dst(%arg15 : memref<80x128xf32, #tpu.memory_space<vmem>>)
    %dma_start3A_143 = arith.constant 0 : i32
    %dma_start3A_144 = arith.constant 0 : i32
    %dma_start3A_145 = tpu.memref_slice %arg17[%dma_start3A_143, %dma_start3A_144] : memref<10112x128xf32, #tpu.memory_space<vmem_shared>> -> memref<10112x128xf32, #tpu.memory_space<vmem_shared>>
    tpu.enqueue_indirect_dma source(%arg15 : memref<80x128xf32, #tpu.memory_space<vmem>>) target(%dma_start3A_145 : memref<10112x128xf32, #tpu.memory_space<vmem_shared>>) offsets(%arg8 : memref<80xi32, #tpu.memory_space<vmem>>) semaphore(%arg23 : memref<!tpu.dma_semaphore, #tpu.memory_space<semaphore_mem>>) {add = true}
    %dma_wait3A_146 = arith.constant 0 : i32
    %dma_wait3A_147 = arith.constant 0 : i32
    %dma_wait3A_148 = tpu.memref_slice %arg17[%dma_wait3A_146, %dma_wait3A_147] : memref<10112x128xf32, #tpu.memory_space<vmem_shared>> -> memref<10112x128xf32, #tpu.memory_space<vmem_shared>>
    tpu.wait_indirect_dma semaphore(%arg23 : memref<!tpu.dma_semaphore, #tpu.memory_space<semaphore_mem>>) src(%arg16 : memref<80x128xf32, #tpu.memory_space<vmem>>) dst(%dma_wait3A_148 : memref<10112x128xf32, #tpu.memory_space<vmem_shared>>)
    %dma_wait3A_149 = arith.constant 0 : i32
    %dma_wait3A_150 = arith.constant 0 : i32
    %dma_wait3A_151 = tpu.memref_slice %arg17[%dma_wait3A_149, %dma_wait3A_150] : memref<10112x128xf32, #tpu.memory_space<vmem_shared>> -> memref<10112x128xf32, #tpu.memory_space<vmem_shared>>
    tpu.wait_indirect_dma semaphore(%arg23 : memref<!tpu.dma_semaphore, #tpu.memory_space<semaphore_mem>>) src(%arg15 : memref<80x128xf32, #tpu.memory_space<vmem>>) dst(%dma_wait3A_151 : memref<10112x128xf32, #tpu.memory_space<vmem_shared>>)
    %barrier3A_152 = arith.constant 0 : index
    tpu.barrier barrier_id(%barrier3A_152)
    %mul3A_153 = arith.constant 632 : i32
    %mul3A_154 = arith.muli %arg1, %mul3A_153 : i32
    %mul3A_155 = arith.constant 632 : i32
    %mul3A_156 = arith.muli %arg1, %mul3A_155 : i32
    "tpu.region"() ({
      %run_scoped3A = tpu.sem_alloc : memref<!tpu.dma_semaphore, #tpu.memory_space<semaphore_mem>>
      %dma_start3A_157 = arith.constant 0 : i32
      %dma_start3A_158 = tpu.memref_slice %arg6[%arg0, %mul3A_156, %dma_start3A_157] : memref<2x10112x128xf32, #tpu.memory_space<hbm>> -> memref<1x632x128xf32, #tpu.memory_space<hbm>>
      %dma_start3A_159 = tpu.memref_squeeze %dma_start3A_158 : memref<1x632x128xf32, #tpu.memory_space<hbm>> -> memref<632x128xf32, #tpu.memory_space<hbm>>
      %dma_start3A_160 = arith.constant 0 : i32
      %dma_start3A_161 = tpu.memref_slice %arg17[%mul3A_154, %dma_start3A_160] : memref<10112x128xf32, #tpu.memory_space<vmem_shared>> -> memref<632x128xf32, #tpu.memory_space<vmem_shared>>
      tpu.enqueue_dma source(%dma_start3A_161 : memref<632x128xf32, #tpu.memory_space<vmem_shared>>) target(%dma_start3A_159 : memref<632x128xf32, #tpu.memory_space<hbm>>) target_semaphore(%run_scoped3A : memref<!tpu.dma_semaphore, #tpu.memory_space<semaphore_mem>>)
      %dma_wait3A_162 = arith.constant 0 : i32
      %dma_wait3A_163 = tpu.memref_slice %arg6[%arg0, %mul3A_156, %dma_wait3A_162] : memref<2x10112x128xf32, #tpu.memory_space<hbm>> -> memref<1x632x128xf32, #tpu.memory_space<hbm>>
      %dma_wait3A_164 = tpu.memref_squeeze %dma_wait3A_163 : memref<1x632x128xf32, #tpu.memory_space<hbm>> -> memref<632x128xf32, #tpu.memory_space<hbm>>
      %dma_wait3A_165 = arith.constant 0 : i32
      %dma_wait3A_166 = tpu.memref_slice %arg17[%mul3A_154, %dma_wait3A_165] : memref<10112x128xf32, #tpu.memory_space<vmem_shared>> -> memref<632x128xf32, #tpu.memory_space<vmem_shared>>
      tpu.wait_dma2 semaphore(%run_scoped3A : memref<!tpu.dma_semaphore, #tpu.memory_space<semaphore_mem>>) src(%dma_wait3A_166 : memref<632x128xf32, #tpu.memory_space<vmem_shared>>) dst(%dma_wait3A_164 : memref<632x128xf32, #tpu.memory_space<hbm>>)
      tpu.yield
    }) : () -> ()
    return
  }
}

#map = affine_map<(d0, d1) -> (0)>
#map1 = affine_map<(d0, d1) -> (0, 0)>
#map2 = affine_map<(d0, d1) -> (0, 0, 0)>
module attributes {stable_mosaic.version = 14 : i64} {
  func.func @deg_kernel(%arg0: i32, %arg1: i32, %arg2: memref<320000xi32, #tpu.memory_space<hbm>>, %arg3: memref<320000xi32, #tpu.memory_space<hbm>>, %arg4: memref<80x128xf32, #tpu.memory_space<hbm>>, %arg5: memref<632x128xf32, #tpu.memory_space<hbm>>, %arg6: memref<2x10112x128xf32, #tpu.memory_space<hbm>>, %arg7: memref<2x10112x128xf32, #tpu.memory_space<hbm>>, %arg8: memref<80xi32, #tpu.memory_space<vmem>>, %arg9: memref<80xi32, #tpu.memory_space<vmem>>, %arg10: memref<80xi32, #tpu.memory_space<vmem>>, %arg11: memref<80xi32, #tpu.memory_space<vmem>>, %arg12: memref<80x128xf32, #tpu.memory_space<vmem>>, %arg13: memref<10112x128xf32, #tpu.memory_space<vmem_shared>>, %arg14: memref<!tpu.dma_semaphore, #tpu.memory_space<semaphore_mem>>, %arg15: memref<!tpu.dma_semaphore, #tpu.memory_space<semaphore_mem>>, %arg16: memref<!tpu.dma_semaphore, #tpu.memory_space<semaphore_mem>>, %arg17: memref<!tpu.dma_semaphore, #tpu.memory_space<semaphore_mem>>, %arg18: memref<!tpu.dma_semaphore, #tpu.memory_space<semaphore_mem>>) attributes {dimension_semantics = [#tpu.dimension_semantics<core_parallel>, #tpu.dimension_semantics<subcore_parallel>], iteration_bounds = array<i64: 2, 16>, scalar_prefetch = 0 : i64, scratch_operands = 11 : i64, tpu.core_type = #tpu.core_type<sc_vector_subcore>, window_params = [{transform_indices = #map}, {transform_indices = #map}, {transform_indices = #map1}, {transform_indices = #map1}, {transform_indices = #map2}, {transform_indices = #map2}]} {
    %mul3A = arith.constant 2 : i32
    %mul3A_0 = arith.muli %arg1, %mul3A : i32
    %add3A = arith.addi %mul3A_0, %arg0 : i32
    %mul3A_1 = arith.constant 632 : i32
    %mul3A_2 = arith.muli %arg1, %mul3A_1 : i32
    "tpu.region"() ({
      %run_scoped3A = tpu.sem_alloc : memref<!tpu.dma_semaphore, #tpu.memory_space<semaphore_mem>>
      %dma_start3A_217 = arith.constant 0 : i32
      %dma_start3A_218 = tpu.memref_slice %arg13[%mul3A_2, %dma_start3A_217] : memref<10112x128xf32, #tpu.memory_space<vmem_shared>> -> memref<632x128xf32, #tpu.memory_space<vmem_shared>>
      tpu.enqueue_dma source(%arg5 : memref<632x128xf32, #tpu.memory_space<hbm>>) target(%dma_start3A_218 : memref<632x128xf32, #tpu.memory_space<vmem_shared>>) target_semaphore(%run_scoped3A : memref<!tpu.dma_semaphore, #tpu.memory_space<semaphore_mem>>)
      %dma_wait3A_219 = arith.constant 0 : i32
      %dma_wait3A_220 = tpu.memref_slice %arg13[%mul3A_2, %dma_wait3A_219] : memref<10112x128xf32, #tpu.memory_space<vmem_shared>> -> memref<632x128xf32, #tpu.memory_space<vmem_shared>>
      tpu.wait_dma2 semaphore(%run_scoped3A : memref<!tpu.dma_semaphore, #tpu.memory_space<semaphore_mem>>) src(%arg5 : memref<632x128xf32, #tpu.memory_space<hbm>>) dst(%dma_wait3A_220 : memref<632x128xf32, #tpu.memory_space<vmem_shared>>)
      tpu.yield
    }) : () -> ()
    "tpu.region"() ({
      %run_scoped3A = tpu.sem_alloc : memref<!tpu.dma_semaphore, #tpu.memory_space<semaphore_mem>>
      tpu.enqueue_dma source(%arg4 : memref<80x128xf32, #tpu.memory_space<hbm>>) target(%arg12 : memref<80x128xf32, #tpu.memory_space<vmem>>) target_semaphore(%run_scoped3A : memref<!tpu.dma_semaphore, #tpu.memory_space<semaphore_mem>>)
      tpu.wait_dma2 semaphore(%run_scoped3A : memref<!tpu.dma_semaphore, #tpu.memory_space<semaphore_mem>>) src(%arg4 : memref<80x128xf32, #tpu.memory_space<hbm>>) dst(%arg12 : memref<80x128xf32, #tpu.memory_space<vmem>>)
      tpu.yield
    }) : () -> ()
    %barrier3A = arith.constant 0 : index
    tpu.barrier barrier_id(%barrier3A)
    %mul3A_3 = arith.constant 10000 : i32
    %mul3A_4 = arith.muli %add3A, %mul3A_3 : i32
    %add3A_5 = arith.constant 0 : i32
    %add3A_6 = arith.addi %mul3A_4, %add3A_5 : i32
    %dma_start3A = tpu.memref_slice %arg2[%add3A_6] : memref<320000xi32, #tpu.memory_space<hbm>> -> memref<80xi32, #tpu.memory_space<hbm>>
    %dma_start3A_7 = tpu.memref_slice %arg2[%add3A_6] : memref<320000xi32, #tpu.memory_space<hbm>> -> memref<80xi32, #tpu.memory_space<hbm>>
    tpu.enqueue_dma source(%dma_start3A_7 : memref<80xi32, #tpu.memory_space<hbm>>) target(%arg8 : memref<80xi32, #tpu.memory_space<vmem>>) target_semaphore(%arg14 : memref<!tpu.dma_semaphore, #tpu.memory_space<semaphore_mem>>)
    %mul3A_8 = arith.constant 10000 : i32
    %mul3A_9 = arith.muli %add3A, %mul3A_8 : i32
    %add3A_10 = arith.constant 80 : i32
    %add3A_11 = arith.addi %mul3A_9, %add3A_10 : i32
    %dma_start3A_12 = tpu.memref_slice %arg2[%add3A_11] : memref<320000xi32, #tpu.memory_space<hbm>> -> memref<80xi32, #tpu.memory_space<hbm>>
    %dma_start3A_13 = tpu.memref_slice %arg2[%add3A_11] : memref<320000xi32, #tpu.memory_space<hbm>> -> memref<80xi32, #tpu.memory_space<hbm>>
    tpu.enqueue_dma source(%dma_start3A_13 : memref<80xi32, #tpu.memory_space<hbm>>) target(%arg9 : memref<80xi32, #tpu.memory_space<vmem>>) target_semaphore(%arg15 : memref<!tpu.dma_semaphore, #tpu.memory_space<semaphore_mem>>)
    %scan3A = arith.constant 0 : i32
    %scan3A_14 = arith.constant 0 : i32
    %scan3A_15 = arith.constant 30 : i32
    %scan3A_16 = arith.addi %scan3A_14, %scan3A_15 : i32
    %scan3A_17 = arith.constant 1 : i32
    scf.for %scan3A_217 = %scan3A_14 to %scan3A_16 step %scan3A_17  : i32 {
      %mul3A_218 = arith.constant 4 : i32
      %mul3A_219 = arith.muli %mul3A_218, %scan3A_217 : i32
      %ge3A = arith.constant 1 : i32
      %ge3A_220 = arith.cmpi sge, %scan3A_217, %ge3A : i32
      %convert_element_type3A = arith.extui %ge3A_220 : i1 to i32
      %cond3A = arith.constant 0 : i32
      %cond3A_221 = arith.cmpi ne, %convert_element_type3A, %cond3A : i32
      scf.if %cond3A_221 {
        %dma_wait3A_315 = arith.constant 0 : i32
        %dma_wait3A_316 = arith.constant 0 : i32
        %dma_wait3A_317 = tpu.memref_slice %arg13[%dma_wait3A_315, %dma_wait3A_316] : memref<10112x128xf32, #tpu.memory_space<vmem_shared>> -> memref<10112x128xf32, #tpu.memory_space<vmem_shared>>
        tpu.wait_indirect_dma semaphore(%arg18 : memref<!tpu.dma_semaphore, #tpu.memory_space<semaphore_mem>>) src(%arg12 : memref<80x128xf32, #tpu.memory_space<vmem>>) dst(%dma_wait3A_317 : memref<10112x128xf32, #tpu.memory_space<vmem_shared>>)
      } else {
      }
      %add3A_222 = arith.constant 2 : i32
      %add3A_223 = arith.addi %mul3A_219, %add3A_222 : i32
      %mul3A_224 = arith.constant 10000 : i32
      %mul3A_225 = arith.muli %add3A, %mul3A_224 : i32
      %mul3A_226 = arith.constant 80 : i32
      %mul3A_227 = arith.muli %add3A_223, %mul3A_226 : i32
      %add3A_228 = arith.addi %mul3A_225, %mul3A_227 : i32
      %dma_start3A_229 = tpu.memref_slice %arg2[%add3A_228] : memref<320000xi32, #tpu.memory_space<hbm>> -> memref<80xi32, #tpu.memory_space<hbm>>
      %dma_start3A_230 = tpu.memref_slice %arg2[%add3A_228] : memref<320000xi32, #tpu.memory_space<hbm>> -> memref<80xi32, #tpu.memory_space<hbm>>
      tpu.enqueue_dma source(%dma_start3A_230 : memref<80xi32, #tpu.memory_space<hbm>>) target(%arg10 : memref<80xi32, #tpu.memory_space<vmem>>) target_semaphore(%arg16 : memref<!tpu.dma_semaphore, #tpu.memory_space<semaphore_mem>>)
      %mul3A_231 = arith.constant 10000 : i32
      %mul3A_232 = arith.muli %add3A, %mul3A_231 : i32
      %mul3A_233 = arith.constant 80 : i32
      %mul3A_234 = arith.muli %mul3A_219, %mul3A_233 : i32
      %add3A_235 = arith.addi %mul3A_232, %mul3A_234 : i32
      %dma_wait3A_236 = tpu.memref_slice %arg2[%add3A_235] : memref<320000xi32, #tpu.memory_space<hbm>> -> memref<80xi32, #tpu.memory_space<hbm>>
      %dma_wait3A_237 = tpu.memref_slice %arg2[%add3A_235] : memref<320000xi32, #tpu.memory_space<hbm>> -> memref<80xi32, #tpu.memory_space<hbm>>
      tpu.wait_dma2 semaphore(%arg14 : memref<!tpu.dma_semaphore, #tpu.memory_space<semaphore_mem>>) src(%dma_wait3A_237 : memref<80xi32, #tpu.memory_space<hbm>>) dst(%arg8 : memref<80xi32, #tpu.memory_space<vmem>>)
      %dma_start3A_238 = arith.constant 0 : i32
      %dma_start3A_239 = arith.constant 0 : i32
      %dma_start3A_240 = tpu.memref_slice %arg13[%dma_start3A_238, %dma_start3A_239] : memref<10112x128xf32, #tpu.memory_space<vmem_shared>> -> memref<10112x128xf32, #tpu.memory_space<vmem_shared>>
      tpu.enqueue_indirect_dma source(%arg12 : memref<80x128xf32, #tpu.memory_space<vmem>>) target(%dma_start3A_240 : memref<10112x128xf32, #tpu.memory_space<vmem_shared>>) offsets(%arg8 : memref<80xi32, #tpu.memory_space<vmem>>) semaphore(%arg18 : memref<!tpu.dma_semaphore, #tpu.memory_space<semaphore_mem>>) {add = true}
      %ge3A_241 = arith.constant 1 : i32
      %ge3A_242 = arith.cmpi sge, %scan3A_217, %ge3A_241 : i32
      %convert_element_type3A_243 = arith.extui %ge3A_242 : i1 to i32
      %cond3A_244 = arith.constant 0 : i32
      %cond3A_245 = arith.cmpi ne, %convert_element_type3A_243, %cond3A_244 : i32
      scf.if %cond3A_245 {
        %dma_wait3A_315 = arith.constant 0 : i32
        %dma_wait3A_316 = arith.constant 0 : i32
        %dma_wait3A_317 = tpu.memref_slice %arg13[%dma_wait3A_315, %dma_wait3A_316] : memref<10112x128xf32, #tpu.memory_space<vmem_shared>> -> memref<10112x128xf32, #tpu.memory_space<vmem_shared>>
        tpu.wait_indirect_dma semaphore(%arg18 : memref<!tpu.dma_semaphore, #tpu.memory_space<semaphore_mem>>) src(%arg12 : memref<80x128xf32, #tpu.memory_space<vmem>>) dst(%dma_wait3A_317 : memref<10112x128xf32, #tpu.memory_space<vmem_shared>>)
      } else {
      }
      %add3A_246 = arith.constant 3 : i32
      %add3A_247 = arith.addi %mul3A_219, %add3A_246 : i32
      %mul3A_248 = arith.constant 10000 : i32
      %mul3A_249 = arith.muli %add3A, %mul3A_248 : i32
      %mul3A_250 = arith.constant 80 : i32
      %mul3A_251 = arith.muli %add3A_247, %mul3A_250 : i32
      %add3A_252 = arith.addi %mul3A_249, %mul3A_251 : i32
      %dma_start3A_253 = tpu.memref_slice %arg2[%add3A_252] : memref<320000xi32, #tpu.memory_space<hbm>> -> memref<80xi32, #tpu.memory_space<hbm>>
      %dma_start3A_254 = tpu.memref_slice %arg2[%add3A_252] : memref<320000xi32, #tpu.memory_space<hbm>> -> memref<80xi32, #tpu.memory_space<hbm>>
      tpu.enqueue_dma source(%dma_start3A_254 : memref<80xi32, #tpu.memory_space<hbm>>) target(%arg11 : memref<80xi32, #tpu.memory_space<vmem>>) target_semaphore(%arg17 : memref<!tpu.dma_semaphore, #tpu.memory_space<semaphore_mem>>)
      %add3A_255 = arith.constant 1 : i32
      %add3A_256 = arith.addi %mul3A_219, %add3A_255 : i32
      %mul3A_257 = arith.constant 10000 : i32
      %mul3A_258 = arith.muli %add3A, %mul3A_257 : i32
      %mul3A_259 = arith.constant 80 : i32
      %mul3A_260 = arith.muli %add3A_256, %mul3A_259 : i32
      %add3A_261 = arith.addi %mul3A_258, %mul3A_260 : i32
      %dma_wait3A_262 = tpu.memref_slice %arg2[%add3A_261] : memref<320000xi32, #tpu.memory_space<hbm>> -> memref<80xi32, #tpu.memory_space<hbm>>
      %dma_wait3A_263 = tpu.memref_slice %arg2[%add3A_261] : memref<320000xi32, #tpu.memory_space<hbm>> -> memref<80xi32, #tpu.memory_space<hbm>>
      tpu.wait_dma2 semaphore(%arg15 : memref<!tpu.dma_semaphore, #tpu.memory_space<semaphore_mem>>) src(%dma_wait3A_263 : memref<80xi32, #tpu.memory_space<hbm>>) dst(%arg9 : memref<80xi32, #tpu.memory_space<vmem>>)
      %dma_start3A_264 = arith.constant 0 : i32
      %dma_start3A_265 = arith.constant 0 : i32
      %dma_start3A_266 = tpu.memref_slice %arg13[%dma_start3A_264, %dma_start3A_265] : memref<10112x128xf32, #tpu.memory_space<vmem_shared>> -> memref<10112x128xf32, #tpu.memory_space<vmem_shared>>
      tpu.enqueue_indirect_dma source(%arg12 : memref<80x128xf32, #tpu.memory_space<vmem>>) target(%dma_start3A_266 : memref<10112x128xf32, #tpu.memory_space<vmem_shared>>) offsets(%arg9 : memref<80xi32, #tpu.memory_space<vmem>>) semaphore(%arg18 : memref<!tpu.dma_semaphore, #tpu.memory_space<semaphore_mem>>) {add = true}
      %dma_wait3A_267 = arith.constant 0 : i32
      %dma_wait3A_268 = arith.constant 0 : i32
      %dma_wait3A_269 = tpu.memref_slice %arg13[%dma_wait3A_267, %dma_wait3A_268] : memref<10112x128xf32, #tpu.memory_space<vmem_shared>> -> memref<10112x128xf32, #tpu.memory_space<vmem_shared>>
      tpu.wait_indirect_dma semaphore(%arg18 : memref<!tpu.dma_semaphore, #tpu.memory_space<semaphore_mem>>) src(%arg12 : memref<80x128xf32, #tpu.memory_space<vmem>>) dst(%dma_wait3A_269 : memref<10112x128xf32, #tpu.memory_space<vmem_shared>>)
      %add3A_270 = arith.constant 4 : i32
      %add3A_271 = arith.addi %mul3A_219, %add3A_270 : i32
      %mul3A_272 = arith.constant 10000 : i32
      %mul3A_273 = arith.muli %add3A, %mul3A_272 : i32
      %mul3A_274 = arith.constant 80 : i32
      %mul3A_275 = arith.muli %add3A_271, %mul3A_274 : i32
      %add3A_276 = arith.addi %mul3A_273, %mul3A_275 : i32
      %dma_start3A_277 = tpu.memref_slice %arg2[%add3A_276] : memref<320000xi32, #tpu.memory_space<hbm>> -> memref<80xi32, #tpu.memory_space<hbm>>
      %dma_start3A_278 = tpu.memref_slice %arg2[%add3A_276] : memref<320000xi32, #tpu.memory_space<hbm>> -> memref<80xi32, #tpu.memory_space<hbm>>
      tpu.enqueue_dma source(%dma_start3A_278 : memref<80xi32, #tpu.memory_space<hbm>>) target(%arg8 : memref<80xi32, #tpu.memory_space<vmem>>) target_semaphore(%arg14 : memref<!tpu.dma_semaphore, #tpu.memory_space<semaphore_mem>>)
      %add3A_279 = arith.constant 2 : i32
      %add3A_280 = arith.addi %mul3A_219, %add3A_279 : i32
      %mul3A_281 = arith.constant 10000 : i32
      %mul3A_282 = arith.muli %add3A, %mul3A_281 : i32
      %mul3A_283 = arith.constant 80 : i32
      %mul3A_284 = arith.muli %add3A_280, %mul3A_283 : i32
      %add3A_285 = arith.addi %mul3A_282, %mul3A_284 : i32
      %dma_wait3A_286 = tpu.memref_slice %arg2[%add3A_285] : memref<320000xi32, #tpu.memory_space<hbm>> -> memref<80xi32, #tpu.memory_space<hbm>>
      %dma_wait3A_287 = tpu.memref_slice %arg2[%add3A_285] : memref<320000xi32, #tpu.memory_space<hbm>> -> memref<80xi32, #tpu.memory_space<hbm>>
      tpu.wait_dma2 semaphore(%arg16 : memref<!tpu.dma_semaphore, #tpu.memory_space<semaphore_mem>>) src(%dma_wait3A_287 : memref<80xi32, #tpu.memory_space<hbm>>) dst(%arg10 : memref<80xi32, #tpu.memory_space<vmem>>)
      %dma_start3A_288 = arith.constant 0 : i32
      %dma_start3A_289 = arith.constant 0 : i32
      %dma_start3A_290 = tpu.memref_slice %arg13[%dma_start3A_288, %dma_start3A_289] : memref<10112x128xf32, #tpu.memory_space<vmem_shared>> -> memref<10112x128xf32, #tpu.memory_space<vmem_shared>>
      tpu.enqueue_indirect_dma source(%arg12 : memref<80x128xf32, #tpu.memory_space<vmem>>) target(%dma_start3A_290 : memref<10112x128xf32, #tpu.memory_space<vmem_shared>>) offsets(%arg10 : memref<80xi32, #tpu.memory_space<vmem>>) semaphore(%arg18 : memref<!tpu.dma_semaphore, #tpu.memory_space<semaphore_mem>>) {add = true}
      %dma_wait3A_291 = arith.constant 0 : i32
      %dma_wait3A_292 = arith.constant 0 : i32
      %dma_wait3A_293 = tpu.memref_slice %arg13[%dma_wait3A_291, %dma_wait3A_292] : memref<10112x128xf32, #tpu.memory_space<vmem_shared>> -> memref<10112x128xf32, #tpu.memory_space<vmem_shared>>
      tpu.wait_indirect_dma semaphore(%arg18 : memref<!tpu.dma_semaphore, #tpu.memory_space<semaphore_mem>>) src(%arg12 : memref<80x128xf32, #tpu.memory_space<vmem>>) dst(%dma_wait3A_293 : memref<10112x128xf32, #tpu.memory_space<vmem_shared>>)
      %add3A_294 = arith.constant 5 : i32
      %add3A_295 = arith.addi %mul3A_219, %add3A_294 : i32
      %mul3A_296 = arith.constant 10000 : i32
      %mul3A_297 = arith.muli %add3A, %mul3A_296 : i32
      %mul3A_298 = arith.constant 80 : i32
      %mul3A_299 = arith.muli %add3A_295, %mul3A_298 : i32
      %add3A_300 = arith.addi %mul3A_297, %mul3A_299 : i32
      %dma_start3A_301 = tpu.memref_slice %arg2[%add3A_300] : memref<320000xi32, #tpu.memory_space<hbm>> -> memref<80xi32, #tpu.memory_space<hbm>>
      %dma_start3A_302 = tpu.memref_slice %arg2[%add3A_300] : memref<320000xi32, #tpu.memory_space<hbm>> -> memref<80xi32, #tpu.memory_space<hbm>>
      tpu.enqueue_dma source(%dma_start3A_302 : memref<80xi32, #tpu.memory_space<hbm>>) target(%arg9 : memref<80xi32, #tpu.memory_space<vmem>>) target_semaphore(%arg15 : memref<!tpu.dma_semaphore, #tpu.memory_space<semaphore_mem>>)
      %add3A_303 = arith.constant 3 : i32
      %add3A_304 = arith.addi %mul3A_219, %add3A_303 : i32
      %mul3A_305 = arith.constant 10000 : i32
      %mul3A_306 = arith.muli %add3A, %mul3A_305 : i32
      %mul3A_307 = arith.constant 80 : i32
      %mul3A_308 = arith.muli %add3A_304, %mul3A_307 : i32
      %add3A_309 = arith.addi %mul3A_306, %mul3A_308 : i32
      %dma_wait3A_310 = tpu.memref_slice %arg2[%add3A_309] : memref<320000xi32, #tpu.memory_space<hbm>> -> memref<80xi32, #tpu.memory_space<hbm>>
      %dma_wait3A_311 = tpu.memref_slice %arg2[%add3A_309] : memref<320000xi32, #tpu.memory_space<hbm>> -> memref<80xi32, #tpu.memory_space<hbm>>
      tpu.wait_dma2 semaphore(%arg17 : memref<!tpu.dma_semaphore, #tpu.memory_space<semaphore_mem>>) src(%dma_wait3A_311 : memref<80xi32, #tpu.memory_space<hbm>>) dst(%arg11 : memref<80xi32, #tpu.memory_space<vmem>>)
      %dma_start3A_312 = arith.constant 0 : i32
      %dma_start3A_313 = arith.constant 0 : i32
      %dma_start3A_314 = tpu.memref_slice %arg13[%dma_start3A_312, %dma_start3A_313] : memref<10112x128xf32, #tpu.memory_space<vmem_shared>> -> memref<10112x128xf32, #tpu.memory_space<vmem_shared>>
      tpu.enqueue_indirect_dma source(%arg12 : memref<80x128xf32, #tpu.memory_space<vmem>>) target(%dma_start3A_314 : memref<10112x128xf32, #tpu.memory_space<vmem_shared>>) offsets(%arg11 : memref<80xi32, #tpu.memory_space<vmem>>) semaphore(%arg18 : memref<!tpu.dma_semaphore, #tpu.memory_space<semaphore_mem>>) {add = true}
    }
    %scan3A_18 = arith.constant 30 : i32
    %dma_wait3A = arith.constant 0 : i32
    %dma_wait3A_19 = arith.constant 0 : i32
    %dma_wait3A_20 = tpu.memref_slice %arg13[%dma_wait3A, %dma_wait3A_19] : memref<10112x128xf32, #tpu.memory_space<vmem_shared>> -> memref<10112x128xf32, #tpu.memory_space<vmem_shared>>
    tpu.wait_indirect_dma semaphore(%arg18 : memref<!tpu.dma_semaphore, #tpu.memory_space<semaphore_mem>>) src(%arg12 : memref<80x128xf32, #tpu.memory_space<vmem>>) dst(%dma_wait3A_20 : memref<10112x128xf32, #tpu.memory_space<vmem_shared>>)
    %mul3A_21 = arith.constant 10000 : i32
    %mul3A_22 = arith.muli %add3A, %mul3A_21 : i32
    %add3A_23 = arith.constant 9760 : i32
    %add3A_24 = arith.addi %mul3A_22, %add3A_23 : i32
    %dma_start3A_25 = tpu.memref_slice %arg2[%add3A_24] : memref<320000xi32, #tpu.memory_space<hbm>> -> memref<80xi32, #tpu.memory_space<hbm>>
    %dma_start3A_26 = tpu.memref_slice %arg2[%add3A_24] : memref<320000xi32, #tpu.memory_space<hbm>> -> memref<80xi32, #tpu.memory_space<hbm>>
    tpu.enqueue_dma source(%dma_start3A_26 : memref<80xi32, #tpu.memory_space<hbm>>) target(%arg10 : memref<80xi32, #tpu.memory_space<vmem>>) target_semaphore(%arg16 : memref<!tpu.dma_semaphore, #tpu.memory_space<semaphore_mem>>)
    %mul3A_27 = arith.constant 10000 : i32
    %mul3A_28 = arith.muli %add3A, %mul3A_27 : i32
    %add3A_29 = arith.constant 9600 : i32
    %add3A_30 = arith.addi %mul3A_28, %add3A_29 : i32
    %dma_wait3A_31 = tpu.memref_slice %arg2[%add3A_30] : memref<320000xi32, #tpu.memory_space<hbm>> -> memref<80xi32, #tpu.memory_space<hbm>>
    %dma_wait3A_32 = tpu.memref_slice %arg2[%add3A_30] : memref<320000xi32, #tpu.memory_space<hbm>> -> memref<80xi32, #tpu.memory_space<hbm>>
    tpu.wait_dma2 semaphore(%arg14 : memref<!tpu.dma_semaphore, #tpu.memory_space<semaphore_mem>>) src(%dma_wait3A_32 : memref<80xi32, #tpu.memory_space<hbm>>) dst(%arg8 : memref<80xi32, #tpu.memory_space<vmem>>)
    %dma_start3A_33 = arith.constant 0 : i32
    %dma_start3A_34 = arith.constant 0 : i32
    %dma_start3A_35 = tpu.memref_slice %arg13[%dma_start3A_33, %dma_start3A_34] : memref<10112x128xf32, #tpu.memory_space<vmem_shared>> -> memref<10112x128xf32, #tpu.memory_space<vmem_shared>>
    tpu.enqueue_indirect_dma source(%arg12 : memref<80x128xf32, #tpu.memory_space<vmem>>) target(%dma_start3A_35 : memref<10112x128xf32, #tpu.memory_space<vmem_shared>>) offsets(%arg8 : memref<80xi32, #tpu.memory_space<vmem>>) semaphore(%arg18 : memref<!tpu.dma_semaphore, #tpu.memory_space<semaphore_mem>>) {add = true}
    %dma_wait3A_36 = arith.constant 0 : i32
    %dma_wait3A_37 = arith.constant 0 : i32
    %dma_wait3A_38 = tpu.memref_slice %arg13[%dma_wait3A_36, %dma_wait3A_37] : memref<10112x128xf32, #tpu.memory_space<vmem_shared>> -> memref<10112x128xf32, #tpu.memory_space<vmem_shared>>
    tpu.wait_indirect_dma semaphore(%arg18 : memref<!tpu.dma_semaphore, #tpu.memory_space<semaphore_mem>>) src(%arg12 : memref<80x128xf32, #tpu.memory_space<vmem>>) dst(%dma_wait3A_38 : memref<10112x128xf32, #tpu.memory_space<vmem_shared>>)
    %mul3A_39 = arith.constant 10000 : i32
    %mul3A_40 = arith.muli %add3A, %mul3A_39 : i32
    %add3A_41 = arith.constant 9840 : i32
    %add3A_42 = arith.addi %mul3A_40, %add3A_41 : i32
    %dma_start3A_43 = tpu.memref_slice %arg2[%add3A_42] : memref<320000xi32, #tpu.memory_space<hbm>> -> memref<80xi32, #tpu.memory_space<hbm>>
    %dma_start3A_44 = tpu.memref_slice %arg2[%add3A_42] : memref<320000xi32, #tpu.memory_space<hbm>> -> memref<80xi32, #tpu.memory_space<hbm>>
    tpu.enqueue_dma source(%dma_start3A_44 : memref<80xi32, #tpu.memory_space<hbm>>) target(%arg11 : memref<80xi32, #tpu.memory_space<vmem>>) target_semaphore(%arg17 : memref<!tpu.dma_semaphore, #tpu.memory_space<semaphore_mem>>)
    %mul3A_45 = arith.constant 10000 : i32
    %mul3A_46 = arith.muli %add3A, %mul3A_45 : i32
    %add3A_47 = arith.constant 9680 : i32
    %add3A_48 = arith.addi %mul3A_46, %add3A_47 : i32
    %dma_wait3A_49 = tpu.memref_slice %arg2[%add3A_48] : memref<320000xi32, #tpu.memory_space<hbm>> -> memref<80xi32, #tpu.memory_space<hbm>>
    %dma_wait3A_50 = tpu.memref_slice %arg2[%add3A_48] : memref<320000xi32, #tpu.memory_space<hbm>> -> memref<80xi32, #tpu.memory_space<hbm>>
    tpu.wait_dma2 semaphore(%arg15 : memref<!tpu.dma_semaphore, #tpu.memory_space<semaphore_mem>>) src(%dma_wait3A_50 : memref<80xi32, #tpu.memory_space<hbm>>) dst(%arg9 : memref<80xi32, #tpu.memory_space<vmem>>)
    %dma_start3A_51 = arith.constant 0 : i32
    %dma_start3A_52 = arith.constant 0 : i32
    %dma_start3A_53 = tpu.memref_slice %arg13[%dma_start3A_51, %dma_start3A_52] : memref<10112x128xf32, #tpu.memory_space<vmem_shared>> -> memref<10112x128xf32, #tpu.memory_space<vmem_shared>>
    tpu.enqueue_indirect_dma source(%arg12 : memref<80x128xf32, #tpu.memory_space<vmem>>) target(%dma_start3A_53 : memref<10112x128xf32, #tpu.memory_space<vmem_shared>>) offsets(%arg9 : memref<80xi32, #tpu.memory_space<vmem>>) semaphore(%arg18 : memref<!tpu.dma_semaphore, #tpu.memory_space<semaphore_mem>>) {add = true}
    %dma_wait3A_54 = arith.constant 0 : i32
    %dma_wait3A_55 = arith.constant 0 : i32
    %dma_wait3A_56 = tpu.memref_slice %arg13[%dma_wait3A_54, %dma_wait3A_55] : memref<10112x128xf32, #tpu.memory_space<vmem_shared>> -> memref<10112x128xf32, #tpu.memory_space<vmem_shared>>
    tpu.wait_indirect_dma semaphore(%arg18 : memref<!tpu.dma_semaphore, #tpu.memory_space<semaphore_mem>>) src(%arg12 : memref<80x128xf32, #tpu.memory_space<vmem>>) dst(%dma_wait3A_56 : memref<10112x128xf32, #tpu.memory_space<vmem_shared>>)
    %mul3A_57 = arith.constant 10000 : i32
    %mul3A_58 = arith.muli %add3A, %mul3A_57 : i32
    %add3A_59 = arith.constant 9920 : i32
    %add3A_60 = arith.addi %mul3A_58, %add3A_59 : i32
    %dma_start3A_61 = tpu.memref_slice %arg2[%add3A_60] : memref<320000xi32, #tpu.memory_space<hbm>> -> memref<80xi32, #tpu.memory_space<hbm>>
    %dma_start3A_62 = tpu.memref_slice %arg2[%add3A_60] : memref<320000xi32, #tpu.memory_space<hbm>> -> memref<80xi32, #tpu.memory_space<hbm>>
    tpu.enqueue_dma source(%dma_start3A_62 : memref<80xi32, #tpu.memory_space<hbm>>) target(%arg8 : memref<80xi32, #tpu.memory_space<vmem>>) target_semaphore(%arg14 : memref<!tpu.dma_semaphore, #tpu.memory_space<semaphore_mem>>)
    %mul3A_63 = arith.constant 10000 : i32
    %mul3A_64 = arith.muli %add3A, %mul3A_63 : i32
    %add3A_65 = arith.constant 9760 : i32
    %add3A_66 = arith.addi %mul3A_64, %add3A_65 : i32
    %dma_wait3A_67 = tpu.memref_slice %arg2[%add3A_66] : memref<320000xi32, #tpu.memory_space<hbm>> -> memref<80xi32, #tpu.memory_space<hbm>>
    %dma_wait3A_68 = tpu.memref_slice %arg2[%add3A_66] : memref<320000xi32, #tpu.memory_space<hbm>> -> memref<80xi32, #tpu.memory_space<hbm>>
    tpu.wait_dma2 semaphore(%arg16 : memref<!tpu.dma_semaphore, #tpu.memory_space<semaphore_mem>>) src(%dma_wait3A_68 : memref<80xi32, #tpu.memory_space<hbm>>) dst(%arg10 : memref<80xi32, #tpu.memory_space<vmem>>)
    %dma_start3A_69 = arith.constant 0 : i32
    %dma_start3A_70 = arith.constant 0 : i32
    %dma_start3A_71 = tpu.memref_slice %arg13[%dma_start3A_69, %dma_start3A_70] : memref<10112x128xf32, #tpu.memory_space<vmem_shared>> -> memref<10112x128xf32, #tpu.memory_space<vmem_shared>>
    tpu.enqueue_indirect_dma source(%arg12 : memref<80x128xf32, #tpu.memory_space<vmem>>) target(%dma_start3A_71 : memref<10112x128xf32, #tpu.memory_space<vmem_shared>>) offsets(%arg10 : memref<80xi32, #tpu.memory_space<vmem>>) semaphore(%arg18 : memref<!tpu.dma_semaphore, #tpu.memory_space<semaphore_mem>>) {add = true}
    %dma_wait3A_72 = arith.constant 0 : i32
    %dma_wait3A_73 = arith.constant 0 : i32
    %dma_wait3A_74 = tpu.memref_slice %arg13[%dma_wait3A_72, %dma_wait3A_73] : memref<10112x128xf32, #tpu.memory_space<vmem_shared>> -> memref<10112x128xf32, #tpu.memory_space<vmem_shared>>
    tpu.wait_indirect_dma semaphore(%arg18 : memref<!tpu.dma_semaphore, #tpu.memory_space<semaphore_mem>>) src(%arg12 : memref<80x128xf32, #tpu.memory_space<vmem>>) dst(%dma_wait3A_74 : memref<10112x128xf32, #tpu.memory_space<vmem_shared>>)
    %mul3A_75 = arith.constant 10000 : i32
    %mul3A_76 = arith.muli %add3A, %mul3A_75 : i32
    %add3A_77 = arith.constant 9840 : i32
    %add3A_78 = arith.addi %mul3A_76, %add3A_77 : i32
    %dma_wait3A_79 = tpu.memref_slice %arg2[%add3A_78] : memref<320000xi32, #tpu.memory_space<hbm>> -> memref<80xi32, #tpu.memory_space<hbm>>
    %dma_wait3A_80 = tpu.memref_slice %arg2[%add3A_78] : memref<320000xi32, #tpu.memory_space<hbm>> -> memref<80xi32, #tpu.memory_space<hbm>>
    tpu.wait_dma2 semaphore(%arg17 : memref<!tpu.dma_semaphore, #tpu.memory_space<semaphore_mem>>) src(%dma_wait3A_80 : memref<80xi32, #tpu.memory_space<hbm>>) dst(%arg11 : memref<80xi32, #tpu.memory_space<vmem>>)
    %dma_start3A_81 = arith.constant 0 : i32
    %dma_start3A_82 = arith.constant 0 : i32
    %dma_start3A_83 = tpu.memref_slice %arg13[%dma_start3A_81, %dma_start3A_82] : memref<10112x128xf32, #tpu.memory_space<vmem_shared>> -> memref<10112x128xf32, #tpu.memory_space<vmem_shared>>
    tpu.enqueue_indirect_dma source(%arg12 : memref<80x128xf32, #tpu.memory_space<vmem>>) target(%dma_start3A_83 : memref<10112x128xf32, #tpu.memory_space<vmem_shared>>) offsets(%arg11 : memref<80xi32, #tpu.memory_space<vmem>>) semaphore(%arg18 : memref<!tpu.dma_semaphore, #tpu.memory_space<semaphore_mem>>) {add = true}
    %dma_wait3A_84 = arith.constant 0 : i32
    %dma_wait3A_85 = arith.constant 0 : i32
    %dma_wait3A_86 = tpu.memref_slice %arg13[%dma_wait3A_84, %dma_wait3A_85] : memref<10112x128xf32, #tpu.memory_space<vmem_shared>> -> memref<10112x128xf32, #tpu.memory_space<vmem_shared>>
    tpu.wait_indirect_dma semaphore(%arg18 : memref<!tpu.dma_semaphore, #tpu.memory_space<semaphore_mem>>) src(%arg12 : memref<80x128xf32, #tpu.memory_space<vmem>>) dst(%dma_wait3A_86 : memref<10112x128xf32, #tpu.memory_space<vmem_shared>>)
    %mul3A_87 = arith.constant 10000 : i32
    %mul3A_88 = arith.muli %add3A, %mul3A_87 : i32
    %add3A_89 = arith.constant 9920 : i32
    %add3A_90 = arith.addi %mul3A_88, %add3A_89 : i32
    %dma_wait3A_91 = tpu.memref_slice %arg2[%add3A_90] : memref<320000xi32, #tpu.memory_space<hbm>> -> memref<80xi32, #tpu.memory_space<hbm>>
    %dma_wait3A_92 = tpu.memref_slice %arg2[%add3A_90] : memref<320000xi32, #tpu.memory_space<hbm>> -> memref<80xi32, #tpu.memory_space<hbm>>
    tpu.wait_dma2 semaphore(%arg14 : memref<!tpu.dma_semaphore, #tpu.memory_space<semaphore_mem>>) src(%dma_wait3A_92 : memref<80xi32, #tpu.memory_space<hbm>>) dst(%arg8 : memref<80xi32, #tpu.memory_space<vmem>>)
    %dma_start3A_93 = arith.constant 0 : i32
    %dma_start3A_94 = arith.constant 0 : i32
    %dma_start3A_95 = tpu.memref_slice %arg13[%dma_start3A_93, %dma_start3A_94] : memref<10112x128xf32, #tpu.memory_space<vmem_shared>> -> memref<10112x128xf32, #tpu.memory_space<vmem_shared>>
    tpu.enqueue_indirect_dma source(%arg12 : memref<80x128xf32, #tpu.memory_space<vmem>>) target(%dma_start3A_95 : memref<10112x128xf32, #tpu.memory_space<vmem_shared>>) offsets(%arg8 : memref<80xi32, #tpu.memory_space<vmem>>) semaphore(%arg18 : memref<!tpu.dma_semaphore, #tpu.memory_space<semaphore_mem>>) {add = true}
    %dma_wait3A_96 = arith.constant 0 : i32
    %dma_wait3A_97 = arith.constant 0 : i32
    %dma_wait3A_98 = tpu.memref_slice %arg13[%dma_wait3A_96, %dma_wait3A_97] : memref<10112x128xf32, #tpu.memory_space<vmem_shared>> -> memref<10112x128xf32, #tpu.memory_space<vmem_shared>>
    tpu.wait_indirect_dma semaphore(%arg18 : memref<!tpu.dma_semaphore, #tpu.memory_space<semaphore_mem>>) src(%arg12 : memref<80x128xf32, #tpu.memory_space<vmem>>) dst(%dma_wait3A_98 : memref<10112x128xf32, #tpu.memory_space<vmem_shared>>)
    %dma_wait3A_99 = arith.constant 0 : i32
    %dma_wait3A_100 = arith.constant 0 : i32
    %dma_wait3A_101 = tpu.memref_slice %arg13[%dma_wait3A_99, %dma_wait3A_100] : memref<10112x128xf32, #tpu.memory_space<vmem_shared>> -> memref<10112x128xf32, #tpu.memory_space<vmem_shared>>
    tpu.wait_indirect_dma semaphore(%arg18 : memref<!tpu.dma_semaphore, #tpu.memory_space<semaphore_mem>>) src(%arg12 : memref<80x128xf32, #tpu.memory_space<vmem>>) dst(%dma_wait3A_101 : memref<10112x128xf32, #tpu.memory_space<vmem_shared>>)
    %barrier3A_102 = arith.constant 0 : index
    tpu.barrier barrier_id(%barrier3A_102)
    %mul3A_103 = arith.constant 632 : i32
    %mul3A_104 = arith.muli %arg1, %mul3A_103 : i32
    %mul3A_105 = arith.constant 632 : i32
    %mul3A_106 = arith.muli %arg1, %mul3A_105 : i32
    "tpu.region"() ({
      %run_scoped3A = tpu.sem_alloc : memref<!tpu.dma_semaphore, #tpu.memory_space<semaphore_mem>>
      %dma_start3A_217 = arith.constant 0 : i32
      %dma_start3A_218 = tpu.memref_slice %arg6[%arg0, %mul3A_106, %dma_start3A_217] : memref<2x10112x128xf32, #tpu.memory_space<hbm>> -> memref<1x632x128xf32, #tpu.memory_space<hbm>>
      %dma_start3A_219 = tpu.memref_squeeze %dma_start3A_218 : memref<1x632x128xf32, #tpu.memory_space<hbm>> -> memref<632x128xf32, #tpu.memory_space<hbm>>
      %dma_start3A_220 = arith.constant 0 : i32
      %dma_start3A_221 = tpu.memref_slice %arg13[%mul3A_104, %dma_start3A_220] : memref<10112x128xf32, #tpu.memory_space<vmem_shared>> -> memref<632x128xf32, #tpu.memory_space<vmem_shared>>
      tpu.enqueue_dma source(%dma_start3A_221 : memref<632x128xf32, #tpu.memory_space<vmem_shared>>) target(%dma_start3A_219 : memref<632x128xf32, #tpu.memory_space<hbm>>) target_semaphore(%run_scoped3A : memref<!tpu.dma_semaphore, #tpu.memory_space<semaphore_mem>>)
      %dma_wait3A_222 = arith.constant 0 : i32
      %dma_wait3A_223 = tpu.memref_slice %arg6[%arg0, %mul3A_106, %dma_wait3A_222] : memref<2x10112x128xf32, #tpu.memory_space<hbm>> -> memref<1x632x128xf32, #tpu.memory_space<hbm>>
      %dma_wait3A_224 = tpu.memref_squeeze %dma_wait3A_223 : memref<1x632x128xf32, #tpu.memory_space<hbm>> -> memref<632x128xf32, #tpu.memory_space<hbm>>
      %dma_wait3A_225 = arith.constant 0 : i32
      %dma_wait3A_226 = tpu.memref_slice %arg13[%mul3A_104, %dma_wait3A_225] : memref<10112x128xf32, #tpu.memory_space<vmem_shared>> -> memref<632x128xf32, #tpu.memory_space<vmem_shared>>
      tpu.wait_dma2 semaphore(%run_scoped3A : memref<!tpu.dma_semaphore, #tpu.memory_space<semaphore_mem>>) src(%dma_wait3A_226 : memref<632x128xf32, #tpu.memory_space<vmem_shared>>) dst(%dma_wait3A_224 : memref<632x128xf32, #tpu.memory_space<hbm>>)
      tpu.yield
    }) : () -> ()
    %mul3A_107 = arith.constant 632 : i32
    %mul3A_108 = arith.muli %arg1, %mul3A_107 : i32
    "tpu.region"() ({
      %run_scoped3A = tpu.sem_alloc : memref<!tpu.dma_semaphore, #tpu.memory_space<semaphore_mem>>
      %dma_start3A_217 = arith.constant 0 : i32
      %dma_start3A_218 = tpu.memref_slice %arg13[%mul3A_108, %dma_start3A_217] : memref<10112x128xf32, #tpu.memory_space<vmem_shared>> -> memref<632x128xf32, #tpu.memory_space<vmem_shared>>
      tpu.enqueue_dma source(%arg5 : memref<632x128xf32, #tpu.memory_space<hbm>>) target(%dma_start3A_218 : memref<632x128xf32, #tpu.memory_space<vmem_shared>>) target_semaphore(%run_scoped3A : memref<!tpu.dma_semaphore, #tpu.memory_space<semaphore_mem>>)
      %dma_wait3A_219 = arith.constant 0 : i32
      %dma_wait3A_220 = tpu.memref_slice %arg13[%mul3A_108, %dma_wait3A_219] : memref<10112x128xf32, #tpu.memory_space<vmem_shared>> -> memref<632x128xf32, #tpu.memory_space<vmem_shared>>
      tpu.wait_dma2 semaphore(%run_scoped3A : memref<!tpu.dma_semaphore, #tpu.memory_space<semaphore_mem>>) src(%arg5 : memref<632x128xf32, #tpu.memory_space<hbm>>) dst(%dma_wait3A_220 : memref<632x128xf32, #tpu.memory_space<vmem_shared>>)
      tpu.yield
    }) : () -> ()
    %barrier3A_109 = arith.constant 0 : index
    tpu.barrier barrier_id(%barrier3A_109)
    %mul3A_110 = arith.constant 10000 : i32
    %mul3A_111 = arith.muli %add3A, %mul3A_110 : i32
    %add3A_112 = arith.constant 0 : i32
    %add3A_113 = arith.addi %mul3A_111, %add3A_112 : i32
    %dma_start3A_114 = tpu.memref_slice %arg3[%add3A_113] : memref<320000xi32, #tpu.memory_space<hbm>> -> memref<80xi32, #tpu.memory_space<hbm>>
    %dma_start3A_115 = tpu.memref_slice %arg3[%add3A_113] : memref<320000xi32, #tpu.memory_space<hbm>> -> memref<80xi32, #tpu.memory_space<hbm>>
    tpu.enqueue_dma source(%dma_start3A_115 : memref<80xi32, #tpu.memory_space<hbm>>) target(%arg8 : memref<80xi32, #tpu.memory_space<vmem>>) target_semaphore(%arg14 : memref<!tpu.dma_semaphore, #tpu.memory_space<semaphore_mem>>)
    %mul3A_116 = arith.constant 10000 : i32
    %mul3A_117 = arith.muli %add3A, %mul3A_116 : i32
    %add3A_118 = arith.constant 80 : i32
    %add3A_119 = arith.addi %mul3A_117, %add3A_118 : i32
    %dma_start3A_120 = tpu.memref_slice %arg3[%add3A_119] : memref<320000xi32, #tpu.memory_space<hbm>> -> memref<80xi32, #tpu.memory_space<hbm>>
    %dma_start3A_121 = tpu.memref_slice %arg3[%add3A_119] : memref<320000xi32, #tpu.memory_space<hbm>> -> memref<80xi32, #tpu.memory_space<hbm>>
    tpu.enqueue_dma source(%dma_start3A_121 : memref<80xi32, #tpu.memory_space<hbm>>) target(%arg9 : memref<80xi32, #tpu.memory_space<vmem>>) target_semaphore(%arg15 : memref<!tpu.dma_semaphore, #tpu.memory_space<semaphore_mem>>)
    %scan3A_122 = arith.constant 0 : i32
    %scan3A_123 = arith.constant 0 : i32
    %scan3A_124 = arith.constant 30 : i32
    %scan3A_125 = arith.addi %scan3A_123, %scan3A_124 : i32
    %scan3A_126 = arith.constant 1 : i32
    scf.for %scan3A_217 = %scan3A_123 to %scan3A_125 step %scan3A_126  : i32 {
      %mul3A_218 = arith.constant 4 : i32
      %mul3A_219 = arith.muli %mul3A_218, %scan3A_217 : i32
      %ge3A = arith.constant 1 : i32
      %ge3A_220 = arith.cmpi sge, %scan3A_217, %ge3A : i32
      %convert_element_type3A = arith.extui %ge3A_220 : i1 to i32
      %cond3A = arith.constant 0 : i32
      %cond3A_221 = arith.cmpi ne, %convert_element_type3A, %cond3A : i32
      scf.if %cond3A_221 {
        %dma_wait3A_315 = arith.constant 0 : i32
        %dma_wait3A_316 = arith.constant 0 : i32
        %dma_wait3A_317 = tpu.memref_slice %arg13[%dma_wait3A_315, %dma_wait3A_316] : memref<10112x128xf32, #tpu.memory_space<vmem_shared>> -> memref<10112x128xf32, #tpu.memory_space<vmem_shared>>
        tpu.wait_indirect_dma semaphore(%arg18 : memref<!tpu.dma_semaphore, #tpu.memory_space<semaphore_mem>>) src(%arg12 : memref<80x128xf32, #tpu.memory_space<vmem>>) dst(%dma_wait3A_317 : memref<10112x128xf32, #tpu.memory_space<vmem_shared>>)
      } else {
      }
      %add3A_222 = arith.constant 2 : i32
      %add3A_223 = arith.addi %mul3A_219, %add3A_222 : i32
      %mul3A_224 = arith.constant 10000 : i32
      %mul3A_225 = arith.muli %add3A, %mul3A_224 : i32
      %mul3A_226 = arith.constant 80 : i32
      %mul3A_227 = arith.muli %add3A_223, %mul3A_226 : i32
      %add3A_228 = arith.addi %mul3A_225, %mul3A_227 : i32
      %dma_start3A_229 = tpu.memref_slice %arg3[%add3A_228] : memref<320000xi32, #tpu.memory_space<hbm>> -> memref<80xi32, #tpu.memory_space<hbm>>
      %dma_start3A_230 = tpu.memref_slice %arg3[%add3A_228] : memref<320000xi32, #tpu.memory_space<hbm>> -> memref<80xi32, #tpu.memory_space<hbm>>
      tpu.enqueue_dma source(%dma_start3A_230 : memref<80xi32, #tpu.memory_space<hbm>>) target(%arg10 : memref<80xi32, #tpu.memory_space<vmem>>) target_semaphore(%arg16 : memref<!tpu.dma_semaphore, #tpu.memory_space<semaphore_mem>>)
      %mul3A_231 = arith.constant 10000 : i32
      %mul3A_232 = arith.muli %add3A, %mul3A_231 : i32
      %mul3A_233 = arith.constant 80 : i32
      %mul3A_234 = arith.muli %mul3A_219, %mul3A_233 : i32
      %add3A_235 = arith.addi %mul3A_232, %mul3A_234 : i32
      %dma_wait3A_236 = tpu.memref_slice %arg3[%add3A_235] : memref<320000xi32, #tpu.memory_space<hbm>> -> memref<80xi32, #tpu.memory_space<hbm>>
      %dma_wait3A_237 = tpu.memref_slice %arg3[%add3A_235] : memref<320000xi32, #tpu.memory_space<hbm>> -> memref<80xi32, #tpu.memory_space<hbm>>
      tpu.wait_dma2 semaphore(%arg14 : memref<!tpu.dma_semaphore, #tpu.memory_space<semaphore_mem>>) src(%dma_wait3A_237 : memref<80xi32, #tpu.memory_space<hbm>>) dst(%arg8 : memref<80xi32, #tpu.memory_space<vmem>>)
      %dma_start3A_238 = arith.constant 0 : i32
      %dma_start3A_239 = arith.constant 0 : i32
      %dma_start3A_240 = tpu.memref_slice %arg13[%dma_start3A_238, %dma_start3A_239] : memref<10112x128xf32, #tpu.memory_space<vmem_shared>> -> memref<10112x128xf32, #tpu.memory_space<vmem_shared>>
      tpu.enqueue_indirect_dma source(%arg12 : memref<80x128xf32, #tpu.memory_space<vmem>>) target(%dma_start3A_240 : memref<10112x128xf32, #tpu.memory_space<vmem_shared>>) offsets(%arg8 : memref<80xi32, #tpu.memory_space<vmem>>) semaphore(%arg18 : memref<!tpu.dma_semaphore, #tpu.memory_space<semaphore_mem>>) {add = true}
      %ge3A_241 = arith.constant 1 : i32
      %ge3A_242 = arith.cmpi sge, %scan3A_217, %ge3A_241 : i32
      %convert_element_type3A_243 = arith.extui %ge3A_242 : i1 to i32
      %cond3A_244 = arith.constant 0 : i32
      %cond3A_245 = arith.cmpi ne, %convert_element_type3A_243, %cond3A_244 : i32
      scf.if %cond3A_245 {
        %dma_wait3A_315 = arith.constant 0 : i32
        %dma_wait3A_316 = arith.constant 0 : i32
        %dma_wait3A_317 = tpu.memref_slice %arg13[%dma_wait3A_315, %dma_wait3A_316] : memref<10112x128xf32, #tpu.memory_space<vmem_shared>> -> memref<10112x128xf32, #tpu.memory_space<vmem_shared>>
        tpu.wait_indirect_dma semaphore(%arg18 : memref<!tpu.dma_semaphore, #tpu.memory_space<semaphore_mem>>) src(%arg12 : memref<80x128xf32, #tpu.memory_space<vmem>>) dst(%dma_wait3A_317 : memref<10112x128xf32, #tpu.memory_space<vmem_shared>>)
      } else {
      }
      %add3A_246 = arith.constant 3 : i32
      %add3A_247 = arith.addi %mul3A_219, %add3A_246 : i32
      %mul3A_248 = arith.constant 10000 : i32
      %mul3A_249 = arith.muli %add3A, %mul3A_248 : i32
      %mul3A_250 = arith.constant 80 : i32
      %mul3A_251 = arith.muli %add3A_247, %mul3A_250 : i32
      %add3A_252 = arith.addi %mul3A_249, %mul3A_251 : i32
      %dma_start3A_253 = tpu.memref_slice %arg3[%add3A_252] : memref<320000xi32, #tpu.memory_space<hbm>> -> memref<80xi32, #tpu.memory_space<hbm>>
      %dma_start3A_254 = tpu.memref_slice %arg3[%add3A_252] : memref<320000xi32, #tpu.memory_space<hbm>> -> memref<80xi32, #tpu.memory_space<hbm>>
      tpu.enqueue_dma source(%dma_start3A_254 : memref<80xi32, #tpu.memory_space<hbm>>) target(%arg11 : memref<80xi32, #tpu.memory_space<vmem>>) target_semaphore(%arg17 : memref<!tpu.dma_semaphore, #tpu.memory_space<semaphore_mem>>)
      %add3A_255 = arith.constant 1 : i32
      %add3A_256 = arith.addi %mul3A_219, %add3A_255 : i32
      %mul3A_257 = arith.constant 10000 : i32
      %mul3A_258 = arith.muli %add3A, %mul3A_257 : i32
      %mul3A_259 = arith.constant 80 : i32
      %mul3A_260 = arith.muli %add3A_256, %mul3A_259 : i32
      %add3A_261 = arith.addi %mul3A_258, %mul3A_260 : i32
      %dma_wait3A_262 = tpu.memref_slice %arg3[%add3A_261] : memref<320000xi32, #tpu.memory_space<hbm>> -> memref<80xi32, #tpu.memory_space<hbm>>
      %dma_wait3A_263 = tpu.memref_slice %arg3[%add3A_261] : memref<320000xi32, #tpu.memory_space<hbm>> -> memref<80xi32, #tpu.memory_space<hbm>>
      tpu.wait_dma2 semaphore(%arg15 : memref<!tpu.dma_semaphore, #tpu.memory_space<semaphore_mem>>) src(%dma_wait3A_263 : memref<80xi32, #tpu.memory_space<hbm>>) dst(%arg9 : memref<80xi32, #tpu.memory_space<vmem>>)
      %dma_start3A_264 = arith.constant 0 : i32
      %dma_start3A_265 = arith.constant 0 : i32
      %dma_start3A_266 = tpu.memref_slice %arg13[%dma_start3A_264, %dma_start3A_265] : memref<10112x128xf32, #tpu.memory_space<vmem_shared>> -> memref<10112x128xf32, #tpu.memory_space<vmem_shared>>
      tpu.enqueue_indirect_dma source(%arg12 : memref<80x128xf32, #tpu.memory_space<vmem>>) target(%dma_start3A_266 : memref<10112x128xf32, #tpu.memory_space<vmem_shared>>) offsets(%arg9 : memref<80xi32, #tpu.memory_space<vmem>>) semaphore(%arg18 : memref<!tpu.dma_semaphore, #tpu.memory_space<semaphore_mem>>) {add = true}
      %dma_wait3A_267 = arith.constant 0 : i32
      %dma_wait3A_268 = arith.constant 0 : i32
      %dma_wait3A_269 = tpu.memref_slice %arg13[%dma_wait3A_267, %dma_wait3A_268] : memref<10112x128xf32, #tpu.memory_space<vmem_shared>> -> memref<10112x128xf32, #tpu.memory_space<vmem_shared>>
      tpu.wait_indirect_dma semaphore(%arg18 : memref<!tpu.dma_semaphore, #tpu.memory_space<semaphore_mem>>) src(%arg12 : memref<80x128xf32, #tpu.memory_space<vmem>>) dst(%dma_wait3A_269 : memref<10112x128xf32, #tpu.memory_space<vmem_shared>>)
      %add3A_270 = arith.constant 4 : i32
      %add3A_271 = arith.addi %mul3A_219, %add3A_270 : i32
      %mul3A_272 = arith.constant 10000 : i32
      %mul3A_273 = arith.muli %add3A, %mul3A_272 : i32
      %mul3A_274 = arith.constant 80 : i32
      %mul3A_275 = arith.muli %add3A_271, %mul3A_274 : i32
      %add3A_276 = arith.addi %mul3A_273, %mul3A_275 : i32
      %dma_start3A_277 = tpu.memref_slice %arg3[%add3A_276] : memref<320000xi32, #tpu.memory_space<hbm>> -> memref<80xi32, #tpu.memory_space<hbm>>
      %dma_start3A_278 = tpu.memref_slice %arg3[%add3A_276] : memref<320000xi32, #tpu.memory_space<hbm>> -> memref<80xi32, #tpu.memory_space<hbm>>
      tpu.enqueue_dma source(%dma_start3A_278 : memref<80xi32, #tpu.memory_space<hbm>>) target(%arg8 : memref<80xi32, #tpu.memory_space<vmem>>) target_semaphore(%arg14 : memref<!tpu.dma_semaphore, #tpu.memory_space<semaphore_mem>>)
      %add3A_279 = arith.constant 2 : i32
      %add3A_280 = arith.addi %mul3A_219, %add3A_279 : i32
      %mul3A_281 = arith.constant 10000 : i32
      %mul3A_282 = arith.muli %add3A, %mul3A_281 : i32
      %mul3A_283 = arith.constant 80 : i32
      %mul3A_284 = arith.muli %add3A_280, %mul3A_283 : i32
      %add3A_285 = arith.addi %mul3A_282, %mul3A_284 : i32
      %dma_wait3A_286 = tpu.memref_slice %arg3[%add3A_285] : memref<320000xi32, #tpu.memory_space<hbm>> -> memref<80xi32, #tpu.memory_space<hbm>>
      %dma_wait3A_287 = tpu.memref_slice %arg3[%add3A_285] : memref<320000xi32, #tpu.memory_space<hbm>> -> memref<80xi32, #tpu.memory_space<hbm>>
      tpu.wait_dma2 semaphore(%arg16 : memref<!tpu.dma_semaphore, #tpu.memory_space<semaphore_mem>>) src(%dma_wait3A_287 : memref<80xi32, #tpu.memory_space<hbm>>) dst(%arg10 : memref<80xi32, #tpu.memory_space<vmem>>)
      %dma_start3A_288 = arith.constant 0 : i32
      %dma_start3A_289 = arith.constant 0 : i32
      %dma_start3A_290 = tpu.memref_slice %arg13[%dma_start3A_288, %dma_start3A_289] : memref<10112x128xf32, #tpu.memory_space<vmem_shared>> -> memref<10112x128xf32, #tpu.memory_space<vmem_shared>>
      tpu.enqueue_indirect_dma source(%arg12 : memref<80x128xf32, #tpu.memory_space<vmem>>) target(%dma_start3A_290 : memref<10112x128xf32, #tpu.memory_space<vmem_shared>>) offsets(%arg10 : memref<80xi32, #tpu.memory_space<vmem>>) semaphore(%arg18 : memref<!tpu.dma_semaphore, #tpu.memory_space<semaphore_mem>>) {add = true}
      %dma_wait3A_291 = arith.constant 0 : i32
      %dma_wait3A_292 = arith.constant 0 : i32
      %dma_wait3A_293 = tpu.memref_slice %arg13[%dma_wait3A_291, %dma_wait3A_292] : memref<10112x128xf32, #tpu.memory_space<vmem_shared>> -> memref<10112x128xf32, #tpu.memory_space<vmem_shared>>
      tpu.wait_indirect_dma semaphore(%arg18 : memref<!tpu.dma_semaphore, #tpu.memory_space<semaphore_mem>>) src(%arg12 : memref<80x128xf32, #tpu.memory_space<vmem>>) dst(%dma_wait3A_293 : memref<10112x128xf32, #tpu.memory_space<vmem_shared>>)
      %add3A_294 = arith.constant 5 : i32
      %add3A_295 = arith.addi %mul3A_219, %add3A_294 : i32
      %mul3A_296 = arith.constant 10000 : i32
      %mul3A_297 = arith.muli %add3A, %mul3A_296 : i32
      %mul3A_298 = arith.constant 80 : i32
      %mul3A_299 = arith.muli %add3A_295, %mul3A_298 : i32
      %add3A_300 = arith.addi %mul3A_297, %mul3A_299 : i32
      %dma_start3A_301 = tpu.memref_slice %arg3[%add3A_300] : memref<320000xi32, #tpu.memory_space<hbm>> -> memref<80xi32, #tpu.memory_space<hbm>>
      %dma_start3A_302 = tpu.memref_slice %arg3[%add3A_300] : memref<320000xi32, #tpu.memory_space<hbm>> -> memref<80xi32, #tpu.memory_space<hbm>>
      tpu.enqueue_dma source(%dma_start3A_302 : memref<80xi32, #tpu.memory_space<hbm>>) target(%arg9 : memref<80xi32, #tpu.memory_space<vmem>>) target_semaphore(%arg15 : memref<!tpu.dma_semaphore, #tpu.memory_space<semaphore_mem>>)
      %add3A_303 = arith.constant 3 : i32
      %add3A_304 = arith.addi %mul3A_219, %add3A_303 : i32
      %mul3A_305 = arith.constant 10000 : i32
      %mul3A_306 = arith.muli %add3A, %mul3A_305 : i32
      %mul3A_307 = arith.constant 80 : i32
      %mul3A_308 = arith.muli %add3A_304, %mul3A_307 : i32
      %add3A_309 = arith.addi %mul3A_306, %mul3A_308 : i32
      %dma_wait3A_310 = tpu.memref_slice %arg3[%add3A_309] : memref<320000xi32, #tpu.memory_space<hbm>> -> memref<80xi32, #tpu.memory_space<hbm>>
      %dma_wait3A_311 = tpu.memref_slice %arg3[%add3A_309] : memref<320000xi32, #tpu.memory_space<hbm>> -> memref<80xi32, #tpu.memory_space<hbm>>
      tpu.wait_dma2 semaphore(%arg17 : memref<!tpu.dma_semaphore, #tpu.memory_space<semaphore_mem>>) src(%dma_wait3A_311 : memref<80xi32, #tpu.memory_space<hbm>>) dst(%arg11 : memref<80xi32, #tpu.memory_space<vmem>>)
      %dma_start3A_312 = arith.constant 0 : i32
      %dma_start3A_313 = arith.constant 0 : i32
      %dma_start3A_314 = tpu.memref_slice %arg13[%dma_start3A_312, %dma_start3A_313] : memref<10112x128xf32, #tpu.memory_space<vmem_shared>> -> memref<10112x128xf32, #tpu.memory_space<vmem_shared>>
      tpu.enqueue_indirect_dma source(%arg12 : memref<80x128xf32, #tpu.memory_space<vmem>>) target(%dma_start3A_314 : memref<10112x128xf32, #tpu.memory_space<vmem_shared>>) offsets(%arg11 : memref<80xi32, #tpu.memory_space<vmem>>) semaphore(%arg18 : memref<!tpu.dma_semaphore, #tpu.memory_space<semaphore_mem>>) {add = true}
    }
    %scan3A_127 = arith.constant 30 : i32
    %dma_wait3A_128 = arith.constant 0 : i32
    %dma_wait3A_129 = arith.constant 0 : i32
    %dma_wait3A_130 = tpu.memref_slice %arg13[%dma_wait3A_128, %dma_wait3A_129] : memref<10112x128xf32, #tpu.memory_space<vmem_shared>> -> memref<10112x128xf32, #tpu.memory_space<vmem_shared>>
    tpu.wait_indirect_dma semaphore(%arg18 : memref<!tpu.dma_semaphore, #tpu.memory_space<semaphore_mem>>) src(%arg12 : memref<80x128xf32, #tpu.memory_space<vmem>>) dst(%dma_wait3A_130 : memref<10112x128xf32, #tpu.memory_space<vmem_shared>>)
    %mul3A_131 = arith.constant 10000 : i32
    %mul3A_132 = arith.muli %add3A, %mul3A_131 : i32
    %add3A_133 = arith.constant 9760 : i32
    %add3A_134 = arith.addi %mul3A_132, %add3A_133 : i32
    %dma_start3A_135 = tpu.memref_slice %arg3[%add3A_134] : memref<320000xi32, #tpu.memory_space<hbm>> -> memref<80xi32, #tpu.memory_space<hbm>>
    %dma_start3A_136 = tpu.memref_slice %arg3[%add3A_134] : memref<320000xi32, #tpu.memory_space<hbm>> -> memref<80xi32, #tpu.memory_space<hbm>>
    tpu.enqueue_dma source(%dma_start3A_136 : memref<80xi32, #tpu.memory_space<hbm>>) target(%arg10 : memref<80xi32, #tpu.memory_space<vmem>>) target_semaphore(%arg16 : memref<!tpu.dma_semaphore, #tpu.memory_space<semaphore_mem>>)
    %mul3A_137 = arith.constant 10000 : i32
    %mul3A_138 = arith.muli %add3A, %mul3A_137 : i32
    %add3A_139 = arith.constant 9600 : i32
    %add3A_140 = arith.addi %mul3A_138, %add3A_139 : i32
    %dma_wait3A_141 = tpu.memref_slice %arg3[%add3A_140] : memref<320000xi32, #tpu.memory_space<hbm>> -> memref<80xi32, #tpu.memory_space<hbm>>
    %dma_wait3A_142 = tpu.memref_slice %arg3[%add3A_140] : memref<320000xi32, #tpu.memory_space<hbm>> -> memref<80xi32, #tpu.memory_space<hbm>>
    tpu.wait_dma2 semaphore(%arg14 : memref<!tpu.dma_semaphore, #tpu.memory_space<semaphore_mem>>) src(%dma_wait3A_142 : memref<80xi32, #tpu.memory_space<hbm>>) dst(%arg8 : memref<80xi32, #tpu.memory_space<vmem>>)
    %dma_start3A_143 = arith.constant 0 : i32
    %dma_start3A_144 = arith.constant 0 : i32
    %dma_start3A_145 = tpu.memref_slice %arg13[%dma_start3A_143, %dma_start3A_144] : memref<10112x128xf32, #tpu.memory_space<vmem_shared>> -> memref<10112x128xf32, #tpu.memory_space<vmem_shared>>
    tpu.enqueue_indirect_dma source(%arg12 : memref<80x128xf32, #tpu.memory_space<vmem>>) target(%dma_start3A_145 : memref<10112x128xf32, #tpu.memory_space<vmem_shared>>) offsets(%arg8 : memref<80xi32, #tpu.memory_space<vmem>>) semaphore(%arg18 : memref<!tpu.dma_semaphore, #tpu.memory_space<semaphore_mem>>) {add = true}
    %dma_wait3A_146 = arith.constant 0 : i32
    %dma_wait3A_147 = arith.constant 0 : i32
    %dma_wait3A_148 = tpu.memref_slice %arg13[%dma_wait3A_146, %dma_wait3A_147] : memref<10112x128xf32, #tpu.memory_space<vmem_shared>> -> memref<10112x128xf32, #tpu.memory_space<vmem_shared>>
    tpu.wait_indirect_dma semaphore(%arg18 : memref<!tpu.dma_semaphore, #tpu.memory_space<semaphore_mem>>) src(%arg12 : memref<80x128xf32, #tpu.memory_space<vmem>>) dst(%dma_wait3A_148 : memref<10112x128xf32, #tpu.memory_space<vmem_shared>>)
    %mul3A_149 = arith.constant 10000 : i32
    %mul3A_150 = arith.muli %add3A, %mul3A_149 : i32
    %add3A_151 = arith.constant 9840 : i32
    %add3A_152 = arith.addi %mul3A_150, %add3A_151 : i32
    %dma_start3A_153 = tpu.memref_slice %arg3[%add3A_152] : memref<320000xi32, #tpu.memory_space<hbm>> -> memref<80xi32, #tpu.memory_space<hbm>>
    %dma_start3A_154 = tpu.memref_slice %arg3[%add3A_152] : memref<320000xi32, #tpu.memory_space<hbm>> -> memref<80xi32, #tpu.memory_space<hbm>>
    tpu.enqueue_dma source(%dma_start3A_154 : memref<80xi32, #tpu.memory_space<hbm>>) target(%arg11 : memref<80xi32, #tpu.memory_space<vmem>>) target_semaphore(%arg17 : memref<!tpu.dma_semaphore, #tpu.memory_space<semaphore_mem>>)
    %mul3A_155 = arith.constant 10000 : i32
    %mul3A_156 = arith.muli %add3A, %mul3A_155 : i32
    %add3A_157 = arith.constant 9680 : i32
    %add3A_158 = arith.addi %mul3A_156, %add3A_157 : i32
    %dma_wait3A_159 = tpu.memref_slice %arg3[%add3A_158] : memref<320000xi32, #tpu.memory_space<hbm>> -> memref<80xi32, #tpu.memory_space<hbm>>
    %dma_wait3A_160 = tpu.memref_slice %arg3[%add3A_158] : memref<320000xi32, #tpu.memory_space<hbm>> -> memref<80xi32, #tpu.memory_space<hbm>>
    tpu.wait_dma2 semaphore(%arg15 : memref<!tpu.dma_semaphore, #tpu.memory_space<semaphore_mem>>) src(%dma_wait3A_160 : memref<80xi32, #tpu.memory_space<hbm>>) dst(%arg9 : memref<80xi32, #tpu.memory_space<vmem>>)
    %dma_start3A_161 = arith.constant 0 : i32
    %dma_start3A_162 = arith.constant 0 : i32
    %dma_start3A_163 = tpu.memref_slice %arg13[%dma_start3A_161, %dma_start3A_162] : memref<10112x128xf32, #tpu.memory_space<vmem_shared>> -> memref<10112x128xf32, #tpu.memory_space<vmem_shared>>
    tpu.enqueue_indirect_dma source(%arg12 : memref<80x128xf32, #tpu.memory_space<vmem>>) target(%dma_start3A_163 : memref<10112x128xf32, #tpu.memory_space<vmem_shared>>) offsets(%arg9 : memref<80xi32, #tpu.memory_space<vmem>>) semaphore(%arg18 : memref<!tpu.dma_semaphore, #tpu.memory_space<semaphore_mem>>) {add = true}
    %dma_wait3A_164 = arith.constant 0 : i32
    %dma_wait3A_165 = arith.constant 0 : i32
    %dma_wait3A_166 = tpu.memref_slice %arg13[%dma_wait3A_164, %dma_wait3A_165] : memref<10112x128xf32, #tpu.memory_space<vmem_shared>> -> memref<10112x128xf32, #tpu.memory_space<vmem_shared>>
    tpu.wait_indirect_dma semaphore(%arg18 : memref<!tpu.dma_semaphore, #tpu.memory_space<semaphore_mem>>) src(%arg12 : memref<80x128xf32, #tpu.memory_space<vmem>>) dst(%dma_wait3A_166 : memref<10112x128xf32, #tpu.memory_space<vmem_shared>>)
    %mul3A_167 = arith.constant 10000 : i32
    %mul3A_168 = arith.muli %add3A, %mul3A_167 : i32
    %add3A_169 = arith.constant 9920 : i32
    %add3A_170 = arith.addi %mul3A_168, %add3A_169 : i32
    %dma_start3A_171 = tpu.memref_slice %arg3[%add3A_170] : memref<320000xi32, #tpu.memory_space<hbm>> -> memref<80xi32, #tpu.memory_space<hbm>>
    %dma_start3A_172 = tpu.memref_slice %arg3[%add3A_170] : memref<320000xi32, #tpu.memory_space<hbm>> -> memref<80xi32, #tpu.memory_space<hbm>>
    tpu.enqueue_dma source(%dma_start3A_172 : memref<80xi32, #tpu.memory_space<hbm>>) target(%arg8 : memref<80xi32, #tpu.memory_space<vmem>>) target_semaphore(%arg14 : memref<!tpu.dma_semaphore, #tpu.memory_space<semaphore_mem>>)
    %mul3A_173 = arith.constant 10000 : i32
    %mul3A_174 = arith.muli %add3A, %mul3A_173 : i32
    %add3A_175 = arith.constant 9760 : i32
    %add3A_176 = arith.addi %mul3A_174, %add3A_175 : i32
    %dma_wait3A_177 = tpu.memref_slice %arg3[%add3A_176] : memref<320000xi32, #tpu.memory_space<hbm>> -> memref<80xi32, #tpu.memory_space<hbm>>
    %dma_wait3A_178 = tpu.memref_slice %arg3[%add3A_176] : memref<320000xi32, #tpu.memory_space<hbm>> -> memref<80xi32, #tpu.memory_space<hbm>>
    tpu.wait_dma2 semaphore(%arg16 : memref<!tpu.dma_semaphore, #tpu.memory_space<semaphore_mem>>) src(%dma_wait3A_178 : memref<80xi32, #tpu.memory_space<hbm>>) dst(%arg10 : memref<80xi32, #tpu.memory_space<vmem>>)
    %dma_start3A_179 = arith.constant 0 : i32
    %dma_start3A_180 = arith.constant 0 : i32
    %dma_start3A_181 = tpu.memref_slice %arg13[%dma_start3A_179, %dma_start3A_180] : memref<10112x128xf32, #tpu.memory_space<vmem_shared>> -> memref<10112x128xf32, #tpu.memory_space<vmem_shared>>
    tpu.enqueue_indirect_dma source(%arg12 : memref<80x128xf32, #tpu.memory_space<vmem>>) target(%dma_start3A_181 : memref<10112x128xf32, #tpu.memory_space<vmem_shared>>) offsets(%arg10 : memref<80xi32, #tpu.memory_space<vmem>>) semaphore(%arg18 : memref<!tpu.dma_semaphore, #tpu.memory_space<semaphore_mem>>) {add = true}
    %dma_wait3A_182 = arith.constant 0 : i32
    %dma_wait3A_183 = arith.constant 0 : i32
    %dma_wait3A_184 = tpu.memref_slice %arg13[%dma_wait3A_182, %dma_wait3A_183] : memref<10112x128xf32, #tpu.memory_space<vmem_shared>> -> memref<10112x128xf32, #tpu.memory_space<vmem_shared>>
    tpu.wait_indirect_dma semaphore(%arg18 : memref<!tpu.dma_semaphore, #tpu.memory_space<semaphore_mem>>) src(%arg12 : memref<80x128xf32, #tpu.memory_space<vmem>>) dst(%dma_wait3A_184 : memref<10112x128xf32, #tpu.memory_space<vmem_shared>>)
    %mul3A_185 = arith.constant 10000 : i32
    %mul3A_186 = arith.muli %add3A, %mul3A_185 : i32
    %add3A_187 = arith.constant 9840 : i32
    %add3A_188 = arith.addi %mul3A_186, %add3A_187 : i32
    %dma_wait3A_189 = tpu.memref_slice %arg3[%add3A_188] : memref<320000xi32, #tpu.memory_space<hbm>> -> memref<80xi32, #tpu.memory_space<hbm>>
    %dma_wait3A_190 = tpu.memref_slice %arg3[%add3A_188] : memref<320000xi32, #tpu.memory_space<hbm>> -> memref<80xi32, #tpu.memory_space<hbm>>
    tpu.wait_dma2 semaphore(%arg17 : memref<!tpu.dma_semaphore, #tpu.memory_space<semaphore_mem>>) src(%dma_wait3A_190 : memref<80xi32, #tpu.memory_space<hbm>>) dst(%arg11 : memref<80xi32, #tpu.memory_space<vmem>>)
    %dma_start3A_191 = arith.constant 0 : i32
    %dma_start3A_192 = arith.constant 0 : i32
    %dma_start3A_193 = tpu.memref_slice %arg13[%dma_start3A_191, %dma_start3A_192] : memref<10112x128xf32, #tpu.memory_space<vmem_shared>> -> memref<10112x128xf32, #tpu.memory_space<vmem_shared>>
    tpu.enqueue_indirect_dma source(%arg12 : memref<80x128xf32, #tpu.memory_space<vmem>>) target(%dma_start3A_193 : memref<10112x128xf32, #tpu.memory_space<vmem_shared>>) offsets(%arg11 : memref<80xi32, #tpu.memory_space<vmem>>) semaphore(%arg18 : memref<!tpu.dma_semaphore, #tpu.memory_space<semaphore_mem>>) {add = true}
    %dma_wait3A_194 = arith.constant 0 : i32
    %dma_wait3A_195 = arith.constant 0 : i32
    %dma_wait3A_196 = tpu.memref_slice %arg13[%dma_wait3A_194, %dma_wait3A_195] : memref<10112x128xf32, #tpu.memory_space<vmem_shared>> -> memref<10112x128xf32, #tpu.memory_space<vmem_shared>>
    tpu.wait_indirect_dma semaphore(%arg18 : memref<!tpu.dma_semaphore, #tpu.memory_space<semaphore_mem>>) src(%arg12 : memref<80x128xf32, #tpu.memory_space<vmem>>) dst(%dma_wait3A_196 : memref<10112x128xf32, #tpu.memory_space<vmem_shared>>)
    %mul3A_197 = arith.constant 10000 : i32
    %mul3A_198 = arith.muli %add3A, %mul3A_197 : i32
    %add3A_199 = arith.constant 9920 : i32
    %add3A_200 = arith.addi %mul3A_198, %add3A_199 : i32
    %dma_wait3A_201 = tpu.memref_slice %arg3[%add3A_200] : memref<320000xi32, #tpu.memory_space<hbm>> -> memref<80xi32, #tpu.memory_space<hbm>>
    %dma_wait3A_202 = tpu.memref_slice %arg3[%add3A_200] : memref<320000xi32, #tpu.memory_space<hbm>> -> memref<80xi32, #tpu.memory_space<hbm>>
    tpu.wait_dma2 semaphore(%arg14 : memref<!tpu.dma_semaphore, #tpu.memory_space<semaphore_mem>>) src(%dma_wait3A_202 : memref<80xi32, #tpu.memory_space<hbm>>) dst(%arg8 : memref<80xi32, #tpu.memory_space<vmem>>)
    %dma_start3A_203 = arith.constant 0 : i32
    %dma_start3A_204 = arith.constant 0 : i32
    %dma_start3A_205 = tpu.memref_slice %arg13[%dma_start3A_203, %dma_start3A_204] : memref<10112x128xf32, #tpu.memory_space<vmem_shared>> -> memref<10112x128xf32, #tpu.memory_space<vmem_shared>>
    tpu.enqueue_indirect_dma source(%arg12 : memref<80x128xf32, #tpu.memory_space<vmem>>) target(%dma_start3A_205 : memref<10112x128xf32, #tpu.memory_space<vmem_shared>>) offsets(%arg8 : memref<80xi32, #tpu.memory_space<vmem>>) semaphore(%arg18 : memref<!tpu.dma_semaphore, #tpu.memory_space<semaphore_mem>>) {add = true}
    %dma_wait3A_206 = arith.constant 0 : i32
    %dma_wait3A_207 = arith.constant 0 : i32
    %dma_wait3A_208 = tpu.memref_slice %arg13[%dma_wait3A_206, %dma_wait3A_207] : memref<10112x128xf32, #tpu.memory_space<vmem_shared>> -> memref<10112x128xf32, #tpu.memory_space<vmem_shared>>
    tpu.wait_indirect_dma semaphore(%arg18 : memref<!tpu.dma_semaphore, #tpu.memory_space<semaphore_mem>>) src(%arg12 : memref<80x128xf32, #tpu.memory_space<vmem>>) dst(%dma_wait3A_208 : memref<10112x128xf32, #tpu.memory_space<vmem_shared>>)
    %dma_wait3A_209 = arith.constant 0 : i32
    %dma_wait3A_210 = arith.constant 0 : i32
    %dma_wait3A_211 = tpu.memref_slice %arg13[%dma_wait3A_209, %dma_wait3A_210] : memref<10112x128xf32, #tpu.memory_space<vmem_shared>> -> memref<10112x128xf32, #tpu.memory_space<vmem_shared>>
    tpu.wait_indirect_dma semaphore(%arg18 : memref<!tpu.dma_semaphore, #tpu.memory_space<semaphore_mem>>) src(%arg12 : memref<80x128xf32, #tpu.memory_space<vmem>>) dst(%dma_wait3A_211 : memref<10112x128xf32, #tpu.memory_space<vmem_shared>>)
    %barrier3A_212 = arith.constant 0 : index
    tpu.barrier barrier_id(%barrier3A_212)
    %mul3A_213 = arith.constant 632 : i32
    %mul3A_214 = arith.muli %arg1, %mul3A_213 : i32
    %mul3A_215 = arith.constant 632 : i32
    %mul3A_216 = arith.muli %arg1, %mul3A_215 : i32
    "tpu.region"() ({
      %run_scoped3A = tpu.sem_alloc : memref<!tpu.dma_semaphore, #tpu.memory_space<semaphore_mem>>
      %dma_start3A_217 = arith.constant 0 : i32
      %dma_start3A_218 = tpu.memref_slice %arg7[%arg0, %mul3A_216, %dma_start3A_217] : memref<2x10112x128xf32, #tpu.memory_space<hbm>> -> memref<1x632x128xf32, #tpu.memory_space<hbm>>
      %dma_start3A_219 = tpu.memref_squeeze %dma_start3A_218 : memref<1x632x128xf32, #tpu.memory_space<hbm>> -> memref<632x128xf32, #tpu.memory_space<hbm>>
      %dma_start3A_220 = arith.constant 0 : i32
      %dma_start3A_221 = tpu.memref_slice %arg13[%mul3A_214, %dma_start3A_220] : memref<10112x128xf32, #tpu.memory_space<vmem_shared>> -> memref<632x128xf32, #tpu.memory_space<vmem_shared>>
      tpu.enqueue_dma source(%dma_start3A_221 : memref<632x128xf32, #tpu.memory_space<vmem_shared>>) target(%dma_start3A_219 : memref<632x128xf32, #tpu.memory_space<hbm>>) target_semaphore(%run_scoped3A : memref<!tpu.dma_semaphore, #tpu.memory_space<semaphore_mem>>)
      %dma_wait3A_222 = arith.constant 0 : i32
      %dma_wait3A_223 = tpu.memref_slice %arg7[%arg0, %mul3A_216, %dma_wait3A_222] : memref<2x10112x128xf32, #tpu.memory_space<hbm>> -> memref<1x632x128xf32, #tpu.memory_space<hbm>>
      %dma_wait3A_224 = tpu.memref_squeeze %dma_wait3A_223 : memref<1x632x128xf32, #tpu.memory_space<hbm>> -> memref<632x128xf32, #tpu.memory_space<hbm>>
      %dma_wait3A_225 = arith.constant 0 : i32
      %dma_wait3A_226 = tpu.memref_slice %arg13[%mul3A_214, %dma_wait3A_225] : memref<10112x128xf32, #tpu.memory_space<vmem_shared>> -> memref<632x128xf32, #tpu.memory_space<vmem_shared>>
      tpu.wait_dma2 semaphore(%run_scoped3A : memref<!tpu.dma_semaphore, #tpu.memory_space<semaphore_mem>>) src(%dma_wait3A_226 : memref<632x128xf32, #tpu.memory_space<vmem_shared>>) dst(%dma_wait3A_224 : memref<632x128xf32, #tpu.memory_space<hbm>>)
      tpu.yield
    }) : () -> ()
    return
  }
}

module attributes {stable_mosaic.version = 14 : i64} {
  func.func @body(%arg0: i32, %arg1: memref<1000x128xf32, #tpu.memory_space<vmem>>, %arg2: memref<128x128xf32, #tpu.memory_space<vmem>>, %arg3: memref<2x1000x128xf32, #tpu.memory_space<vmem>>, %arg4: memref<2x1000x128xf32, #tpu.memory_space<vmem>>, %arg5: memref<1000x128xf32, #tpu.memory_space<vmem>>, %arg6: memref<1000x1xf32, #tpu.memory_space<vmem>>, %arg7: memref<1000x1xf32, #tpu.memory_space<vmem>>) attributes {dimension_semantics = [#tpu.dimension_semantics<arbitrary>], iteration_bounds = array<i64: 10>, scalar_prefetch = 0 : i64, scratch_operands = 0 : i64, tpu.core_type = #tpu.core_type<tc>, window_params = [{transform_indices = @transform_0, window_bounds = array<i64: 1000, 128>}, {pipeline_mode = #tpu.pipeline_mode<synchronous>, transform_indices = @transform_1, window_bounds = array<i64: 128, 128>}, {transform_indices = @transform_2, window_bounds = array<i64: 2, 1000, 128>}, {transform_indices = @transform_3, window_bounds = array<i64: 2, 1000, 128>}, {transform_indices = @transform_4, window_bounds = array<i64: 1000, 128>}, {transform_indices = @transform_5, window_bounds = array<i64: 1000, 1>}, {transform_indices = @transform_6, window_bounds = array<i64: 1000, 1>}]} {
    %get3A = arith.constant 0 : index
    %get3A_0 = arith.constant 0 : index
    %get3A_1 = arith.constant 0 : index
    %get3A_2 = vector.load %arg3[%get3A, %get3A_0, %get3A_1] : memref<2x1000x128xf32, #tpu.memory_space<vmem>>, vector<1x1000x1xf32>
    %get3A_3 = vector.shape_cast %get3A_2 : vector<1x1000x1xf32> to vector<1000x1xf32>
    %get3A_4 = arith.constant 1 : index
    %get3A_5 = arith.constant 0 : index
    %get3A_6 = arith.constant 0 : index
    %get3A_7 = vector.load %arg3[%get3A_4, %get3A_5, %get3A_6] : memref<2x1000x128xf32, #tpu.memory_space<vmem>>, vector<1x1000x1xf32>
    %get3A_8 = vector.shape_cast %get3A_7 : vector<1x1000x1xf32> to vector<1000x1xf32>
    %add3A = arith.addf %get3A_3, %get3A_8 : vector<1000x1xf32>
    %get3A_9 = arith.constant 0 : index
    %get3A_10 = arith.constant 0 : index
    %get3A_11 = arith.constant 0 : index
    %get3A_12 = vector.load %arg4[%get3A_9, %get3A_10, %get3A_11] : memref<2x1000x128xf32, #tpu.memory_space<vmem>>, vector<1x1000x1xf32>
    %get3A_13 = vector.shape_cast %get3A_12 : vector<1x1000x1xf32> to vector<1000x1xf32>
    %get3A_14 = arith.constant 1 : index
    %get3A_15 = arith.constant 0 : index
    %get3A_16 = arith.constant 0 : index
    %get3A_17 = vector.load %arg4[%get3A_14, %get3A_15, %get3A_16] : memref<2x1000x128xf32, #tpu.memory_space<vmem>>, vector<1x1000x1xf32>
    %get3A_18 = vector.shape_cast %get3A_17 : vector<1x1000x1xf32> to vector<1000x1xf32>
    %add3A_19 = arith.addf %get3A_13, %get3A_18 : vector<1000x1xf32>
    %max3A = arith.constant 1.000000e+00 : f32
    %max3A_20 = vector.broadcast %max3A : f32 to vector<1000x1xf32>
    %max3A_21 = arith.maximumf %add3A, %max3A_20 : vector<1000x1xf32>
    %rsqrt3A = math.rsqrt %max3A_21 : vector<1000x1xf32>
    %max3A_22 = arith.constant 1.000000e+00 : f32
    %max3A_23 = vector.broadcast %max3A_22 : f32 to vector<1000x1xf32>
    %max3A_24 = arith.maximumf %add3A_19, %max3A_23 : vector<1000x1xf32>
    %rsqrt3A_25 = math.rsqrt %max3A_24 : vector<1000x1xf32>
    %get3A_26 = arith.constant 0 : index
    %get3A_27 = arith.constant 0 : index
    %get3A_28 = vector.load %arg1[%get3A_26, %get3A_27] : memref<1000x128xf32, #tpu.memory_space<vmem>>, vector<1000x128xf32>
    %get3A_29 = arith.constant 0 : index
    %get3A_30 = arith.constant 0 : index
    %get3A_31 = vector.load %arg2[%get3A_29, %get3A_30] : memref<128x128xf32, #tpu.memory_space<vmem>>, vector<128x128xf32>
    %dot_general3A = arith.constant dense<0.000000e+00> : vector<1000x128xf32>
    %dot_general3A_32 = tpu.matmul %get3A_28, %get3A_31, %dot_general3A {dimension_numbers = #tpu.dot_dimension_numbers<[1], [0], [0], [1], [0, 0, 1, 1], [], []>, transpose_lhs_hint = false} : vector<1000x128xf32>, vector<128x128xf32>, vector<1000x128xf32> -> vector<1000x128xf32>
    %mul3A = vector.broadcast %rsqrt3A : vector<1000x1xf32> to vector<1000x128xf32>
    %mul3A_33 = arith.mulf %dot_general3A_32, %mul3A : vector<1000x128xf32>
    %swap3A = arith.constant 0 : index
    %swap3A_34 = arith.constant 0 : index
    %swap3A_35 = vector.load %arg5[%swap3A, %swap3A_34] : memref<1000x128xf32, #tpu.memory_space<vmem>>, vector<1000x128xf32>
    tpu.vector_store %arg5[%swap3A, %swap3A_34], %mul3A_33 {strides = array<i32>} : memref<1000x128xf32, #tpu.memory_space<vmem>>, vector<1000x128xf32>,
    %swap3A_36 = arith.constant 0 : index
    %swap3A_37 = arith.constant 0 : index
    %swap3A_38 = vector.load %arg6[%swap3A_36, %swap3A_37] : memref<1000x1xf32, #tpu.memory_space<vmem>>, vector<1000x1xf32>
    tpu.vector_store %arg6[%swap3A_36, %swap3A_37], %rsqrt3A {strides = array<i32>} : memref<1000x1xf32, #tpu.memory_space<vmem>>, vector<1000x1xf32>,
    %swap3A_39 = arith.constant 0 : index
    %swap3A_40 = arith.constant 0 : index
    %swap3A_41 = vector.load %arg7[%swap3A_39, %swap3A_40] : memref<1000x1xf32, #tpu.memory_space<vmem>>, vector<1000x1xf32>
    tpu.vector_store %arg7[%swap3A_39, %swap3A_40], %rsqrt3A_25 {strides = array<i32>} : memref<1000x1xf32, #tpu.memory_space<vmem>>, vector<1000x1xf32>,
    return
  }
  func.func @transform_0(%arg0: i32) -> (i32, i32) {
    %c0_i32 = arith.constant 0 : i32
    %c0_i32_0 = arith.constant 0 : i32
    return %arg0, %c0_i32 : i32, i32
  }
  func.func @transform_1(%arg0: i32) -> (i32, i32) {
    %c0_i32 = arith.constant 0 : i32
    %c0_i32_0 = arith.constant 0 : i32
    %c0_i32_1 = arith.constant 0 : i32
    return %c0_i32, %c0_i32_0 : i32, i32
  }
  func.func @transform_2(%arg0: i32) -> (i32, i32, i32) {
    %c0_i32 = arith.constant 0 : i32
    %c0_i32_0 = arith.constant 0 : i32
    %c0_i32_1 = arith.constant 0 : i32
    return %c0_i32, %arg0, %c0_i32_0 : i32, i32, i32
  }
  func.func @transform_3(%arg0: i32) -> (i32, i32, i32) {
    %c0_i32 = arith.constant 0 : i32
    %c0_i32_0 = arith.constant 0 : i32
    %c0_i32_1 = arith.constant 0 : i32
    return %c0_i32, %arg0, %c0_i32_0 : i32, i32, i32
  }
  func.func @transform_4(%arg0: i32) -> (i32, i32) {
    %c0_i32 = arith.constant 0 : i32
    %c0_i32_0 = arith.constant 0 : i32
    return %arg0, %c0_i32 : i32, i32
  }
  func.func @transform_5(%arg0: i32) -> (i32, i32) {
    %c0_i32 = arith.constant 0 : i32
    %c0_i32_0 = arith.constant 0 : i32
    return %arg0, %c0_i32 : i32, i32
  }
  func.func @transform_6(%arg0: i32) -> (i32, i32) {
    %c0_i32 = arith.constant 0 : i32
    %c0_i32_0 = arith.constant 0 : i32
    return %arg0, %c0_i32 : i32, i32
  }
}

module attributes {stable_mosaic.version = 14 : i64} {
  func.func @body(%arg0: i32, %arg1: memref<2x1000x128xf32, #tpu.memory_space<vmem>>, %arg2: memref<1000x1xf32, #tpu.memory_space<vmem>>, %arg3: memref<1x128xf32, #tpu.memory_space<vmem>>, %arg4: memref<1000x1xf32, #tpu.memory_space<vmem>>, %arg5: memref<128x128xf32, #tpu.memory_space<vmem>>, %arg6: memref<1000x128xf32, #tpu.memory_space<vmem>>) attributes {dimension_semantics = [#tpu.dimension_semantics<arbitrary>], iteration_bounds = array<i64: 10>, scalar_prefetch = 0 : i64, scratch_operands = 0 : i64, tpu.core_type = #tpu.core_type<tc>, window_params = [{transform_indices = @transform_0, window_bounds = array<i64: 2, 1000, 128>}, {transform_indices = @transform_1, window_bounds = array<i64: 1000, 1>}, {pipeline_mode = #tpu.pipeline_mode<synchronous>, transform_indices = @transform_2, window_bounds = array<i64: 1, 128>}, {transform_indices = @transform_3, window_bounds = array<i64: 1000, 1>}, {pipeline_mode = #tpu.pipeline_mode<synchronous>, transform_indices = @transform_4, window_bounds = array<i64: 128, 128>}, {transform_indices = @transform_5, window_bounds = array<i64: 1000, 128>}]} {
    %get3A = arith.constant 0 : index
    %get3A_0 = arith.constant 0 : index
    %get3A_1 = arith.constant 0 : index
    %get3A_2 = vector.load %arg1[%get3A, %get3A_0, %get3A_1] : memref<2x1000x128xf32, #tpu.memory_space<vmem>>, vector<1x1000x128xf32>
    %get3A_3 = vector.shape_cast %get3A_2 : vector<1x1000x128xf32> to vector<1000x128xf32>
    %get3A_4 = arith.constant 1 : index
    %get3A_5 = arith.constant 0 : index
    %get3A_6 = arith.constant 0 : index
    %get3A_7 = vector.load %arg1[%get3A_4, %get3A_5, %get3A_6] : memref<2x1000x128xf32, #tpu.memory_space<vmem>>, vector<1x1000x128xf32>
    %get3A_8 = vector.shape_cast %get3A_7 : vector<1x1000x128xf32> to vector<1000x128xf32>
    %add3A = arith.addf %get3A_3, %get3A_8 : vector<1000x128xf32>
    %get3A_9 = arith.constant 0 : index
    %get3A_10 = arith.constant 0 : index
    %get3A_11 = vector.load %arg2[%get3A_9, %get3A_10] : memref<1000x1xf32, #tpu.memory_space<vmem>>, vector<1000x1xf32>
    %mul3A = vector.broadcast %get3A_11 : vector<1000x1xf32> to vector<1000x128xf32>
    %mul3A_12 = arith.mulf %add3A, %mul3A : vector<1000x128xf32>
    %get3A_13 = arith.constant 0 : index
    %get3A_14 = arith.constant 0 : index
    %get3A_15 = vector.load %arg3[%get3A_13, %get3A_14] : memref<1x128xf32, #tpu.memory_space<vmem>>, vector<1x128xf32>
    %add3A_16 = vector.broadcast %get3A_15 : vector<1x128xf32> to vector<1000x128xf32>
    %add3A_17 = arith.addf %mul3A_12, %add3A_16 : vector<1000x128xf32>
    %max3A = arith.constant 0.000000e+00 : f32
    %max3A_18 = vector.broadcast %max3A : f32 to vector<1000x128xf32>
    %max3A_19 = arith.maximumf %add3A_17, %max3A_18 : vector<1000x128xf32>
    %get3A_20 = arith.constant 0 : index
    %get3A_21 = arith.constant 0 : index
    %get3A_22 = vector.load %arg5[%get3A_20, %get3A_21] : memref<128x128xf32, #tpu.memory_space<vmem>>, vector<128x128xf32>
    %dot_general3A = arith.constant dense<0.000000e+00> : vector<1000x128xf32>
    %dot_general3A_23 = tpu.matmul %max3A_19, %get3A_22, %dot_general3A {dimension_numbers = #tpu.dot_dimension_numbers<[1], [0], [0], [1], [0, 0, 1, 1], [], []>, transpose_lhs_hint = false} : vector<1000x128xf32>, vector<128x128xf32>, vector<1000x128xf32> -> vector<1000x128xf32>
    %get3A_24 = arith.constant 0 : index
    %get3A_25 = arith.constant 0 : index
    %get3A_26 = vector.load %arg4[%get3A_24, %get3A_25] : memref<1000x1xf32, #tpu.memory_space<vmem>>, vector<1000x1xf32>
    %mul3A_27 = vector.broadcast %get3A_26 : vector<1000x1xf32> to vector<1000x128xf32>
    %mul3A_28 = arith.mulf %dot_general3A_23, %mul3A_27 : vector<1000x128xf32>
    %swap3A = arith.constant 0 : index
    %swap3A_29 = arith.constant 0 : index
    %swap3A_30 = vector.load %arg6[%swap3A, %swap3A_29] : memref<1000x128xf32, #tpu.memory_space<vmem>>, vector<1000x128xf32>
    tpu.vector_store %arg6[%swap3A, %swap3A_29], %mul3A_28 {strides = array<i32>} : memref<1000x128xf32, #tpu.memory_space<vmem>>, vector<1000x128xf32>,
    return
  }
  func.func @transform_0(%arg0: i32) -> (i32, i32, i32) {
    %c0_i32 = arith.constant 0 : i32
    %c0_i32_0 = arith.constant 0 : i32
    %c0_i32_1 = arith.constant 0 : i32
    return %c0_i32, %arg0, %c0_i32_0 : i32, i32, i32
  }
  func.func @transform_1(%arg0: i32) -> (i32, i32) {
    %c0_i32 = arith.constant 0 : i32
    %c0_i32_0 = arith.constant 0 : i32
    return %arg0, %c0_i32 : i32, i32
  }
  func.func @transform_2(%arg0: i32) -> (i32, i32) {
    %c0_i32 = arith.constant 0 : i32
    %c0_i32_0 = arith.constant 0 : i32
    %c0_i32_1 = arith.constant 0 : i32
    return %c0_i32, %c0_i32_0 : i32, i32
  }
  func.func @transform_3(%arg0: i32) -> (i32, i32) {
    %c0_i32 = arith.constant 0 : i32
    %c0_i32_0 = arith.constant 0 : i32
    return %arg0, %c0_i32 : i32, i32
  }
  func.func @transform_4(%arg0: i32) -> (i32, i32) {
    %c0_i32 = arith.constant 0 : i32
    %c0_i32_0 = arith.constant 0 : i32
    %c0_i32_1 = arith.constant 0 : i32
    return %c0_i32, %c0_i32_0 : i32, i32
  }
  func.func @transform_5(%arg0: i32) -> (i32, i32) {
    %c0_i32 = arith.constant 0 : i32
    %c0_i32_0 = arith.constant 0 : i32
    return %arg0, %c0_i32 : i32, i32
  }
}

module attributes {stable_mosaic.version = 14 : i64} {
  func.func @body(%arg0: i32, %arg1: memref<2x1000x128xf32, #tpu.memory_space<vmem>>, %arg2: memref<1000x1xf32, #tpu.memory_space<vmem>>, %arg3: memref<1x128xf32, #tpu.memory_space<vmem>>, %arg4: memref<1000x128xf32, #tpu.memory_space<vmem>>) attributes {dimension_semantics = [#tpu.dimension_semantics<arbitrary>], iteration_bounds = array<i64: 10>, scalar_prefetch = 0 : i64, scratch_operands = 0 : i64, tpu.core_type = #tpu.core_type<tc>, window_params = [{transform_indices = @transform_0, window_bounds = array<i64: 2, 1000, 128>}, {transform_indices = @transform_1, window_bounds = array<i64: 1000, 1>}, {pipeline_mode = #tpu.pipeline_mode<synchronous>, transform_indices = @transform_2, window_bounds = array<i64: 1, 128>}, {transform_indices = @transform_3, window_bounds = array<i64: 1000, 128>}]} {
    %get3A = arith.constant 0 : index
    %get3A_0 = arith.constant 0 : index
    %get3A_1 = arith.constant 0 : index
    %get3A_2 = vector.load %arg1[%get3A, %get3A_0, %get3A_1] : memref<2x1000x128xf32, #tpu.memory_space<vmem>>, vector<1x1000x128xf32>
    %get3A_3 = vector.shape_cast %get3A_2 : vector<1x1000x128xf32> to vector<1000x128xf32>
    %get3A_4 = arith.constant 1 : index
    %get3A_5 = arith.constant 0 : index
    %get3A_6 = arith.constant 0 : index
    %get3A_7 = vector.load %arg1[%get3A_4, %get3A_5, %get3A_6] : memref<2x1000x128xf32, #tpu.memory_space<vmem>>, vector<1x1000x128xf32>
    %get3A_8 = vector.shape_cast %get3A_7 : vector<1x1000x128xf32> to vector<1000x128xf32>
    %add3A = arith.addf %get3A_3, %get3A_8 : vector<1000x128xf32>
    %get3A_9 = arith.constant 0 : index
    %get3A_10 = arith.constant 0 : index
    %get3A_11 = vector.load %arg2[%get3A_9, %get3A_10] : memref<1000x1xf32, #tpu.memory_space<vmem>>, vector<1000x1xf32>
    %mul3A = vector.broadcast %get3A_11 : vector<1000x1xf32> to vector<1000x128xf32>
    %mul3A_12 = arith.mulf %add3A, %mul3A : vector<1000x128xf32>
    %get3A_13 = arith.constant 0 : index
    %get3A_14 = arith.constant 0 : index
    %get3A_15 = vector.load %arg3[%get3A_13, %get3A_14] : memref<1x128xf32, #tpu.memory_space<vmem>>, vector<1x128xf32>
    %add3A_16 = vector.broadcast %get3A_15 : vector<1x128xf32> to vector<1000x128xf32>
    %add3A_17 = arith.addf %mul3A_12, %add3A_16 : vector<1000x128xf32>
    %max3A = arith.constant 0.000000e+00 : f32
    %max3A_18 = vector.broadcast %max3A : f32 to vector<1000x128xf32>
    %max3A_19 = arith.maximumf %add3A_17, %max3A_18 : vector<1000x128xf32>
    %swap3A = arith.constant 0 : index
    %swap3A_20 = arith.constant 0 : index
    %swap3A_21 = vector.load %arg4[%swap3A, %swap3A_20] : memref<1000x128xf32, #tpu.memory_space<vmem>>, vector<1000x128xf32>
    tpu.vector_store %arg4[%swap3A, %swap3A_20], %max3A_19 {strides = array<i32>} : memref<1000x128xf32, #tpu.memory_space<vmem>>, vector<1000x128xf32>,
    return
  }
  func.func @transform_0(%arg0: i32) -> (i32, i32, i32) {
    %c0_i32 = arith.constant 0 : i32
    %c0_i32_0 = arith.constant 0 : i32
    %c0_i32_1 = arith.constant 0 : i32
    return %c0_i32, %arg0, %c0_i32_0 : i32, i32, i32
  }
  func.func @transform_1(%arg0: i32) -> (i32, i32) {
    %c0_i32 = arith.constant 0 : i32
    %c0_i32_0 = arith.constant 0 : i32
    return %arg0, %c0_i32 : i32, i32
  }
  func.func @transform_2(%arg0: i32) -> (i32, i32) {
    %c0_i32 = arith.constant 0 : i32
    %c0_i32_0 = arith.constant 0 : i32
    %c0_i32_1 = arith.constant 0 : i32
    return %c0_i32, %c0_i32_0 : i32, i32
  }
  func.func @transform_3(%arg0: i32) -> (i32, i32) {
    %c0_i32 = arith.constant 0 : i32
    %c0_i32_0 = arith.constant 0 : i32
    return %arg0, %c0_i32 : i32, i32
  }
}

</mosaic_0001>

<sc_bundles>
// kernel: kernel.11.cloned.1.call-start
scs
__scs_entry_jumppad:
0x0: {  	(pc) =	sbr.rel $0x88, $3  }
0x1: {  	(tag) =	ssettag $0x0;
	lr =	simm.s32 $0x1  }
0x2: {  	[smem:$0x3F9B] =	sst lr;
	_ =	strace $0xD0000000  }
0x3: {  	_ = 	snop  }
0x4: {  	_ = 	snop  }
0x5: {  	_ = 	snop  }
0x6: {  	_ = 	snop  }
0x7: {  	_ = 	snop  }
__scs_overlays_trampoline_lowered:
0x8: {  	[smem:$0x3FAA] =	sst s0  }
0x9: {  	[smem:$0x3FAB] =	sst s1  }
0xa: {  	[smem:$0x3FAC] =	sst s2  }
0xb: {  	[smem:$0x3FAD] =	sst s3  }
0xc: {  	[smem:$0x3FAE] =	sst s4  }
0xd: {  	[smem:$0x3FAF] =	sst s5  }
0xe: {  	[smem:$0x3FB0] =	sst s6  }
0xf: {  	[smem:$0x3FB1] =	sst s7  }
0x10: {  	[smem:$0x3FB2] =	sst s8  }
0x11: {  	[smem:$0x3FB3] =	sst s9;
	s0 =	simm.s32 @!p0 $0x0  }
0x12: {  	s1 =	sld [smem:$0x3F99];
	s0 =	simm.s32 @p0 $0x1  }
0x13: {  	[smem:$0x3FB4] =	sst s0;
	s0 =	simm.s32 @!p1 $0x0  }
0x14: {  	s2 =	sld [smem:$0x3F98];
	s0 =	simm.s32 @p1 $0x1  }
0x15: {  	[smem:$0x3FB5] =	sst s0;
	s0 =	simm.s32 @!p2 $0x0  }
0x16: {  	s3 =	sld [smem:$0x3FDB];
	s0 =	simm.s32 @p2 $0x1  }
0x17: {  	s4 =	simm.s32 $0x1BF5;
	[smem:$0x3FB7] =	sst s0  }
0x18: {  	s0 =	sld [smem:$0x3F9A];
	_ =	swait.ge [sflag:s4], $0x0  }
0x19: {  	s7 =	sld [smem:$0x3F9B]  }
0x1a: {  	s8 =	sadd.s32 $0xFFFFE003, lr  }
0x1b: {  	s9 =	sadd.s32 $0xFFFFFEF7, lr;
	s5 =	simm.s32 $0xFFFFFFFF;
	p2 =	slt.u32 s8, $0xFFFFF086  }
0x1c: {  	p1 =	slt.u32 s9, $0xF7A;
	s5 =	simm.s32 @!p2 $0x0  }
0x1d: {  	s5 =	simm.s32 @p1 $0x1;
	p0 =	seq.s32 s7, s2  }
0x1e: {  	s7 =	smul.u32 @!p0 $0xF7A, s2;
	p2 =	seq.s32 @!p0 s5, $0x0  }
0x1f: {  	s9 =	smul.u32 $0xF7A, s1;
	s8 =	simm.s32 @!p0 $0x1BF5;
	p2 =	por !p2, p0  }
0x20: {  	[sflag:s8] =	ssyncset.s32 @!p0 $0xFFFFF086;
	s6 =	sadd.s32 @!p0 s3, s7;
	s7 =	simm.s32 @!p0 $0x108  }
0x21: {  	s3 =	sadd.s32 s3, s9;
	s6 =	sadd.s32 @!p0 $0x88, s6;
	s7 =	simm.s32 @p2 $0x1082  }
0x22: {  	[simem:s7], [sflag:s8] =	dma.local @!p0 [hbm:s6], $0xF7A  }
0x23: {  	s9 =	sor.u32 $0xD0000000, s2;
	s6 =	simm.s32 $0x108;
	_ =	swait.ge @!p0 [sflag:s8], $0x0  }
0x24: {  	s3 =	sadd.s32 $0x88, s3;
	s6 =	simm.s32 @!p1 $0x1082;
	[sflag:s4] =	ssyncset.s32 $0xFFFFF086  }
0x25: {  	[simem:s6], [sflag:s4] =	dma.local [hbm:s3], $0xF7A  }
0x26: {  	[smem:$0x3F9B] =	sst s1;
	(tag) =	ssettag s2;
	_ =	strace s9  }
0x27: {  	s1 =	sld [smem:$0x3FAB]  }
0x28: {  	s2 =	sld [smem:$0x3FAC]  }
0x29: {  	s4 =	sld [smem:$0x3FAE]  }
0x2a: {  	p0 =	seq.s32 s5, $0x0;
	s5 =	sld [smem:$0x3FAF]  }
0x2b: {  	s6 =	sld [smem:$0x3FB0]  }
0x2c: {  	s7 =	sld [smem:$0x3FB1]  }
0x2d: {  	s3 =	simm.s32 $0x108;
	s8 =	sld [smem:$0x3FB2]  }
0x2e: {  	s3 =	simm.s32 @!p0 $0x1082;
	s9 =	sld [smem:$0x3FB3]  }
0x2f: {  	lr =	sadd.s32 s0, s3;
	s0 =	sld [smem:$0x3FAA]  }
0x30: {  	s3 =	sld [smem:$0x3FAD]  }
0x31: {  	[smem:$0x3FB6] =	sst s10  }
0x32: {  	s10 =	sld [smem:$0x3FB4];
	_ =	sdelay $0x3  }
0x33: {  	p0 =	seq.s32 s10, $0x1;
	s10 =	sld [smem:$0x3FB6];
	_ =	sdelay $0x3  }
0x34: {  	[smem:$0x3FB6] =	sst s10  }
0x35: {  	s10 =	sld [smem:$0x3FB5];
	_ =	sdelay $0x3  }
0x36: {  	p1 =	seq.s32 s10, $0x1;
	s10 =	sld [smem:$0x3FB6];
	_ =	sdelay $0x3  }
0x37: {  	[smem:$0x3FB6] =	sst s10  }
0x38: {  	s10 =	sld [smem:$0x3FB7]  }
0x39: {  	_ = 	snop;
	(pc) =	sbr.ind lr, $3  }
0x3a: {  	_ = 	snop  }
0x3b: {  	_ = 	snop  }
0x3c: {  	p2 =	seq.s32 s10, $0x1;
	s10 =	sld [smem:$0x3FB6]  }
0x3d: {  	_ =	shalt  }
0x3e: {  	_ =	shalt  }
0x3f: {  	_ =	shalt  }
0x40: {  	_ =	shalt  }
0x41: {  	_ =	shalt  }
0x42: {  	_ =	shalt  }
0x43: {  	_ =	shalt  }
0x44: {  	_ =	shalt  }
0x45: {  	_ =	shalt  }
0x46: {  	_ =	shalt  }
0x47: {  	_ =	shalt  }
0x48: {  	_ =	shalt  }
0x49: {  	_ =	shalt  }
0x4a: {  	_ =	shalt  }
0x4b: {  	_ =	shalt  }
0x4c: {  	_ =	shalt  }
0x4d: {  	_ =	shalt  }
0x4e: {  	_ =	shalt  }
0x4f: {  	_ =	shalt  }
0x50: {  	_ =	shalt  }
0x51: {  	_ =	shalt  }
0x52: {  	_ =	shalt  }
0x53: {  	_ =	shalt  }
0x54: {  	_ =	shalt  }
0x55: {  	_ =	shalt  }
0x56: {  	_ =	shalt  }
0x57: {  	_ =	shalt  }
0x58: {  	_ =	shalt  }
0x59: {  	_ =	shalt  }
0x5a: {  	_ =	shalt  }
0x5b: {  	_ =	shalt  }
0x5c: {  	_ =	shalt  }
0x5d: {  	_ =	shalt  }
0x5e: {  	_ =	shalt  }
0x5f: {  	_ =	shalt  }
0x60: {  	_ =	shalt  }
0x61: {  	_ =	shalt  }
0x62: {  	_ =	shalt  }
0x63: {  	_ =	shalt  }
0x64: {  	_ =	shalt  }
0x65: {  	_ =	shalt  }
0x66: {  	_ =	shalt  }
0x67: {  	_ =	shalt  }
0x68: {  	_ =	shalt  }
0x69: {  	_ =	shalt  }
0x6a: {  	_ =	shalt  }
0x6b: {  	_ =	shalt  }
0x6c: {  	_ =	shalt  }
0x6d: {  	_ =	shalt  }
0x6e: {  	_ =	shalt  }
0x6f: {  	_ =	shalt  }
0x70: {  	_ =	shalt  }
0x71: {  	_ =	shalt  }
0x72: {  	_ =	shalt  }
0x73: {  	_ =	shalt  }
0x74: {  	_ =	shalt  }
0x75: {  	_ =	shalt  }
0x76: {  	_ =	shalt  }
0x77: {  	_ =	shalt  }
0x78: {  	_ =	shalt  }
0x79: {  	_ =	shalt  }
0x7a: {  	_ =	shalt  }
0x7b: {  	_ =	shalt  }
0x7c: {  	_ =	shalt  }
0x7d: {  	_ =	shalt  }
0x7e: {  	_ =	shalt  }
0x7f: {  	_ =	shalt  }
0x80: {  	_ =	shalt  }
0x81: {  	_ =	shalt  }
0x82: {  	_ =	shalt  }
0x83: {  	_ =	shalt  }
0x84: {  	_ =	shalt  }
0x85: {  	_ =	shalt  }
0x86: {  	_ =	shalt  }
0x87: {  	_ =	shalt  }
.Lfunc_end0:
.L_simem_size_0:
called_computation.1_lowered:
.L_overlay_start_0:
0x88: {  	s2 =	sld [smem:$0x3FD9]  }
0x89: {  	s3 =	sld [smem:$0x3FFE];
	_ =	sdelay $0x1  }
0x8a: {  	s1 =	srdreg.scid  }
0x8b: {  	s0 =	sand.u32 $0x1, s1  }
0x8c: {  	s17 =	sshll.u32 s0, $0xA;
	s2 =	sadd.s32 s3, s2  }
0x8d: {  	s2 =	sadd.s32 s2, s17  }
0x8e: {  	[smem:$0x3FC2] =	sst s2  }
0x8f: {  	_ = 	snop  }
0x90: {  	s2 =	sld [smem:$0x3FD0];
	(tm) =	ssettm $0x1  }
0x91: {  	s18 =	sld [smem:$0x3FFB];
	_ =	sdelay $0x3  }
0x92: {  	_ =	strace s18  }
0x93: {  	s3 =	sld [smem:$0x3FFC];
	_ =	sdelay $0x3  }
0x94: {  	_ =	strace s3  }
0x95: {  	s3 =	sld [smem:$0x3FFD];
	_ =	sdelay $0x3  }
0x96: {  	_ =	strace s3  }
0x97: {  	_ =	strace $0x8FFFFFFF  }
0x98: {  	s19 =	sld [smem:$0x3FDB];
	_ =	sdelay $0x1  }
0x99: {  	s4 =	simm.s32 $_scs_section_size  }
0x9a: {  	s5 =	simm.s32 $_size__tile_overlayer_lowered;
	s6 =	simm.s32 $_tile_overlayer_lowered  }
0x9b: {  	s22 =	simm.s32 $0x1BFF;
	s21 =	sshll.u32 s6, $0x1;
	s3 =	sadd.s32 s4, s19  }
0x9c: {  	s7 =	simm.s32 $0x0;
	s20 =	sshll.u32 s5, $0x1;
	s5 =	sadd.s32 s21, s3  }
0x9d: {  	[timem:s7], [sflag:s22] =	dma.local [hbm:s5], s20  }
0x9e: {  	_ =	swait.ge [sflag:s22], s20  }
0x9f: {  	s4 =	ssub.s32 $0x0, s20;
	[sflag:s22] =	ssyncset.done $0x0  }
0xa0: {  	[sflag:s22] =	ssyncadd.s32 s4;
	_ =	sdelay $0x1  }
0xa1: {  	s23 =	simm.s32 $0x1B8B  }
0xa2: {  	_ =	swait.ge [sflag:s23], $0x1  }
0xa3: {  	[sflag:s23] =	ssyncset.done $0x0  }
0xa4: {  	s25 =	simm.s32 $0x1B8E;
	s24 =	sld [smem:$0x3FFE];
	[sflag:s23] =	ssyncadd.s32 $0xFFFFFFFF  }
0xa5: {  	s26 =	simm.s32 $execute0_lowered;
	[smem:$0x3FD2] =	sst s25  }
0xa6: {  	s5 =	sshll.u32 s26, $0x1;
	_ =	strace $0x80000049;
	[dreg:$0x1] =	wrdreg $0xFFFFFFFF  }
0xa7: {  	s28 =	simm.s32 $_size_execute0_lowered;
	s3 =	sadd.s32 s3, s5;
	[dreg:$0x0] =	wrdreg $0x0  }
0xa8: {  	s5 =	sshll.u32 s28, $0x1;
	[dreg:$0x2] =	wrdreg s3  }
0xa9: {  	[dreg:$0x3] =	wrdreg s5  }
0xaa: {  	[dreg:$0x4] =	wrdreg $0xC0  }
0xab: {  	_ =	task [dreg:s7], $0x5FFFF  }
0xac: {  	[dreg:$0x1] =	wrdreg $0xFFFFFFFF  }
0xad: {  	[dreg:$0x0] =	wrdreg $0x60  }
0xae: {  	[dreg:$0x2] =	wrdreg s2  }
0xaf: {  	[dreg:$0x3] =	wrdreg s24  }
0xb0: {  	[dreg:$0x4] =	wrdreg $0x54000  }
0xb1: {  	[dreg:$0x5] =	wrdreg $0x9  }
0xb2: {  	_ =	task.clear_ibuf [dreg:s7], $0x6FFFF;
	_ =	strace $0x90000049  }
0xb3: {  	s29 =	simm.s32 $0x9;
	_ =	strace $0x8000004B  }
0xb4: {  	_ =	swait.ge [sflag:s29], $0x1  }
0xb5: {  	[sflag:s29] =	ssyncadd.s32 $0xFFFFFFFF  }
0xb6: {  	_ =	strace $0x9000004B  }
0xb7: {  	_ =	sfence  }
0xb8: {  	s30 =	sld [smem:$0x0];
	_ =	sdelay $0x2  }
0xb9: {  	s31 =	sshll.u32 s1, $0xD;
	s1 =	sshrl.u32 s1, $0x2  }
0xba: {  	s3 =	sand.u32 $0x4000, s31;
	s1 =	sadd.s32 s1, s30  }
0xbb: {  	s0 =	sor.u32 s3, s0;
	s1 =	sshll.u32 s1, $0x11  }
0xbc: {  	s0 =	sor.u32 s1, s0  }
0xbd: {  	s0 =	sadd.s32 $0x8F2B, s0  }
0xbe: {  	[sflag:s0] =	ssyncadd.remote.s32 $0x1  }
0xbf: {  	_ =	sfence.sel $0xFFFF  }
0xc0: {  	[dreg:$0x0] =	wrdreg $0xFFFFFFFF;
	(pc) =	sbr.abs _section_cstart, $3  }
0xc1: {  	[dreg:$0x1] =	wrdreg $0xFFFFFFFF  }
0xc2: {  	_ =	task.clear_ibuf [dreg:s7], $0x2FFFF;
	_ =	strace $0x9FFFFFFF  }
0xc3: {  	(tm) =	ssettm $0x7FFFFFFF  }
tec
execute0_lowered:
.L_overlay_start_1:
0x0: {  	(tag) =	ssettag $0x1  }
0x1: {  	s1 =	rddreg [dreg:$0x0]  }
0x2: {  	s0 =	rddreg [dreg:$0x1]  }
0x3: {  	s2 =	rddreg [dreg:$0x2];
	s3 =	srdreg.scid;
	s4 =	simm.s32 $0x0  }
0x4: {  	s12 =	stileid.u32;
	s28 =	simm.s32 $0x200;
	s29 =	simm.s32 $0x280  }
0x5: {  	s30 =	simm.s32 $0x1;
	s31 =	simm.s32 $0x50;
	s3 =	sand.u32 $0x1, s3  }
0x6: {  	[smem:$0x7FF] =	sst s4;
	s8 =	smul.u32 $0x13C00, s12;
	s5 =	sadd.s32 $0xBE00, s0  }
0x7: {  	s6 =	sadd.s32 $0x2000, s0;
	s9 =	sadd.s32 $0x15C00, s0;
	s10 =	smul.u32 $0x4F000, s12  }
0x8: {  	s14 =	sshll.u32 s12, $0x1;
	s17 =	sshll.u32 s12, $0x6;
	s19 =	smul.u32 $0x4E20, s12  }
0x9: {  	s12 =	simm.s32 $0x6;
	s7 =	smul.u32 $0x13C000, s3;
	_ =	strace $0x8000004A  }
0xa: {  	[dreg:$0xa] =	wrdreg s9;
	s15 =	ssub.s32 $0x2, s3;
	s17 =	sor.u32 $0x1C07, s17  }
0xb: {  	s11 =	sshrl.u32 s15, $0x1;
	s16 =	sshrl.u32 s10, $0x2;
	[dreg:$0xc] =	wrdreg s17  }
0xc: {  	s7 =	sadd.s32 s8, s7;
	s8 =	sor.u32 s3, s14;
	s3 =	smul.u32 $0x2710, s3  }
0xd: {  	s9 =	sadd.s32 s16, s2;
	s7 =	sshrl.u32 s7, $0x3;
	s8 =	smul.u32 $0x2710, s8  }
0xe: {  	[dreg:$0xb] =	wrdreg s9;
	s0 =	sadd.s32 s7, s0;
	s7 =	ssub.s32 s15, s11  }
0xf: {  	s3 =	sadd.s32 s3, s19;
	s11 =	simm.s32 $0x2C00;
	s0 =	sadd.s32 $0x18400, s0  }
0x10: {  	s8 =	sshrl.u32 s8, $0x3;
	s7 =	smax.u32 s7, $0x1;
	[dreg:$0x17] =	wrdreg s0  }
0x11: {  	s10 =	sadd.s32 $0x190, s3;
	s18 =	sadd.s32 s5, s8;
	[dreg:$0x18] =	wrdreg s7  }
0x12: {  	s20 =	sadd.s32 s6, s8;
	s21 =	sadd.s32 $0xA, s8;
	[dreg:$0xd] =	wrdreg s18  }
0x13: {  	s19 =	sadd.s32 $0xF0, s3;
	[dreg:$0xe] =	wrdreg s20;
	s22 =	sadd.s32 s5, s21  }
0x14: {  	s24 =	sadd.s32 $0x4C4, s8;
	s23 =	sadd.s32 s6, s21;
	[dreg:$0xf] =	wrdreg s22  }
0x15: {  	s26 =	sadd.s32 $0x4CE, s8;
	s25 =	sadd.s32 s5, s24;
	[dreg:$0x10] =	wrdreg s23  }
0x16: {  	s8 =	sadd.s32 $0x4D8, s8;
	s13 =	sadd.s32 s6, s24;
	[dreg:$0x11] =	wrdreg s25  }
0x17: {  	s10 =	sshrl.u32 s10, $0x3;
	s14 =	sadd.s32 s5, s26;
	[dreg:$0x12] =	wrdreg s13  }
0x18: {  	s0 =	simm.s32 $0x400;
	s15 =	sadd.s32 s6, s26;
	[dreg:$0x13] =	wrdreg s14  }
0x19: {  	s7 =	simm.s32 $0x300;
	s16 =	sadd.s32 s5, s8;
	[dreg:$0x14] =	wrdreg s15  }
0x1a: {  	s18 =	sadd.s32 s10, s6;
	s10 =	sadd.s32 s10, s5;
	[dreg:$0x15] =	wrdreg s16  }
0x1b: {  	s20 =	sshrl.u32 s19, $0x3;
	s8 =	sadd.s32 s6, s8;
	[dreg:$0x4] =	wrdreg s18  }
0x1c: {  	[dreg:$0x5] =	wrdreg s10;
	s21 =	sadd.s32 s20, s6;
	s22 =	sadd.s32 $0xA0, s3  }
0x1d: {  	s23 =	sadd.s32 s20, s5;
	[dreg:$0x16] =	wrdreg s8;
	s3 =	sadd.s32 $0x140, s3  }
0x1e: {  	s8 =	simm.s32 $0x380;
	s10 =	simm.s32 $0x2;
	[dreg:$0x6] =	wrdreg s21  }
0x1f: {  	s13 =	simm.s32 $0x3;
	s14 =	simm.s32 $0x4;
	[dreg:$0x7] =	wrdreg s23  }
0x20: {  	s15 =	simm.s32 $0x0;
	s24 =	sshrl.u32 s22, $0x3;
	[dreg:$0x19] =	wrdreg s3  }
0x21: {  	s23 =	simm.s32 $0x7;
	s3 =	simm.s32 $0x5;
	s25 =	sadd.s32 s24, s6  }
0x22: {  	s26 =	sadd.s32 s24, s5;
	s24 =	simm.s32 $0x80;
	[dreg:$0x8] =	wrdreg s25  }
0x23: {  	[dreg:$0x9] =	wrdreg s26;
	s25 =	simm.s32 $0x100;
	s26 =	simm.s32 $0x180  }
.LBB2_1:
0x24: {  	s9 =	rddreg [dreg:$0xb]  }
0x25: {  	s22 =	rddreg [dreg:$0xa];
	s16 =	sshrl.u32 s9, $0x3  }
0x26: {  	[spmem:s16], [sflag:s17] =	dma.local [hbm:s22], $0x2780  }
0x27: {  	_ =	swait.ge [sflag:s23], $0x2780  }
0x28: {  	[sflag:s23] =	ssyncset.done $0x0  }
0x29: {  	[sflag:s23] =	ssyncadd.s32 $0xFFFFD880  }
0x2a: {  	[bflag:$0x0] =	sbarrier.arrive $0xFFFF  }
0x2b: {  	s17 =	rddreg [dreg:$0xd]  }
0x2c: {  	[tilespmem:s4], [sflag:$0x1] =	stream.linear.gather [hbm4b:s17+s4], $0x50, $0x38;
	[tilespmem:$0x19000] =	vst v63  }
0x2d: {  	s18 =	rddreg [dreg:$0xe]  }
0x2e: {  	[tilespmem:s24], [sflag:$0x1] =	stream.linear.gather [hbm4b:s18+s4], $0x50, $0x38;
	[tilespmem:$0x19000] =	vst v63  }
0x2f: {  	p0 =	por $0x1, $0x1;
	s19 =	rddreg [dreg:$0xf]  }
0x30: {  	[tilespmem:s25], [sflag:$0x2] =	stream.linear.gather [hbm4b:s19+s4], $0x50, $0x38;
	[tilespmem:$0x19000] =	vst v63  }
0x31: {  	s20 =	rddreg [dreg:$0x10];
	s17 =	simm.s32 @!p0 $0x6  }
0x32: {  	[tilespmem:s26], [sflag:$0x2] =	stream.linear.gather [hbm4b:s20+s4], $0x50, $0x38;
	[tilespmem:$0x19000] =	vst v63  }
0x33: {  	_ =	swait.ge @!p0 [sflag:s17], $0x2800  }
0x34: {  	s18 =	rddreg [dreg:$0x9];
	[sflag:s17] =	ssyncset.done @!p0 $0x0  }
0x35: {  	s19 =	rddreg [dreg:$0x8];
	[sflag:s17] =	ssyncadd.s32 @!p0 $0xFFFFD800;
	s18 =	sadd.s32 $0x0, s18  }
0x36: {  	[tilespmem:s28], [sflag:$0x3] =	stream.linear.gather [hbm4b:s18+s4], $0x50, $0x38;
	[tilespmem:$0x19000] =	vst v63  }
0x37: {  	s21 =	sadd.s32 $0x0, s19  }
0x38: {  	[tilespmem:s29], [sflag:$0x3] =	stream.linear.gather [hbm4b:s21+s4], $0x50, $0x38;
	[tilespmem:$0x19000] =	vst v63  }
0x39: {  	_ =	swait.ge [sflag:s30], $0x50  }
0x3a: {  	[sflag:s30] =	ssyncset.done $0x0  }
0x3b: {  	[sflag:s30] =	ssyncadd.s32 $0xFFFFFFB0  }
0x3c: {  	_ =	swait.ge [sflag:s30], $0x50  }
0x3d: {  	[sflag:s30] =	ssyncset.done $0x0  }
0x3e: {  	[sflag:s30] =	ssyncadd.s32 $0xFFFFFFB0  }
0x3f: {  	[tilespmem:s0], [sflag:$0x5] =	stream.indirect.gather [hbm4b:s1+s31], $0x80, s4, s31, $0xb8;
	[tilespmem:$0x19000] =	vst v63  }
0x40: {  	_ =	swait.ge [sflag:s3], $0x2800  }
0x41: {  	[sflag:s3] =	ssyncset.done $0x0  }
0x42: {  	[sflag:s3] =	ssyncadd.s32 $0xFFFFD800  }
0x43: {  	[spmem:s2] =	stream.indirect.scatter.add.f32 [tilespmem:s0], [sflag:$0x6], $0x80, s24, s31, $0xb8;
	[tilespmem:$0x19000] =	vst v63  }
0x44: {  	_ =	swait.ge @!p0 [sflag:s17], $0x2800  }
0x45: {  	s22 =	rddreg [dreg:$0x7];
	[sflag:s17] =	ssyncset.done @!p0 $0x0  }
0x46: {  	s9 =	rddreg [dreg:$0x6];
	[sflag:s17] =	ssyncadd.s32 @!p0 $0xFFFFD800;
	s20 =	sadd.s32 $0x0, s22  }
0x47: {  	[tilespmem:s7], [sflag:$0x4] =	stream.linear.gather [hbm4b:s20+s4], $0x50, $0x38;
	[tilespmem:$0x19000] =	vst v63  }
0x48: {  	s21 =	sadd.s32 $0x0, s9  }
0x49: {  	[tilespmem:s8], [sflag:$0x4] =	stream.linear.gather [hbm4b:s21+s4], $0x50, $0x38;
	[tilespmem:$0x19000] =	vst v63  }
0x4a: {  	_ =	swait.ge [sflag:s10], $0x50  }
0x4b: {  	[sflag:s10] =	ssyncset.done $0x0  }
0x4c: {  	[sflag:s10] =	ssyncadd.s32 $0xFFFFFFB0  }
0x4d: {  	_ =	swait.ge [sflag:s10], $0x50  }
0x4e: {  	[sflag:s10] =	ssyncset.done $0x0  }
0x4f: {  	[sflag:s10] =	ssyncadd.s32 $0xFFFFFFB0  }
0x50: {  	[tilespmem:s11], [sflag:$0x5] =	stream.indirect.gather [hbm4b:s1+s31], $0x80, s25, s31, $0xb8;
	[tilespmem:$0x19000] =	vst v63  }
0x51: {  	_ =	swait.ge [sflag:s3], $0x2800  }
0x52: {  	[sflag:s3] =	ssyncset.done $0x0  }
0x53: {  	[sflag:s3] =	ssyncadd.s32 $0xFFFFD800  }
0x54: {  	[spmem:s2] =	stream.indirect.scatter.add.f32 [tilespmem:s11], [sflag:$0x6], $0x80, s26, s31, $0xb8;
	[tilespmem:$0x19000] =	vst v63  }
0x55: {  	_ =	swait.ge [sflag:s12], $0x2800  }
0x56: {  	s9 =	rddreg [dreg:$0x19]  }
0x57: {  	[sflag:s12] =	ssyncset.done $0x0;
	s22 =	sshrl.u32 s9, $0x3  }
0x58: {  	[sflag:s12] =	ssyncadd.s32 $0xFFFFD800;
	s19 =	sadd.s32 s5, s22  }
0x59: {  	[tilespmem:s4], [sflag:$0x1] =	stream.linear.gather [hbm4b:s19+s4], $0x50, $0x38;
	[tilespmem:$0x19000] =	vst v63  }
0x5a: {  	s17 =	sadd.s32 s6, s22  }
0x5b: {  	[tilespmem:s24], [sflag:$0x1] =	stream.linear.gather [hbm4b:s17+s4], $0x50, $0x38;
	[tilespmem:$0x19000] =	vst v63  }
0x5c: {  	_ =	swait.ge [sflag:s13], $0x50  }
0x5d: {  	[sflag:s13] =	ssyncset.done $0x0  }
0x5e: {  	[sflag:s13] =	ssyncadd.s32 $0xFFFFFFB0  }
0x5f: {  	_ =	swait.ge [sflag:s13], $0x50  }
0x60: {  	[sflag:s13] =	ssyncset.done $0x0  }
0x61: {  	[sflag:s13] =	ssyncadd.s32 $0xFFFFFFB0  }
0x62: {  	[tilespmem:s0], [sflag:$0x5] =	stream.indirect.gather [hbm4b:s1+s31], $0x80, s28, s31, $0xb8;
	[tilespmem:$0x19000] =	vst v63  }
0x63: {  	_ =	swait.ge [sflag:s3], $0x2800  }
0x64: {  	[sflag:s3] =	ssyncset.done $0x0  }
0x65: {  	[sflag:s3] =	ssyncadd.s32 $0xFFFFD800  }
0x66: {  	[spmem:s2] =	stream.indirect.scatter.add.f32 [tilespmem:s0], [sflag:$0x6], $0x80, s29, s31, $0xb8;
	[tilespmem:$0x19000] =	vst v63  }
0x67: {  	_ =	swait.ge [sflag:s12], $0x2800  }
0x68: {  	s20 =	rddreg [dreg:$0x5];
	[sflag:s12] =	ssyncset.done $0x0  }
0x69: {  	s21 =	rddreg [dreg:$0x4];
	[sflag:s12] =	ssyncadd.s32 $0xFFFFD800;
	s17 =	sadd.s32 $0x0, s20  }
0x6a: {  	[tilespmem:s25], [sflag:$0x2] =	stream.linear.gather [hbm4b:s17+s4], $0x50, $0x38;
	[tilespmem:$0x19000] =	vst v63  }
0x6b: {  	s22 =	sadd.s32 $0x0, s21  }
0x6c: {  	[tilespmem:s26], [sflag:$0x2] =	stream.linear.gather [hbm4b:s22+s4], $0x50, $0x38;
	[tilespmem:$0x19000] =	vst v63  }
0x6d: {  	_ =	swait.ge [sflag:s14], $0x50  }
0x6e: {  	[sflag:s14] =	ssyncset.done $0x0  }
0x6f: {  	[sflag:s14] =	ssyncadd.s32 $0xFFFFFFB0  }
0x70: {  	_ =	swait.ge [sflag:s14], $0x50  }
0x71: {  	[sflag:s14] =	ssyncset.done $0x0  }
0x72: {  	[sflag:s14] =	ssyncadd.s32 $0xFFFFFFB0  }
0x73: {  	[tilespmem:s11], [sflag:$0x5] =	stream.indirect.gather [hbm4b:s1+s31], $0x80, s7, s31, $0xb8;
	[tilespmem:$0x19000] =	vst v63  }
0x74: {  	p1 =	por $0x0, $0x0;
	s18 =	sadd.s32 $0x140, s9;
	_ =	swait.ge [sflag:s3], $0x2800  }
0x75: {  	s19 =	simm.s32 $0x50;
	s17 =	simm.s32 $0x28;
	[sflag:s3] =	ssyncset.done $0x0  }
.LBB2_2:
0x76: {  	s21 =	simm.s32 @!p1 $0x6;
	[sflag:s3] =	ssyncadd.s32 $0xFFFFD800  }
0x77: {  	[spmem:s2] =	stream.indirect.scatter.add.f32 [tilespmem:s11], [sflag:$0x6], $0x80, s8, s31, $0xb8;
	[tilespmem:$0x19000] =	vst v63  }
0x78: {  	_ =	swait.ge @!p1 [sflag:s21], $0x2800  }
0x79: {  	[sflag:s21] =	ssyncset.done @!p1 $0x0;
	s9 =	rddreg [dreg:$0x9]  }
0x7a: {  	s22 =	rddreg [dreg:$0x8];
	[sflag:s21] =	ssyncadd.s32 @!p1 $0xFFFFD800;
	s9 =	sadd.s32 s17, s9  }
0x7b: {  	[tilespmem:s28], [sflag:$0x3] =	stream.linear.gather [hbm4b:s9+s4], $0x50, $0x38;
	[tilespmem:$0x19000] =	vst v63  }
0x7c: {  	s22 =	sadd.s32 s17, s22  }
0x7d: {  	[tilespmem:s29], [sflag:$0x3] =	stream.linear.gather [hbm4b:s22+s4], $0x50, $0x38;
	[tilespmem:$0x19000] =	vst v63  }
0x7e: {  	_ =	swait.ge [sflag:s30], $0x50  }
0x7f: {  	[sflag:s30] =	ssyncset.done $0x0  }
0x80: {  	[sflag:s30] =	ssyncadd.s32 $0xFFFFFFB0  }
0x81: {  	_ =	swait.ge [sflag:s30], $0x50  }
0x82: {  	[sflag:s30] =	ssyncset.done $0x0  }
0x83: {  	[sflag:s30] =	ssyncadd.s32 $0xFFFFFFB0  }
0x84: {  	[tilespmem:s0], [sflag:$0x5] =	stream.indirect.gather [hbm4b:s1+s31], $0x80, s4, s31, $0xb8;
	[tilespmem:$0x19000] =	vst v63  }
0x85: {  	_ =	swait.ge [sflag:s3], $0x2800  }
0x86: {  	[sflag:s3] =	ssyncset.done $0x0  }
0x87: {  	[sflag:s3] =	ssyncadd.s32 $0xFFFFD800  }
0x88: {  	[spmem:s2] =	stream.indirect.scatter.add.f32 [tilespmem:s0], [sflag:$0x6], $0x80, s24, s31, $0xb8;
	[tilespmem:$0x19000] =	vst v63  }
0x89: {  	_ =	swait.ge @!p1 [sflag:s21], $0x2800  }
0x8a: {  	[sflag:s21] =	ssyncset.done @!p1 $0x0;
	s9 =	rddreg [dreg:$0x7]  }
0x8b: {  	s22 =	rddreg [dreg:$0x6];
	[sflag:s21] =	ssyncadd.s32 @!p1 $0xFFFFD800;
	s9 =	sadd.s32 s17, s9  }
0x8c: {  	[tilespmem:s7], [sflag:$0x4] =	stream.linear.gather [hbm4b:s9+s4], $0x50, $0x38;
	[tilespmem:$0x19000] =	vst v63  }
0x8d: {  	s21 =	sadd.s32 s17, s22  }
0x8e: {  	[tilespmem:s8], [sflag:$0x4] =	stream.linear.gather [hbm4b:s21+s4], $0x50, $0x38;
	[tilespmem:$0x19000] =	vst v63  }
0x8f: {  	_ =	swait.ge [sflag:s10], $0x50  }
0x90: {  	[sflag:s10] =	ssyncset.done $0x0  }
0x91: {  	[sflag:s10] =	ssyncadd.s32 $0xFFFFFFB0  }
0x92: {  	_ =	swait.ge [sflag:s10], $0x50  }
0x93: {  	[sflag:s10] =	ssyncset.done $0x0  }
0x94: {  	[sflag:s10] =	ssyncadd.s32 $0xFFFFFFB0  }
0x95: {  	[tilespmem:s11], [sflag:$0x5] =	stream.indirect.gather [hbm4b:s1+s31], $0x80, s25, s31, $0xb8;
	[tilespmem:$0x19000] =	vst v63  }
0x96: {  	_ =	swait.ge [sflag:s3], $0x2800  }
0x97: {  	[sflag:s3] =	ssyncset.done $0x0  }
0x98: {  	[sflag:s3] =	ssyncadd.s32 $0xFFFFD800  }
0x99: {  	[spmem:s2] =	stream.indirect.scatter.add.f32 [tilespmem:s11], [sflag:$0x6], $0x80, s26, s31, $0xb8;
	[tilespmem:$0x19000] =	vst v63  }
0x9a: {  	_ =	swait.ge [sflag:s12], $0x2800  }
0x9b: {  	s9 =	sshrl.u32 s18, $0x3;
	[sflag:s12] =	ssyncset.done $0x0  }
0x9c: {  	s22 =	sadd.s32 s5, s9;
	[sflag:s12] =	ssyncadd.s32 $0xFFFFD800  }
0x9d: {  	[tilespmem:s4], [sflag:$0x1] =	stream.linear.gather [hbm4b:s22+s4], $0x50, $0x38;
	[tilespmem:$0x19000] =	vst v63  }
0x9e: {  	s9 =	sadd.s32 s6, s9  }
0x9f: {  	[tilespmem:s24], [sflag:$0x1] =	stream.linear.gather [hbm4b:s9+s4], $0x50, $0x38;
	[tilespmem:$0x19000] =	vst v63  }
0xa0: {  	_ =	swait.ge [sflag:s13], $0x50  }
0xa1: {  	[sflag:s13] =	ssyncset.done $0x0  }
0xa2: {  	[sflag:s13] =	ssyncadd.s32 $0xFFFFFFB0  }
0xa3: {  	_ =	swait.ge [sflag:s13], $0x50  }
0xa4: {  	[sflag:s13] =	ssyncset.done $0x0  }
0xa5: {  	[sflag:s13] =	ssyncadd.s32 $0xFFFFFFB0  }
0xa6: {  	[tilespmem:s0], [sflag:$0x5] =	stream.indirect.gather [hbm4b:s1+s31], $0x80, s28, s31, $0xb8;
	[tilespmem:$0x19000] =	vst v63  }
0xa7: {  	_ =	swait.ge [sflag:s3], $0x2800  }
0xa8: {  	[sflag:s3] =	ssyncset.done $0x0  }
0xa9: {  	[sflag:s3] =	ssyncadd.s32 $0xFFFFD800  }
0xaa: {  	[spmem:s2] =	stream.indirect.scatter.add.f32 [tilespmem:s0], [sflag:$0x6], $0x80, s29, s31, $0xb8;
	[tilespmem:$0x19000] =	vst v63  }
0xab: {  	_ =	swait.ge [sflag:s12], $0x2800  }
0xac: {  	s21 =	rddreg [dreg:$0x5];
	[sflag:s12] =	ssyncset.done $0x0  }
0xad: {  	s22 =	rddreg [dreg:$0x4];
	[sflag:s12] =	ssyncadd.s32 $0xFFFFD800;
	s9 =	sadd.s32 s17, s21  }
0xae: {  	[tilespmem:s25], [sflag:$0x2] =	stream.linear.gather [hbm4b:s9+s4], $0x50, $0x38;
	[tilespmem:$0x19000] =	vst v63  }
0xaf: {  	s22 =	sadd.s32 s17, s22  }
0xb0: {  	[tilespmem:s26], [sflag:$0x2] =	stream.linear.gather [hbm4b:s22+s4], $0x50, $0x38;
	[tilespmem:$0x19000] =	vst v63  }
0xb1: {  	_ =	swait.ge [sflag:s14], $0x50  }
0xb2: {  	[sflag:s14] =	ssyncset.done $0x0  }
0xb3: {  	s20 =	smov.u32 s19;
	s19 =	sadd.s32 $0x28, s19;
	[sflag:s14] =	ssyncadd.s32 $0xFFFFFFB0  }
0xb4: {  	p0 =	sne.s32 s19, $0x4B0;
	_ =	swait.ge [sflag:s14], $0x50  }
.Ltmp0:
0xb5: {  	[sflag:s14] =	ssyncset.done $0x0;
	(pc) =	sbr.rel @p0 .LBB2_2-.Ltmp0, $4  }
0xb6: {  	[sflag:s14] =	ssyncadd.s32 $0xFFFFFFB0  }
0xb7: {  	[tilespmem:s11], [sflag:$0x5] =	stream.indirect.gather [hbm4b:s1+s31], $0x80, s7, s31, $0xb8;
	[tilespmem:$0x19000] =	vst v63  }
0xb8: {  	s17 =	smov.u32 s20;
	_ =	swait.ge [sflag:s3], $0x2800  }
0xb9: {  	s18 =	sadd.s32 $0x140, s18;
	p1 =	seq.s32 s17, $0x0;
	[sflag:s3] =	ssyncset.done $0x0  }
0xba: {  	s9 =	simm.s32 @!p1 $0x6;
	[sflag:s3] =	ssyncadd.s32 $0xFFFFD800  }
0xbb: {  	[spmem:s2] =	stream.indirect.scatter.add.f32 [tilespmem:s11], [sflag:$0x6], $0x80, s8, s31, $0xb8;
	[tilespmem:$0x19000] =	vst v63  }
0xbc: {  	_ =	swait.ge @!p1 [sflag:s9], $0x2800  }
0xbd: {  	s19 =	rddreg [dreg:$0x9];
	[sflag:s9] =	ssyncset.done @!p1 $0x0  }
0xbe: {  	s20 =	rddreg [dreg:$0x8];
	[sflag:s9] =	ssyncadd.s32 @!p1 $0xFFFFD800;
	s19 =	sadd.s32 s17, s19  }
0xbf: {  	[tilespmem:s28], [sflag:$0x3] =	stream.linear.gather [hbm4b:s19+s4], $0x50, $0x38;
	[tilespmem:$0x19000] =	vst v63  }
0xc0: {  	s20 =	sadd.s32 s17, s20  }
0xc1: {  	[tilespmem:s29], [sflag:$0x3] =	stream.linear.gather [hbm4b:s20+s4], $0x50, $0x38;
	[tilespmem:$0x19000] =	vst v63  }
0xc2: {  	_ =	swait.ge [sflag:s30], $0x50  }
0xc3: {  	[sflag:s30] =	ssyncset.done $0x0  }
0xc4: {  	[sflag:s30] =	ssyncadd.s32 $0xFFFFFFB0  }
0xc5: {  	_ =	swait.ge [sflag:s30], $0x50  }
0xc6: {  	[sflag:s30] =	ssyncset.done $0x0  }
0xc7: {  	[sflag:s30] =	ssyncadd.s32 $0xFFFFFFB0  }
0xc8: {  	[tilespmem:s0], [sflag:$0x5] =	stream.indirect.gather [hbm4b:s1+s31], $0x80, s4, s31, $0xb8;
	[tilespmem:$0x19000] =	vst v63  }
0xc9: {  	_ =	swait.ge [sflag:s3], $0x2800  }
0xca: {  	[sflag:s3] =	ssyncset.done $0x0  }
0xcb: {  	[sflag:s3] =	ssyncadd.s32 $0xFFFFD800  }
0xcc: {  	[spmem:s2] =	stream.indirect.scatter.add.f32 [tilespmem:s0], [sflag:$0x6], $0x80, s24, s31, $0xb8;
	[tilespmem:$0x19000] =	vst v63  }
0xcd: {  	_ =	swait.ge @!p1 [sflag:s9], $0x2800  }
0xce: {  	s21 =	rddreg [dreg:$0x7];
	[sflag:s9] =	ssyncset.done @!p1 $0x0  }
0xcf: {  	s22 =	rddreg [dreg:$0x6];
	[sflag:s9] =	ssyncadd.s32 @!p1 $0xFFFFD800;
	s19 =	sadd.s32 s17, s21  }
0xd0: {  	[tilespmem:s7], [sflag:$0x4] =	stream.linear.gather [hbm4b:s19+s4], $0x50, $0x38;
	[tilespmem:$0x19000] =	vst v63  }
0xd1: {  	s21 =	sadd.s32 s17, s22  }
0xd2: {  	[tilespmem:s8], [sflag:$0x4] =	stream.linear.gather [hbm4b:s21+s4], $0x50, $0x38;
	[tilespmem:$0x19000] =	vst v63  }
0xd3: {  	_ =	swait.ge [sflag:s10], $0x50  }
0xd4: {  	[sflag:s10] =	ssyncset.done $0x0  }
0xd5: {  	[sflag:s10] =	ssyncadd.s32 $0xFFFFFFB0  }
0xd6: {  	_ =	swait.ge [sflag:s10], $0x50  }
0xd7: {  	[sflag:s10] =	ssyncset.done $0x0  }
0xd8: {  	[sflag:s10] =	ssyncadd.s32 $0xFFFFFFB0  }
0xd9: {  	[tilespmem:s11], [sflag:$0x5] =	stream.indirect.gather [hbm4b:s1+s31], $0x80, s25, s31, $0xb8;
	[tilespmem:$0x19000] =	vst v63  }
0xda: {  	_ =	swait.ge [sflag:s3], $0x2800  }
0xdb: {  	[sflag:s3] =	ssyncset.done $0x0  }
0xdc: {  	[sflag:s3] =	ssyncadd.s32 $0xFFFFD800  }
0xdd: {  	[spmem:s2] =	stream.indirect.scatter.add.f32 [tilespmem:s11], [sflag:$0x6], $0x80, s26, s31, $0xb8;
	[tilespmem:$0x19000] =	vst v63  }
0xde: {  	_ =	swait.ge [sflag:s12], $0x2800  }
0xdf: {  	s22 =	sshrl.u32 s18, $0x3;
	[sflag:s12] =	ssyncset.done $0x0  }
0xe0: {  	s18 =	sadd.s32 s5, s22;
	[sflag:s12] =	ssyncadd.s32 $0xFFFFD800  }
0xe1: {  	[tilespmem:s4], [sflag:$0x1] =	stream.linear.gather [hbm4b:s18+s4], $0x50, $0x38;
	[tilespmem:$0x19000] =	vst v63  }
0xe2: {  	s9 =	sadd.s32 s6, s22  }
0xe3: {  	[tilespmem:s24], [sflag:$0x1] =	stream.linear.gather [hbm4b:s9+s4], $0x50, $0x38;
	[tilespmem:$0x19000] =	vst v63  }
0xe4: {  	_ =	swait.ge [sflag:s13], $0x50  }
0xe5: {  	[sflag:s13] =	ssyncset.done $0x0  }
0xe6: {  	[sflag:s13] =	ssyncadd.s32 $0xFFFFFFB0  }
0xe7: {  	_ =	swait.ge [sflag:s13], $0x50  }
0xe8: {  	[sflag:s13] =	ssyncset.done $0x0  }
0xe9: {  	[sflag:s13] =	ssyncadd.s32 $0xFFFFFFB0  }
0xea: {  	[tilespmem:s0], [sflag:$0x5] =	stream.indirect.gather [hbm4b:s1+s31], $0x80, s28, s31, $0xb8;
	[tilespmem:$0x19000] =	vst v63  }
0xeb: {  	_ =	swait.ge [sflag:s3], $0x2800  }
0xec: {  	[sflag:s3] =	ssyncset.done $0x0  }
0xed: {  	[sflag:s3] =	ssyncadd.s32 $0xFFFFD800  }
0xee: {  	[spmem:s2] =	stream.indirect.scatter.add.f32 [tilespmem:s0], [sflag:$0x6], $0x80, s29, s31, $0xb8;
	[tilespmem:$0x19000] =	vst v63  }
0xef: {  	_ =	swait.ge [sflag:s12], $0x2800  }
0xf0: {  	s18 =	rddreg [dreg:$0x5];
	[sflag:s12] =	ssyncset.done $0x0  }
0xf1: {  	s19 =	rddreg [dreg:$0x4];
	[sflag:s12] =	ssyncadd.s32 $0xFFFFD800;
	s9 =	sadd.s32 s17, s18  }
0xf2: {  	[tilespmem:s25], [sflag:$0x2] =	stream.linear.gather [hbm4b:s9+s4], $0x50, $0x38;
	[tilespmem:$0x19000] =	vst v63  }
0xf3: {  	s20 =	sadd.s32 s17, s19  }
0xf4: {  	[tilespmem:s26], [sflag:$0x2] =	stream.linear.gather [hbm4b:s20+s4], $0x50, $0x38;
	[tilespmem:$0x19000] =	vst v63  }
0xf5: {  	_ =	swait.ge [sflag:s14], $0x50  }
0xf6: {  	[sflag:s14] =	ssyncset.done $0x0  }
0xf7: {  	[sflag:s14] =	ssyncadd.s32 $0xFFFFFFB0  }
0xf8: {  	_ =	swait.ge [sflag:s14], $0x50  }
0xf9: {  	[sflag:s14] =	ssyncset.done $0x0  }
0xfa: {  	[sflag:s14] =	ssyncadd.s32 $0xFFFFFFB0  }
0xfb: {  	[tilespmem:s11], [sflag:$0x5] =	stream.indirect.gather [hbm4b:s1+s31], $0x80, s7, s31, $0xb8;
	[tilespmem:$0x19000] =	vst v63  }
0xfc: {  	_ =	swait.ge [sflag:s3], $0x2800  }
0xfd: {  	[sflag:s3] =	ssyncset.done $0x0  }
0xfe: {  	[sflag:s3] =	ssyncadd.s32 $0xFFFFD800  }
0xff: {  	[spmem:s2] =	stream.indirect.scatter.add.f32 [tilespmem:s11], [sflag:$0x6], $0x80, s8, s31, $0xb8;
	[tilespmem:$0x19000] =	vst v63  }
0x100: {  	_ =	swait.ge [sflag:s12], $0x2800  }
0x101: {  	[sflag:s12] =	ssyncset.done $0x0  }
0x102: {  	s21 =	rddreg [dreg:$0x11];
	[sflag:s12] =	ssyncadd.s32 $0xFFFFD800  }
0x103: {  	[tilespmem:s28], [sflag:$0x3] =	stream.linear.gather [hbm4b:s21+s4], $0x50, $0x38;
	[tilespmem:$0x19000] =	vst v63  }
0x104: {  	s22 =	rddreg [dreg:$0x12]  }
0x105: {  	[tilespmem:s29], [sflag:$0x3] =	stream.linear.gather [hbm4b:s22+s4], $0x50, $0x38;
	[tilespmem:$0x19000] =	vst v63  }
0x106: {  	_ =	swait.ge [sflag:s30], $0x50  }
0x107: {  	[sflag:s30] =	ssyncset.done $0x0  }
0x108: {  	[sflag:s30] =	ssyncadd.s32 $0xFFFFFFB0  }
0x109: {  	_ =	swait.ge [sflag:s30], $0x50  }
0x10a: {  	[sflag:s30] =	ssyncset.done $0x0  }
0x10b: {  	[sflag:s30] =	ssyncadd.s32 $0xFFFFFFB0  }
0x10c: {  	[tilespmem:s0], [sflag:$0x5] =	stream.indirect.gather [hbm4b:s1+s31], $0x80, s4, s31, $0xb8;
	[tilespmem:$0x19000] =	vst v63  }
0x10d: {  	_ =	swait.ge [sflag:s3], $0x2800  }
0x10e: {  	[sflag:s3] =	ssyncset.done $0x0  }
0x10f: {  	[sflag:s3] =	ssyncadd.s32 $0xFFFFD800  }
0x110: {  	[spmem:s2] =	stream.indirect.scatter.add.f32 [tilespmem:s0], [sflag:$0x6], $0x80, s24, s31, $0xb8;
	[tilespmem:$0x19000] =	vst v63  }
0x111: {  	_ =	swait.ge [sflag:s12], $0x2800  }
0x112: {  	[sflag:s12] =	ssyncset.done $0x0  }
0x113: {  	s17 =	rddreg [dreg:$0x13];
	[sflag:s12] =	ssyncadd.s32 $0xFFFFD800  }
0x114: {  	[tilespmem:s7], [sflag:$0x4] =	stream.linear.gather [hbm4b:s17+s4], $0x50, $0x38;
	[tilespmem:$0x19000] =	vst v63  }
0x115: {  	s18 =	rddreg [dreg:$0x14]  }
0x116: {  	[tilespmem:s8], [sflag:$0x4] =	stream.linear.gather [hbm4b:s18+s4], $0x50, $0x38;
	[tilespmem:$0x19000] =	vst v63  }
0x117: {  	_ =	swait.ge [sflag:s10], $0x50  }
0x118: {  	[sflag:s10] =	ssyncset.done $0x0  }
0x119: {  	[sflag:s10] =	ssyncadd.s32 $0xFFFFFFB0  }
0x11a: {  	_ =	swait.ge [sflag:s10], $0x50  }
0x11b: {  	[sflag:s10] =	ssyncset.done $0x0  }
0x11c: {  	[sflag:s10] =	ssyncadd.s32 $0xFFFFFFB0  }
0x11d: {  	[tilespmem:s11], [sflag:$0x5] =	stream.indirect.gather [hbm4b:s1+s31], $0x80, s25, s31, $0xb8;
	[tilespmem:$0x19000] =	vst v63  }
0x11e: {  	_ =	swait.ge [sflag:s3], $0x2800  }
0x11f: {  	[sflag:s3] =	ssyncset.done $0x0  }
0x120: {  	[sflag:s3] =	ssyncadd.s32 $0xFFFFD800  }
0x121: {  	[spmem:s2] =	stream.indirect.scatter.add.f32 [tilespmem:s11], [sflag:$0x6], $0x80, s26, s31, $0xb8;
	[tilespmem:$0x19000] =	vst v63  }
0x122: {  	_ =	swait.ge [sflag:s12], $0x2800  }
0x123: {  	[sflag:s12] =	ssyncset.done $0x0  }
0x124: {  	s19 =	rddreg [dreg:$0x15];
	[sflag:s12] =	ssyncadd.s32 $0xFFFFD800  }
0x125: {  	[tilespmem:s4], [sflag:$0x1] =	stream.linear.gather [hbm4b:s19+s4], $0x50, $0x38;
	[tilespmem:$0x19000] =	vst v63  }
0x126: {  	s20 =	rddreg [dreg:$0x16]  }
0x127: {  	[tilespmem:s24], [sflag:$0x1] =	stream.linear.gather [hbm4b:s20+s4], $0x50, $0x38;
	[tilespmem:$0x19000] =	vst v63  }
0x128: {  	_ =	swait.ge [sflag:s13], $0x50  }
0x129: {  	[sflag:s13] =	ssyncset.done $0x0  }
0x12a: {  	[sflag:s13] =	ssyncadd.s32 $0xFFFFFFB0  }
0x12b: {  	_ =	swait.ge [sflag:s13], $0x50  }
0x12c: {  	[sflag:s13] =	ssyncset.done $0x0  }
0x12d: {  	[sflag:s13] =	ssyncadd.s32 $0xFFFFFFB0  }
0x12e: {  	[tilespmem:s0], [sflag:$0x5] =	stream.indirect.gather [hbm4b:s1+s31], $0x80, s28, s31, $0xb8;
	[tilespmem:$0x19000] =	vst v63  }
0x12f: {  	_ =	swait.ge [sflag:s3], $0x2800  }
0x130: {  	[sflag:s3] =	ssyncset.done $0x0  }
0x131: {  	[sflag:s3] =	ssyncadd.s32 $0xFFFFD800  }
0x132: {  	[spmem:s2] =	stream.indirect.scatter.add.f32 [tilespmem:s0], [sflag:$0x6], $0x80, s29, s31, $0xb8;
	[tilespmem:$0x19000] =	vst v63  }
0x133: {  	_ =	swait.ge [sflag:s12], $0x2800  }
0x134: {  	[sflag:s12] =	ssyncset.done $0x0  }
0x135: {  	[sflag:s12] =	ssyncadd.s32 $0xFFFFD800  }
0x136: {  	_ =	swait.ge [sflag:s14], $0x50  }
0x137: {  	[sflag:s14] =	ssyncset.done $0x0  }
0x138: {  	[sflag:s14] =	ssyncadd.s32 $0xFFFFFFB0  }
0x139: {  	_ =	swait.ge [sflag:s14], $0x50  }
0x13a: {  	[sflag:s14] =	ssyncset.done $0x0  }
0x13b: {  	[sflag:s14] =	ssyncadd.s32 $0xFFFFFFB0  }
0x13c: {  	[tilespmem:s11], [sflag:$0x5] =	stream.indirect.gather [hbm4b:s1+s31], $0x80, s7, s31, $0xb8;
	[tilespmem:$0x19000] =	vst v63  }
0x13d: {  	_ =	swait.ge [sflag:s3], $0x2800  }
0x13e: {  	[sflag:s3] =	ssyncset.done $0x0  }
0x13f: {  	[sflag:s3] =	ssyncadd.s32 $0xFFFFD800  }
0x140: {  	[spmem:s2] =	stream.indirect.scatter.add.f32 [tilespmem:s11], [sflag:$0x6], $0x80, s8, s31, $0xb8;
	[tilespmem:$0x19000] =	vst v63  }
0x141: {  	_ =	swait.ge [sflag:s12], $0x2800  }
0x142: {  	[sflag:s12] =	ssyncset.done $0x0  }
0x143: {  	[sflag:s12] =	ssyncadd.s32 $0xFFFFD800  }
0x144: {  	_ =	swait.ge [sflag:s30], $0x50  }
0x145: {  	[sflag:s30] =	ssyncset.done $0x0  }
0x146: {  	[sflag:s30] =	ssyncadd.s32 $0xFFFFFFB0  }
0x147: {  	_ =	swait.ge [sflag:s30], $0x50  }
0x148: {  	[sflag:s30] =	ssyncset.done $0x0  }
0x149: {  	[sflag:s30] =	ssyncadd.s32 $0xFFFFFFB0  }
0x14a: {  	[tilespmem:s0], [sflag:$0x5] =	stream.indirect.gather [hbm4b:s1+s31], $0x80, s4, s31, $0xb8;
	[tilespmem:$0x19000] =	vst v63  }
0x14b: {  	_ =	swait.ge [sflag:s3], $0x2800  }
0x14c: {  	[sflag:s3] =	ssyncset.done $0x0  }
0x14d: {  	[sflag:s3] =	ssyncadd.s32 $0xFFFFD800  }
0x14e: {  	[spmem:s2] =	stream.indirect.scatter.add.f32 [tilespmem:s0], [sflag:$0x6], $0x80, s24, s31, $0xb8;
	[tilespmem:$0x19000] =	vst v63  }
0x14f: {  	_ =	swait.ge [sflag:s12], $0x2800  }
0x150: {  	[sflag:s12] =	ssyncset.done $0x0  }
0x151: {  	[sflag:s12] =	ssyncadd.s32 $0xFFFFD800  }
0x152: {  	_ =	swait.ge [sflag:s12], $0x2800  }
0x153: {  	[sflag:s12] =	ssyncset.done $0x0  }
0x154: {  	[sflag:s12] =	ssyncadd.s32 $0xFFFFD800  }
0x155: {  	[bflag:$0x0] =	sbarrier.arrive $0xFFFF  }
0x156: {  	s17 =	rddreg [dreg:$0xc]  }
0x157: {  	s21 =	rddreg [dreg:$0x17]  }
0x158: {  	[hbm:s21], [sflag:s17] =	dma.local [spmem:s16], $0x2780  }
0x159: {  	_ =	swait.ge [sflag:s23], $0x2780  }
0x15a: {  	s15 =	sadd.s32 $0x1, s15;
	s22 =	rddreg [dreg:$0x18]  }
0x15b: {  	p0 =	sne.s32 s15, s22  }
.Ltmp1:
0x15c: {  	_ = 	snop;
	(pc) =	sbr.rel @p0 .LBB2_1-.Ltmp1, $3  }
0x15d: {  	_ =	sdelay $0x1  }
0x15e: {  	[sflag:s23] =	ssyncset.done $0x0  }
0x15f: {  	[sflag:s23] =	ssyncadd.s32 $0xFFFFD880  }
0x160: {  	_ =	sfence.sel $0x180000  }
0x161: {  	[bflag:$0x0] =	sbarrier.arrive $0xFFFF  }
0x162: {  	_ =	strace $0x9000004A  }
0x163: {  	s0 =	stileid.u32;
	[bflag:$0x2] =	sbarrier.arrive $0xFFFF  }
0x164: {  	p0 =	sne.s32 s0, $0x0;
	s0 =	rddreg [dreg:$0x3]  }
0x165: {  	s0 =	sadd.s32 @!p0 $0x100000, s0  }
0x166: {  	[sflag:s0] =	ssyncadd.tile.s32 @!p0 $0x1;
	_ =	shalt  }
.Lfunc_end2:
_tile_overlayer_lowered:
.L_overlay_start_2:
0x167: {  	(tag) =	ssettag $0x2  }
0x168: {  	s0 =	rddreg [dreg:$0x0];
	s2 =	stileid.u32  }
0x169: {  	s1 =	rddreg [dreg:$0x1];
	p0 =	sne.s32 s2, $0x0  }
0x16a: {  	s3 =	rddreg [dreg:$0x2];
	[bflag:$0x3] =	sbarrier.arrive $0xFFFF;
	s2 =	simm.s32 @!p0 $0x1C07  }
0x16b: {  	[timem:s3], [sflag:s2] =	dma.local @!p0 [hbm:s0], s1  }
0x16c: {  	s0 =	simm.s32 @!p0 $0x7  }
0x16d: {  	_ =	swait.ge @!p0 [sflag:s0], s1  }
0x16e: {  	s1 =	ssub.s32 @!p0 $0x0, s1;
	[sflag:s0] =	ssyncset.done @!p0 $0x0  }
0x16f: {  	[sflag:s0] =	ssyncadd.s32 @!p0 s1  }
0x170: {  	[bflag:$0x3] =	sbarrier.arrive $0xFFFF  }
0x171: {  	_ =	shalt  }

// kernel: kernel.14.cloned.1.call-start
scs
__scs_entry_jumppad:
0x0: {  	(pc) =	sbr.rel $0x88, $3  }
0x1: {  	(tag) =	ssettag $0x0;
	lr =	simm.s32 $0x1  }
0x2: {  	[smem:$0x3F9B] =	sst lr;
	_ =	strace $0xD0000000  }
0x3: {  	_ = 	snop  }
0x4: {  	_ = 	snop  }
0x5: {  	_ = 	snop  }
0x6: {  	_ = 	snop  }
0x7: {  	_ = 	snop  }
__scs_overlays_trampoline_lowered:
0x8: {  	[smem:$0x3FAA] =	sst s0  }
0x9: {  	[smem:$0x3FAB] =	sst s1  }
0xa: {  	[smem:$0x3FAC] =	sst s2  }
0xb: {  	[smem:$0x3FAD] =	sst s3  }
0xc: {  	[smem:$0x3FAE] =	sst s4  }
0xd: {  	[smem:$0x3FAF] =	sst s5  }
0xe: {  	[smem:$0x3FB0] =	sst s6  }
0xf: {  	[smem:$0x3FB1] =	sst s7  }
0x10: {  	[smem:$0x3FB2] =	sst s8  }
0x11: {  	[smem:$0x3FB3] =	sst s9;
	s0 =	simm.s32 @!p0 $0x0  }
0x12: {  	s1 =	sld [smem:$0x3F99];
	s0 =	simm.s32 @p0 $0x1  }
0x13: {  	[smem:$0x3FB4] =	sst s0;
	s0 =	simm.s32 @!p1 $0x0  }
0x14: {  	s2 =	sld [smem:$0x3F98];
	s0 =	simm.s32 @p1 $0x1  }
0x15: {  	[smem:$0x3FB5] =	sst s0;
	s0 =	simm.s32 @!p2 $0x0  }
0x16: {  	s3 =	sld [smem:$0x3FDB];
	s0 =	simm.s32 @p2 $0x1  }
0x17: {  	s4 =	simm.s32 $0x1BF5;
	[smem:$0x3FB7] =	sst s0  }
0x18: {  	s0 =	sld [smem:$0x3F9A];
	_ =	swait.ge [sflag:s4], $0x0  }
0x19: {  	s7 =	sld [smem:$0x3F9B]  }
0x1a: {  	s8 =	sadd.s32 $0xFFFFE003, lr  }
0x1b: {  	s9 =	sadd.s32 $0xFFFFFEF7, lr;
	s5 =	simm.s32 $0xFFFFFFFF;
	p2 =	slt.u32 s8, $0xFFFFF086  }
0x1c: {  	p1 =	slt.u32 s9, $0xF7A;
	s5 =	simm.s32 @!p2 $0x0  }
0x1d: {  	s5 =	simm.s32 @p1 $0x1;
	p0 =	seq.s32 s7, s2  }
0x1e: {  	s7 =	smul.u32 @!p0 $0xF7A, s2;
	p2 =	seq.s32 @!p0 s5, $0x0  }
0x1f: {  	s9 =	smul.u32 $0xF7A, s1;
	s8 =	simm.s32 @!p0 $0x1BF5;
	p2 =	por !p2, p0  }
0x20: {  	[sflag:s8] =	ssyncset.s32 @!p0 $0xFFFFF086;
	s6 =	sadd.s32 @!p0 s3, s7;
	s7 =	simm.s32 @!p0 $0x108  }
0x21: {  	s3 =	sadd.s32 s3, s9;
	s6 =	sadd.s32 @!p0 $0x88, s6;
	s7 =	simm.s32 @p2 $0x1082  }
0x22: {  	[simem:s7], [sflag:s8] =	dma.local @!p0 [hbm:s6], $0xF7A  }
0x23: {  	s9 =	sor.u32 $0xD0000000, s2;
	s6 =	simm.s32 $0x108;
	_ =	swait.ge @!p0 [sflag:s8], $0x0  }
0x24: {  	s3 =	sadd.s32 $0x88, s3;
	s6 =	simm.s32 @!p1 $0x1082;
	[sflag:s4] =	ssyncset.s32 $0xFFFFF086  }
0x25: {  	[simem:s6], [sflag:s4] =	dma.local [hbm:s3], $0xF7A  }
0x26: {  	[smem:$0x3F9B] =	sst s1;
	(tag) =	ssettag s2;
	_ =	strace s9  }
0x27: {  	s1 =	sld [smem:$0x3FAB]  }
0x28: {  	s2 =	sld [smem:$0x3FAC]  }
0x29: {  	s4 =	sld [smem:$0x3FAE]  }
0x2a: {  	p0 =	seq.s32 s5, $0x0;
	s5 =	sld [smem:$0x3FAF]  }
0x2b: {  	s6 =	sld [smem:$0x3FB0]  }
0x2c: {  	s7 =	sld [smem:$0x3FB1]  }
0x2d: {  	s3 =	simm.s32 $0x108;
	s8 =	sld [smem:$0x3FB2]  }
0x2e: {  	s3 =	simm.s32 @!p0 $0x1082;
	s9 =	sld [smem:$0x3FB3]  }
0x2f: {  	lr =	sadd.s32 s0, s3;
	s0 =	sld [smem:$0x3FAA]  }
0x30: {  	s3 =	sld [smem:$0x3FAD]  }
0x31: {  	[smem:$0x3FB6] =	sst s10  }
0x32: {  	s10 =	sld [smem:$0x3FB4];
	_ =	sdelay $0x3  }
0x33: {  	p0 =	seq.s32 s10, $0x1;
	s10 =	sld [smem:$0x3FB6];
	_ =	sdelay $0x3  }
0x34: {  	[smem:$0x3FB6] =	sst s10  }
0x35: {  	s10 =	sld [smem:$0x3FB5];
	_ =	sdelay $0x3  }
0x36: {  	p1 =	seq.s32 s10, $0x1;
	s10 =	sld [smem:$0x3FB6];
	_ =	sdelay $0x3  }
0x37: {  	[smem:$0x3FB6] =	sst s10  }
0x38: {  	s10 =	sld [smem:$0x3FB7]  }
0x39: {  	_ = 	snop;
	(pc) =	sbr.ind lr, $3  }
0x3a: {  	_ = 	snop  }
0x3b: {  	_ = 	snop  }
0x3c: {  	p2 =	seq.s32 s10, $0x1;
	s10 =	sld [smem:$0x3FB6]  }
0x3d: {  	_ =	shalt  }
0x3e: {  	_ =	shalt  }
0x3f: {  	_ =	shalt  }
0x40: {  	_ =	shalt  }
0x41: {  	_ =	shalt  }
0x42: {  	_ =	shalt  }
0x43: {  	_ =	shalt  }
0x44: {  	_ =	shalt  }
0x45: {  	_ =	shalt  }
0x46: {  	_ =	shalt  }
0x47: {  	_ =	shalt  }
0x48: {  	_ =	shalt  }
0x49: {  	_ =	shalt  }
0x4a: {  	_ =	shalt  }
0x4b: {  	_ =	shalt  }
0x4c: {  	_ =	shalt  }
0x4d: {  	_ =	shalt  }
0x4e: {  	_ =	shalt  }
0x4f: {  	_ =	shalt  }
0x50: {  	_ =	shalt  }
0x51: {  	_ =	shalt  }
0x52: {  	_ =	shalt  }
0x53: {  	_ =	shalt  }
0x54: {  	_ =	shalt  }
0x55: {  	_ =	shalt  }
0x56: {  	_ =	shalt  }
0x57: {  	_ =	shalt  }
0x58: {  	_ =	shalt  }
0x59: {  	_ =	shalt  }
0x5a: {  	_ =	shalt  }
0x5b: {  	_ =	shalt  }
0x5c: {  	_ =	shalt  }
0x5d: {  	_ =	shalt  }
0x5e: {  	_ =	shalt  }
0x5f: {  	_ =	shalt  }
0x60: {  	_ =	shalt  }
0x61: {  	_ =	shalt  }
0x62: {  	_ =	shalt  }
0x63: {  	_ =	shalt  }
0x64: {  	_ =	shalt  }
0x65: {  	_ =	shalt  }
0x66: {  	_ =	shalt  }
0x67: {  	_ =	shalt  }
0x68: {  	_ =	shalt  }
0x69: {  	_ =	shalt  }
0x6a: {  	_ =	shalt  }
0x6b: {  	_ =	shalt  }
0x6c: {  	_ =	shalt  }
0x6d: {  	_ =	shalt  }
0x6e: {  	_ =	shalt  }
0x6f: {  	_ =	shalt  }
0x70: {  	_ =	shalt  }
0x71: {  	_ =	shalt  }
0x72: {  	_ =	shalt  }
0x73: {  	_ =	shalt  }
0x74: {  	_ =	shalt  }
0x75: {  	_ =	shalt  }
0x76: {  	_ =	shalt  }
0x77: {  	_ =	shalt  }
0x78: {  	_ =	shalt  }
0x79: {  	_ =	shalt  }
0x7a: {  	_ =	shalt  }
0x7b: {  	_ =	shalt  }
0x7c: {  	_ =	shalt  }
0x7d: {  	_ =	shalt  }
0x7e: {  	_ =	shalt  }
0x7f: {  	_ =	shalt  }
0x80: {  	_ =	shalt  }
0x81: {  	_ =	shalt  }
0x82: {  	_ =	shalt  }
0x83: {  	_ =	shalt  }
0x84: {  	_ =	shalt  }
0x85: {  	_ =	shalt  }
0x86: {  	_ =	shalt  }
0x87: {  	_ =	shalt  }
.Lfunc_end0:
.L_simem_size_0:
called_computation.2_lowered:
.L_overlay_start_0:
0x88: {  	s2 =	sld [smem:$0x3FD9]  }
0x89: {  	s3 =	sld [smem:$0x3FFE];
	_ =	sdelay $0x1  }
0x8a: {  	s1 =	srdreg.scid  }
0x8b: {  	s0 =	sand.u32 $0x1, s1  }
0x8c: {  	s17 =	sshll.u32 s0, $0xA;
	s2 =	sadd.s32 s3, s2  }
0x8d: {  	s2 =	sadd.s32 s2, s17  }
0x8e: {  	[smem:$0x3FC2] =	sst s2  }
0x8f: {  	_ = 	snop  }
0x90: {  	s2 =	sld [smem:$0x3FD0];
	(tm) =	ssettm $0x1  }
0x91: {  	s18 =	sld [smem:$0x3FFB];
	_ =	sdelay $0x3  }
0x92: {  	_ =	strace s18  }
0x93: {  	s3 =	sld [smem:$0x3FFC];
	_ =	sdelay $0x3  }
0x94: {  	_ =	strace s3  }
0x95: {  	s3 =	sld [smem:$0x3FFD];
	_ =	sdelay $0x3  }
0x96: {  	_ =	strace s3  }
0x97: {  	_ =	strace $0x8FFFFFFF  }
0x98: {  	s19 =	sld [smem:$0x3FDB];
	_ =	sdelay $0x1  }
0x99: {  	s4 =	simm.s32 $_scs_section_size  }
0x9a: {  	s5 =	simm.s32 $_size__tile_overlayer_lowered;
	s6 =	simm.s32 $_tile_overlayer_lowered  }
0x9b: {  	s22 =	simm.s32 $0x1BFF;
	s21 =	sshll.u32 s6, $0x1;
	s3 =	sadd.s32 s4, s19  }
0x9c: {  	s7 =	simm.s32 $0x0;
	s20 =	sshll.u32 s5, $0x1;
	s5 =	sadd.s32 s21, s3  }
0x9d: {  	[timem:s7], [sflag:s22] =	dma.local [hbm:s5], s20  }
0x9e: {  	_ =	swait.ge [sflag:s22], s20  }
0x9f: {  	s4 =	ssub.s32 $0x0, s20;
	[sflag:s22] =	ssyncset.done $0x0  }
0xa0: {  	[sflag:s22] =	ssyncadd.s32 s4;
	_ =	sdelay $0x1  }
0xa1: {  	s23 =	simm.s32 $0x1B8B  }
0xa2: {  	_ =	swait.ge [sflag:s23], $0x1  }
0xa3: {  	[sflag:s23] =	ssyncset.done $0x0  }
0xa4: {  	s25 =	simm.s32 $0x1B8E;
	s24 =	sld [smem:$0x3FFE];
	[sflag:s23] =	ssyncadd.s32 $0xFFFFFFFF  }
0xa5: {  	s26 =	simm.s32 $execute0_lowered;
	[smem:$0x3FD2] =	sst s25  }
0xa6: {  	s5 =	sshll.u32 s26, $0x1;
	_ =	strace $0x8000004C;
	[dreg:$0x1] =	wrdreg $0xFFFFFFFF  }
0xa7: {  	s28 =	simm.s32 $_size_execute0_lowered;
	s3 =	sadd.s32 s3, s5;
	[dreg:$0x0] =	wrdreg $0x0  }
0xa8: {  	s5 =	sshll.u32 s28, $0x1;
	[dreg:$0x2] =	wrdreg s3  }
0xa9: {  	[dreg:$0x3] =	wrdreg s5  }
0xaa: {  	[dreg:$0x4] =	wrdreg $0xC0  }
0xab: {  	_ =	task [dreg:s7], $0x5FFFF  }
0xac: {  	[dreg:$0x1] =	wrdreg $0xFFFFFFFF  }
0xad: {  	[dreg:$0x0] =	wrdreg $0x60  }
0xae: {  	[dreg:$0x2] =	wrdreg s2  }
0xaf: {  	[dreg:$0x3] =	wrdreg s24  }
0xb0: {  	[dreg:$0x4] =	wrdreg $0x54000  }
0xb1: {  	[dreg:$0x5] =	wrdreg $0x9  }
0xb2: {  	_ =	task.clear_ibuf [dreg:s7], $0x6FFFF;
	_ =	strace $0x9000004C  }
0xb3: {  	s29 =	simm.s32 $0x9;
	_ =	strace $0x8000004E  }
0xb4: {  	_ =	swait.ge [sflag:s29], $0x1  }
0xb5: {  	[sflag:s29] =	ssyncadd.s32 $0xFFFFFFFF  }
0xb6: {  	_ =	strace $0x9000004E  }
0xb7: {  	_ =	sfence  }
0xb8: {  	s30 =	sld [smem:$0x0];
	_ =	sdelay $0x2  }
0xb9: {  	s31 =	sshll.u32 s1, $0xD;
	s1 =	sshrl.u32 s1, $0x2  }
0xba: {  	s3 =	sand.u32 $0x4000, s31;
	s1 =	sadd.s32 s1, s30  }
0xbb: {  	s0 =	sor.u32 s3, s0;
	s1 =	sshll.u32 s1, $0x11  }
0xbc: {  	s0 =	sor.u32 s1, s0  }
0xbd: {  	s0 =	sadd.s32 $0x8F2B, s0  }
0xbe: {  	[sflag:s0] =	ssyncadd.remote.s32 $0x1  }
0xbf: {  	_ =	sfence.sel $0xFFFF  }
0xc0: {  	[dreg:$0x0] =	wrdreg $0xFFFFFFFF;
	(pc) =	sbr.abs _section_cstart, $3  }
0xc1: {  	[dreg:$0x1] =	wrdreg $0xFFFFFFFF  }
0xc2: {  	_ =	task.clear_ibuf [dreg:s7], $0x2FFFF;
	_ =	strace $0x9FFFFFFF  }
0xc3: {  	(tm) =	ssettm $0x7FFFFFFF  }
tec
execute0_lowered:
.L_overlay_start_1:
0x0: {  	(tag) =	ssettag $0x1  }
0x1: {  	s1 =	rddreg [dreg:$0x0]  }
0x2: {  	s0 =	rddreg [dreg:$0x1]  }
0x3: {  	s2 =	rddreg [dreg:$0x2];
	s3 =	srdreg.scid;
	s4 =	simm.s32 $0x0  }
0x4: {  	s12 =	stileid.u32;
	s28 =	simm.s32 $0x200;
	s29 =	simm.s32 $0x280  }
0x5: {  	s30 =	simm.s32 $0x1;
	s31 =	simm.s32 $0x50;
	s3 =	sand.u32 $0x1, s3  }
0x6: {  	[smem:$0x7FF] =	sst s4;
	s8 =	smul.u32 $0x13C00, s12;
	s5 =	sadd.s32 $0xBE00, s0  }
0x7: {  	s6 =	sadd.s32 $0x2000, s0;
	s9 =	sadd.s32 $0x15C00, s0;
	s10 =	smul.u32 $0x4F000, s12  }
0x8: {  	s14 =	sshll.u32 s12, $0x1;
	s17 =	sshll.u32 s12, $0x6;
	s19 =	smul.u32 $0x4E20, s12  }
0x9: {  	s12 =	simm.s32 $0x6;
	s7 =	smul.u32 $0x13C000, s3;
	_ =	strace $0x8000004D  }
0xa: {  	[dreg:$0xa] =	wrdreg s9;
	s15 =	ssub.s32 $0x2, s3;
	s17 =	sor.u32 $0x1C07, s17  }
0xb: {  	s11 =	sshrl.u32 s15, $0x1;
	s16 =	sshrl.u32 s10, $0x2;
	[dreg:$0xc] =	wrdreg s17  }
0xc: {  	s7 =	sadd.s32 s8, s7;
	s8 =	sor.u32 s3, s14;
	s3 =	smul.u32 $0x2710, s3  }
0xd: {  	s9 =	sadd.s32 s16, s2;
	s7 =	sshrl.u32 s7, $0x3;
	s8 =	smul.u32 $0x2710, s8  }
0xe: {  	[dreg:$0xb] =	wrdreg s9;
	s0 =	sadd.s32 s7, s0;
	s7 =	ssub.s32 s15, s11  }
0xf: {  	s3 =	sadd.s32 s3, s19;
	s11 =	simm.s32 $0x2C00;
	s0 =	sadd.s32 $0x18400, s0  }
0x10: {  	s8 =	sshrl.u32 s8, $0x3;
	s7 =	smax.u32 s7, $0x1;
	[dreg:$0x17] =	wrdreg s0  }
0x11: {  	s10 =	sadd.s32 $0x190, s3;
	s18 =	sadd.s32 s5, s8;
	[dreg:$0x18] =	wrdreg s7  }
0x12: {  	s20 =	sadd.s32 s6, s8;
	s21 =	sadd.s32 $0xA, s8;
	[dreg:$0xd] =	wrdreg s18  }
0x13: {  	s19 =	sadd.s32 $0xF0, s3;
	[dreg:$0xe] =	wrdreg s20;
	s22 =	sadd.s32 s5, s21  }
0x14: {  	s24 =	sadd.s32 $0x4C4, s8;
	s23 =	sadd.s32 s6, s21;
	[dreg:$0xf] =	wrdreg s22  }
0x15: {  	s26 =	sadd.s32 $0x4CE, s8;
	s25 =	sadd.s32 s5, s24;
	[dreg:$0x10] =	wrdreg s23  }
0x16: {  	s8 =	sadd.s32 $0x4D8, s8;
	s13 =	sadd.s32 s6, s24;
	[dreg:$0x11] =	wrdreg s25  }
0x17: {  	s10 =	sshrl.u32 s10, $0x3;
	s14 =	sadd.s32 s5, s26;
	[dreg:$0x12] =	wrdreg s13  }
0x18: {  	s0 =	simm.s32 $0x400;
	s15 =	sadd.s32 s6, s26;
	[dreg:$0x13] =	wrdreg s14  }
0x19: {  	s7 =	simm.s32 $0x300;
	s16 =	sadd.s32 s5, s8;
	[dreg:$0x14] =	wrdreg s15  }
0x1a: {  	s18 =	sadd.s32 s10, s6;
	s10 =	sadd.s32 s10, s5;
	[dreg:$0x15] =	wrdreg s16  }
0x1b: {  	s20 =	sshrl.u32 s19, $0x3;
	s8 =	sadd.s32 s6, s8;
	[dreg:$0x4] =	wrdreg s18  }
0x1c: {  	[dreg:$0x5] =	wrdreg s10;
	s21 =	sadd.s32 s20, s6;
	s22 =	sadd.s32 $0xA0, s3  }
0x1d: {  	s23 =	sadd.s32 s20, s5;
	[dreg:$0x16] =	wrdreg s8;
	s3 =	sadd.s32 $0x140, s3  }
0x1e: {  	s8 =	simm.s32 $0x380;
	s10 =	simm.s32 $0x2;
	[dreg:$0x6] =	wrdreg s21  }
0x1f: {  	s13 =	simm.s32 $0x3;
	s14 =	simm.s32 $0x4;
	[dreg:$0x7] =	wrdreg s23  }
0x20: {  	s15 =	simm.s32 $0x0;
	s24 =	sshrl.u32 s22, $0x3;
	[dreg:$0x19] =	wrdreg s3  }
0x21: {  	s23 =	simm.s32 $0x7;
	s3 =	simm.s32 $0x5;
	s25 =	sadd.s32 s24, s6  }
0x22: {  	s26 =	sadd.s32 s24, s5;
	s24 =	simm.s32 $0x80;
	[dreg:$0x8] =	wrdreg s25  }
0x23: {  	[dreg:$0x9] =	wrdreg s26;
	s25 =	simm.s32 $0x100;
	s26 =	simm.s32 $0x180  }
.LBB2_1:
0x24: {  	s9 =	rddreg [dreg:$0xb]  }
0x25: {  	s22 =	rddreg [dreg:$0xa];
	s16 =	sshrl.u32 s9, $0x3  }
0x26: {  	[spmem:s16], [sflag:s17] =	dma.local [hbm:s22], $0x2780  }
0x27: {  	_ =	swait.ge [sflag:s23], $0x2780  }
0x28: {  	[sflag:s23] =	ssyncset.done $0x0  }
0x29: {  	[sflag:s23] =	ssyncadd.s32 $0xFFFFD880  }
0x2a: {  	[bflag:$0x0] =	sbarrier.arrive $0xFFFF  }
0x2b: {  	s17 =	rddreg [dreg:$0xd]  }
0x2c: {  	[tilespmem:s4], [sflag:$0x1] =	stream.linear.gather [hbm4b:s17+s4], $0x50, $0x38;
	[tilespmem:$0x19000] =	vst v63  }
0x2d: {  	s18 =	rddreg [dreg:$0xe]  }
0x2e: {  	[tilespmem:s24], [sflag:$0x1] =	stream.linear.gather [hbm4b:s18+s4], $0x50, $0x38;
	[tilespmem:$0x19000] =	vst v63  }
0x2f: {  	p0 =	por $0x1, $0x1;
	s19 =	rddreg [dreg:$0xf]  }
0x30: {  	[tilespmem:s25], [sflag:$0x2] =	stream.linear.gather [hbm4b:s19+s4], $0x50, $0x38;
	[tilespmem:$0x19000] =	vst v63  }
0x31: {  	s20 =	rddreg [dreg:$0x10];
	s17 =	simm.s32 @!p0 $0x6  }
0x32: {  	[tilespmem:s26], [sflag:$0x2] =	stream.linear.gather [hbm4b:s20+s4], $0x50, $0x38;
	[tilespmem:$0x19000] =	vst v63  }
0x33: {  	_ =	swait.ge @!p0 [sflag:s17], $0x2800  }
0x34: {  	s18 =	rddreg [dreg:$0x9];
	[sflag:s17] =	ssyncset.done @!p0 $0x0  }
0x35: {  	s19 =	rddreg [dreg:$0x8];
	[sflag:s17] =	ssyncadd.s32 @!p0 $0xFFFFD800;
	s18 =	sadd.s32 $0x0, s18  }
0x36: {  	[tilespmem:s28], [sflag:$0x3] =	stream.linear.gather [hbm4b:s18+s4], $0x50, $0x38;
	[tilespmem:$0x19000] =	vst v63  }
0x37: {  	s21 =	sadd.s32 $0x0, s19  }
0x38: {  	[tilespmem:s29], [sflag:$0x3] =	stream.linear.gather [hbm4b:s21+s4], $0x50, $0x38;
	[tilespmem:$0x19000] =	vst v63  }
0x39: {  	_ =	swait.ge [sflag:s30], $0x50  }
0x3a: {  	[sflag:s30] =	ssyncset.done $0x0  }
0x3b: {  	[sflag:s30] =	ssyncadd.s32 $0xFFFFFFB0  }
0x3c: {  	_ =	swait.ge [sflag:s30], $0x50  }
0x3d: {  	[sflag:s30] =	ssyncset.done $0x0  }
0x3e: {  	[sflag:s30] =	ssyncadd.s32 $0xFFFFFFB0  }
0x3f: {  	[tilespmem:s0], [sflag:$0x5] =	stream.indirect.gather [hbm4b:s1+s31], $0x80, s4, s31, $0xb8;
	[tilespmem:$0x19000] =	vst v63  }
0x40: {  	_ =	swait.ge [sflag:s3], $0x2800  }
0x41: {  	[sflag:s3] =	ssyncset.done $0x0  }
0x42: {  	[sflag:s3] =	ssyncadd.s32 $0xFFFFD800  }
0x43: {  	[spmem:s2] =	stream.indirect.scatter.add.f32 [tilespmem:s0], [sflag:$0x6], $0x80, s24, s31, $0xb8;
	[tilespmem:$0x19000] =	vst v63  }
0x44: {  	_ =	swait.ge @!p0 [sflag:s17], $0x2800  }
0x45: {  	s22 =	rddreg [dreg:$0x7];
	[sflag:s17] =	ssyncset.done @!p0 $0x0  }
0x46: {  	s9 =	rddreg [dreg:$0x6];
	[sflag:s17] =	ssyncadd.s32 @!p0 $0xFFFFD800;
	s20 =	sadd.s32 $0x0, s22  }
0x47: {  	[tilespmem:s7], [sflag:$0x4] =	stream.linear.gather [hbm4b:s20+s4], $0x50, $0x38;
	[tilespmem:$0x19000] =	vst v63  }
0x48: {  	s21 =	sadd.s32 $0x0, s9  }
0x49: {  	[tilespmem:s8], [sflag:$0x4] =	stream.linear.gather [hbm4b:s21+s4], $0x50, $0x38;
	[tilespmem:$0x19000] =	vst v63  }
0x4a: {  	_ =	swait.ge [sflag:s10], $0x50  }
0x4b: {  	[sflag:s10] =	ssyncset.done $0x0  }
0x4c: {  	[sflag:s10] =	ssyncadd.s32 $0xFFFFFFB0  }
0x4d: {  	_ =	swait.ge [sflag:s10], $0x50  }
0x4e: {  	[sflag:s10] =	ssyncset.done $0x0  }
0x4f: {  	[sflag:s10] =	ssyncadd.s32 $0xFFFFFFB0  }
0x50: {  	[tilespmem:s11], [sflag:$0x5] =	stream.indirect.gather [hbm4b:s1+s31], $0x80, s25, s31, $0xb8;
	[tilespmem:$0x19000] =	vst v63  }
0x51: {  	_ =	swait.ge [sflag:s3], $0x2800  }
0x52: {  	[sflag:s3] =	ssyncset.done $0x0  }
0x53: {  	[sflag:s3] =	ssyncadd.s32 $0xFFFFD800  }
0x54: {  	[spmem:s2] =	stream.indirect.scatter.add.f32 [tilespmem:s11], [sflag:$0x6], $0x80, s26, s31, $0xb8;
	[tilespmem:$0x19000] =	vst v63  }
0x55: {  	_ =	swait.ge [sflag:s12], $0x2800  }
0x56: {  	s9 =	rddreg [dreg:$0x19]  }
0x57: {  	[sflag:s12] =	ssyncset.done $0x0;
	s22 =	sshrl.u32 s9, $0x3  }
0x58: {  	[sflag:s12] =	ssyncadd.s32 $0xFFFFD800;
	s19 =	sadd.s32 s5, s22  }
0x59: {  	[tilespmem:s4], [sflag:$0x1] =	stream.linear.gather [hbm4b:s19+s4], $0x50, $0x38;
	[tilespmem:$0x19000] =	vst v63  }
0x5a: {  	s17 =	sadd.s32 s6, s22  }
0x5b: {  	[tilespmem:s24], [sflag:$0x1] =	stream.linear.gather [hbm4b:s17+s4], $0x50, $0x38;
	[tilespmem:$0x19000] =	vst v63  }
0x5c: {  	_ =	swait.ge [sflag:s13], $0x50  }
0x5d: {  	[sflag:s13] =	ssyncset.done $0x0  }
0x5e: {  	[sflag:s13] =	ssyncadd.s32 $0xFFFFFFB0  }
0x5f: {  	_ =	swait.ge [sflag:s13], $0x50  }
0x60: {  	[sflag:s13] =	ssyncset.done $0x0  }
0x61: {  	[sflag:s13] =	ssyncadd.s32 $0xFFFFFFB0  }
0x62: {  	[tilespmem:s0], [sflag:$0x5] =	stream.indirect.gather [hbm4b:s1+s31], $0x80, s28, s31, $0xb8;
	[tilespmem:$0x19000] =	vst v63  }
0x63: {  	_ =	swait.ge [sflag:s3], $0x2800  }
0x64: {  	[sflag:s3] =	ssyncset.done $0x0  }
0x65: {  	[sflag:s3] =	ssyncadd.s32 $0xFFFFD800  }
0x66: {  	[spmem:s2] =	stream.indirect.scatter.add.f32 [tilespmem:s0], [sflag:$0x6], $0x80, s29, s31, $0xb8;
	[tilespmem:$0x19000] =	vst v63  }
0x67: {  	_ =	swait.ge [sflag:s12], $0x2800  }
0x68: {  	s20 =	rddreg [dreg:$0x5];
	[sflag:s12] =	ssyncset.done $0x0  }
0x69: {  	s21 =	rddreg [dreg:$0x4];
	[sflag:s12] =	ssyncadd.s32 $0xFFFFD800;
	s17 =	sadd.s32 $0x0, s20  }
0x6a: {  	[tilespmem:s25], [sflag:$0x2] =	stream.linear.gather [hbm4b:s17+s4], $0x50, $0x38;
	[tilespmem:$0x19000] =	vst v63  }
0x6b: {  	s22 =	sadd.s32 $0x0, s21  }
0x6c: {  	[tilespmem:s26], [sflag:$0x2] =	stream.linear.gather [hbm4b:s22+s4], $0x50, $0x38;
	[tilespmem:$0x19000] =	vst v63  }
0x6d: {  	_ =	swait.ge [sflag:s14], $0x50  }
0x6e: {  	[sflag:s14] =	ssyncset.done $0x0  }
0x6f: {  	[sflag:s14] =	ssyncadd.s32 $0xFFFFFFB0  }
0x70: {  	_ =	swait.ge [sflag:s14], $0x50  }
0x71: {  	[sflag:s14] =	ssyncset.done $0x0  }
0x72: {  	[sflag:s14] =	ssyncadd.s32 $0xFFFFFFB0  }
0x73: {  	[tilespmem:s11], [sflag:$0x5] =	stream.indirect.gather [hbm4b:s1+s31], $0x80, s7, s31, $0xb8;
	[tilespmem:$0x19000] =	vst v63  }
0x74: {  	p1 =	por $0x0, $0x0;
	s18 =	sadd.s32 $0x140, s9;
	_ =	swait.ge [sflag:s3], $0x2800  }
0x75: {  	s19 =	simm.s32 $0x50;
	s17 =	simm.s32 $0x28;
	[sflag:s3] =	ssyncset.done $0x0  }
.LBB2_2:
0x76: {  	s21 =	simm.s32 @!p1 $0x6;
	[sflag:s3] =	ssyncadd.s32 $0xFFFFD800  }
0x77: {  	[spmem:s2] =	stream.indirect.scatter.add.f32 [tilespmem:s11], [sflag:$0x6], $0x80, s8, s31, $0xb8;
	[tilespmem:$0x19000] =	vst v63  }
0x78: {  	_ =	swait.ge @!p1 [sflag:s21], $0x2800  }
0x79: {  	[sflag:s21] =	ssyncset.done @!p1 $0x0;
	s9 =	rddreg [dreg:$0x9]  }
0x7a: {  	s22 =	rddreg [dreg:$0x8];
	[sflag:s21] =	ssyncadd.s32 @!p1 $0xFFFFD800;
	s9 =	sadd.s32 s17, s9  }
0x7b: {  	[tilespmem:s28], [sflag:$0x3] =	stream.linear.gather [hbm4b:s9+s4], $0x50, $0x38;
	[tilespmem:$0x19000] =	vst v63  }
0x7c: {  	s22 =	sadd.s32 s17, s22  }
0x7d: {  	[tilespmem:s29], [sflag:$0x3] =	stream.linear.gather [hbm4b:s22+s4], $0x50, $0x38;
	[tilespmem:$0x19000] =	vst v63  }
0x7e: {  	_ =	swait.ge [sflag:s30], $0x50  }
0x7f: {  	[sflag:s30] =	ssyncset.done $0x0  }
0x80: {  	[sflag:s30] =	ssyncadd.s32 $0xFFFFFFB0  }
0x81: {  	_ =	swait.ge [sflag:s30], $0x50  }
0x82: {  	[sflag:s30] =	ssyncset.done $0x0  }
0x83: {  	[sflag:s30] =	ssyncadd.s32 $0xFFFFFFB0  }
0x84: {  	[tilespmem:s0], [sflag:$0x5] =	stream.indirect.gather [hbm4b:s1+s31], $0x80, s4, s31, $0xb8;
	[tilespmem:$0x19000] =	vst v63  }
0x85: {  	_ =	swait.ge [sflag:s3], $0x2800  }
0x86: {  	[sflag:s3] =	ssyncset.done $0x0  }
0x87: {  	[sflag:s3] =	ssyncadd.s32 $0xFFFFD800  }
0x88: {  	[spmem:s2] =	stream.indirect.scatter.add.f32 [tilespmem:s0], [sflag:$0x6], $0x80, s24, s31, $0xb8;
	[tilespmem:$0x19000] =	vst v63  }
0x89: {  	_ =	swait.ge @!p1 [sflag:s21], $0x2800  }
0x8a: {  	[sflag:s21] =	ssyncset.done @!p1 $0x0;
	s9 =	rddreg [dreg:$0x7]  }
0x8b: {  	s22 =	rddreg [dreg:$0x6];
	[sflag:s21] =	ssyncadd.s32 @!p1 $0xFFFFD800;
	s9 =	sadd.s32 s17, s9  }
0x8c: {  	[tilespmem:s7], [sflag:$0x4] =	stream.linear.gather [hbm4b:s9+s4], $0x50, $0x38;
	[tilespmem:$0x19000] =	vst v63  }
0x8d: {  	s21 =	sadd.s32 s17, s22  }
0x8e: {  	[tilespmem:s8], [sflag:$0x4] =	stream.linear.gather [hbm4b:s21+s4], $0x50, $0x38;
	[tilespmem:$0x19000] =	vst v63  }
0x8f: {  	_ =	swait.ge [sflag:s10], $0x50  }
0x90: {  	[sflag:s10] =	ssyncset.done $0x0  }
0x91: {  	[sflag:s10] =	ssyncadd.s32 $0xFFFFFFB0  }
0x92: {  	_ =	swait.ge [sflag:s10], $0x50  }
0x93: {  	[sflag:s10] =	ssyncset.done $0x0  }
0x94: {  	[sflag:s10] =	ssyncadd.s32 $0xFFFFFFB0  }
0x95: {  	[tilespmem:s11], [sflag:$0x5] =	stream.indirect.gather [hbm4b:s1+s31], $0x80, s25, s31, $0xb8;
	[tilespmem:$0x19000] =	vst v63  }
0x96: {  	_ =	swait.ge [sflag:s3], $0x2800  }
0x97: {  	[sflag:s3] =	ssyncset.done $0x0  }
0x98: {  	[sflag:s3] =	ssyncadd.s32 $0xFFFFD800  }
0x99: {  	[spmem:s2] =	stream.indirect.scatter.add.f32 [tilespmem:s11], [sflag:$0x6], $0x80, s26, s31, $0xb8;
	[tilespmem:$0x19000] =	vst v63  }
0x9a: {  	_ =	swait.ge [sflag:s12], $0x2800  }
0x9b: {  	s9 =	sshrl.u32 s18, $0x3;
	[sflag:s12] =	ssyncset.done $0x0  }
0x9c: {  	s22 =	sadd.s32 s5, s9;
	[sflag:s12] =	ssyncadd.s32 $0xFFFFD800  }
0x9d: {  	[tilespmem:s4], [sflag:$0x1] =	stream.linear.gather [hbm4b:s22+s4], $0x50, $0x38;
	[tilespmem:$0x19000] =	vst v63  }
0x9e: {  	s9 =	sadd.s32 s6, s9  }
0x9f: {  	[tilespmem:s24], [sflag:$0x1] =	stream.linear.gather [hbm4b:s9+s4], $0x50, $0x38;
	[tilespmem:$0x19000] =	vst v63  }
0xa0: {  	_ =	swait.ge [sflag:s13], $0x50  }
0xa1: {  	[sflag:s13] =	ssyncset.done $0x0  }
0xa2: {  	[sflag:s13] =	ssyncadd.s32 $0xFFFFFFB0  }
0xa3: {  	_ =	swait.ge [sflag:s13], $0x50  }
0xa4: {  	[sflag:s13] =	ssyncset.done $0x0  }
0xa5: {  	[sflag:s13] =	ssyncadd.s32 $0xFFFFFFB0  }
0xa6: {  	[tilespmem:s0], [sflag:$0x5] =	stream.indirect.gather [hbm4b:s1+s31], $0x80, s28, s31, $0xb8;
	[tilespmem:$0x19000] =	vst v63  }
0xa7: {  	_ =	swait.ge [sflag:s3], $0x2800  }
0xa8: {  	[sflag:s3] =	ssyncset.done $0x0  }
0xa9: {  	[sflag:s3] =	ssyncadd.s32 $0xFFFFD800  }
0xaa: {  	[spmem:s2] =	stream.indirect.scatter.add.f32 [tilespmem:s0], [sflag:$0x6], $0x80, s29, s31, $0xb8;
	[tilespmem:$0x19000] =	vst v63  }
0xab: {  	_ =	swait.ge [sflag:s12], $0x2800  }
0xac: {  	s21 =	rddreg [dreg:$0x5];
	[sflag:s12] =	ssyncset.done $0x0  }
0xad: {  	s22 =	rddreg [dreg:$0x4];
	[sflag:s12] =	ssyncadd.s32 $0xFFFFD800;
	s9 =	sadd.s32 s17, s21  }
0xae: {  	[tilespmem:s25], [sflag:$0x2] =	stream.linear.gather [hbm4b:s9+s4], $0x50, $0x38;
	[tilespmem:$0x19000] =	vst v63  }
0xaf: {  	s22 =	sadd.s32 s17, s22  }
0xb0: {  	[tilespmem:s26], [sflag:$0x2] =	stream.linear.gather [hbm4b:s22+s4], $0x50, $0x38;
	[tilespmem:$0x19000] =	vst v63  }
0xb1: {  	_ =	swait.ge [sflag:s14], $0x50  }
0xb2: {  	[sflag:s14] =	ssyncset.done $0x0  }
0xb3: {  	s20 =	smov.u32 s19;
	s19 =	sadd.s32 $0x28, s19;
	[sflag:s14] =	ssyncadd.s32 $0xFFFFFFB0  }
0xb4: {  	p0 =	sne.s32 s19, $0x4B0;
	_ =	swait.ge [sflag:s14], $0x50  }
.Ltmp0:
0xb5: {  	[sflag:s14] =	ssyncset.done $0x0;
	(pc) =	sbr.rel @p0 .LBB2_2-.Ltmp0, $4  }
0xb6: {  	[sflag:s14] =	ssyncadd.s32 $0xFFFFFFB0  }
0xb7: {  	[tilespmem:s11], [sflag:$0x5] =	stream.indirect.gather [hbm4b:s1+s31], $0x80, s7, s31, $0xb8;
	[tilespmem:$0x19000] =	vst v63  }
0xb8: {  	s17 =	smov.u32 s20;
	_ =	swait.ge [sflag:s3], $0x2800  }
0xb9: {  	s18 =	sadd.s32 $0x140, s18;
	p1 =	seq.s32 s17, $0x0;
	[sflag:s3] =	ssyncset.done $0x0  }
0xba: {  	s9 =	simm.s32 @!p1 $0x6;
	[sflag:s3] =	ssyncadd.s32 $0xFFFFD800  }
0xbb: {  	[spmem:s2] =	stream.indirect.scatter.add.f32 [tilespmem:s11], [sflag:$0x6], $0x80, s8, s31, $0xb8;
	[tilespmem:$0x19000] =	vst v63  }
0xbc: {  	_ =	swait.ge @!p1 [sflag:s9], $0x2800  }
0xbd: {  	s19 =	rddreg [dreg:$0x9];
	[sflag:s9] =	ssyncset.done @!p1 $0x0  }
0xbe: {  	s20 =	rddreg [dreg:$0x8];
	[sflag:s9] =	ssyncadd.s32 @!p1 $0xFFFFD800;
	s19 =	sadd.s32 s17, s19  }
0xbf: {  	[tilespmem:s28], [sflag:$0x3] =	stream.linear.gather [hbm4b:s19+s4], $0x50, $0x38;
	[tilespmem:$0x19000] =	vst v63  }
0xc0: {  	s20 =	sadd.s32 s17, s20  }
0xc1: {  	[tilespmem:s29], [sflag:$0x3] =	stream.linear.gather [hbm4b:s20+s4], $0x50, $0x38;
	[tilespmem:$0x19000] =	vst v63  }
0xc2: {  	_ =	swait.ge [sflag:s30], $0x50  }
0xc3: {  	[sflag:s30] =	ssyncset.done $0x0  }
0xc4: {  	[sflag:s30] =	ssyncadd.s32 $0xFFFFFFB0  }
0xc5: {  	_ =	swait.ge [sflag:s30], $0x50  }
0xc6: {  	[sflag:s30] =	ssyncset.done $0x0  }
0xc7: {  	[sflag:s30] =	ssyncadd.s32 $0xFFFFFFB0  }
0xc8: {  	[tilespmem:s0], [sflag:$0x5] =	stream.indirect.gather [hbm4b:s1+s31], $0x80, s4, s31, $0xb8;
	[tilespmem:$0x19000] =	vst v63  }
0xc9: {  	_ =	swait.ge [sflag:s3], $0x2800  }
0xca: {  	[sflag:s3] =	ssyncset.done $0x0  }
0xcb: {  	[sflag:s3] =	ssyncadd.s32 $0xFFFFD800  }
0xcc: {  	[spmem:s2] =	stream.indirect.scatter.add.f32 [tilespmem:s0], [sflag:$0x6], $0x80, s24, s31, $0xb8;
	[tilespmem:$0x19000] =	vst v63  }
0xcd: {  	_ =	swait.ge @!p1 [sflag:s9], $0x2800  }
0xce: {  	s21 =	rddreg [dreg:$0x7];
	[sflag:s9] =	ssyncset.done @!p1 $0x0  }
0xcf: {  	s22 =	rddreg [dreg:$0x6];
	[sflag:s9] =	ssyncadd.s32 @!p1 $0xFFFFD800;
	s19 =	sadd.s32 s17, s21  }
0xd0: {  	[tilespmem:s7], [sflag:$0x4] =	stream.linear.gather [hbm4b:s19+s4], $0x50, $0x38;
	[tilespmem:$0x19000] =	vst v63  }
0xd1: {  	s21 =	sadd.s32 s17, s22  }
0xd2: {  	[tilespmem:s8], [sflag:$0x4] =	stream.linear.gather [hbm4b:s21+s4], $0x50, $0x38;
	[tilespmem:$0x19000] =	vst v63  }
0xd3: {  	_ =	swait.ge [sflag:s10], $0x50  }
0xd4: {  	[sflag:s10] =	ssyncset.done $0x0  }
0xd5: {  	[sflag:s10] =	ssyncadd.s32 $0xFFFFFFB0  }
0xd6: {  	_ =	swait.ge [sflag:s10], $0x50  }
0xd7: {  	[sflag:s10] =	ssyncset.done $0x0  }
0xd8: {  	[sflag:s10] =	ssyncadd.s32 $0xFFFFFFB0  }
0xd9: {  	[tilespmem:s11], [sflag:$0x5] =	stream.indirect.gather [hbm4b:s1+s31], $0x80, s25, s31, $0xb8;
	[tilespmem:$0x19000] =	vst v63  }
0xda: {  	_ =	swait.ge [sflag:s3], $0x2800  }
0xdb: {  	[sflag:s3] =	ssyncset.done $0x0  }
0xdc: {  	[sflag:s3] =	ssyncadd.s32 $0xFFFFD800  }
0xdd: {  	[spmem:s2] =	stream.indirect.scatter.add.f32 [tilespmem:s11], [sflag:$0x6], $0x80, s26, s31, $0xb8;
	[tilespmem:$0x19000] =	vst v63  }
0xde: {  	_ =	swait.ge [sflag:s12], $0x2800  }
0xdf: {  	s22 =	sshrl.u32 s18, $0x3;
	[sflag:s12] =	ssyncset.done $0x0  }
0xe0: {  	s18 =	sadd.s32 s5, s22;
	[sflag:s12] =	ssyncadd.s32 $0xFFFFD800  }
0xe1: {  	[tilespmem:s4], [sflag:$0x1] =	stream.linear.gather [hbm4b:s18+s4], $0x50, $0x38;
	[tilespmem:$0x19000] =	vst v63  }
0xe2: {  	s9 =	sadd.s32 s6, s22  }
0xe3: {  	[tilespmem:s24], [sflag:$0x1] =	stream.linear.gather [hbm4b:s9+s4], $0x50, $0x38;
	[tilespmem:$0x19000] =	vst v63  }
0xe4: {  	_ =	swait.ge [sflag:s13], $0x50  }
0xe5: {  	[sflag:s13] =	ssyncset.done $0x0  }
0xe6: {  	[sflag:s13] =	ssyncadd.s32 $0xFFFFFFB0  }
0xe7: {  	_ =	swait.ge [sflag:s13], $0x50  }
0xe8: {  	[sflag:s13] =	ssyncset.done $0x0  }
0xe9: {  	[sflag:s13] =	ssyncadd.s32 $0xFFFFFFB0  }
0xea: {  	[tilespmem:s0], [sflag:$0x5] =	stream.indirect.gather [hbm4b:s1+s31], $0x80, s28, s31, $0xb8;
	[tilespmem:$0x19000] =	vst v63  }
0xeb: {  	_ =	swait.ge [sflag:s3], $0x2800  }
0xec: {  	[sflag:s3] =	ssyncset.done $0x0  }
0xed: {  	[sflag:s3] =	ssyncadd.s32 $0xFFFFD800  }
0xee: {  	[spmem:s2] =	stream.indirect.scatter.add.f32 [tilespmem:s0], [sflag:$0x6], $0x80, s29, s31, $0xb8;
	[tilespmem:$0x19000] =	vst v63  }
0xef: {  	_ =	swait.ge [sflag:s12], $0x2800  }
0xf0: {  	s18 =	rddreg [dreg:$0x5];
	[sflag:s12] =	ssyncset.done $0x0  }
0xf1: {  	s19 =	rddreg [dreg:$0x4];
	[sflag:s12] =	ssyncadd.s32 $0xFFFFD800;
	s9 =	sadd.s32 s17, s18  }
0xf2: {  	[tilespmem:s25], [sflag:$0x2] =	stream.linear.gather [hbm4b:s9+s4], $0x50, $0x38;
	[tilespmem:$0x19000] =	vst v63  }
0xf3: {  	s20 =	sadd.s32 s17, s19  }
0xf4: {  	[tilespmem:s26], [sflag:$0x2] =	stream.linear.gather [hbm4b:s20+s4], $0x50, $0x38;
	[tilespmem:$0x19000] =	vst v63  }
0xf5: {  	_ =	swait.ge [sflag:s14], $0x50  }
0xf6: {  	[sflag:s14] =	ssyncset.done $0x0  }
0xf7: {  	[sflag:s14] =	ssyncadd.s32 $0xFFFFFFB0  }
0xf8: {  	_ =	swait.ge [sflag:s14], $0x50  }
0xf9: {  	[sflag:s14] =	ssyncset.done $0x0  }
0xfa: {  	[sflag:s14] =	ssyncadd.s32 $0xFFFFFFB0  }
0xfb: {  	[tilespmem:s11], [sflag:$0x5] =	stream.indirect.gather [hbm4b:s1+s31], $0x80, s7, s31, $0xb8;
	[tilespmem:$0x19000] =	vst v63  }
0xfc: {  	_ =	swait.ge [sflag:s3], $0x2800  }
0xfd: {  	[sflag:s3] =	ssyncset.done $0x0  }
0xfe: {  	[sflag:s3] =	ssyncadd.s32 $0xFFFFD800  }
0xff: {  	[spmem:s2] =	stream.indirect.scatter.add.f32 [tilespmem:s11], [sflag:$0x6], $0x80, s8, s31, $0xb8;
	[tilespmem:$0x19000] =	vst v63  }
0x100: {  	_ =	swait.ge [sflag:s12], $0x2800  }
0x101: {  	[sflag:s12] =	ssyncset.done $0x0  }
0x102: {  	s21 =	rddreg [dreg:$0x11];
	[sflag:s12] =	ssyncadd.s32 $0xFFFFD800  }
0x103: {  	[tilespmem:s28], [sflag:$0x3] =	stream.linear.gather [hbm4b:s21+s4], $0x50, $0x38;
	[tilespmem:$0x19000] =	vst v63  }
0x104: {  	s22 =	rddreg [dreg:$0x12]  }
0x105: {  	[tilespmem:s29], [sflag:$0x3] =	stream.linear.gather [hbm4b:s22+s4], $0x50, $0x38;
	[tilespmem:$0x19000] =	vst v63  }
0x106: {  	_ =	swait.ge [sflag:s30], $0x50  }
0x107: {  	[sflag:s30] =	ssyncset.done $0x0  }
0x108: {  	[sflag:s30] =	ssyncadd.s32 $0xFFFFFFB0  }
0x109: {  	_ =	swait.ge [sflag:s30], $0x50  }
0x10a: {  	[sflag:s30] =	ssyncset.done $0x0  }
0x10b: {  	[sflag:s30] =	ssyncadd.s32 $0xFFFFFFB0  }
0x10c: {  	[tilespmem:s0], [sflag:$0x5] =	stream.indirect.gather [hbm4b:s1+s31], $0x80, s4, s31, $0xb8;
	[tilespmem:$0x19000] =	vst v63  }
0x10d: {  	_ =	swait.ge [sflag:s3], $0x2800  }
0x10e: {  	[sflag:s3] =	ssyncset.done $0x0  }
0x10f: {  	[sflag:s3] =	ssyncadd.s32 $0xFFFFD800  }
0x110: {  	[spmem:s2] =	stream.indirect.scatter.add.f32 [tilespmem:s0], [sflag:$0x6], $0x80, s24, s31, $0xb8;
	[tilespmem:$0x19000] =	vst v63  }
0x111: {  	_ =	swait.ge [sflag:s12], $0x2800  }
0x112: {  	[sflag:s12] =	ssyncset.done $0x0  }
0x113: {  	s17 =	rddreg [dreg:$0x13];
	[sflag:s12] =	ssyncadd.s32 $0xFFFFD800  }
0x114: {  	[tilespmem:s7], [sflag:$0x4] =	stream.linear.gather [hbm4b:s17+s4], $0x50, $0x38;
	[tilespmem:$0x19000] =	vst v63  }
0x115: {  	s18 =	rddreg [dreg:$0x14]  }
0x116: {  	[tilespmem:s8], [sflag:$0x4] =	stream.linear.gather [hbm4b:s18+s4], $0x50, $0x38;
	[tilespmem:$0x19000] =	vst v63  }
0x117: {  	_ =	swait.ge [sflag:s10], $0x50  }
0x118: {  	[sflag:s10] =	ssyncset.done $0x0  }
0x119: {  	[sflag:s10] =	ssyncadd.s32 $0xFFFFFFB0  }
0x11a: {  	_ =	swait.ge [sflag:s10], $0x50  }
0x11b: {  	[sflag:s10] =	ssyncset.done $0x0  }
0x11c: {  	[sflag:s10] =	ssyncadd.s32 $0xFFFFFFB0  }
0x11d: {  	[tilespmem:s11], [sflag:$0x5] =	stream.indirect.gather [hbm4b:s1+s31], $0x80, s25, s31, $0xb8;
	[tilespmem:$0x19000] =	vst v63  }
0x11e: {  	_ =	swait.ge [sflag:s3], $0x2800  }
0x11f: {  	[sflag:s3] =	ssyncset.done $0x0  }
0x120: {  	[sflag:s3] =	ssyncadd.s32 $0xFFFFD800  }
0x121: {  	[spmem:s2] =	stream.indirect.scatter.add.f32 [tilespmem:s11], [sflag:$0x6], $0x80, s26, s31, $0xb8;
	[tilespmem:$0x19000] =	vst v63  }
0x122: {  	_ =	swait.ge [sflag:s12], $0x2800  }
0x123: {  	[sflag:s12] =	ssyncset.done $0x0  }
0x124: {  	s19 =	rddreg [dreg:$0x15];
	[sflag:s12] =	ssyncadd.s32 $0xFFFFD800  }
0x125: {  	[tilespmem:s4], [sflag:$0x1] =	stream.linear.gather [hbm4b:s19+s4], $0x50, $0x38;
	[tilespmem:$0x19000] =	vst v63  }
0x126: {  	s20 =	rddreg [dreg:$0x16]  }
0x127: {  	[tilespmem:s24], [sflag:$0x1] =	stream.linear.gather [hbm4b:s20+s4], $0x50, $0x38;
	[tilespmem:$0x19000] =	vst v63  }
0x128: {  	_ =	swait.ge [sflag:s13], $0x50  }
0x129: {  	[sflag:s13] =	ssyncset.done $0x0  }
0x12a: {  	[sflag:s13] =	ssyncadd.s32 $0xFFFFFFB0  }
0x12b: {  	_ =	swait.ge [sflag:s13], $0x50  }
0x12c: {  	[sflag:s13] =	ssyncset.done $0x0  }
0x12d: {  	[sflag:s13] =	ssyncadd.s32 $0xFFFFFFB0  }
0x12e: {  	[tilespmem:s0], [sflag:$0x5] =	stream.indirect.gather [hbm4b:s1+s31], $0x80, s28, s31, $0xb8;
	[tilespmem:$0x19000] =	vst v63  }
0x12f: {  	_ =	swait.ge [sflag:s3], $0x2800  }
0x130: {  	[sflag:s3] =	ssyncset.done $0x0  }
0x131: {  	[sflag:s3] =	ssyncadd.s32 $0xFFFFD800  }
0x132: {  	[spmem:s2] =	stream.indirect.scatter.add.f32 [tilespmem:s0], [sflag:$0x6], $0x80, s29, s31, $0xb8;
	[tilespmem:$0x19000] =	vst v63  }
0x133: {  	_ =	swait.ge [sflag:s12], $0x2800  }
0x134: {  	[sflag:s12] =	ssyncset.done $0x0  }
0x135: {  	[sflag:s12] =	ssyncadd.s32 $0xFFFFD800  }
0x136: {  	_ =	swait.ge [sflag:s14], $0x50  }
0x137: {  	[sflag:s14] =	ssyncset.done $0x0  }
0x138: {  	[sflag:s14] =	ssyncadd.s32 $0xFFFFFFB0  }
0x139: {  	_ =	swait.ge [sflag:s14], $0x50  }
0x13a: {  	[sflag:s14] =	ssyncset.done $0x0  }
0x13b: {  	[sflag:s14] =	ssyncadd.s32 $0xFFFFFFB0  }
0x13c: {  	[tilespmem:s11], [sflag:$0x5] =	stream.indirect.gather [hbm4b:s1+s31], $0x80, s7, s31, $0xb8;
	[tilespmem:$0x19000] =	vst v63  }
0x13d: {  	_ =	swait.ge [sflag:s3], $0x2800  }
0x13e: {  	[sflag:s3] =	ssyncset.done $0x0  }
0x13f: {  	[sflag:s3] =	ssyncadd.s32 $0xFFFFD800  }
0x140: {  	[spmem:s2] =	stream.indirect.scatter.add.f32 [tilespmem:s11], [sflag:$0x6], $0x80, s8, s31, $0xb8;
	[tilespmem:$0x19000] =	vst v63  }
0x141: {  	_ =	swait.ge [sflag:s12], $0x2800  }
0x142: {  	[sflag:s12] =	ssyncset.done $0x0  }
0x143: {  	[sflag:s12] =	ssyncadd.s32 $0xFFFFD800  }
0x144: {  	_ =	swait.ge [sflag:s30], $0x50  }
0x145: {  	[sflag:s30] =	ssyncset.done $0x0  }
0x146: {  	[sflag:s30] =	ssyncadd.s32 $0xFFFFFFB0  }
0x147: {  	_ =	swait.ge [sflag:s30], $0x50  }
0x148: {  	[sflag:s30] =	ssyncset.done $0x0  }
0x149: {  	[sflag:s30] =	ssyncadd.s32 $0xFFFFFFB0  }
0x14a: {  	[tilespmem:s0], [sflag:$0x5] =	stream.indirect.gather [hbm4b:s1+s31], $0x80, s4, s31, $0xb8;
	[tilespmem:$0x19000] =	vst v63  }
0x14b: {  	_ =	swait.ge [sflag:s3], $0x2800  }
0x14c: {  	[sflag:s3] =	ssyncset.done $0x0  }
0x14d: {  	[sflag:s3] =	ssyncadd.s32 $0xFFFFD800  }
0x14e: {  	[spmem:s2] =	stream.indirect.scatter.add.f32 [tilespmem:s0], [sflag:$0x6], $0x80, s24, s31, $0xb8;
	[tilespmem:$0x19000] =	vst v63  }
0x14f: {  	_ =	swait.ge [sflag:s12], $0x2800  }
0x150: {  	[sflag:s12] =	ssyncset.done $0x0  }
0x151: {  	[sflag:s12] =	ssyncadd.s32 $0xFFFFD800  }
0x152: {  	_ =	swait.ge [sflag:s12], $0x2800  }
0x153: {  	[sflag:s12] =	ssyncset.done $0x0  }
0x154: {  	[sflag:s12] =	ssyncadd.s32 $0xFFFFD800  }
0x155: {  	[bflag:$0x0] =	sbarrier.arrive $0xFFFF  }
0x156: {  	s17 =	rddreg [dreg:$0xc]  }
0x157: {  	s21 =	rddreg [dreg:$0x17]  }
0x158: {  	[hbm:s21], [sflag:s17] =	dma.local [spmem:s16], $0x2780  }
0x159: {  	_ =	swait.ge [sflag:s23], $0x2780  }
0x15a: {  	s15 =	sadd.s32 $0x1, s15;
	s22 =	rddreg [dreg:$0x18]  }
0x15b: {  	p0 =	sne.s32 s15, s22  }
.Ltmp1:
0x15c: {  	_ = 	snop;
	(pc) =	sbr.rel @p0 .LBB2_1-.Ltmp1, $3  }
0x15d: {  	_ =	sdelay $0x1  }
0x15e: {  	[sflag:s23] =	ssyncset.done $0x0  }
0x15f: {  	[sflag:s23] =	ssyncadd.s32 $0xFFFFD880  }
0x160: {  	_ =	sfence.sel $0x180000  }
0x161: {  	[bflag:$0x0] =	sbarrier.arrive $0xFFFF  }
0x162: {  	_ =	strace $0x9000004D  }
0x163: {  	s0 =	stileid.u32;
	[bflag:$0x2] =	sbarrier.arrive $0xFFFF  }
0x164: {  	p0 =	sne.s32 s0, $0x0;
	s0 =	rddreg [dreg:$0x3]  }
0x165: {  	s0 =	sadd.s32 @!p0 $0x100000, s0  }
0x166: {  	[sflag:s0] =	ssyncadd.tile.s32 @!p0 $0x1;
	_ =	shalt  }
.Lfunc_end2:
_tile_overlayer_lowered:
.L_overlay_start_2:
0x167: {  	(tag) =	ssettag $0x2  }
0x168: {  	s0 =	rddreg [dreg:$0x0];
	s2 =	stileid.u32  }
0x169: {  	s1 =	rddreg [dreg:$0x1];
	p0 =	sne.s32 s2, $0x0  }
0x16a: {  	s3 =	rddreg [dreg:$0x2];
	[bflag:$0x3] =	sbarrier.arrive $0xFFFF;
	s2 =	simm.s32 @!p0 $0x1C07  }
0x16b: {  	[timem:s3], [sflag:s2] =	dma.local @!p0 [hbm:s0], s1  }
0x16c: {  	s0 =	simm.s32 @!p0 $0x7  }
0x16d: {  	_ =	swait.ge @!p0 [sflag:s0], s1  }
0x16e: {  	s1 =	ssub.s32 @!p0 $0x0, s1;
	[sflag:s0] =	ssyncset.done @!p0 $0x0  }
0x16f: {  	[sflag:s0] =	ssyncadd.s32 @!p0 s1  }
0x170: {  	[bflag:$0x3] =	sbarrier.arrive $0xFFFF  }
0x171: {  	_ =	shalt  }

// kernel: kernel.8.cloned.1.call-start
scs
__scs_entry_jumppad:
0x0: {  	(pc) =	sbr.rel $0x88, $3  }
0x1: {  	(tag) =	ssettag $0x0;
	lr =	simm.s32 $0x1  }
0x2: {  	[smem:$0x3F9B] =	sst lr;
	_ =	strace $0xD0000000  }
0x3: {  	_ = 	snop  }
0x4: {  	_ = 	snop  }
0x5: {  	_ = 	snop  }
0x6: {  	_ = 	snop  }
0x7: {  	_ = 	snop  }
__scs_overlays_trampoline_lowered:
0x8: {  	[smem:$0x3FAA] =	sst s0  }
0x9: {  	[smem:$0x3FAB] =	sst s1  }
0xa: {  	[smem:$0x3FAC] =	sst s2  }
0xb: {  	[smem:$0x3FAD] =	sst s3  }
0xc: {  	[smem:$0x3FAE] =	sst s4  }
0xd: {  	[smem:$0x3FAF] =	sst s5  }
0xe: {  	[smem:$0x3FB0] =	sst s6  }
0xf: {  	[smem:$0x3FB1] =	sst s7  }
0x10: {  	[smem:$0x3FB2] =	sst s8  }
0x11: {  	[smem:$0x3FB3] =	sst s9;
	s0 =	simm.s32 @!p0 $0x0  }
0x12: {  	s1 =	sld [smem:$0x3F99];
	s0 =	simm.s32 @p0 $0x1  }
0x13: {  	[smem:$0x3FB4] =	sst s0;
	s0 =	simm.s32 @!p1 $0x0  }
0x14: {  	s2 =	sld [smem:$0x3F98];
	s0 =	simm.s32 @p1 $0x1  }
0x15: {  	[smem:$0x3FB5] =	sst s0;
	s0 =	simm.s32 @!p2 $0x0  }
0x16: {  	s3 =	sld [smem:$0x3FDB];
	s0 =	simm.s32 @p2 $0x1  }
0x17: {  	s4 =	simm.s32 $0x1BF5;
	[smem:$0x3FB7] =	sst s0  }
0x18: {  	s0 =	sld [smem:$0x3F9A];
	_ =	swait.ge [sflag:s4], $0x0  }
0x19: {  	s7 =	sld [smem:$0x3F9B]  }
0x1a: {  	s8 =	sadd.s32 $0xFFFFE003, lr  }
0x1b: {  	s9 =	sadd.s32 $0xFFFFFEF7, lr;
	s5 =	simm.s32 $0xFFFFFFFF;
	p2 =	slt.u32 s8, $0xFFFFF086  }
0x1c: {  	p1 =	slt.u32 s9, $0xF7A;
	s5 =	simm.s32 @!p2 $0x0  }
0x1d: {  	s5 =	simm.s32 @p1 $0x1;
	p0 =	seq.s32 s7, s2  }
0x1e: {  	s7 =	smul.u32 @!p0 $0xF7A, s2;
	p2 =	seq.s32 @!p0 s5, $0x0  }
0x1f: {  	s9 =	smul.u32 $0xF7A, s1;
	s8 =	simm.s32 @!p0 $0x1BF5;
	p2 =	por !p2, p0  }
0x20: {  	[sflag:s8] =	ssyncset.s32 @!p0 $0xFFFFF086;
	s6 =	sadd.s32 @!p0 s3, s7;
	s7 =	simm.s32 @!p0 $0x108  }
0x21: {  	s3 =	sadd.s32 s3, s9;
	s6 =	sadd.s32 @!p0 $0x88, s6;
	s7 =	simm.s32 @p2 $0x1082  }
0x22: {  	[simem:s7], [sflag:s8] =	dma.local @!p0 [hbm:s6], $0xF7A  }
0x23: {  	s9 =	sor.u32 $0xD0000000, s2;
	s6 =	simm.s32 $0x108;
	_ =	swait.ge @!p0 [sflag:s8], $0x0  }
0x24: {  	s3 =	sadd.s32 $0x88, s3;
	s6 =	simm.s32 @!p1 $0x1082;
	[sflag:s4] =	ssyncset.s32 $0xFFFFF086  }
0x25: {  	[simem:s6], [sflag:s4] =	dma.local [hbm:s3], $0xF7A  }
0x26: {  	[smem:$0x3F9B] =	sst s1;
	(tag) =	ssettag s2;
	_ =	strace s9  }
0x27: {  	s1 =	sld [smem:$0x3FAB]  }
0x28: {  	s2 =	sld [smem:$0x3FAC]  }
0x29: {  	s4 =	sld [smem:$0x3FAE]  }
0x2a: {  	p0 =	seq.s32 s5, $0x0;
	s5 =	sld [smem:$0x3FAF]  }
0x2b: {  	s6 =	sld [smem:$0x3FB0]  }
0x2c: {  	s7 =	sld [smem:$0x3FB1]  }
0x2d: {  	s3 =	simm.s32 $0x108;
	s8 =	sld [smem:$0x3FB2]  }
0x2e: {  	s3 =	simm.s32 @!p0 $0x1082;
	s9 =	sld [smem:$0x3FB3]  }
0x2f: {  	lr =	sadd.s32 s0, s3;
	s0 =	sld [smem:$0x3FAA]  }
0x30: {  	s3 =	sld [smem:$0x3FAD]  }
0x31: {  	[smem:$0x3FB6] =	sst s10  }
0x32: {  	s10 =	sld [smem:$0x3FB4];
	_ =	sdelay $0x3  }
0x33: {  	p0 =	seq.s32 s10, $0x1;
	s10 =	sld [smem:$0x3FB6];
	_ =	sdelay $0x3  }
0x34: {  	[smem:$0x3FB6] =	sst s10  }
0x35: {  	s10 =	sld [smem:$0x3FB5];
	_ =	sdelay $0x3  }
0x36: {  	p1 =	seq.s32 s10, $0x1;
	s10 =	sld [smem:$0x3FB6];
	_ =	sdelay $0x3  }
0x37: {  	[smem:$0x3FB6] =	sst s10  }
0x38: {  	s10 =	sld [smem:$0x3FB7]  }
0x39: {  	_ = 	snop;
	(pc) =	sbr.ind lr, $3  }
0x3a: {  	_ = 	snop  }
0x3b: {  	_ = 	snop  }
0x3c: {  	p2 =	seq.s32 s10, $0x1;
	s10 =	sld [smem:$0x3FB6]  }
0x3d: {  	_ =	shalt  }
0x3e: {  	_ =	shalt  }
0x3f: {  	_ =	shalt  }
0x40: {  	_ =	shalt  }
0x41: {  	_ =	shalt  }
0x42: {  	_ =	shalt  }
0x43: {  	_ =	shalt  }
0x44: {  	_ =	shalt  }
0x45: {  	_ =	shalt  }
0x46: {  	_ =	shalt  }
0x47: {  	_ =	shalt  }
0x48: {  	_ =	shalt  }
0x49: {  	_ =	shalt  }
0x4a: {  	_ =	shalt  }
0x4b: {  	_ =	shalt  }
0x4c: {  	_ =	shalt  }
0x4d: {  	_ =	shalt  }
0x4e: {  	_ =	shalt  }
0x4f: {  	_ =	shalt  }
0x50: {  	_ =	shalt  }
0x51: {  	_ =	shalt  }
0x52: {  	_ =	shalt  }
0x53: {  	_ =	shalt  }
0x54: {  	_ =	shalt  }
0x55: {  	_ =	shalt  }
0x56: {  	_ =	shalt  }
0x57: {  	_ =	shalt  }
0x58: {  	_ =	shalt  }
0x59: {  	_ =	shalt  }
0x5a: {  	_ =	shalt  }
0x5b: {  	_ =	shalt  }
0x5c: {  	_ =	shalt  }
0x5d: {  	_ =	shalt  }
0x5e: {  	_ =	shalt  }
0x5f: {  	_ =	shalt  }
0x60: {  	_ =	shalt  }
0x61: {  	_ =	shalt  }
0x62: {  	_ =	shalt  }
0x63: {  	_ =	shalt  }
0x64: {  	_ =	shalt  }
0x65: {  	_ =	shalt  }
0x66: {  	_ =	shalt  }
0x67: {  	_ =	shalt  }
0x68: {  	_ =	shalt  }
0x69: {  	_ =	shalt  }
0x6a: {  	_ =	shalt  }
0x6b: {  	_ =	shalt  }
0x6c: {  	_ =	shalt  }
0x6d: {  	_ =	shalt  }
0x6e: {  	_ =	shalt  }
0x6f: {  	_ =	shalt  }
0x70: {  	_ =	shalt  }
0x71: {  	_ =	shalt  }
0x72: {  	_ =	shalt  }
0x73: {  	_ =	shalt  }
0x74: {  	_ =	shalt  }
0x75: {  	_ =	shalt  }
0x76: {  	_ =	shalt  }
0x77: {  	_ =	shalt  }
0x78: {  	_ =	shalt  }
0x79: {  	_ =	shalt  }
0x7a: {  	_ =	shalt  }
0x7b: {  	_ =	shalt  }
0x7c: {  	_ =	shalt  }
0x7d: {  	_ =	shalt  }
0x7e: {  	_ =	shalt  }
0x7f: {  	_ =	shalt  }
0x80: {  	_ =	shalt  }
0x81: {  	_ =	shalt  }
0x82: {  	_ =	shalt  }
0x83: {  	_ =	shalt  }
0x84: {  	_ =	shalt  }
0x85: {  	_ =	shalt  }
0x86: {  	_ =	shalt  }
0x87: {  	_ =	shalt  }
.Lfunc_end0:
.L_simem_size_0:
called_computation_lowered:
.L_overlay_start_0:
0x88: {  	s2 =	sld [smem:$0x3FD9]  }
0x89: {  	s3 =	sld [smem:$0x3FFE];
	_ =	sdelay $0x1  }
0x8a: {  	s1 =	srdreg.scid  }
0x8b: {  	s0 =	sand.u32 $0x1, s1  }
0x8c: {  	s17 =	sshll.u32 s0, $0xA;
	s2 =	sadd.s32 s3, s2  }
0x8d: {  	s2 =	sadd.s32 s2, s17  }
0x8e: {  	[smem:$0x3FC2] =	sst s2  }
0x8f: {  	_ = 	snop  }
0x90: {  	s2 =	sld [smem:$0x3FD0];
	(tm) =	ssettm $0x1  }
0x91: {  	s18 =	sld [smem:$0x3FFB];
	_ =	sdelay $0x3  }
0x92: {  	_ =	strace s18  }
0x93: {  	s3 =	sld [smem:$0x3FFC];
	_ =	sdelay $0x3  }
0x94: {  	_ =	strace s3  }
0x95: {  	s3 =	sld [smem:$0x3FFD];
	_ =	sdelay $0x3  }
0x96: {  	_ =	strace s3  }
0x97: {  	_ =	strace $0x8FFFFFFF  }
0x98: {  	s19 =	sld [smem:$0x3FDB];
	_ =	sdelay $0x1  }
0x99: {  	s4 =	simm.s32 $_scs_section_size  }
0x9a: {  	s5 =	simm.s32 $_size__tile_overlayer_lowered;
	s6 =	simm.s32 $_tile_overlayer_lowered  }
0x9b: {  	s22 =	simm.s32 $0x1BFF;
	s21 =	sshll.u32 s6, $0x1;
	s3 =	sadd.s32 s4, s19  }
0x9c: {  	s7 =	simm.s32 $0x0;
	s20 =	sshll.u32 s5, $0x1;
	s5 =	sadd.s32 s21, s3  }
0x9d: {  	[timem:s7], [sflag:s22] =	dma.local [hbm:s5], s20  }
0x9e: {  	_ =	swait.ge [sflag:s22], s20  }
0x9f: {  	s4 =	ssub.s32 $0x0, s20;
	[sflag:s22] =	ssyncset.done $0x0  }
0xa0: {  	[sflag:s22] =	ssyncadd.s32 s4;
	_ =	sdelay $0x1  }
0xa1: {  	s23 =	simm.s32 $0x1B8B  }
0xa2: {  	_ =	swait.ge [sflag:s23], $0x1  }
0xa3: {  	[sflag:s23] =	ssyncset.done $0x0  }
0xa4: {  	s25 =	simm.s32 $0x1B8E;
	s24 =	sld [smem:$0x3FFE];
	[sflag:s23] =	ssyncadd.s32 $0xFFFFFFFF  }
0xa5: {  	s26 =	simm.s32 $execute0_lowered;
	[smem:$0x3FD2] =	sst s25  }
0xa6: {  	s5 =	sshll.u32 s26, $0x1;
	_ =	strace $0x80000046;
	[dreg:$0x1] =	wrdreg $0xFFFFFFFF  }
0xa7: {  	s28 =	simm.s32 $_size_execute0_lowered;
	s3 =	sadd.s32 s3, s5;
	[dreg:$0x0] =	wrdreg $0x0  }
0xa8: {  	s5 =	sshll.u32 s28, $0x1;
	[dreg:$0x2] =	wrdreg s3  }
0xa9: {  	[dreg:$0x3] =	wrdreg s5  }
0xaa: {  	[dreg:$0x4] =	wrdreg $0xC0  }
0xab: {  	_ =	task [dreg:s7], $0x5FFFF  }
0xac: {  	[dreg:$0x1] =	wrdreg $0xFFFFFFFF  }
0xad: {  	[dreg:$0x0] =	wrdreg $0x60  }
0xae: {  	[dreg:$0x2] =	wrdreg s24  }
0xaf: {  	[dreg:$0x3] =	wrdreg s2  }
0xb0: {  	[dreg:$0x4] =	wrdreg $0x2A000  }
0xb1: {  	[dreg:$0x5] =	wrdreg $0x9  }
0xb2: {  	_ =	task.clear_ibuf [dreg:s7], $0x6FFFF;
	_ =	strace $0x90000046  }
0xb3: {  	s29 =	simm.s32 $0x9;
	_ =	strace $0x80000048  }
0xb4: {  	_ =	swait.ge [sflag:s29], $0x1  }
0xb5: {  	[sflag:s29] =	ssyncadd.s32 $0xFFFFFFFF  }
0xb6: {  	_ =	strace $0x90000048  }
0xb7: {  	_ =	sfence  }
0xb8: {  	s30 =	sld [smem:$0x0];
	_ =	sdelay $0x2  }
0xb9: {  	s31 =	sshll.u32 s1, $0xD;
	s1 =	sshrl.u32 s1, $0x2  }
0xba: {  	s3 =	sand.u32 $0x4000, s31;
	s1 =	sadd.s32 s1, s30  }
0xbb: {  	s0 =	sor.u32 s3, s0;
	s1 =	sshll.u32 s1, $0x11  }
0xbc: {  	s0 =	sor.u32 s1, s0  }
0xbd: {  	s0 =	sadd.s32 $0x8F2B, s0  }
0xbe: {  	[sflag:s0] =	ssyncadd.remote.s32 $0x1  }
0xbf: {  	_ =	sfence.sel $0xFFFF  }
0xc0: {  	[dreg:$0x0] =	wrdreg $0xFFFFFFFF;
	(pc) =	sbr.abs _section_cstart, $3  }
0xc1: {  	[dreg:$0x1] =	wrdreg $0xFFFFFFFF  }
0xc2: {  	_ =	task.clear_ibuf [dreg:s7], $0x2FFFF;
	_ =	strace $0x9FFFFFFF  }
0xc3: {  	(tm) =	ssettm $0x7FFFFFFF  }
tec
execute0_lowered:
.L_overlay_start_1:
0x0: {  	(tag) =	ssettag $0x1  }
0x1: {  	s0 =	srdreg.scid;
	s12 =	stileid.u32  }
0x2: {  	s1 =	simm.s32 $0x0;
	s29 =	rddreg [dreg:$0x2];
	s6 =	smul.u32 $0x13C00, s12  }
0x3: {  	s2 =	sand.u32 $0x1, s0;
	s22 =	sshll.u32 s12, $0x1;
	s19 =	smul.u32 $0x4E20, s12  }
0x4: {  	s0 =	rddreg [dreg:$0x0];
	s3 =	smul.u32 $0x13C000, s2;
	s4 =	sor.u32 s2, s22  }
0x5: {  	[smem:$0x7FF] =	sst s1;
	s5 =	sadd.s32 $0xBE00, s0;
	s4 =	smul.u32 $0x2710, s4  }
0x6: {  	s7 =	sadd.s32 $0x2000, s0;
	s8 =	ssub.s32 $0x2, s2;
	s2 =	smul.u32 $0x2710, s2  }
0x7: {  	s23 =	sshrl.u32 s8, $0x1;
	s3 =	sadd.s32 s6, s3;
	s4 =	sshrl.u32 s4, $0x3  }
0x8: {  	s6 =	ssub.s32 s8, s23;
	s2 =	sadd.s32 s2, s19;
	s24 =	sadd.s32 s5, s4  }
0x9: {  	s9 =	sadd.s32 $0xA, s4;
	s16 =	sadd.s32 s7, s4;
	[dreg:$0x4] =	wrdreg s24  }
0xa: {  	s26 =	sadd.s32 $0x4C4, s4;
	s25 =	sadd.s32 s5, s9;
	[dreg:$0x9] =	wrdreg s16  }
0xb: {  	s10 =	sadd.s32 $0x4CE, s4;
	s13 =	sadd.s32 s5, s26;
	[dreg:$0x5] =	wrdreg s25  }
0xc: {  	s11 =	sadd.s32 $0x4D8, s4;
	s14 =	sadd.s32 s5, s10;
	[dreg:$0x6] =	wrdreg s13  }
0xd: {  	s19 =	sshll.u32 s12, $0x6;
	s15 =	sadd.s32 s5, s11;
	[dreg:$0x7] =	wrdreg s14  }
0xe: {  	s20 =	sadd.s32 $0x14, s4;
	s9 =	sadd.s32 s7, s9;
	[dreg:$0x8] =	wrdreg s15  }
0xf: {  	s21 =	sadd.s32 $0x1E, s4;
	s8 =	sadd.s32 s7, s26;
	[dreg:$0xa] =	wrdreg s9  }
0x10: {  	s17 =	sadd.s32 s7, s10;
	s18 =	sadd.s32 s7, s11;
	[dreg:$0xb] =	wrdreg s8  }
0x11: {  	s22 =	sadd.s32 s5, s20;
	s23 =	sadd.s32 s5, s21;
	[dreg:$0xc] =	wrdreg s17  }
0x12: {  	s24 =	sadd.s32 $0x28, s4;
	s4 =	sadd.s32 $0x32, s4;
	[dreg:$0xd] =	wrdreg s18  }
0x13: {  	s10 =	sadd.s32 s7, s21;
	s16 =	smul.u32 $0x4F000, s12;
	[dreg:$0xe] =	wrdreg s22  }
0x14: {  	s12 =	simm.s32 $0x2;
	[dreg:$0xf] =	wrdreg s23;
	s25 =	sadd.s32 s5, s24  }
0x15: {  	s26 =	sadd.s32 s5, s4;
	s9 =	sadd.s32 s7, s20;
	[dreg:$0x13] =	wrdreg s10  }
0x16: {  	s11 =	sadd.s32 s7, s24;
	s4 =	sadd.s32 s7, s4;
	[dreg:$0x10] =	wrdreg s25  }
0x17: {  	s13 =	sadd.s32 $0x2D0, s2;
	s14 =	sadd.s32 $0x280, s2;
	[dreg:$0x11] =	wrdreg s26  }
0x18: {  	s15 =	sadd.s32 $0x230, s2;
	s2 =	sadd.s32 $0x1E0, s2;
	[dreg:$0x12] =	wrdreg s9  }
0x19: {  	s17 =	sshrl.u32 s3, $0x3;
	s23 =	sadd.s32 $0x15C00, s0;
	[dreg:$0x14] =	wrdreg s11  }
0x1a: {  	s10 =	simm.s32 $0x50;
	[dreg:$0x15] =	wrdreg s4;
	s4 =	sshrl.u32 s13, $0x3  }
0x1b: {  	s8 =	sshrl.u32 s14, $0x3;
	s9 =	sshrl.u32 s15, $0x3;
	s2 =	sshrl.u32 s2, $0x3  }
0x1c: {  	s3 =	sadd.s32 s17, s0;
	s18 =	sshrl.u32 s16, $0x2;
	s11 =	simm.s32 $0x180  }
0x1d: {  	s13 =	simm.s32 $0x5;
	s14 =	simm.s32 $0x3;
	s15 =	simm.s32 $0x4  }
0x1e: {  	s16 =	simm.s32 $0x0;
	s20 =	sadd.s32 s4, s5;
	s21 =	sadd.s32 s8, s5  }
0x1f: {  	s22 =	sadd.s32 s9, s5;
	s24 =	sadd.s32 s2, s5;
	s26 =	sadd.s32 s4, s7  }
0x20: {  	s28 =	sadd.s32 s8, s7;
	s30 =	sadd.s32 s9, s7;
	s31 =	sadd.s32 s2, s7  }
0x21: {  	_ =	strace $0x80000047;
	s25 =	sadd.s32 s18, s29;
	s2 =	sadd.s32 $0x18400, s3  }
0x22: {  	s3 =	sadd.s32 $0x67400, s3;
	s4 =	smax.u32 s6, $0x1;
	s5 =	simm.s32 $0x6  }
0x23: {  	s6 =	simm.s32 $0x200;
	s7 =	simm.s32 $0x80;
	s8 =	simm.s32 $0x100  }
0x24: {  	s9 =	simm.s32 $0x1;
	[dreg:$0x16] =	wrdreg s25;
	s25 =	sor.u32 $0x1C06, s19  }
.LBB2_1:
0x25: {  	s0 =	rddreg [dreg:$0x16]  }
0x26: {  	s17 =	sshrl.u32 s0, $0x3  }
0x27: {  	[spmem:s17], [sflag:s25] =	dma.local [hbm:s23], $0x2780  }
0x28: {  	_ =	swait.ge [sflag:s5], $0x2780  }
0x29: {  	[sflag:s5] =	ssyncset.done $0x0  }
0x2a: {  	[sflag:s5] =	ssyncadd.s32 $0xFFFFD880  }
0x2b: {  	s18 =	rddreg [dreg:$0x1]  }
0x2c: {  	[tilespmem:s6], [sflag:$0x6] =	stream.linear.gather [hbm4b:s18+s1], $0x2800, $0x38;
	[tilespmem:$0x16600] =	vst v63  }
0x2d: {  	_ =	swait.ge [sflag:s5], $0x2800  }
0x2e: {  	[sflag:s5] =	ssyncset.done $0x0  }
0x2f: {  	[sflag:s5] =	ssyncadd.s32 $0xFFFFD800  }
0x30: {  	[bflag:$0x0] =	sbarrier.arrive $0xFFFF  }
0x31: {  	s19 =	rddreg [dreg:$0x4]  }
0x32: {  	[tilespmem:s1], [sflag:$0x1] =	stream.linear.gather [hbm4b:s19+s1], $0x50, $0x38;
	[tilespmem:$0x16600] =	vst v63  }
0x33: {  	s18 =	rddreg [dreg:$0x5]  }
0x34: {  	[tilespmem:s7], [sflag:$0x2] =	stream.linear.gather [hbm4b:s18+s1], $0x50, $0x38;
	[tilespmem:$0x16600] =	vst v63  }
0x35: {  	s19 =	rddreg [dreg:$0xe]  }
0x36: {  	[tilespmem:s8], [sflag:$0x3] =	stream.linear.gather [hbm4b:s19+s1], $0x50, $0x38;
	[tilespmem:$0x16600] =	vst v63  }
0x37: {  	_ =	swait.ge [sflag:s9], $0x50  }
0x38: {  	[sflag:s9] =	ssyncset.done $0x0  }
0x39: {  	[sflag:s9] =	ssyncadd.s32 $0xFFFFFFB0  }
0x3a: {  	[spmem:s29] =	stream.indirect.scatter.add.f32 [tilespmem:s6], [sflag:$0x5], $0x80, s1, s10, $0xb8;
	[tilespmem:$0x16600] =	vst v63  }
0x3b: {  	s18 =	rddreg [dreg:$0xf]  }
0x3c: {  	[tilespmem:s11], [sflag:$0x4] =	stream.linear.gather [hbm4b:s18+s1], $0x50, $0x38;
	[tilespmem:$0x16600] =	vst v63  }
0x3d: {  	_ =	swait.ge [sflag:s12], $0x50  }
0x3e: {  	[sflag:s12] =	ssyncset.done $0x0  }
0x3f: {  	[sflag:s12] =	ssyncadd.s32 $0xFFFFFFB0  }
0x40: {  	[spmem:s29] =	stream.indirect.scatter.add.f32 [tilespmem:s6], [sflag:$0x5], $0x80, s7, s10, $0xb8;
	[tilespmem:$0x16600] =	vst v63  }
0x41: {  	_ =	swait.ge [sflag:s13], $0x2800  }
0x42: {  	[sflag:s13] =	ssyncset.done $0x0  }
0x43: {  	s19 =	rddreg [dreg:$0x10];
	[sflag:s13] =	ssyncadd.s32 $0xFFFFD800  }
0x44: {  	[tilespmem:s1], [sflag:$0x1] =	stream.linear.gather [hbm4b:s19+s1], $0x50, $0x38;
	[tilespmem:$0x16600] =	vst v63  }
0x45: {  	_ =	swait.ge [sflag:s14], $0x50  }
0x46: {  	[sflag:s14] =	ssyncset.done $0x0  }
0x47: {  	[sflag:s14] =	ssyncadd.s32 $0xFFFFFFB0  }
0x48: {  	[spmem:s29] =	stream.indirect.scatter.add.f32 [tilespmem:s6], [sflag:$0x5], $0x80, s8, s10, $0xb8;
	[tilespmem:$0x16600] =	vst v63  }
0x49: {  	_ =	swait.ge [sflag:s13], $0x2800  }
0x4a: {  	[sflag:s13] =	ssyncset.done $0x0  }
0x4b: {  	s18 =	rddreg [dreg:$0x11];
	[sflag:s13] =	ssyncadd.s32 $0xFFFFD800  }
0x4c: {  	[tilespmem:s7], [sflag:$0x2] =	stream.linear.gather [hbm4b:s18+s1], $0x50, $0x38;
	[tilespmem:$0x16600] =	vst v63  }
0x4d: {  	_ =	swait.ge [sflag:s15], $0x50  }
0x4e: {  	[sflag:s15] =	ssyncset.done $0x0  }
0x4f: {  	[sflag:s15] =	ssyncadd.s32 $0xFFFFFFB0  }
0x50: {  	[spmem:s29] =	stream.indirect.scatter.add.f32 [tilespmem:s6], [sflag:$0x5], $0x80, s11, s10, $0xb8;
	[tilespmem:$0x16600] =	vst v63  }
0x51: {  	_ =	swait.ge [sflag:s13], $0x2800  }
0x52: {  	[sflag:s13] =	ssyncset.done $0x0  }
0x53: {  	s18 =	sadd.s32 $0x0, s24;
	[sflag:s13] =	ssyncadd.s32 $0xFFFFD800  }
0x54: {  	[tilespmem:s8], [sflag:$0x3] =	stream.linear.gather [hbm4b:s18+s1], $0x50, $0x38;
	[tilespmem:$0x16600] =	vst v63  }
0x55: {  	_ =	swait.ge [sflag:s9], $0x50  }
0x56: {  	[sflag:s9] =	ssyncset.done $0x0  }
0x57: {  	[sflag:s9] =	ssyncadd.s32 $0xFFFFFFB0  }
0x58: {  	[spmem:s29] =	stream.indirect.scatter.add.f32 [tilespmem:s6], [sflag:$0x5], $0x80, s1, s10, $0xb8;
	[tilespmem:$0x16600] =	vst v63  }
0x59: {  	_ =	swait.ge [sflag:s13], $0x2800  }
0x5a: {  	[sflag:s13] =	ssyncset.done $0x0  }
0x5b: {  	s19 =	sadd.s32 $0x0, s22;
	[sflag:s13] =	ssyncadd.s32 $0xFFFFD800  }
0x5c: {  	[tilespmem:s11], [sflag:$0x4] =	stream.linear.gather [hbm4b:s19+s1], $0x50, $0x38;
	[tilespmem:$0x16600] =	vst v63  }
0x5d: {  	_ =	swait.ge [sflag:s12], $0x50  }
0x5e: {  	[sflag:s12] =	ssyncset.done $0x0  }
0x5f: {  	[sflag:s12] =	ssyncadd.s32 $0xFFFFFFB0  }
0x60: {  	[spmem:s29] =	stream.indirect.scatter.add.f32 [tilespmem:s6], [sflag:$0x5], $0x80, s7, s10, $0xb8;
	[tilespmem:$0x16600] =	vst v63  }
0x61: {  	_ =	swait.ge [sflag:s13], $0x2800  }
0x62: {  	[sflag:s13] =	ssyncset.done $0x0  }
0x63: {  	s0 =	sadd.s32 $0x0, s21;
	[sflag:s13] =	ssyncadd.s32 $0xFFFFD800  }
0x64: {  	[tilespmem:s1], [sflag:$0x1] =	stream.linear.gather [hbm4b:s0+s1], $0x50, $0x38;
	[tilespmem:$0x16600] =	vst v63  }
0x65: {  	_ =	swait.ge [sflag:s14], $0x50  }
0x66: {  	[sflag:s14] =	ssyncset.done $0x0  }
0x67: {  	[sflag:s14] =	ssyncadd.s32 $0xFFFFFFB0  }
0x68: {  	[spmem:s29] =	stream.indirect.scatter.add.f32 [tilespmem:s6], [sflag:$0x5], $0x80, s8, s10, $0xb8;
	[tilespmem:$0x16600] =	vst v63  }
0x69: {  	_ =	swait.ge [sflag:s13], $0x2800  }
0x6a: {  	[sflag:s13] =	ssyncset.done $0x0  }
0x6b: {  	s19 =	sadd.s32 $0x0, s20;
	[sflag:s13] =	ssyncadd.s32 $0xFFFFD800  }
0x6c: {  	[tilespmem:s7], [sflag:$0x2] =	stream.linear.gather [hbm4b:s19+s1], $0x50, $0x38;
	[tilespmem:$0x16600] =	vst v63  }
0x6d: {  	_ =	swait.ge [sflag:s15], $0x50  }
0x6e: {  	[sflag:s15] =	ssyncset.done $0x0  }
0x6f: {  	s18 =	simm.s32 $0x28;
	[sflag:s15] =	ssyncadd.s32 $0xFFFFFFB0  }
.LBB2_2:
0x70: {  	[spmem:s29] =	stream.indirect.scatter.add.f32 [tilespmem:s6], [sflag:$0x5], $0x80, s11, s10, $0xb8;
	[tilespmem:$0x16600] =	vst v63  }
0x71: {  	s19 =	smov.u32 s18  }
0x72: {  	p0 =	sne.s32 s18, $0x460;
	s18 =	sadd.s32 $0x28, s18;
	_ =	swait.ge [sflag:s13], $0x2800  }
0x73: {  	[sflag:s13] =	ssyncset.done $0x0  }
0x74: {  	s0 =	sadd.s32 s19, s24;
	[sflag:s13] =	ssyncadd.s32 $0xFFFFD800  }
0x75: {  	[tilespmem:s8], [sflag:$0x3] =	stream.linear.gather [hbm4b:s0+s1], $0x50, $0x38;
	[tilespmem:$0x16600] =	vst v63  }
0x76: {  	_ =	swait.ge [sflag:s9], $0x50  }
0x77: {  	[sflag:s9] =	ssyncset.done $0x0  }
0x78: {  	[sflag:s9] =	ssyncadd.s32 $0xFFFFFFB0  }
0x79: {  	[spmem:s29] =	stream.indirect.scatter.add.f32 [tilespmem:s6], [sflag:$0x5], $0x80, s1, s10, $0xb8;
	[tilespmem:$0x16600] =	vst v63  }
0x7a: {  	_ =	swait.ge [sflag:s13], $0x2800  }
0x7b: {  	[sflag:s13] =	ssyncset.done $0x0  }
0x7c: {  	s0 =	sadd.s32 s19, s22;
	[sflag:s13] =	ssyncadd.s32 $0xFFFFD800  }
0x7d: {  	[tilespmem:s11], [sflag:$0x4] =	stream.linear.gather [hbm4b:s0+s1], $0x50, $0x38;
	[tilespmem:$0x16600] =	vst v63  }
0x7e: {  	_ =	swait.ge [sflag:s12], $0x50  }
0x7f: {  	[sflag:s12] =	ssyncset.done $0x0  }
0x80: {  	[sflag:s12] =	ssyncadd.s32 $0xFFFFFFB0  }
0x81: {  	[spmem:s29] =	stream.indirect.scatter.add.f32 [tilespmem:s6], [sflag:$0x5], $0x80, s7, s10, $0xb8;
	[tilespmem:$0x16600] =	vst v63  }
0x82: {  	_ =	swait.ge [sflag:s13], $0x2800  }
0x83: {  	[sflag:s13] =	ssyncset.done $0x0  }
0x84: {  	s0 =	sadd.s32 s19, s21;
	[sflag:s13] =	ssyncadd.s32 $0xFFFFD800  }
0x85: {  	[tilespmem:s1], [sflag:$0x1] =	stream.linear.gather [hbm4b:s0+s1], $0x50, $0x38;
	[tilespmem:$0x16600] =	vst v63  }
0x86: {  	_ =	swait.ge [sflag:s14], $0x50  }
0x87: {  	[sflag:s14] =	ssyncset.done $0x0  }
0x88: {  	[sflag:s14] =	ssyncadd.s32 $0xFFFFFFB0  }
0x89: {  	[spmem:s29] =	stream.indirect.scatter.add.f32 [tilespmem:s6], [sflag:$0x5], $0x80, s8, s10, $0xb8;
	[tilespmem:$0x16600] =	vst v63  }
0x8a: {  	_ =	swait.ge [sflag:s13], $0x2800  }
0x8b: {  	[sflag:s13] =	ssyncset.done $0x0  }
.Ltmp0:
0x8c: {  	s0 =	sadd.s32 s19, s20;
	[sflag:s13] =	ssyncadd.s32 $0xFFFFD800;
	(pc) =	sbr.rel @p0 .LBB2_2-.Ltmp0, $4  }
0x8d: {  	[tilespmem:s7], [sflag:$0x2] =	stream.linear.gather [hbm4b:s0+s1], $0x50, $0x38;
	[tilespmem:$0x16600] =	vst v63  }
0x8e: {  	_ =	swait.ge [sflag:s15], $0x50  }
0x8f: {  	[sflag:s15] =	ssyncset.done $0x0  }
0x90: {  	[sflag:s15] =	ssyncadd.s32 $0xFFFFFFB0  }
0x91: {  	[spmem:s29] =	stream.indirect.scatter.add.f32 [tilespmem:s6], [sflag:$0x5], $0x80, s11, s10, $0xb8;
	[tilespmem:$0x16600] =	vst v63  }
0x92: {  	_ =	swait.ge [sflag:s13], $0x2800  }
0x93: {  	[sflag:s13] =	ssyncset.done $0x0  }
0x94: {  	s18 =	simm.s32 $0x0;
	s0 =	rddreg [dreg:$0x6];
	[sflag:s13] =	ssyncadd.s32 $0xFFFFD800  }
0x95: {  	[tilespmem:s8], [sflag:$0x3] =	stream.linear.gather [hbm4b:s0+s18], $0x50, $0x38;
	[tilespmem:$0x16600] =	vst v63  }
0x96: {  	_ =	swait.ge [sflag:s9], $0x50  }
0x97: {  	[sflag:s9] =	ssyncset.done $0x0  }
0x98: {  	[sflag:s9] =	ssyncadd.s32 $0xFFFFFFB0  }
0x99: {  	[spmem:s29] =	stream.indirect.scatter.add.f32 [tilespmem:s6], [sflag:$0x5], $0x80, s18, s10, $0xb8;
	[tilespmem:$0x16600] =	vst v63  }
0x9a: {  	_ =	swait.ge [sflag:s13], $0x2800  }
0x9b: {  	[sflag:s13] =	ssyncset.done $0x0  }
0x9c: {  	s19 =	rddreg [dreg:$0x7];
	[sflag:s13] =	ssyncadd.s32 $0xFFFFD800  }
0x9d: {  	[tilespmem:s11], [sflag:$0x4] =	stream.linear.gather [hbm4b:s19+s18], $0x50, $0x38;
	[tilespmem:$0x16600] =	vst v63  }
0x9e: {  	_ =	swait.ge [sflag:s12], $0x50  }
0x9f: {  	[sflag:s12] =	ssyncset.done $0x0  }
0xa0: {  	[sflag:s12] =	ssyncadd.s32 $0xFFFFFFB0  }
0xa1: {  	[spmem:s29] =	stream.indirect.scatter.add.f32 [tilespmem:s6], [sflag:$0x5], $0x80, s7, s10, $0xb8;
	[tilespmem:$0x16600] =	vst v63  }
0xa2: {  	_ =	swait.ge [sflag:s13], $0x2800  }
0xa3: {  	[sflag:s13] =	ssyncset.done $0x0  }
0xa4: {  	s19 =	rddreg [dreg:$0x8];
	[sflag:s13] =	ssyncadd.s32 $0xFFFFD800  }
0xa5: {  	[tilespmem:s18], [sflag:$0x1] =	stream.linear.gather [hbm4b:s19+s18], $0x50, $0x38;
	[tilespmem:$0x16600] =	vst v63  }
0xa6: {  	_ =	swait.ge [sflag:s14], $0x50  }
0xa7: {  	[sflag:s14] =	ssyncset.done $0x0  }
0xa8: {  	[sflag:s14] =	ssyncadd.s32 $0xFFFFFFB0  }
0xa9: {  	[spmem:s29] =	stream.indirect.scatter.add.f32 [tilespmem:s6], [sflag:$0x5], $0x80, s8, s10, $0xb8;
	[tilespmem:$0x16600] =	vst v63  }
0xaa: {  	_ =	swait.ge [sflag:s13], $0x2800  }
0xab: {  	[sflag:s13] =	ssyncset.done $0x0  }
0xac: {  	[sflag:s13] =	ssyncadd.s32 $0xFFFFD800  }
0xad: {  	_ =	swait.ge [sflag:s15], $0x50  }
0xae: {  	[sflag:s15] =	ssyncset.done $0x0  }
0xaf: {  	[sflag:s15] =	ssyncadd.s32 $0xFFFFFFB0  }
0xb0: {  	[spmem:s29] =	stream.indirect.scatter.add.f32 [tilespmem:s6], [sflag:$0x5], $0x80, s11, s10, $0xb8;
	[tilespmem:$0x16600] =	vst v63  }
0xb1: {  	_ =	swait.ge [sflag:s13], $0x2800  }
0xb2: {  	[sflag:s13] =	ssyncset.done $0x0  }
0xb3: {  	[sflag:s13] =	ssyncadd.s32 $0xFFFFD800  }
0xb4: {  	_ =	swait.ge [sflag:s9], $0x50  }
0xb5: {  	[sflag:s9] =	ssyncset.done $0x0  }
0xb6: {  	[sflag:s9] =	ssyncadd.s32 $0xFFFFFFB0  }
0xb7: {  	[spmem:s29] =	stream.indirect.scatter.add.f32 [tilespmem:s6], [sflag:$0x5], $0x80, s18, s10, $0xb8;
	[tilespmem:$0x16600] =	vst v63  }
0xb8: {  	_ =	swait.ge [sflag:s13], $0x2800  }
0xb9: {  	[sflag:s13] =	ssyncset.done $0x0  }
0xba: {  	[sflag:s13] =	ssyncadd.s32 $0xFFFFD800  }
0xbb: {  	_ =	swait.ge [sflag:s13], $0x2800  }
0xbc: {  	[sflag:s13] =	ssyncset.done $0x0  }
0xbd: {  	[sflag:s13] =	ssyncadd.s32 $0xFFFFD800  }
0xbe: {  	[bflag:$0x0] =	sbarrier.arrive $0xFFFF  }
0xbf: {  	[hbm:s2], [sflag:s25] =	dma.local [spmem:s17], $0x2780  }
0xc0: {  	_ =	swait.ge [sflag:s5], $0x2780  }
0xc1: {  	[sflag:s5] =	ssyncset.done $0x0  }
0xc2: {  	[sflag:s5] =	ssyncadd.s32 $0xFFFFD880  }
0xc3: {  	[spmem:s17], [sflag:s25] =	dma.local [hbm:s23], $0x2780  }
0xc4: {  	_ =	swait.ge [sflag:s5], $0x2780  }
0xc5: {  	[sflag:s5] =	ssyncset.done $0x0  }
0xc6: {  	[sflag:s5] =	ssyncadd.s32 $0xFFFFD880  }
0xc7: {  	[bflag:$0x0] =	sbarrier.arrive $0xFFFF  }
0xc8: {  	s19 =	rddreg [dreg:$0x9]  }
0xc9: {  	[tilespmem:s18], [sflag:$0x1] =	stream.linear.gather [hbm4b:s19+s18], $0x50, $0x38;
	[tilespmem:$0x16600] =	vst v63  }
0xca: {  	s19 =	rddreg [dreg:$0xa]  }
0xcb: {  	[tilespmem:s7], [sflag:$0x2] =	stream.linear.gather [hbm4b:s19+s18], $0x50, $0x38;
	[tilespmem:$0x16600] =	vst v63  }
0xcc: {  	s19 =	rddreg [dreg:$0x12]  }
0xcd: {  	[tilespmem:s8], [sflag:$0x3] =	stream.linear.gather [hbm4b:s19+s18], $0x50, $0x38;
	[tilespmem:$0x16600] =	vst v63  }
0xce: {  	_ =	swait.ge [sflag:s9], $0x50  }
0xcf: {  	[sflag:s9] =	ssyncset.done $0x0  }
0xd0: {  	[sflag:s9] =	ssyncadd.s32 $0xFFFFFFB0  }
0xd1: {  	[spmem:s29] =	stream.indirect.scatter.add.f32 [tilespmem:s6], [sflag:$0x5], $0x80, s18, s10, $0xb8;
	[tilespmem:$0x16600] =	vst v63  }
0xd2: {  	s19 =	rddreg [dreg:$0x13]  }
0xd3: {  	[tilespmem:s11], [sflag:$0x4] =	stream.linear.gather [hbm4b:s19+s18], $0x50, $0x38;
	[tilespmem:$0x16600] =	vst v63  }
0xd4: {  	_ =	swait.ge [sflag:s12], $0x50  }
0xd5: {  	[sflag:s12] =	ssyncset.done $0x0  }
0xd6: {  	[sflag:s12] =	ssyncadd.s32 $0xFFFFFFB0  }
0xd7: {  	[spmem:s29] =	stream.indirect.scatter.add.f32 [tilespmem:s6], [sflag:$0x5], $0x80, s7, s10, $0xb8;
	[tilespmem:$0x16600] =	vst v63  }
0xd8: {  	_ =	swait.ge [sflag:s13], $0x2800  }
0xd9: {  	[sflag:s13] =	ssyncset.done $0x0  }
0xda: {  	s19 =	rddreg [dreg:$0x14];
	[sflag:s13] =	ssyncadd.s32 $0xFFFFD800  }
0xdb: {  	[tilespmem:s18], [sflag:$0x1] =	stream.linear.gather [hbm4b:s19+s18], $0x50, $0x38;
	[tilespmem:$0x16600] =	vst v63  }
0xdc: {  	_ =	swait.ge [sflag:s14], $0x50  }
0xdd: {  	[sflag:s14] =	ssyncset.done $0x0  }
0xde: {  	[sflag:s14] =	ssyncadd.s32 $0xFFFFFFB0  }
0xdf: {  	[spmem:s29] =	stream.indirect.scatter.add.f32 [tilespmem:s6], [sflag:$0x5], $0x80, s8, s10, $0xb8;
	[tilespmem:$0x16600] =	vst v63  }
0xe0: {  	_ =	swait.ge [sflag:s13], $0x2800  }
0xe1: {  	[sflag:s13] =	ssyncset.done $0x0  }
0xe2: {  	s19 =	rddreg [dreg:$0x15];
	[sflag:s13] =	ssyncadd.s32 $0xFFFFD800  }
0xe3: {  	[tilespmem:s7], [sflag:$0x2] =	stream.linear.gather [hbm4b:s19+s18], $0x50, $0x38;
	[tilespmem:$0x16600] =	vst v63  }
0xe4: {  	_ =	swait.ge [sflag:s15], $0x50  }
0xe5: {  	[sflag:s15] =	ssyncset.done $0x0  }
0xe6: {  	[sflag:s15] =	ssyncadd.s32 $0xFFFFFFB0  }
0xe7: {  	[spmem:s29] =	stream.indirect.scatter.add.f32 [tilespmem:s6], [sflag:$0x5], $0x80, s11, s10, $0xb8;
	[tilespmem:$0x16600] =	vst v63  }
0xe8: {  	_ =	swait.ge [sflag:s13], $0x2800  }
0xe9: {  	[sflag:s13] =	ssyncset.done $0x0  }
0xea: {  	s18 =	sadd.s32 $0x0, s31;
	[sflag:s13] =	ssyncadd.s32 $0xFFFFD800  }
0xeb: {  	[tilespmem:s8], [sflag:$0x3] =	stream.linear.gather [hbm4b:s18+s1], $0x50, $0x38;
	[tilespmem:$0x16600] =	vst v63  }
0xec: {  	_ =	swait.ge [sflag:s9], $0x50  }
0xed: {  	[sflag:s9] =	ssyncset.done $0x0  }
0xee: {  	[sflag:s9] =	ssyncadd.s32 $0xFFFFFFB0  }
0xef: {  	[spmem:s29] =	stream.indirect.scatter.add.f32 [tilespmem:s6], [sflag:$0x5], $0x80, s1, s10, $0xb8;
	[tilespmem:$0x16600] =	vst v63  }
0xf0: {  	_ =	swait.ge [sflag:s13], $0x2800  }
0xf1: {  	[sflag:s13] =	ssyncset.done $0x0  }
0xf2: {  	s19 =	sadd.s32 $0x0, s30;
	[sflag:s13] =	ssyncadd.s32 $0xFFFFD800  }
0xf3: {  	[tilespmem:s11], [sflag:$0x4] =	stream.linear.gather [hbm4b:s19+s1], $0x50, $0x38;
	[tilespmem:$0x16600] =	vst v63  }
0xf4: {  	_ =	swait.ge [sflag:s12], $0x50  }
0xf5: {  	[sflag:s12] =	ssyncset.done $0x0  }
0xf6: {  	[sflag:s12] =	ssyncadd.s32 $0xFFFFFFB0  }
0xf7: {  	[spmem:s29] =	stream.indirect.scatter.add.f32 [tilespmem:s6], [sflag:$0x5], $0x80, s7, s10, $0xb8;
	[tilespmem:$0x16600] =	vst v63  }
0xf8: {  	_ =	swait.ge [sflag:s13], $0x2800  }
0xf9: {  	[sflag:s13] =	ssyncset.done $0x0  }
0xfa: {  	s18 =	sadd.s32 $0x0, s28;
	[sflag:s13] =	ssyncadd.s32 $0xFFFFD800  }
0xfb: {  	[tilespmem:s1], [sflag:$0x1] =	stream.linear.gather [hbm4b:s18+s1], $0x50, $0x38;
	[tilespmem:$0x16600] =	vst v63  }
0xfc: {  	_ =	swait.ge [sflag:s14], $0x50  }
0xfd: {  	[sflag:s14] =	ssyncset.done $0x0  }
0xfe: {  	[sflag:s14] =	ssyncadd.s32 $0xFFFFFFB0  }
0xff: {  	[spmem:s29] =	stream.indirect.scatter.add.f32 [tilespmem:s6], [sflag:$0x5], $0x80, s8, s10, $0xb8;
	[tilespmem:$0x16600] =	vst v63  }
0x100: {  	_ =	swait.ge [sflag:s13], $0x2800  }
0x101: {  	[sflag:s13] =	ssyncset.done $0x0  }
0x102: {  	s19 =	sadd.s32 $0x0, s26;
	[sflag:s13] =	ssyncadd.s32 $0xFFFFD800  }
0x103: {  	[tilespmem:s7], [sflag:$0x2] =	stream.linear.gather [hbm4b:s19+s1], $0x50, $0x38;
	[tilespmem:$0x16600] =	vst v63  }
0x104: {  	_ =	swait.ge [sflag:s15], $0x50  }
0x105: {  	[sflag:s15] =	ssyncset.done $0x0  }
0x106: {  	s18 =	simm.s32 $0x28;
	[sflag:s15] =	ssyncadd.s32 $0xFFFFFFB0  }
.LBB2_4:
0x107: {  	[spmem:s29] =	stream.indirect.scatter.add.f32 [tilespmem:s6], [sflag:$0x5], $0x80, s11, s10, $0xb8;
	[tilespmem:$0x16600] =	vst v63  }
0x108: {  	s0 =	smov.u32 s18  }
0x109: {  	p0 =	sne.s32 s18, $0x460;
	s18 =	sadd.s32 $0x28, s18;
	_ =	swait.ge [sflag:s13], $0x2800  }
0x10a: {  	[sflag:s13] =	ssyncset.done $0x0  }
0x10b: {  	s19 =	sadd.s32 s0, s31;
	[sflag:s13] =	ssyncadd.s32 $0xFFFFD800  }
0x10c: {  	[tilespmem:s8], [sflag:$0x3] =	stream.linear.gather [hbm4b:s19+s1], $0x50, $0x38;
	[tilespmem:$0x16600] =	vst v63  }
0x10d: {  	_ =	swait.ge [sflag:s9], $0x50  }
0x10e: {  	[sflag:s9] =	ssyncset.done $0x0  }
0x10f: {  	[sflag:s9] =	ssyncadd.s32 $0xFFFFFFB0  }
0x110: {  	[spmem:s29] =	stream.indirect.scatter.add.f32 [tilespmem:s6], [sflag:$0x5], $0x80, s1, s10, $0xb8;
	[tilespmem:$0x16600] =	vst v63  }
0x111: {  	_ =	swait.ge [sflag:s13], $0x2800  }
0x112: {  	[sflag:s13] =	ssyncset.done $0x0  }
0x113: {  	s19 =	sadd.s32 s0, s30;
	[sflag:s13] =	ssyncadd.s32 $0xFFFFD800  }
0x114: {  	[tilespmem:s11], [sflag:$0x4] =	stream.linear.gather [hbm4b:s19+s1], $0x50, $0x38;
	[tilespmem:$0x16600] =	vst v63  }
0x115: {  	_ =	swait.ge [sflag:s12], $0x50  }
0x116: {  	[sflag:s12] =	ssyncset.done $0x0  }
0x117: {  	[sflag:s12] =	ssyncadd.s32 $0xFFFFFFB0  }
0x118: {  	[spmem:s29] =	stream.indirect.scatter.add.f32 [tilespmem:s6], [sflag:$0x5], $0x80, s7, s10, $0xb8;
	[tilespmem:$0x16600] =	vst v63  }
0x119: {  	_ =	swait.ge [sflag:s13], $0x2800  }
0x11a: {  	[sflag:s13] =	ssyncset.done $0x0  }
0x11b: {  	s19 =	sadd.s32 s0, s28;
	[sflag:s13] =	ssyncadd.s32 $0xFFFFD800  }
0x11c: {  	[tilespmem:s1], [sflag:$0x1] =	stream.linear.gather [hbm4b:s19+s1], $0x50, $0x38;
	[tilespmem:$0x16600] =	vst v63  }
0x11d: {  	_ =	swait.ge [sflag:s14], $0x50  }
0x11e: {  	[sflag:s14] =	ssyncset.done $0x0  }
0x11f: {  	[sflag:s14] =	ssyncadd.s32 $0xFFFFFFB0  }
0x120: {  	[spmem:s29] =	stream.indirect.scatter.add.f32 [tilespmem:s6], [sflag:$0x5], $0x80, s8, s10, $0xb8;
	[tilespmem:$0x16600] =	vst v63  }
0x121: {  	_ =	swait.ge [sflag:s13], $0x2800  }
0x122: {  	[sflag:s13] =	ssyncset.done $0x0  }
.Ltmp1:
0x123: {  	s0 =	sadd.s32 s0, s26;
	[sflag:s13] =	ssyncadd.s32 $0xFFFFD800;
	(pc) =	sbr.rel @p0 .LBB2_4-.Ltmp1, $4  }
0x124: {  	[tilespmem:s7], [sflag:$0x2] =	stream.linear.gather [hbm4b:s0+s1], $0x50, $0x38;
	[tilespmem:$0x16600] =	vst v63  }
0x125: {  	_ =	swait.ge [sflag:s15], $0x50  }
0x126: {  	[sflag:s15] =	ssyncset.done $0x0  }
0x127: {  	[sflag:s15] =	ssyncadd.s32 $0xFFFFFFB0  }
0x128: {  	[spmem:s29] =	stream.indirect.scatter.add.f32 [tilespmem:s6], [sflag:$0x5], $0x80, s11, s10, $0xb8;
	[tilespmem:$0x16600] =	vst v63  }
0x129: {  	_ =	swait.ge [sflag:s13], $0x2800  }
0x12a: {  	[sflag:s13] =	ssyncset.done $0x0  }
0x12b: {  	s0 =	rddreg [dreg:$0xb];
	[sflag:s13] =	ssyncadd.s32 $0xFFFFD800  }
0x12c: {  	[tilespmem:s8], [sflag:$0x3] =	stream.linear.gather [hbm4b:s0+s1], $0x50, $0x38;
	[tilespmem:$0x16600] =	vst v63  }
0x12d: {  	_ =	swait.ge [sflag:s9], $0x50  }
0x12e: {  	[sflag:s9] =	ssyncset.done $0x0  }
0x12f: {  	[sflag:s9] =	ssyncadd.s32 $0xFFFFFFB0  }
0x130: {  	[spmem:s29] =	stream.indirect.scatter.add.f32 [tilespmem:s6], [sflag:$0x5], $0x80, s1, s10, $0xb8;
	[tilespmem:$0x16600] =	vst v63  }
0x131: {  	_ =	swait.ge [sflag:s13], $0x2800  }
0x132: {  	[sflag:s13] =	ssyncset.done $0x0  }
0x133: {  	s18 =	rddreg [dreg:$0xc];
	[sflag:s13] =	ssyncadd.s32 $0xFFFFD800  }
0x134: {  	[tilespmem:s11], [sflag:$0x4] =	stream.linear.gather [hbm4b:s18+s1], $0x50, $0x38;
	[tilespmem:$0x16600] =	vst v63  }
0x135: {  	_ =	swait.ge [sflag:s12], $0x50  }
0x136: {  	[sflag:s12] =	ssyncset.done $0x0  }
0x137: {  	[sflag:s12] =	ssyncadd.s32 $0xFFFFFFB0  }
0x138: {  	[spmem:s29] =	stream.indirect.scatter.add.f32 [tilespmem:s6], [sflag:$0x5], $0x80, s7, s10, $0xb8;
	[tilespmem:$0x16600] =	vst v63  }
0x139: {  	_ =	swait.ge [sflag:s13], $0x2800  }
0x13a: {  	[sflag:s13] =	ssyncset.done $0x0  }
0x13b: {  	s19 =	rddreg [dreg:$0xd];
	[sflag:s13] =	ssyncadd.s32 $0xFFFFD800  }
0x13c: {  	[tilespmem:s1], [sflag:$0x1] =	stream.linear.gather [hbm4b:s19+s1], $0x50, $0x38;
	[tilespmem:$0x16600] =	vst v63  }
0x13d: {  	_ =	swait.ge [sflag:s14], $0x50  }
0x13e: {  	[sflag:s14] =	ssyncset.done $0x0  }
0x13f: {  	[sflag:s14] =	ssyncadd.s32 $0xFFFFFFB0  }
0x140: {  	[spmem:s29] =	stream.indirect.scatter.add.f32 [tilespmem:s6], [sflag:$0x5], $0x80, s8, s10, $0xb8;
	[tilespmem:$0x16600] =	vst v63  }
0x141: {  	_ =	swait.ge [sflag:s13], $0x2800  }
0x142: {  	[sflag:s13] =	ssyncset.done $0x0  }
0x143: {  	[sflag:s13] =	ssyncadd.s32 $0xFFFFD800  }
0x144: {  	_ =	swait.ge [sflag:s15], $0x50  }
0x145: {  	[sflag:s15] =	ssyncset.done $0x0  }
0x146: {  	[sflag:s15] =	ssyncadd.s32 $0xFFFFFFB0  }
0x147: {  	[spmem:s29] =	stream.indirect.scatter.add.f32 [tilespmem:s6], [sflag:$0x5], $0x80, s11, s10, $0xb8;
	[tilespmem:$0x16600] =	vst v63  }
0x148: {  	_ =	swait.ge [sflag:s13], $0x2800  }
0x149: {  	[sflag:s13] =	ssyncset.done $0x0  }
0x14a: {  	[sflag:s13] =	ssyncadd.s32 $0xFFFFD800  }
0x14b: {  	_ =	swait.ge [sflag:s9], $0x50  }
0x14c: {  	[sflag:s9] =	ssyncset.done $0x0  }
0x14d: {  	[sflag:s9] =	ssyncadd.s32 $0xFFFFFFB0  }
0x14e: {  	[spmem:s29] =	stream.indirect.scatter.add.f32 [tilespmem:s6], [sflag:$0x5], $0x80, s1, s10, $0xb8;
	[tilespmem:$0x16600] =	vst v63  }
0x14f: {  	_ =	swait.ge [sflag:s13], $0x2800  }
0x150: {  	[sflag:s13] =	ssyncset.done $0x0  }
0x151: {  	[sflag:s13] =	ssyncadd.s32 $0xFFFFD800  }
0x152: {  	_ =	swait.ge [sflag:s13], $0x2800  }
0x153: {  	s16 =	sadd.s32 $0x1, s16;
	[sflag:s13] =	ssyncset.done $0x0  }
0x154: {  	p0 =	sne.s32 s16, s4;
	[sflag:s13] =	ssyncadd.s32 $0xFFFFD800  }
.Ltmp2:
0x155: {  	[bflag:$0x0] =	sbarrier.arrive $0xFFFF;
	(pc) =	sbr.rel @p0 .LBB2_1-.Ltmp2, $4  }
0x156: {  	[hbm:s3], [sflag:s25] =	dma.local [spmem:s17], $0x2780  }
0x157: {  	_ =	swait.ge [sflag:s5], $0x2780  }
0x158: {  	[sflag:s5] =	ssyncset.done $0x0  }
0x159: {  	[sflag:s5] =	ssyncadd.s32 $0xFFFFD880  }
0x15a: {  	_ =	sfence.sel $0x180000  }
0x15b: {  	[bflag:$0x0] =	sbarrier.arrive $0xFFFF  }
0x15c: {  	_ =	strace $0x90000047  }
0x15d: {  	s0 =	stileid.u32;
	[bflag:$0x2] =	sbarrier.arrive $0xFFFF  }
0x15e: {  	p0 =	sne.s32 s0, $0x0;
	s0 =	rddreg [dreg:$0x3]  }
0x15f: {  	s0 =	sadd.s32 @!p0 $0x100000, s0  }
0x160: {  	[sflag:s0] =	ssyncadd.tile.s32 @!p0 $0x1;
	_ =	shalt  }
.Lfunc_end2:
_tile_overlayer_lowered:
.L_overlay_start_2:
0x161: {  	(tag) =	ssettag $0x2  }
0x162: {  	s0 =	rddreg [dreg:$0x0];
	s2 =	stileid.u32  }
0x163: {  	s1 =	rddreg [dreg:$0x1];
	p0 =	sne.s32 s2, $0x0  }
0x164: {  	s3 =	rddreg [dreg:$0x2];
	[bflag:$0x3] =	sbarrier.arrive $0xFFFF;
	s2 =	simm.s32 @!p0 $0x1C06  }
0x165: {  	[timem:s3], [sflag:s2] =	dma.local @!p0 [hbm:s0], s1  }
0x166: {  	s0 =	simm.s32 @!p0 $0x6  }
0x167: {  	_ =	swait.ge @!p0 [sflag:s0], s1  }
0x168: {  	s1 =	ssub.s32 @!p0 $0x0, s1;
	[sflag:s0] =	ssyncset.done @!p0 $0x0  }
0x169: {  	[sflag:s0] =	ssyncadd.s32 @!p0 s1  }
0x16a: {  	[bflag:$0x3] =	sbarrier.arrive $0xFFFF  }
0x16b: {  	_ =	shalt  }

</sc_bundles>
